<compile_context>
chip_gen: v7x
topology: tpu7x:2x2x1
jax: 0.10.2.dev20260603
libtpu: 0.0.44.dev20260713+nightly
codegen_flags: <defaults>
</compile_context>

<pallas_src>
import numpy as np

import jax
import jax.numpy as jnp
from jax import lax
from jax.experimental import pallas as pl
from jax.experimental.pallas import tpu as pltpu
from jax.experimental.pallas import tpu_sc as plsc

_B = 1024
_L = 50
_E = 50
_D = 128
_BL = _B * _L

_NC = 2
_NS = 16
_NW = _NC * _NS
_PER_W = _BL // _NW
_CH = 80
_NCH = _PER_W // _CH

_G = 4
_S = 64
_R = _G * _S
_GL = _G * _L
_NSTACK = 16


def _sc_gather_body(emb_hbm, emb2_hbm, idx_hbm, out1_hbm, out2_hbm,
                    idx_v, b1a, b2a, b1b, b2b, s1a, s2a, s1b, s2b):
    wid = lax.axis_index("s") * _NC + lax.axis_index("c")
    pltpu.sync_copy(idx_hbm.at[wid], idx_v)
    base = wid * _PER_W

    def pair(c, carry):
        ca = 2 * c
        off_a = base + ca * _CH
        off_b = off_a + _CH
        cp1a = pltpu.async_copy(emb_hbm.at[idx_v.at[ca]], b1a, s1a)
        cp2a = pltpu.async_copy(emb2_hbm.at[idx_v.at[ca]], b2a, s2a)
        cp1b = pltpu.async_copy(emb_hbm.at[idx_v.at[ca + 1]], b1b, s1b)
        cp2b = pltpu.async_copy(emb2_hbm.at[idx_v.at[ca + 1]], b2b, s2b)
        cp1a.wait()
        pltpu.sync_copy(b1a, out1_hbm.at[pl.ds(off_a, _CH)])
        cp2a.wait()
        pltpu.sync_copy(b2a, out2_hbm.at[pl.ds(off_a, _CH)])
        cp1b.wait()
        pltpu.sync_copy(b1b, out1_hbm.at[pl.ds(off_b, _CH)])
        cp2b.wait()
        pltpu.sync_copy(b2b, out2_hbm.at[pl.ds(off_b, _CH)])
        return carry

    lax.fori_loop(0, _NCH // 2, pair, 0)


def _sc_gather2(emb, emb2, idx3):
    mesh = plsc.VectorSubcoreMesh(core_axis_name="c", subcore_axis_name="s")
    fn = pl.kernel(
        _sc_gather_body,
        out_type=(
            jax.ShapeDtypeStruct((_BL, _D), jnp.float32),
            jax.ShapeDtypeStruct((_BL, _D), jnp.float32),
        ),
        mesh=mesh,
        scratch_types=(
            pltpu.VMEM((_NCH, _CH), jnp.int32),
            pltpu.VMEM((_CH, _D), jnp.float32),
            pltpu.VMEM((_CH, _D), jnp.float32),
            pltpu.VMEM((_CH, _D), jnp.float32),
            pltpu.VMEM((_CH, _D), jnp.float32),
            pltpu.SemaphoreType.DMA,
            pltpu.SemaphoreType.DMA,
            pltpu.SemaphoreType.DMA,
            pltpu.SemaphoreType.DMA,
        ),
    )
    return fn(emb, emb2, idx3)


def _mm(x, y):
    return jnp.dot(x.astype(jnp.bfloat16), y.astype(jnp.bfloat16),
                   preferred_element_type=jnp.float32)


def _pad_stack(flat, ncols):
    z = jnp.zeros((_S - _L, ncols), jnp.float32)
    pieces = []
    for i in range(_G):
        pieces.append(flat[i * _L:(i + 1) * _L])
        pieces.append(z)
    return jnp.concatenate(pieces, axis=0)


def _one_stack(xf, hts, bd, e64, wa1, wa2n, wa2e, c0):
    zl = jnp.zeros((_E, _S - _L), jnp.float32)
    zr = jnp.zeros((_S - _E, _S), jnp.float32)
    pieces = []
    for h in hts:
        pieces.append(jnp.concatenate([h, zl], axis=1))
        pieces.append(zr)
    mask1 = jnp.concatenate(pieces, axis=0) > 0.0
    xp = _pad_stack(xf, _D)

    s1 = _mm(xp, wa1) + c0
    s1 = jnp.where(s1 >= 0, s1, 0.2 * s1)
    e1 = _mm(bd, s1 * e64)
    p1 = jnp.where(mask1, jnp.exp(e1), 0.0)
    den1 = jnp.sum(p1, axis=1, keepdims=True)
    att1 = p1 / (den1 + (den1 <= 0))
    a1 = jnp.concatenate([att1] * _G, axis=1) * bd
    edge = _mm(a1, xp)
    s2n = _mm(xp, wa2n)
    s2e = _mm(edge, wa2e)
    s2n_l = _mm(bd, s2n * e64)
    e2 = s2n_l + s2e
    e2 = jnp.where(e2 >= 0, e2, 0.2 * e2)
    p2 = jnp.where(mask1, jnp.exp(e2), 0.0)
    den = _mm(bd, p2)
    att2 = jnp.where(den > 0, p2 / den, 1.0 / _E)
    a2m = jnp.concatenate([att2] * _G, axis=1) * bd
    node = lax.dot_general(a2m.astype(jnp.bfloat16), edge.astype(jnp.bfloat16),
                           (((0,), (0,)), ((), ())),
                           preferred_element_type=jnp.float32)
    return node + xp


def _attn_body(xf_ref, n2_ref, ht_ref, bd_ref, e64_ref,
               wa1_ref, wa2n_ref, wa2e_ref, c0_ref, o_ref, o2_ref):
    wa1 = wa1_ref[...]
    wa2n = wa2n_ref[...]
    wa2e = wa2e_ref[...]
    c0 = c0_ref[0, 0]
    bd = bd_ref[...]
    e64 = e64_ref[...]

    for k in range(_NSTACK):
        xf = xf_ref[pl.ds(k * _GL, _GL), :]
        hts = [ht_ref[_G * k + i] for i in range(_G)]
        res = _one_stack(xf, hts, bd, e64, wa1, wa2n, wa2e, c0)
        for i in range(_G):
            o_ref[_G * k + i] = res[i * _S:i * _S + _L]
    for i in range(_NSTACK * _G):
        o2_ref[i] = n2_ref[pl.ds(i * _L, _L), :]


def _tc_attention(nodes_flat, nodes2_flat, HT, bd, e64, wa1, wa2n, wa2e, c0):
    rows = _NSTACK * _GL
    nsess = _NSTACK * _G
    grid = (_B // nsess,)
    return pl.pallas_call(
        _attn_body,
        grid=grid,
        in_specs=[
            pl.BlockSpec((rows, _D), lambda i: (i, 0)),
            pl.BlockSpec((rows, _D), lambda i: (i, 0)),
            pl.BlockSpec((nsess, _E, _L), lambda i: (i, 0, 0)),
            pl.BlockSpec((_R, _R), lambda i: (0, 0)),
            pl.BlockSpec((_R, _S), lambda i: (0, 0)),
            pl.BlockSpec((_D, 1), lambda i: (0, 0)),
            pl.BlockSpec((_D, 1), lambda i: (0, 0)),
            pl.BlockSpec((_D, 1), lambda i: (0, 0)),
            pl.BlockSpec((1, 1), lambda i: (0, 0)),
        ],
        out_specs=[
            pl.BlockSpec((nsess, _L, _D), lambda i: (i, 0, 0)),
            pl.BlockSpec((nsess, _L, _D), lambda i: (i, 0, 0)),
        ],
        out_shape=[
            jax.ShapeDtypeStruct((_B, _L, _D), jnp.float32),
            jax.ShapeDtypeStruct((_B, _L, _D), jnp.float32),
        ],
    )(nodes_flat, nodes2_flat, HT, bd, e64, wa1, wa2n, wa2e, c0)


_BD = (np.arange(_R)[:, None] // _S == np.arange(_R)[None, :] // _S).astype(
    np.float32)
_E64 = (np.arange(_R)[:, None] % _S == np.arange(_S)[None, :]).astype(
    np.float32)


def kernel(inputs, HT, G, EG, emb, emb2, w2, w3, a, a2, ctx):
    idx3 = inputs.reshape(_NW, _NCH, _CH).astype(jnp.int32)
    nodes_flat, nodes2_flat = _sc_gather2(emb, emb2, idx3)
    wa1 = w2 @ a[_D:, :]
    wa2n = w2 @ a2[:_D, :]
    wa2e = w3 @ a2[_D:, :]
    c0 = (ctx @ a[:_D, :]).reshape(1, 1)
    out, nodes2 = _tc_attention(nodes_flat, nodes2_flat, HT,
                                _BD, _E64, wa1, wa2n, wa2e, c0)
    return (out, out, nodes2)

# --- scband reference (transcript-rebuilt; emitter-appended) ---
"""Pipeline reference for scband-session-graph-59966333387418 (READ-ONLY COPY).

The authoritative reference and input builder live on the scoring server;
editing this copy changes nothing except your own understanding.
"""

import jax, jax.numpy as jnp
import numpy as np

N_NODE = 100000
D = 128
B = 1024
L = 50
E = 50


def setup_inputs(seed: int = 0) -> dict:
    key = jax.random.key(seed)
    ks = jax.random.split(key, 12)
    stdv = 1.0 / np.sqrt(D)
    u = lambda k, shape: jax.random.uniform(k, shape, jnp.float32, -stdv, stdv)
    inputs = jax.random.randint(ks[0], (B, L), 0, N_NODE)
    HT = jax.random.uniform(ks[1], (B, E, L), jnp.float32)
    G = jnp.zeros((1, 1), jnp.float32)
    EG = jnp.zeros((1, 1), jnp.float32)
    return {
        "inputs": inputs, "HT": HT, "G": G, "EG": EG,
        "emb": u(ks[2], (N_NODE, D)),
        "emb2": u(ks[3], (N_NODE, D)),
        "w2": u(ks[4], (D, D)),
        "w3": u(ks[5], (D, D)),
        "a": u(ks[6], (2 * D, 1)),
        "a2": u(ks[7], (2 * D, 1)),
        "ctx": u(ks[8], (1, D)),
    }


def _leaky_relu(x, alpha=0.2):
    return jnp.where(x >= 0, x, alpha * x)


def _hyper_gat_sparse(x, adj, w2, w3, a, a2, ctx):
    # HyperGraphAttentionLayerSparse, transfer=False, concat=False, eval mode
    # (dropout disabled). Dense masked-softmax form is mathematically identical
    # to the sparse gather/scatter form in the torch code.
    d = w2.shape[1]
    x4 = x @ w2                                                  # [B,L,d]
    # edge-level attention: score = LeakyReLU([context, x4[node]] @ a)
    s1 = _leaky_relu((ctx[0] @ a[:d, 0]) + x4 @ a[d:, 0])        # [B,L]
    e1 = jnp.broadcast_to(s1[:, None, :], adj.shape)             # [B,E,L]
    mask = adj > 0
    att_edge = jax.nn.softmax(jnp.where(mask, e1, -9e15), axis=2)
    edge = att_edge @ x                                          # [B,E,d] (transfer=False: x untransformed)
    edge4 = edge @ w3                                            # [B,E,d]
    # node-level attention: score = LeakyReLU([x4[node], edge4[edge]] @ a2)
    s2n = x4 @ a2[:d, 0]                                         # [B,L]
    s2e = edge4 @ a2[d:, 0]                                      # [B,E]
    e2 = _leaky_relu(s2n[:, None, :] + s2e[:, :, None])          # [B,E,L]
    att2 = jnp.where(mask, e2, -9e15)                            # [B,E,L]
    att_node = jax.nn.softmax(jnp.transpose(att2, (0, 2, 1)), axis=2)  # [B,L,E]
    node = att_node @ edge                                       # [B,L,d]
    return node, edge


def reference(inputs, HT, G, EG, emb, emb2, w2, w3, a, a2, ctx):
    # SessionGraph.forward (eval mode, step=1)
    nodes = jnp.take(emb, inputs, axis=0)                        # embedding lookup [B,L,D]
    residual = nodes
    x, _y = _hyper_gat_sparse(nodes, HT, w2, w3, a, a2, ctx)      # HGNN_ATT.gat1
    x = x + residual                                             # dropout is identity in eval
    nodes_out = x
    hidden = x
    nodes2 = jnp.take(emb2, inputs, axis=0)
    return (nodes_out, hidden, nodes2)

if __name__ == "__main__":
    import jax
    _d = setup_inputs()
    print(jax.jit(kernel)(*tuple(_d.values())))

</pallas_src>

<mosaic_0001>
#map = affine_map<(d0, d1) -> (0, 0)>
#map1 = affine_map<(d0, d1) -> (0, 0, 0)>
module attributes {stable_mosaic.version = 14 : i64} {
  func.func @_sc_gather_body(%arg0: i32, %arg1: i32, %arg2: memref<100000x128xf32, #tpu.memory_space<hbm>>, %arg3: memref<100000x128xf32, #tpu.memory_space<hbm>>, %arg4: memref<32x20x80xi32, #tpu.memory_space<hbm>>, %arg5: memref<51200x128xf32, #tpu.memory_space<hbm>>, %arg6: memref<51200x128xf32, #tpu.memory_space<hbm>>, %arg7: memref<20x80xi32, #tpu.memory_space<vmem>>, %arg8: memref<80x128xf32, #tpu.memory_space<vmem>>, %arg9: memref<80x128xf32, #tpu.memory_space<vmem>>, %arg10: memref<80x128xf32, #tpu.memory_space<vmem>>, %arg11: memref<80x128xf32, #tpu.memory_space<vmem>>, %arg12: memref<!tpu.dma_semaphore, #tpu.memory_space<semaphore_mem>>, %arg13: memref<!tpu.dma_semaphore, #tpu.memory_space<semaphore_mem>>, %arg14: memref<!tpu.dma_semaphore, #tpu.memory_space<semaphore_mem>>, %arg15: memref<!tpu.dma_semaphore, #tpu.memory_space<semaphore_mem>>) attributes {dimension_semantics = [#tpu.dimension_semantics<core_parallel>, #tpu.dimension_semantics<subcore_parallel>], iteration_bounds = array<i64: 2, 16>, scalar_prefetch = 0 : i64, scratch_operands = 9 : i64, tpu.core_type = #tpu.core_type<sc_vector_subcore>, window_params = [{transform_indices = #map}, {transform_indices = #map}, {transform_indices = #map1}, {transform_indices = #map}, {transform_indices = #map}]} {
    %mul3A = arith.constant 2 : i32
    %mul3A_0 = arith.muli %arg1, %mul3A : i32
    %add3A = arith.addi %mul3A_0, %arg0 : i32
    "tpu.region"() ({
      %run_scoped3A = tpu.sem_alloc : memref<!tpu.dma_semaphore, #tpu.memory_space<semaphore_mem>>
      %dma_start3A = arith.constant 0 : i32
      %dma_start3A_8 = arith.constant 0 : i32
      %dma_start3A_9 = tpu.memref_slice %arg4[%add3A, %dma_start3A, %dma_start3A_8] : memref<32x20x80xi32, #tpu.memory_space<hbm>> -> memref<1x20x80xi32, #tpu.memory_space<hbm>>
      %dma_start3A_10 = tpu.memref_squeeze %dma_start3A_9 : memref<1x20x80xi32, #tpu.memory_space<hbm>> -> memref<20x80xi32, #tpu.memory_space<hbm>>
      %dma_start3A_11 = arith.constant 0 : i32
      %dma_start3A_12 = arith.constant 0 : i32
      %dma_start3A_13 = tpu.memref_slice %arg4[%add3A, %dma_start3A_11, %dma_start3A_12] : memref<32x20x80xi32, #tpu.memory_space<hbm>> -> memref<1x20x80xi32, #tpu.memory_space<hbm>>
      %dma_start3A_14 = tpu.memref_squeeze %dma_start3A_13 : memref<1x20x80xi32, #tpu.memory_space<hbm>> -> memref<20x80xi32, #tpu.memory_space<hbm>>
      tpu.enqueue_dma source(%dma_start3A_14 : memref<20x80xi32, #tpu.memory_space<hbm>>) target(%arg7 : memref<20x80xi32, #tpu.memory_space<vmem>>) target_semaphore(%run_scoped3A : memref<!tpu.dma_semaphore, #tpu.memory_space<semaphore_mem>>)
      %dma_wait3A = arith.constant 0 : i32
      %dma_wait3A_15 = arith.constant 0 : i32
      %dma_wait3A_16 = tpu.memref_slice %arg4[%add3A, %dma_wait3A, %dma_wait3A_15] : memref<32x20x80xi32, #tpu.memory_space<hbm>> -> memref<1x20x80xi32, #tpu.memory_space<hbm>>
      %dma_wait3A_17 = tpu.memref_squeeze %dma_wait3A_16 : memref<1x20x80xi32, #tpu.memory_space<hbm>> -> memref<20x80xi32, #tpu.memory_space<hbm>>
      %dma_wait3A_18 = arith.constant 0 : i32
      %dma_wait3A_19 = arith.constant 0 : i32
      %dma_wait3A_20 = tpu.memref_slice %arg4[%add3A, %dma_wait3A_18, %dma_wait3A_19] : memref<32x20x80xi32, #tpu.memory_space<hbm>> -> memref<1x20x80xi32, #tpu.memory_space<hbm>>
      %dma_wait3A_21 = tpu.memref_squeeze %dma_wait3A_20 : memref<1x20x80xi32, #tpu.memory_space<hbm>> -> memref<20x80xi32, #tpu.memory_space<hbm>>
      tpu.wait_dma2 semaphore(%run_scoped3A : memref<!tpu.dma_semaphore, #tpu.memory_space<semaphore_mem>>) src(%dma_wait3A_21 : memref<20x80xi32, #tpu.memory_space<hbm>>) dst(%arg7 : memref<20x80xi32, #tpu.memory_space<vmem>>)
      tpu.yield
    }) : () -> ()
    %mul3A_1 = arith.constant 1600 : i32
    %mul3A_2 = arith.muli %add3A, %mul3A_1 : i32
    %scan3A = arith.constant 0 : i32
    %scan3A_3 = arith.constant 0 : i32
    %scan3A_4 = arith.constant 10 : i32
    %scan3A_5 = arith.addi %scan3A_3, %scan3A_4 : i32
    %scan3A_6 = arith.constant 1 : i32
    scf.for %scan3A_8 = %scan3A_3 to %scan3A_5 step %scan3A_6  : i32 {
      %mul3A_9 = arith.constant 2 : i32
      %mul3A_10 = arith.muli %mul3A_9, %scan3A_8 : i32
      %mul3A_11 = arith.constant 80 : i32
      %mul3A_12 = arith.muli %mul3A_10, %mul3A_11 : i32
      %add3A_13 = arith.addi %mul3A_2, %mul3A_12 : i32
      %add3A_14 = arith.constant 80 : i32
      %add3A_15 = arith.addi %add3A_13, %add3A_14 : i32
      %dma_start3A = arith.constant 0 : i32
      %dma_start3A_16 = tpu.memref_slice %arg7[%mul3A_10, %dma_start3A] : memref<20x80xi32, #tpu.memory_space<vmem>> -> memref<1x80xi32, #tpu.memory_space<vmem>>
      %dma_start3A_17 = tpu.memref_squeeze %dma_start3A_16 : memref<1x80xi32, #tpu.memory_space<vmem>> -> memref<80xi32, #tpu.memory_space<vmem>>
      %dma_start3A_18 = arith.constant 0 : i32
      %dma_start3A_19 = arith.constant 0 : i32
      %dma_start3A_20 = tpu.memref_slice %arg2[%dma_start3A_18, %dma_start3A_19] : memref<100000x128xf32, #tpu.memory_space<hbm>> -> memref<100000x128xf32, #tpu.memory_space<hbm>>
      tpu.enqueue_indirect_dma source(%dma_start3A_20 : memref<100000x128xf32, #tpu.memory_space<hbm>>) target(%arg8 : memref<80x128xf32, #tpu.memory_space<vmem>>) offsets(%dma_start3A_17 : memref<80xi32, #tpu.memory_space<vmem>>) semaphore(%arg12 : memref<!tpu.dma_semaphore, #tpu.memory_space<semaphore_mem>>)
      %dma_start3A_21 = arith.constant 0 : i32
      %dma_start3A_22 = tpu.memref_slice %arg7[%mul3A_10, %dma_start3A_21] : memref<20x80xi32, #tpu.memory_space<vmem>> -> memref<1x80xi32, #tpu.memory_space<vmem>>
      %dma_start3A_23 = tpu.memref_squeeze %dma_start3A_22 : memref<1x80xi32, #tpu.memory_space<vmem>> -> memref<80xi32, #tpu.memory_space<vmem>>
      %dma_start3A_24 = arith.constant 0 : i32
      %dma_start3A_25 = arith.constant 0 : i32
      %dma_start3A_26 = tpu.memref_slice %arg3[%dma_start3A_24, %dma_start3A_25] : memref<100000x128xf32, #tpu.memory_space<hbm>> -> memref<100000x128xf32, #tpu.memory_space<hbm>>
      tpu.enqueue_indirect_dma source(%dma_start3A_26 : memref<100000x128xf32, #tpu.memory_space<hbm>>) target(%arg9 : memref<80x128xf32, #tpu.memory_space<vmem>>) offsets(%dma_start3A_23 : memref<80xi32, #tpu.memory_space<vmem>>) semaphore(%arg13 : memref<!tpu.dma_semaphore, #tpu.memory_space<semaphore_mem>>)
      %add3A_27 = arith.constant 1 : i32
      %add3A_28 = arith.addi %mul3A_10, %add3A_27 : i32
      %dma_start3A_29 = arith.constant 0 : i32
      %dma_start3A_30 = tpu.memref_slice %arg7[%add3A_28, %dma_start3A_29] : memref<20x80xi32, #tpu.memory_space<vmem>> -> memref<1x80xi32, #tpu.memory_space<vmem>>
      %dma_start3A_31 = tpu.memref_squeeze %dma_start3A_30 : memref<1x80xi32, #tpu.memory_space<vmem>> -> memref<80xi32, #tpu.memory_space<vmem>>
      %dma_start3A_32 = arith.constant 0 : i32
      %dma_start3A_33 = arith.constant 0 : i32
      %dma_start3A_34 = tpu.memref_slice %arg2[%dma_start3A_32, %dma_start3A_33] : memref<100000x128xf32, #tpu.memory_space<hbm>> -> memref<100000x128xf32, #tpu.memory_space<hbm>>
      tpu.enqueue_indirect_dma source(%dma_start3A_34 : memref<100000x128xf32, #tpu.memory_space<hbm>>) target(%arg10 : memref<80x128xf32, #tpu.memory_space<vmem>>) offsets(%dma_start3A_31 : memref<80xi32, #tpu.memory_space<vmem>>) semaphore(%arg14 : memref<!tpu.dma_semaphore, #tpu.memory_space<semaphore_mem>>)
      %add3A_35 = arith.constant 1 : i32
      %add3A_36 = arith.addi %mul3A_10, %add3A_35 : i32
      %dma_start3A_37 = arith.constant 0 : i32
      %dma_start3A_38 = tpu.memref_slice %arg7[%add3A_36, %dma_start3A_37] : memref<20x80xi32, #tpu.memory_space<vmem>> -> memref<1x80xi32, #tpu.memory_space<vmem>>
      %dma_start3A_39 = tpu.memref_squeeze %dma_start3A_38 : memref<1x80xi32, #tpu.memory_space<vmem>> -> memref<80xi32, #tpu.memory_space<vmem>>
      %dma_start3A_40 = arith.constant 0 : i32
      %dma_start3A_41 = arith.constant 0 : i32
      %dma_start3A_42 = tpu.memref_slice %arg3[%dma_start3A_40, %dma_start3A_41] : memref<100000x128xf32, #tpu.memory_space<hbm>> -> memref<100000x128xf32, #tpu.memory_space<hbm>>
      tpu.enqueue_indirect_dma source(%dma_start3A_42 : memref<100000x128xf32, #tpu.memory_space<hbm>>) target(%arg11 : memref<80x128xf32, #tpu.memory_space<vmem>>) offsets(%dma_start3A_39 : memref<80xi32, #tpu.memory_space<vmem>>) semaphore(%arg15 : memref<!tpu.dma_semaphore, #tpu.memory_space<semaphore_mem>>)
      %dma_wait3A = arith.constant 0 : i32
      %dma_wait3A_43 = tpu.memref_slice %arg7[%mul3A_10, %dma_wait3A] : memref<20x80xi32, #tpu.memory_space<vmem>> -> memref<1x80xi32, #tpu.memory_space<vmem>>
      %dma_wait3A_44 = tpu.memref_squeeze %dma_wait3A_43 : memref<1x80xi32, #tpu.memory_space<vmem>> -> memref<80xi32, #tpu.memory_space<vmem>>
      %dma_wait3A_45 = arith.constant 0 : i32
      %dma_wait3A_46 = arith.constant 0 : i32
      %dma_wait3A_47 = tpu.memref_slice %arg2[%dma_wait3A_45, %dma_wait3A_46] : memref<100000x128xf32, #tpu.memory_space<hbm>> -> memref<100000x128xf32, #tpu.memory_space<hbm>>
      tpu.wait_indirect_dma semaphore(%arg12 : memref<!tpu.dma_semaphore, #tpu.memory_space<semaphore_mem>>) src(%dma_wait3A_47 : memref<100000x128xf32, #tpu.memory_space<hbm>>) dst(%arg8 : memref<80x128xf32, #tpu.memory_space<vmem>>)
      "tpu.region"() ({
        %run_scoped3A = tpu.sem_alloc : memref<!tpu.dma_semaphore, #tpu.memory_space<semaphore_mem>>
        %dma_start3A_66 = arith.constant 0 : i32
        %dma_start3A_67 = tpu.memref_slice %arg5[%add3A_13, %dma_start3A_66] : memref<51200x128xf32, #tpu.memory_space<hbm>> -> memref<80x128xf32, #tpu.memory_space<hbm>>
        %dma_start3A_68 = arith.constant 0 : i32
        %dma_start3A_69 = tpu.memref_slice %arg5[%add3A_13, %dma_start3A_68] : memref<51200x128xf32, #tpu.memory_space<hbm>> -> memref<80x128xf32, #tpu.memory_space<hbm>>
        tpu.enqueue_dma source(%arg8 : memref<80x128xf32, #tpu.memory_space<vmem>>) target(%dma_start3A_69 : memref<80x128xf32, #tpu.memory_space<hbm>>) target_semaphore(%run_scoped3A : memref<!tpu.dma_semaphore, #tpu.memory_space<semaphore_mem>>)
        %dma_wait3A_70 = arith.constant 0 : i32
        %dma_wait3A_71 = tpu.memref_slice %arg5[%add3A_13, %dma_wait3A_70] : memref<51200x128xf32, #tpu.memory_space<hbm>> -> memref<80x128xf32, #tpu.memory_space<hbm>>
        %dma_wait3A_72 = arith.constant 0 : i32
        %dma_wait3A_73 = tpu.memref_slice %arg5[%add3A_13, %dma_wait3A_72] : memref<51200x128xf32, #tpu.memory_space<hbm>> -> memref<80x128xf32, #tpu.memory_space<hbm>>
        tpu.wait_dma2 semaphore(%run_scoped3A : memref<!tpu.dma_semaphore, #tpu.memory_space<semaphore_mem>>) src(%arg8 : memref<80x128xf32, #tpu.memory_space<vmem>>) dst(%dma_wait3A_73 : memref<80x128xf32, #tpu.memory_space<hbm>>)
        tpu.yield
      }) : () -> ()
      %dma_wait3A_48 = arith.constant 0 : i32
      %dma_wait3A_49 = tpu.memref_slice %arg7[%mul3A_10, %dma_wait3A_48] : memref<20x80xi32, #tpu.memory_space<vmem>> -> memref<1x80xi32, #tpu.memory_space<vmem>>
      %dma_wait3A_50 = tpu.memref_squeeze %dma_wait3A_49 : memref<1x80xi32, #tpu.memory_space<vmem>> -> memref<80xi32, #tpu.memory_space<vmem>>
      %dma_wait3A_51 = arith.constant 0 : i32
      %dma_wait3A_52 = arith.constant 0 : i32
      %dma_wait3A_53 = tpu.memref_slice %arg3[%dma_wait3A_51, %dma_wait3A_52] : memref<100000x128xf32, #tpu.memory_space<hbm>> -> memref<100000x128xf32, #tpu.memory_space<hbm>>
      tpu.wait_indirect_dma semaphore(%arg13 : memref<!tpu.dma_semaphore, #tpu.memory_space<semaphore_mem>>) src(%dma_wait3A_53 : memref<100000x128xf32, #tpu.memory_space<hbm>>) dst(%arg9 : memref<80x128xf32, #tpu.memory_space<vmem>>)
      "tpu.region"() ({
        %run_scoped3A = tpu.sem_alloc : memref<!tpu.dma_semaphore, #tpu.memory_space<semaphore_mem>>
        %dma_start3A_66 = arith.constant 0 : i32
        %dma_start3A_67 = tpu.memref_slice %arg6[%add3A_13, %dma_start3A_66] : memref<51200x128xf32, #tpu.memory_space<hbm>> -> memref<80x128xf32, #tpu.memory_space<hbm>>
        %dma_start3A_68 = arith.constant 0 : i32
        %dma_start3A_69 = tpu.memref_slice %arg6[%add3A_13, %dma_start3A_68] : memref<51200x128xf32, #tpu.memory_space<hbm>> -> memref<80x128xf32, #tpu.memory_space<hbm>>
        tpu.enqueue_dma source(%arg9 : memref<80x128xf32, #tpu.memory_space<vmem>>) target(%dma_start3A_69 : memref<80x128xf32, #tpu.memory_space<hbm>>) target_semaphore(%run_scoped3A : memref<!tpu.dma_semaphore, #tpu.memory_space<semaphore_mem>>)
        %dma_wait3A_70 = arith.constant 0 : i32
        %dma_wait3A_71 = tpu.memref_slice %arg6[%add3A_13, %dma_wait3A_70] : memref<51200x128xf32, #tpu.memory_space<hbm>> -> memref<80x128xf32, #tpu.memory_space<hbm>>
        %dma_wait3A_72 = arith.constant 0 : i32
        %dma_wait3A_73 = tpu.memref_slice %arg6[%add3A_13, %dma_wait3A_72] : memref<51200x128xf32, #tpu.memory_space<hbm>> -> memref<80x128xf32, #tpu.memory_space<hbm>>
        tpu.wait_dma2 semaphore(%run_scoped3A : memref<!tpu.dma_semaphore, #tpu.memory_space<semaphore_mem>>) src(%arg9 : memref<80x128xf32, #tpu.memory_space<vmem>>) dst(%dma_wait3A_73 : memref<80x128xf32, #tpu.memory_space<hbm>>)
        tpu.yield
      }) : () -> ()
      %dma_wait3A_54 = arith.constant 0 : i32
      %dma_wait3A_55 = tpu.memref_slice %arg7[%add3A_28, %dma_wait3A_54] : memref<20x80xi32, #tpu.memory_space<vmem>> -> memref<1x80xi32, #tpu.memory_space<vmem>>
      %dma_wait3A_56 = tpu.memref_squeeze %dma_wait3A_55 : memref<1x80xi32, #tpu.memory_space<vmem>> -> memref<80xi32, #tpu.memory_space<vmem>>
      %dma_wait3A_57 = arith.constant 0 : i32
      %dma_wait3A_58 = arith.constant 0 : i32
      %dma_wait3A_59 = tpu.memref_slice %arg2[%dma_wait3A_57, %dma_wait3A_58] : memref<100000x128xf32, #tpu.memory_space<hbm>> -> memref<100000x128xf32, #tpu.memory_space<hbm>>
      tpu.wait_indirect_dma semaphore(%arg14 : memref<!tpu.dma_semaphore, #tpu.memory_space<semaphore_mem>>) src(%dma_wait3A_59 : memref<100000x128xf32, #tpu.memory_space<hbm>>) dst(%arg10 : memref<80x128xf32, #tpu.memory_space<vmem>>)
      "tpu.region"() ({
        %run_scoped3A = tpu.sem_alloc : memref<!tpu.dma_semaphore, #tpu.memory_space<semaphore_mem>>
        %dma_start3A_66 = arith.constant 0 : i32
        %dma_start3A_67 = tpu.memref_slice %arg5[%add3A_15, %dma_start3A_66] : memref<51200x128xf32, #tpu.memory_space<hbm>> -> memref<80x128xf32, #tpu.memory_space<hbm>>
        %dma_start3A_68 = arith.constant 0 : i32
        %dma_start3A_69 = tpu.memref_slice %arg5[%add3A_15, %dma_start3A_68] : memref<51200x128xf32, #tpu.memory_space<hbm>> -> memref<80x128xf32, #tpu.memory_space<hbm>>
        tpu.enqueue_dma source(%arg10 : memref<80x128xf32, #tpu.memory_space<vmem>>) target(%dma_start3A_69 : memref<80x128xf32, #tpu.memory_space<hbm>>) target_semaphore(%run_scoped3A : memref<!tpu.dma_semaphore, #tpu.memory_space<semaphore_mem>>)
        %dma_wait3A_70 = arith.constant 0 : i32
        %dma_wait3A_71 = tpu.memref_slice %arg5[%add3A_15, %dma_wait3A_70] : memref<51200x128xf32, #tpu.memory_space<hbm>> -> memref<80x128xf32, #tpu.memory_space<hbm>>
        %dma_wait3A_72 = arith.constant 0 : i32
        %dma_wait3A_73 = tpu.memref_slice %arg5[%add3A_15, %dma_wait3A_72] : memref<51200x128xf32, #tpu.memory_space<hbm>> -> memref<80x128xf32, #tpu.memory_space<hbm>>
        tpu.wait_dma2 semaphore(%run_scoped3A : memref<!tpu.dma_semaphore, #tpu.memory_space<semaphore_mem>>) src(%arg10 : memref<80x128xf32, #tpu.memory_space<vmem>>) dst(%dma_wait3A_73 : memref<80x128xf32, #tpu.memory_space<hbm>>)
        tpu.yield
      }) : () -> ()
      %dma_wait3A_60 = arith.constant 0 : i32
      %dma_wait3A_61 = tpu.memref_slice %arg7[%add3A_36, %dma_wait3A_60] : memref<20x80xi32, #tpu.memory_space<vmem>> -> memref<1x80xi32, #tpu.memory_space<vmem>>
      %dma_wait3A_62 = tpu.memref_squeeze %dma_wait3A_61 : memref<1x80xi32, #tpu.memory_space<vmem>> -> memref<80xi32, #tpu.memory_space<vmem>>
      %dma_wait3A_63 = arith.constant 0 : i32
      %dma_wait3A_64 = arith.constant 0 : i32
      %dma_wait3A_65 = tpu.memref_slice %arg3[%dma_wait3A_63, %dma_wait3A_64] : memref<100000x128xf32, #tpu.memory_space<hbm>> -> memref<100000x128xf32, #tpu.memory_space<hbm>>
      tpu.wait_indirect_dma semaphore(%arg15 : memref<!tpu.dma_semaphore, #tpu.memory_space<semaphore_mem>>) src(%dma_wait3A_65 : memref<100000x128xf32, #tpu.memory_space<hbm>>) dst(%arg11 : memref<80x128xf32, #tpu.memory_space<vmem>>)
      "tpu.region"() ({
        %run_scoped3A = tpu.sem_alloc : memref<!tpu.dma_semaphore, #tpu.memory_space<semaphore_mem>>
        %dma_start3A_66 = arith.constant 0 : i32
        %dma_start3A_67 = tpu.memref_slice %arg6[%add3A_15, %dma_start3A_66] : memref<51200x128xf32, #tpu.memory_space<hbm>> -> memref<80x128xf32, #tpu.memory_space<hbm>>
        %dma_start3A_68 = arith.constant 0 : i32
        %dma_start3A_69 = tpu.memref_slice %arg6[%add3A_15, %dma_start3A_68] : memref<51200x128xf32, #tpu.memory_space<hbm>> -> memref<80x128xf32, #tpu.memory_space<hbm>>
        tpu.enqueue_dma source(%arg11 : memref<80x128xf32, #tpu.memory_space<vmem>>) target(%dma_start3A_69 : memref<80x128xf32, #tpu.memory_space<hbm>>) target_semaphore(%run_scoped3A : memref<!tpu.dma_semaphore, #tpu.memory_space<semaphore_mem>>)
        %dma_wait3A_70 = arith.constant 0 : i32
        %dma_wait3A_71 = tpu.memref_slice %arg6[%add3A_15, %dma_wait3A_70] : memref<51200x128xf32, #tpu.memory_space<hbm>> -> memref<80x128xf32, #tpu.memory_space<hbm>>
        %dma_wait3A_72 = arith.constant 0 : i32
        %dma_wait3A_73 = tpu.memref_slice %arg6[%add3A_15, %dma_wait3A_72] : memref<51200x128xf32, #tpu.memory_space<hbm>> -> memref<80x128xf32, #tpu.memory_space<hbm>>
        tpu.wait_dma2 semaphore(%run_scoped3A : memref<!tpu.dma_semaphore, #tpu.memory_space<semaphore_mem>>) src(%arg11 : memref<80x128xf32, #tpu.memory_space<vmem>>) dst(%dma_wait3A_73 : memref<80x128xf32, #tpu.memory_space<hbm>>)
        tpu.yield
      }) : () -> ()
    }
    %scan3A_7 = arith.constant 10 : i32
    return
  }
}

module attributes {stable_mosaic.version = 14 : i64} {
  func.func @_attn_body(%arg0: i32, %arg1: memref<3200x128xf32, #tpu.memory_space<vmem>>, %arg2: memref<3200x128xf32, #tpu.memory_space<vmem>>, %arg3: memref<64x50x50xf32, #tpu.memory_space<vmem>>, %arg4: memref<256x256xf32, #tpu.memory_space<vmem>>, %arg5: memref<256x64xf32, #tpu.memory_space<vmem>>, %arg6: memref<128x1xf32, #tpu.memory_space<vmem>>, %arg7: memref<128x1xf32, #tpu.memory_space<vmem>>, %arg8: memref<128x1xf32, #tpu.memory_space<vmem>>, %arg9: memref<1x1xf32, #tpu.memory_space<vmem>>, %arg10: memref<64x50x128xf32, #tpu.memory_space<vmem>>, %arg11: memref<64x50x128xf32, #tpu.memory_space<vmem>>) attributes {dimension_semantics = [#tpu.dimension_semantics<arbitrary>], iteration_bounds = array<i64: 16>, scalar_prefetch = 0 : i64, scratch_operands = 0 : i64, tpu.core_type = #tpu.core_type<tc>, window_params = [{transform_indices = @transform_0, window_bounds = array<i64: 3200, 128>}, {transform_indices = @transform_1, window_bounds = array<i64: 3200, 128>}, {transform_indices = @transform_2, window_bounds = array<i64: 64, 50, 50>}, {pipeline_mode = #tpu.pipeline_mode<synchronous>, transform_indices = @transform_3, window_bounds = array<i64: 256, 256>}, {pipeline_mode = #tpu.pipeline_mode<synchronous>, transform_indices = @transform_4, window_bounds = array<i64: 256, 64>}, {pipeline_mode = #tpu.pipeline_mode<synchronous>, transform_indices = @transform_5, window_bounds = array<i64: 128, 1>}, {pipeline_mode = #tpu.pipeline_mode<synchronous>, transform_indices = @transform_6, window_bounds = array<i64: 128, 1>}, {pipeline_mode = #tpu.pipeline_mode<synchronous>, transform_indices = @transform_7, window_bounds = array<i64: 128, 1>}, {pipeline_mode = #tpu.pipeline_mode<synchronous>, transform_indices = @transform_8, window_bounds = array<i64: 1, 1>}, {transform_indices = @transform_9, window_bounds = array<i64: 64, 50, 128>}, {transform_indices = @transform_10, window_bounds = array<i64: 64, 50, 128>}]} {
    %get3A = arith.constant 0 : index
    %get3A_0 = arith.constant 0 : index
    %get3A_1 = vector.load %arg6[%get3A, %get3A_0] : memref<128x1xf32, #tpu.memory_space<vmem>>, vector<128x1xf32>
    %get3A_2 = arith.constant 0 : index
    %get3A_3 = arith.constant 0 : index
    %get3A_4 = vector.load %arg7[%get3A_2, %get3A_3] : memref<128x1xf32, #tpu.memory_space<vmem>>, vector<128x1xf32>
    %get3A_5 = arith.constant 0 : index
    %get3A_6 = arith.constant 0 : index
    %get3A_7 = vector.load %arg8[%get3A_5, %get3A_6] : memref<128x1xf32, #tpu.memory_space<vmem>>, vector<128x1xf32>
    %get3A_8 = arith.constant 0 : index
    %get3A_9 = arith.constant 0 : index
    %get3A_10 = vector.load %arg9[%get3A_8, %get3A_9] : memref<1x1xf32, #tpu.memory_space<vmem>>, vector<1x1xf32>
    %get3A_11 = vector.extract %get3A_10[0, 0] : f32 from vector<1x1xf32>
    %get3A_12 = arith.constant 0 : index
    %get3A_13 = arith.constant 0 : index
    %get3A_14 = vector.load %arg4[%get3A_12, %get3A_13] : memref<256x256xf32, #tpu.memory_space<vmem>>, vector<256x256xf32>
    %get3A_15 = arith.constant 0 : index
    %get3A_16 = arith.constant 0 : index
    %get3A_17 = vector.load %arg5[%get3A_15, %get3A_16] : memref<256x64xf32, #tpu.memory_space<vmem>>, vector<256x64xf32>
    %get3A_18 = arith.constant 0 : index
    %get3A_19 = arith.constant 0 : index
    %get3A_20 = vector.load %arg1[%get3A_18, %get3A_19] : memref<3200x128xf32, #tpu.memory_space<vmem>>, vector<200x128xf32>
    %get3A_21 = arith.constant 0 : index
    %get3A_22 = arith.constant 0 : index
    %get3A_23 = arith.constant 0 : index
    %get3A_24 = vector.load %arg3[%get3A_21, %get3A_22, %get3A_23] : memref<64x50x50xf32, #tpu.memory_space<vmem>>, vector<1x50x50xf32>
    %get3A_25 = vector.shape_cast %get3A_24 : vector<1x50x50xf32> to vector<50x50xf32>
    %get3A_26 = arith.constant 1 : index
    %get3A_27 = arith.constant 0 : index
    %get3A_28 = arith.constant 0 : index
    %get3A_29 = vector.load %arg3[%get3A_26, %get3A_27, %get3A_28] : memref<64x50x50xf32, #tpu.memory_space<vmem>>, vector<1x50x50xf32>
    %get3A_30 = vector.shape_cast %get3A_29 : vector<1x50x50xf32> to vector<50x50xf32>
    %get3A_31 = arith.constant 2 : index
    %get3A_32 = arith.constant 0 : index
    %get3A_33 = arith.constant 0 : index
    %get3A_34 = vector.load %arg3[%get3A_31, %get3A_32, %get3A_33] : memref<64x50x50xf32, #tpu.memory_space<vmem>>, vector<1x50x50xf32>
    %get3A_35 = vector.shape_cast %get3A_34 : vector<1x50x50xf32> to vector<50x50xf32>
    %get3A_36 = arith.constant 3 : index
    %get3A_37 = arith.constant 0 : index
    %get3A_38 = arith.constant 0 : index
    %get3A_39 = vector.load %arg3[%get3A_36, %get3A_37, %get3A_38] : memref<64x50x50xf32, #tpu.memory_space<vmem>>, vector<1x50x50xf32>
    %get3A_40 = vector.shape_cast %get3A_39 : vector<1x50x50xf32> to vector<50x50xf32>
    %broadcast_in_dim3A = arith.constant 0.000000e+00 : f32
    %broadcast_in_dim3A_41 = vector.broadcast %broadcast_in_dim3A : f32 to vector<50x14xf32>
    %broadcast_in_dim3A_42 = arith.constant 0.000000e+00 : f32
    %broadcast_in_dim3A_43 = vector.broadcast %broadcast_in_dim3A_42 : f32 to vector<14x64xf32>
    %concatenate3A = tpu.concatenate %get3A_25, %broadcast_in_dim3A_41 in 1 : vector<50x50xf32>, vector<50x14xf32> -> vector<50x64xf32>
    %concatenate3A_44 = tpu.concatenate %get3A_30, %broadcast_in_dim3A_41 in 1 : vector<50x50xf32>, vector<50x14xf32> -> vector<50x64xf32>
    %concatenate3A_45 = tpu.concatenate %get3A_35, %broadcast_in_dim3A_41 in 1 : vector<50x50xf32>, vector<50x14xf32> -> vector<50x64xf32>
    %concatenate3A_46 = tpu.concatenate %get3A_40, %broadcast_in_dim3A_41 in 1 : vector<50x50xf32>, vector<50x14xf32> -> vector<50x64xf32>
    %concatenate3A_47 = tpu.concatenate %concatenate3A, %broadcast_in_dim3A_43, %concatenate3A_44, %broadcast_in_dim3A_43, %concatenate3A_45, %broadcast_in_dim3A_43, %concatenate3A_46, %broadcast_in_dim3A_43 in 0 : vector<50x64xf32>, vector<14x64xf32>, vector<50x64xf32>, vector<14x64xf32>, vector<50x64xf32>, vector<14x64xf32>, vector<50x64xf32>, vector<14x64xf32> -> vector<256x64xf32>
    %gt3A = arith.constant 0.000000e+00 : f32
    %gt3A_48 = vector.broadcast %gt3A : f32 to vector<256x64xf32>
    %gt3A_49 = arith.cmpf ogt, %concatenate3A_47, %gt3A_48 : vector<256x64xf32>
    %broadcast_in_dim3A_50 = arith.constant 0.000000e+00 : f32
    %broadcast_in_dim3A_51 = vector.broadcast %broadcast_in_dim3A_50 : f32 to vector<14x128xf32>
    %slice3A = vector.extract_strided_slice %get3A_20 {offsets = [0, 0], sizes = [50, 128], strides = [1, 1]} : vector<200x128xf32> to vector<50x128xf32>
    %slice3A_52 = vector.extract_strided_slice %get3A_20 {offsets = [50, 0], sizes = [50, 128], strides = [1, 1]} : vector<200x128xf32> to vector<50x128xf32>
    %slice3A_53 = vector.extract_strided_slice %get3A_20 {offsets = [100, 0], sizes = [50, 128], strides = [1, 1]} : vector<200x128xf32> to vector<50x128xf32>
    %slice3A_54 = vector.extract_strided_slice %get3A_20 {offsets = [150, 0], sizes = [50, 128], strides = [1, 1]} : vector<200x128xf32> to vector<50x128xf32>
    %concatenate3A_55 = tpu.concatenate %slice3A, %broadcast_in_dim3A_51, %slice3A_52, %broadcast_in_dim3A_51, %slice3A_53, %broadcast_in_dim3A_51, %slice3A_54, %broadcast_in_dim3A_51 in 0 : vector<50x128xf32>, vector<14x128xf32>, vector<50x128xf32>, vector<14x128xf32>, vector<50x128xf32>, vector<14x128xf32>, vector<50x128xf32>, vector<14x128xf32> -> vector<256x128xf32>
    %convert_element_type3A = arith.truncf %concatenate3A_55 : vector<256x128xf32> to vector<256x128xbf16>
    %convert_element_type3A_56 = arith.truncf %get3A_1 : vector<128x1xf32> to vector<128x1xbf16>
    %dot_general3A = arith.constant dense<0.000000e+00> : vector<256x1xf32>
    %dot_general3A_57 = tpu.matmul %convert_element_type3A, %convert_element_type3A_56, %dot_general3A {dimension_numbers = #tpu.dot_dimension_numbers<[1], [0], [0], [1], [0, 0, 1, 1], [], []>, transpose_lhs_hint = false} : vector<256x128xbf16>, vector<128x1xbf16>, vector<256x1xf32> -> vector<256x1xf32>
    %add3A = vector.broadcast %get3A_11 : f32 to vector<256x1xf32>
    %add3A_58 = arith.addf %dot_general3A_57, %add3A : vector<256x1xf32>
    %ge3A = arith.constant 0.000000e+00 : f32
    %ge3A_59 = vector.broadcast %ge3A : f32 to vector<256x1xf32>
    %ge3A_60 = arith.cmpf oge, %add3A_58, %ge3A_59 : vector<256x1xf32>
    %mul3A = arith.constant 2.000000e-01 : f32
    %mul3A_61 = vector.broadcast %mul3A : f32 to vector<256x1xf32>
    %mul3A_62 = arith.mulf %mul3A_61, %add3A_58 : vector<256x1xf32>
    %select_n3A = arith.select %ge3A_60, %add3A_58, %mul3A_62 : vector<256x1xi1>, vector<256x1xf32>
    %mul3A_63 = vector.broadcast %select_n3A : vector<256x1xf32> to vector<256x64xf32>
    %mul3A_64 = arith.mulf %mul3A_63, %get3A_17 : vector<256x64xf32>
    %convert_element_type3A_65 = arith.truncf %get3A_14 : vector<256x256xf32> to vector<256x256xbf16>
    %convert_element_type3A_66 = arith.truncf %mul3A_64 : vector<256x64xf32> to vector<256x64xbf16>
    %dot_general3A_67 = arith.constant dense<0.000000e+00> : vector<256x64xf32>
    %dot_general3A_68 = tpu.matmul %convert_element_type3A_65, %convert_element_type3A_66, %dot_general3A_67 {dimension_numbers = #tpu.dot_dimension_numbers<[1], [0], [0], [1], [0, 0, 1, 1], [], []>, transpose_lhs_hint = false} : vector<256x256xbf16>, vector<256x64xbf16>, vector<256x64xf32> -> vector<256x64xf32>
    %exp3A = math.exp %dot_general3A_68 : vector<256x64xf32>
    %jit3A = arith.constant 0.000000e+00 : f32
    %broadcast_in_dim3A_69 = vector.broadcast %jit3A : f32 to vector<256x64xf32>
    %select_n3A_70 = arith.select %gt3A_49, %exp3A, %broadcast_in_dim3A_69 : vector<256x64xi1>, vector<256x64xf32>
    %reduce_sum3A = arith.constant dense<0.000000e+00> : vector<256xf32>
    %reduce_sum3A_71 = vector.multi_reduction <add>, %select_n3A_70, %reduce_sum3A [1] : vector<256x64xf32> to vector<256xf32>
    %broadcast_in_dim3A_72 = vector.shape_cast %reduce_sum3A_71 : vector<256xf32> to vector<256x1xf32>
    %le3A = arith.constant 0.000000e+00 : f32
    %le3A_73 = vector.broadcast %le3A : f32 to vector<256x1xf32>
    %le3A_74 = arith.cmpf ole, %broadcast_in_dim3A_72, %le3A_73 : vector<256x1xf32>
    %convert_element_type3A_75 = arith.extui %le3A_74 : vector<256x1xi1> to vector<256x1xi32>
    %convert_element_type3A_76 = arith.sitofp %convert_element_type3A_75 : vector<256x1xi32> to vector<256x1xf32>
    %add3A_77 = arith.addf %broadcast_in_dim3A_72, %convert_element_type3A_76 : vector<256x1xf32>
    %div3A = vector.broadcast %add3A_77 : vector<256x1xf32> to vector<256x64xf32>
    %div3A_78 = arith.divf %select_n3A_70, %div3A : vector<256x64xf32>
    %concatenate3A_79 = tpu.concatenate %div3A_78, %div3A_78, %div3A_78, %div3A_78 in 1 : vector<256x64xf32>, vector<256x64xf32>, vector<256x64xf32>, vector<256x64xf32> -> vector<256x256xf32>
    %mul3A_80 = arith.mulf %concatenate3A_79, %get3A_14 : vector<256x256xf32>
    %convert_element_type3A_81 = arith.truncf %mul3A_80 : vector<256x256xf32> to vector<256x256xbf16>
    %convert_element_type3A_82 = arith.truncf %concatenate3A_55 : vector<256x128xf32> to vector<256x128xbf16>
    %dot_general3A_83 = arith.constant dense<0.000000e+00> : vector<256x128xf32>
    %dot_general3A_84 = tpu.matmul %convert_element_type3A_81, %convert_element_type3A_82, %dot_general3A_83 {dimension_numbers = #tpu.dot_dimension_numbers<[1], [0], [0], [1], [0, 0, 1, 1], [], []>, transpose_lhs_hint = false} : vector<256x256xbf16>, vector<256x128xbf16>, vector<256x128xf32> -> vector<256x128xf32>
    %convert_element_type3A_85 = arith.truncf %concatenate3A_55 : vector<256x128xf32> to vector<256x128xbf16>
    %convert_element_type3A_86 = arith.truncf %get3A_4 : vector<128x1xf32> to vector<128x1xbf16>
    %dot_general3A_87 = arith.constant dense<0.000000e+00> : vector<256x1xf32>
    %dot_general3A_88 = tpu.matmul %convert_element_type3A_85, %convert_element_type3A_86, %dot_general3A_87 {dimension_numbers = #tpu.dot_dimension_numbers<[1], [0], [0], [1], [0, 0, 1, 1], [], []>, transpose_lhs_hint = false} : vector<256x128xbf16>, vector<128x1xbf16>, vector<256x1xf32> -> vector<256x1xf32>
    %convert_element_type3A_89 = arith.truncf %dot_general3A_84 : vector<256x128xf32> to vector<256x128xbf16>
    %convert_element_type3A_90 = arith.truncf %get3A_7 : vector<128x1xf32> to vector<128x1xbf16>
    %dot_general3A_91 = arith.constant dense<0.000000e+00> : vector<256x1xf32>
    %dot_general3A_92 = tpu.matmul %convert_element_type3A_89, %convert_element_type3A_90, %dot_general3A_91 {dimension_numbers = #tpu.dot_dimension_numbers<[1], [0], [0], [1], [0, 0, 1, 1], [], []>, transpose_lhs_hint = false} : vector<256x128xbf16>, vector<128x1xbf16>, vector<256x1xf32> -> vector<256x1xf32>
    %mul3A_93 = vector.broadcast %dot_general3A_88 : vector<256x1xf32> to vector<256x64xf32>
    %mul3A_94 = arith.mulf %mul3A_93, %get3A_17 : vector<256x64xf32>
    %convert_element_type3A_95 = arith.truncf %get3A_14 : vector<256x256xf32> to vector<256x256xbf16>
    %convert_element_type3A_96 = arith.truncf %mul3A_94 : vector<256x64xf32> to vector<256x64xbf16>
    %dot_general3A_97 = arith.constant dense<0.000000e+00> : vector<256x64xf32>
    %dot_general3A_98 = tpu.matmul %convert_element_type3A_95, %convert_element_type3A_96, %dot_general3A_97 {dimension_numbers = #tpu.dot_dimension_numbers<[1], [0], [0], [1], [0, 0, 1, 1], [], []>, transpose_lhs_hint = false} : vector<256x256xbf16>, vector<256x64xbf16>, vector<256x64xf32> -> vector<256x64xf32>
    %add3A_99 = vector.broadcast %dot_general3A_92 : vector<256x1xf32> to vector<256x64xf32>
    %add3A_100 = arith.addf %dot_general3A_98, %add3A_99 : vector<256x64xf32>
    %ge3A_101 = arith.constant 0.000000e+00 : f32
    %ge3A_102 = vector.broadcast %ge3A_101 : f32 to vector<256x64xf32>
    %ge3A_103 = arith.cmpf oge, %add3A_100, %ge3A_102 : vector<256x64xf32>
    %mul3A_104 = arith.constant 2.000000e-01 : f32
    %mul3A_105 = vector.broadcast %mul3A_104 : f32 to vector<256x64xf32>
    %mul3A_106 = arith.mulf %mul3A_105, %add3A_100 : vector<256x64xf32>
    %select_n3A_107 = arith.select %ge3A_103, %add3A_100, %mul3A_106 : vector<256x64xi1>, vector<256x64xf32>
    %exp3A_108 = math.exp %select_n3A_107 : vector<256x64xf32>
    %jit3A_109 = arith.constant 0.000000e+00 : f32
    %broadcast_in_dim3A_110 = vector.broadcast %jit3A_109 : f32 to vector<256x64xf32>
    %select_n3A_111 = arith.select %gt3A_49, %exp3A_108, %broadcast_in_dim3A_110 : vector<256x64xi1>, vector<256x64xf32>
    %convert_element_type3A_112 = arith.truncf %get3A_14 : vector<256x256xf32> to vector<256x256xbf16>
    %convert_element_type3A_113 = arith.truncf %select_n3A_111 : vector<256x64xf32> to vector<256x64xbf16>
    %dot_general3A_114 = arith.constant dense<0.000000e+00> : vector<256x64xf32>
    %dot_general3A_115 = tpu.matmul %convert_element_type3A_112, %convert_element_type3A_113, %dot_general3A_114 {dimension_numbers = #tpu.dot_dimension_numbers<[1], [0], [0], [1], [0, 0, 1, 1], [], []>, transpose_lhs_hint = false} : vector<256x256xbf16>, vector<256x64xbf16>, vector<256x64xf32> -> vector<256x64xf32>
    %gt3A_116 = arith.constant 0.000000e+00 : f32
    %gt3A_117 = vector.broadcast %gt3A_116 : f32 to vector<256x64xf32>
    %gt3A_118 = arith.cmpf ogt, %dot_general3A_115, %gt3A_117 : vector<256x64xf32>
    %div3A_119 = arith.divf %select_n3A_111, %dot_general3A_115 : vector<256x64xf32>
    %jit3A_120 = arith.constant 2.000000e-02 : f32
    %broadcast_in_dim3A_121 = vector.broadcast %jit3A_120 : f32 to vector<256x64xf32>
    %select_n3A_122 = arith.select %gt3A_118, %div3A_119, %broadcast_in_dim3A_121 : vector<256x64xi1>, vector<256x64xf32>
    %concatenate3A_123 = tpu.concatenate %select_n3A_122, %select_n3A_122, %select_n3A_122, %select_n3A_122 in 1 : vector<256x64xf32>, vector<256x64xf32>, vector<256x64xf32>, vector<256x64xf32> -> vector<256x256xf32>
    %mul3A_124 = arith.mulf %concatenate3A_123, %get3A_14 : vector<256x256xf32>
    %convert_element_type3A_125 = arith.truncf %mul3A_124 : vector<256x256xf32> to vector<256x256xbf16>
    %convert_element_type3A_126 = arith.truncf %dot_general3A_84 : vector<256x128xf32> to vector<256x128xbf16>
    %dot_general3A_127 = arith.constant dense<0.000000e+00> : vector<256x128xf32>
    %dot_general3A_128 = tpu.matmul %convert_element_type3A_125, %convert_element_type3A_126, %dot_general3A_127 {dimension_numbers = #tpu.dot_dimension_numbers<[0], [0], [1], [1], [0, 1, 1, 1], [], []>, transpose_lhs_hint = false} : vector<256x256xbf16>, vector<256x128xbf16>, vector<256x128xf32> -> vector<256x128xf32>
    %add3A_129 = arith.addf %dot_general3A_128, %concatenate3A_55 : vector<256x128xf32>
    %slice3A_130 = vector.extract_strided_slice %add3A_129 {offsets = [0, 0], sizes = [50, 128], strides = [1, 1]} : vector<256x128xf32> to vector<50x128xf32>
    %swap3A = arith.constant 0 : index
    %swap3A_131 = arith.constant 0 : index
    %swap3A_132 = arith.constant 0 : index
    %swap3A_133 = vector.load %arg10[%swap3A, %swap3A_131, %swap3A_132] : memref<64x50x128xf32, #tpu.memory_space<vmem>>, vector<1x50x128xf32>
    %swap3A_134 = vector.shape_cast %swap3A_133 : vector<1x50x128xf32> to vector<50x128xf32>
    %swap3A_135 = vector.shape_cast %slice3A_130 : vector<50x128xf32> to vector<1x50x128xf32>
    tpu.vector_store %arg10[%swap3A, %swap3A_131, %swap3A_132], %swap3A_135 {strides = array<i32>} : memref<64x50x128xf32, #tpu.memory_space<vmem>>, vector<1x50x128xf32>,
    %slice3A_136 = vector.extract_strided_slice %add3A_129 {offsets = [64, 0], sizes = [50, 128], strides = [1, 1]} : vector<256x128xf32> to vector<50x128xf32>
    %swap3A_137 = arith.constant 1 : index
    %swap3A_138 = arith.constant 0 : index
    %swap3A_139 = arith.constant 0 : index
    %swap3A_140 = vector.load %arg10[%swap3A_137, %swap3A_138, %swap3A_139] : memref<64x50x128xf32, #tpu.memory_space<vmem>>, vector<1x50x128xf32>
    %swap3A_141 = vector.shape_cast %swap3A_140 : vector<1x50x128xf32> to vector<50x128xf32>
    %swap3A_142 = vector.shape_cast %slice3A_136 : vector<50x128xf32> to vector<1x50x128xf32>
    tpu.vector_store %arg10[%swap3A_137, %swap3A_138, %swap3A_139], %swap3A_142 {strides = array<i32>} : memref<64x50x128xf32, #tpu.memory_space<vmem>>, vector<1x50x128xf32>,
    %slice3A_143 = vector.extract_strided_slice %add3A_129 {offsets = [128, 0], sizes = [50, 128], strides = [1, 1]} : vector<256x128xf32> to vector<50x128xf32>
    %swap3A_144 = arith.constant 2 : index
    %swap3A_145 = arith.constant 0 : index
    %swap3A_146 = arith.constant 0 : index
    %swap3A_147 = vector.load %arg10[%swap3A_144, %swap3A_145, %swap3A_146] : memref<64x50x128xf32, #tpu.memory_space<vmem>>, vector<1x50x128xf32>
    %swap3A_148 = vector.shape_cast %swap3A_147 : vector<1x50x128xf32> to vector<50x128xf32>
    %swap3A_149 = vector.shape_cast %slice3A_143 : vector<50x128xf32> to vector<1x50x128xf32>
    tpu.vector_store %arg10[%swap3A_144, %swap3A_145, %swap3A_146], %swap3A_149 {strides = array<i32>} : memref<64x50x128xf32, #tpu.memory_space<vmem>>, vector<1x50x128xf32>,
    %slice3A_150 = vector.extract_strided_slice %add3A_129 {offsets = [192, 0], sizes = [50, 128], strides = [1, 1]} : vector<256x128xf32> to vector<50x128xf32>
    %swap3A_151 = arith.constant 3 : index
    %swap3A_152 = arith.constant 0 : index
    %swap3A_153 = arith.constant 0 : index
    %swap3A_154 = vector.load %arg10[%swap3A_151, %swap3A_152, %swap3A_153] : memref<64x50x128xf32, #tpu.memory_space<vmem>>, vector<1x50x128xf32>
    %swap3A_155 = vector.shape_cast %swap3A_154 : vector<1x50x128xf32> to vector<50x128xf32>
    %swap3A_156 = vector.shape_cast %slice3A_150 : vector<50x128xf32> to vector<1x50x128xf32>
    tpu.vector_store %arg10[%swap3A_151, %swap3A_152, %swap3A_153], %swap3A_156 {strides = array<i32>} : memref<64x50x128xf32, #tpu.memory_space<vmem>>, vector<1x50x128xf32>,
    %get3A_157 = arith.constant 200 : index
    %get3A_158 = arith.constant 0 : index
    %get3A_159 = vector.load %arg1[%get3A_157, %get3A_158] : memref<3200x128xf32, #tpu.memory_space<vmem>>, vector<200x128xf32>
    %get3A_160 = arith.constant 4 : index
    %get3A_161 = arith.constant 0 : index
    %get3A_162 = arith.constant 0 : index
    %get3A_163 = vector.load %arg3[%get3A_160, %get3A_161, %get3A_162] : memref<64x50x50xf32, #tpu.memory_space<vmem>>, vector<1x50x50xf32>
    %get3A_164 = vector.shape_cast %get3A_163 : vector<1x50x50xf32> to vector<50x50xf32>
    %get3A_165 = arith.constant 5 : index
    %get3A_166 = arith.constant 0 : index
    %get3A_167 = arith.constant 0 : index
    %get3A_168 = vector.load %arg3[%get3A_165, %get3A_166, %get3A_167] : memref<64x50x50xf32, #tpu.memory_space<vmem>>, vector<1x50x50xf32>
    %get3A_169 = vector.shape_cast %get3A_168 : vector<1x50x50xf32> to vector<50x50xf32>
    %get3A_170 = arith.constant 6 : index
    %get3A_171 = arith.constant 0 : index
    %get3A_172 = arith.constant 0 : index
    %get3A_173 = vector.load %arg3[%get3A_170, %get3A_171, %get3A_172] : memref<64x50x50xf32, #tpu.memory_space<vmem>>, vector<1x50x50xf32>
    %get3A_174 = vector.shape_cast %get3A_173 : vector<1x50x50xf32> to vector<50x50xf32>
    %get3A_175 = arith.constant 7 : index
    %get3A_176 = arith.constant 0 : index
    %get3A_177 = arith.constant 0 : index
    %get3A_178 = vector.load %arg3[%get3A_175, %get3A_176, %get3A_177] : memref<64x50x50xf32, #tpu.memory_space<vmem>>, vector<1x50x50xf32>
    %get3A_179 = vector.shape_cast %get3A_178 : vector<1x50x50xf32> to vector<50x50xf32>
    %broadcast_in_dim3A_180 = arith.constant 0.000000e+00 : f32
    %broadcast_in_dim3A_181 = vector.broadcast %broadcast_in_dim3A_180 : f32 to vector<50x14xf32>
    %broadcast_in_dim3A_182 = arith.constant 0.000000e+00 : f32
    %broadcast_in_dim3A_183 = vector.broadcast %broadcast_in_dim3A_182 : f32 to vector<14x64xf32>
    %concatenate3A_184 = tpu.concatenate %get3A_164, %broadcast_in_dim3A_181 in 1 : vector<50x50xf32>, vector<50x14xf32> -> vector<50x64xf32>
    %concatenate3A_185 = tpu.concatenate %get3A_169, %broadcast_in_dim3A_181 in 1 : vector<50x50xf32>, vector<50x14xf32> -> vector<50x64xf32>
    %concatenate3A_186 = tpu.concatenate %get3A_174, %broadcast_in_dim3A_181 in 1 : vector<50x50xf32>, vector<50x14xf32> -> vector<50x64xf32>
    %concatenate3A_187 = tpu.concatenate %get3A_179, %broadcast_in_dim3A_181 in 1 : vector<50x50xf32>, vector<50x14xf32> -> vector<50x64xf32>
    %concatenate3A_188 = tpu.concatenate %concatenate3A_184, %broadcast_in_dim3A_183, %concatenate3A_185, %broadcast_in_dim3A_183, %concatenate3A_186, %broadcast_in_dim3A_183, %concatenate3A_187, %broadcast_in_dim3A_183 in 0 : vector<50x64xf32>, vector<14x64xf32>, vector<50x64xf32>, vector<14x64xf32>, vector<50x64xf32>, vector<14x64xf32>, vector<50x64xf32>, vector<14x64xf32> -> vector<256x64xf32>
    %gt3A_189 = arith.constant 0.000000e+00 : f32
    %gt3A_190 = vector.broadcast %gt3A_189 : f32 to vector<256x64xf32>
    %gt3A_191 = arith.cmpf ogt, %concatenate3A_188, %gt3A_190 : vector<256x64xf32>
    %broadcast_in_dim3A_192 = arith.constant 0.000000e+00 : f32
    %broadcast_in_dim3A_193 = vector.broadcast %broadcast_in_dim3A_192 : f32 to vector<14x128xf32>
    %slice3A_194 = vector.extract_strided_slice %get3A_159 {offsets = [0, 0], sizes = [50, 128], strides = [1, 1]} : vector<200x128xf32> to vector<50x128xf32>
    %slice3A_195 = vector.extract_strided_slice %get3A_159 {offsets = [50, 0], sizes = [50, 128], strides = [1, 1]} : vector<200x128xf32> to vector<50x128xf32>
    %slice3A_196 = vector.extract_strided_slice %get3A_159 {offsets = [100, 0], sizes = [50, 128], strides = [1, 1]} : vector<200x128xf32> to vector<50x128xf32>
    %slice3A_197 = vector.extract_strided_slice %get3A_159 {offsets = [150, 0], sizes = [50, 128], strides = [1, 1]} : vector<200x128xf32> to vector<50x128xf32>
    %concatenate3A_198 = tpu.concatenate %slice3A_194, %broadcast_in_dim3A_193, %slice3A_195, %broadcast_in_dim3A_193, %slice3A_196, %broadcast_in_dim3A_193, %slice3A_197, %broadcast_in_dim3A_193 in 0 : vector<50x128xf32>, vector<14x128xf32>, vector<50x128xf32>, vector<14x128xf32>, vector<50x128xf32>, vector<14x128xf32>, vector<50x128xf32>, vector<14x128xf32> -> vector<256x128xf32>
    %convert_element_type3A_199 = arith.truncf %concatenate3A_198 : vector<256x128xf32> to vector<256x128xbf16>
    %convert_element_type3A_200 = arith.truncf %get3A_1 : vector<128x1xf32> to vector<128x1xbf16>
    %dot_general3A_201 = arith.constant dense<0.000000e+00> : vector<256x1xf32>
    %dot_general3A_202 = tpu.matmul %convert_element_type3A_199, %convert_element_type3A_200, %dot_general3A_201 {dimension_numbers = #tpu.dot_dimension_numbers<[1], [0], [0], [1], [0, 0, 1, 1], [], []>, transpose_lhs_hint = false} : vector<256x128xbf16>, vector<128x1xbf16>, vector<256x1xf32> -> vector<256x1xf32>
    %add3A_203 = vector.broadcast %get3A_11 : f32 to vector<256x1xf32>
    %add3A_204 = arith.addf %dot_general3A_202, %add3A_203 : vector<256x1xf32>
    %ge3A_205 = arith.constant 0.000000e+00 : f32
    %ge3A_206 = vector.broadcast %ge3A_205 : f32 to vector<256x1xf32>
    %ge3A_207 = arith.cmpf oge, %add3A_204, %ge3A_206 : vector<256x1xf32>
    %mul3A_208 = arith.constant 2.000000e-01 : f32
    %mul3A_209 = vector.broadcast %mul3A_208 : f32 to vector<256x1xf32>
    %mul3A_210 = arith.mulf %mul3A_209, %add3A_204 : vector<256x1xf32>
    %select_n3A_211 = arith.select %ge3A_207, %add3A_204, %mul3A_210 : vector<256x1xi1>, vector<256x1xf32>
    %mul3A_212 = vector.broadcast %select_n3A_211 : vector<256x1xf32> to vector<256x64xf32>
    %mul3A_213 = arith.mulf %mul3A_212, %get3A_17 : vector<256x64xf32>
    %convert_element_type3A_214 = arith.truncf %get3A_14 : vector<256x256xf32> to vector<256x256xbf16>
    %convert_element_type3A_215 = arith.truncf %mul3A_213 : vector<256x64xf32> to vector<256x64xbf16>
    %dot_general3A_216 = arith.constant dense<0.000000e+00> : vector<256x64xf32>
    %dot_general3A_217 = tpu.matmul %convert_element_type3A_214, %convert_element_type3A_215, %dot_general3A_216 {dimension_numbers = #tpu.dot_dimension_numbers<[1], [0], [0], [1], [0, 0, 1, 1], [], []>, transpose_lhs_hint = false} : vector<256x256xbf16>, vector<256x64xbf16>, vector<256x64xf32> -> vector<256x64xf32>
    %exp3A_218 = math.exp %dot_general3A_217 : vector<256x64xf32>
    %jit3A_219 = arith.constant 0.000000e+00 : f32
    %broadcast_in_dim3A_220 = vector.broadcast %jit3A_219 : f32 to vector<256x64xf32>
    %select_n3A_221 = arith.select %gt3A_191, %exp3A_218, %broadcast_in_dim3A_220 : vector<256x64xi1>, vector<256x64xf32>
    %reduce_sum3A_222 = arith.constant dense<0.000000e+00> : vector<256xf32>
    %reduce_sum3A_223 = vector.multi_reduction <add>, %select_n3A_221, %reduce_sum3A_222 [1] : vector<256x64xf32> to vector<256xf32>
    %broadcast_in_dim3A_224 = vector.shape_cast %reduce_sum3A_223 : vector<256xf32> to vector<256x1xf32>
    %le3A_225 = arith.constant 0.000000e+00 : f32
    %le3A_226 = vector.broadcast %le3A_225 : f32 to vector<256x1xf32>
    %le3A_227 = arith.cmpf ole, %broadcast_in_dim3A_224, %le3A_226 : vector<256x1xf32>
    %convert_element_type3A_228 = arith.extui %le3A_227 : vector<256x1xi1> to vector<256x1xi32>
    %convert_element_type3A_229 = arith.sitofp %convert_element_type3A_228 : vector<256x1xi32> to vector<256x1xf32>
    %add3A_230 = arith.addf %broadcast_in_dim3A_224, %convert_element_type3A_229 : vector<256x1xf32>
    %div3A_231 = vector.broadcast %add3A_230 : vector<256x1xf32> to vector<256x64xf32>
    %div3A_232 = arith.divf %select_n3A_221, %div3A_231 : vector<256x64xf32>
    %concatenate3A_233 = tpu.concatenate %div3A_232, %div3A_232, %div3A_232, %div3A_232 in 1 : vector<256x64xf32>, vector<256x64xf32>, vector<256x64xf32>, vector<256x64xf32> -> vector<256x256xf32>
    %mul3A_234 = arith.mulf %concatenate3A_233, %get3A_14 : vector<256x256xf32>
    %convert_element_type3A_235 = arith.truncf %mul3A_234 : vector<256x256xf32> to vector<256x256xbf16>
    %convert_element_type3A_236 = arith.truncf %concatenate3A_198 : vector<256x128xf32> to vector<256x128xbf16>
    %dot_general3A_237 = arith.constant dense<0.000000e+00> : vector<256x128xf32>
    %dot_general3A_238 = tpu.matmul %convert_element_type3A_235, %convert_element_type3A_236, %dot_general3A_237 {dimension_numbers = #tpu.dot_dimension_numbers<[1], [0], [0], [1], [0, 0, 1, 1], [], []>, transpose_lhs_hint = false} : vector<256x256xbf16>, vector<256x128xbf16>, vector<256x128xf32> -> vector<256x128xf32>
    %convert_element_type3A_239 = arith.truncf %concatenate3A_198 : vector<256x128xf32> to vector<256x128xbf16>
    %convert_element_type3A_240 = arith.truncf %get3A_4 : vector<128x1xf32> to vector<128x1xbf16>
    %dot_general3A_241 = arith.constant dense<0.000000e+00> : vector<256x1xf32>
    %dot_general3A_242 = tpu.matmul %convert_element_type3A_239, %convert_element_type3A_240, %dot_general3A_241 {dimension_numbers = #tpu.dot_dimension_numbers<[1], [0], [0], [1], [0, 0, 1, 1], [], []>, transpose_lhs_hint = false} : vector<256x128xbf16>, vector<128x1xbf16>, vector<256x1xf32> -> vector<256x1xf32>
    %convert_element_type3A_243 = arith.truncf %dot_general3A_238 : vector<256x128xf32> to vector<256x128xbf16>
    %convert_element_type3A_244 = arith.truncf %get3A_7 : vector<128x1xf32> to vector<128x1xbf16>
    %dot_general3A_245 = arith.constant dense<0.000000e+00> : vector<256x1xf32>
    %dot_general3A_246 = tpu.matmul %convert_element_type3A_243, %convert_element_type3A_244, %dot_general3A_245 {dimension_numbers = #tpu.dot_dimension_numbers<[1], [0], [0], [1], [0, 0, 1, 1], [], []>, transpose_lhs_hint = false} : vector<256x128xbf16>, vector<128x1xbf16>, vector<256x1xf32> -> vector<256x1xf32>
    %mul3A_247 = vector.broadcast %dot_general3A_242 : vector<256x1xf32> to vector<256x64xf32>
    %mul3A_248 = arith.mulf %mul3A_247, %get3A_17 : vector<256x64xf32>
    %convert_element_type3A_249 = arith.truncf %get3A_14 : vector<256x256xf32> to vector<256x256xbf16>
    %convert_element_type3A_250 = arith.truncf %mul3A_248 : vector<256x64xf32> to vector<256x64xbf16>
    %dot_general3A_251 = arith.constant dense<0.000000e+00> : vector<256x64xf32>
    %dot_general3A_252 = tpu.matmul %convert_element_type3A_249, %convert_element_type3A_250, %dot_general3A_251 {dimension_numbers = #tpu.dot_dimension_numbers<[1], [0], [0], [1], [0, 0, 1, 1], [], []>, transpose_lhs_hint = false} : vector<256x256xbf16>, vector<256x64xbf16>, vector<256x64xf32> -> vector<256x64xf32>
    %add3A_253 = vector.broadcast %dot_general3A_246 : vector<256x1xf32> to vector<256x64xf32>
    %add3A_254 = arith.addf %dot_general3A_252, %add3A_253 : vector<256x64xf32>
    %ge3A_255 = arith.constant 0.000000e+00 : f32
    %ge3A_256 = vector.broadcast %ge3A_255 : f32 to vector<256x64xf32>
    %ge3A_257 = arith.cmpf oge, %add3A_254, %ge3A_256 : vector<256x64xf32>
    %mul3A_258 = arith.constant 2.000000e-01 : f32
    %mul3A_259 = vector.broadcast %mul3A_258 : f32 to vector<256x64xf32>
    %mul3A_260 = arith.mulf %mul3A_259, %add3A_254 : vector<256x64xf32>
    %select_n3A_261 = arith.select %ge3A_257, %add3A_254, %mul3A_260 : vector<256x64xi1>, vector<256x64xf32>
    %exp3A_262 = math.exp %select_n3A_261 : vector<256x64xf32>
    %jit3A_263 = arith.constant 0.000000e+00 : f32
    %broadcast_in_dim3A_264 = vector.broadcast %jit3A_263 : f32 to vector<256x64xf32>
    %select_n3A_265 = arith.select %gt3A_191, %exp3A_262, %broadcast_in_dim3A_264 : vector<256x64xi1>, vector<256x64xf32>
    %convert_element_type3A_266 = arith.truncf %get3A_14 : vector<256x256xf32> to vector<256x256xbf16>
    %convert_element_type3A_267 = arith.truncf %select_n3A_265 : vector<256x64xf32> to vector<256x64xbf16>
    %dot_general3A_268 = arith.constant dense<0.000000e+00> : vector<256x64xf32>
    %dot_general3A_269 = tpu.matmul %convert_element_type3A_266, %convert_element_type3A_267, %dot_general3A_268 {dimension_numbers = #tpu.dot_dimension_numbers<[1], [0], [0], [1], [0, 0, 1, 1], [], []>, transpose_lhs_hint = false} : vector<256x256xbf16>, vector<256x64xbf16>, vector<256x64xf32> -> vector<256x64xf32>
    %gt3A_270 = arith.constant 0.000000e+00 : f32
    %gt3A_271 = vector.broadcast %gt3A_270 : f32 to vector<256x64xf32>
    %gt3A_272 = arith.cmpf ogt, %dot_general3A_269, %gt3A_271 : vector<256x64xf32>
    %div3A_273 = arith.divf %select_n3A_265, %dot_general3A_269 : vector<256x64xf32>
    %jit3A_274 = arith.constant 2.000000e-02 : f32
    %broadcast_in_dim3A_275 = vector.broadcast %jit3A_274 : f32 to vector<256x64xf32>
    %select_n3A_276 = arith.select %gt3A_272, %div3A_273, %broadcast_in_dim3A_275 : vector<256x64xi1>, vector<256x64xf32>
    %concatenate3A_277 = tpu.concatenate %select_n3A_276, %select_n3A_276, %select_n3A_276, %select_n3A_276 in 1 : vector<256x64xf32>, vector<256x64xf32>, vector<256x64xf32>, vector<256x64xf32> -> vector<256x256xf32>
    %mul3A_278 = arith.mulf %concatenate3A_277, %get3A_14 : vector<256x256xf32>
    %convert_element_type3A_279 = arith.truncf %mul3A_278 : vector<256x256xf32> to vector<256x256xbf16>
    %convert_element_type3A_280 = arith.truncf %dot_general3A_238 : vector<256x128xf32> to vector<256x128xbf16>
    %dot_general3A_281 = arith.constant dense<0.000000e+00> : vector<256x128xf32>
    %dot_general3A_282 = tpu.matmul %convert_element_type3A_279, %convert_element_type3A_280, %dot_general3A_281 {dimension_numbers = #tpu.dot_dimension_numbers<[0], [0], [1], [1], [0, 1, 1, 1], [], []>, transpose_lhs_hint = false} : vector<256x256xbf16>, vector<256x128xbf16>, vector<256x128xf32> -> vector<256x128xf32>
    %add3A_283 = arith.addf %dot_general3A_282, %concatenate3A_198 : vector<256x128xf32>
    %slice3A_284 = vector.extract_strided_slice %add3A_283 {offsets = [0, 0], sizes = [50, 128], strides = [1, 1]} : vector<256x128xf32> to vector<50x128xf32>
    %swap3A_285 = arith.constant 4 : index
    %swap3A_286 = arith.constant 0 : index
    %swap3A_287 = arith.constant 0 : index
    %swap3A_288 = vector.load %arg10[%swap3A_285, %swap3A_286, %swap3A_287] : memref<64x50x128xf32, #tpu.memory_space<vmem>>, vector<1x50x128xf32>
    %swap3A_289 = vector.shape_cast %swap3A_288 : vector<1x50x128xf32> to vector<50x128xf32>
    %swap3A_290 = vector.shape_cast %slice3A_284 : vector<50x128xf32> to vector<1x50x128xf32>
    tpu.vector_store %arg10[%swap3A_285, %swap3A_286, %swap3A_287], %swap3A_290 {strides = array<i32>} : memref<64x50x128xf32, #tpu.memory_space<vmem>>, vector<1x50x128xf32>,
    %slice3A_291 = vector.extract_strided_slice %add3A_283 {offsets = [64, 0], sizes = [50, 128], strides = [1, 1]} : vector<256x128xf32> to vector<50x128xf32>
    %swap3A_292 = arith.constant 5 : index
    %swap3A_293 = arith.constant 0 : index
    %swap3A_294 = arith.constant 0 : index
    %swap3A_295 = vector.load %arg10[%swap3A_292, %swap3A_293, %swap3A_294] : memref<64x50x128xf32, #tpu.memory_space<vmem>>, vector<1x50x128xf32>
    %swap3A_296 = vector.shape_cast %swap3A_295 : vector<1x50x128xf32> to vector<50x128xf32>
    %swap3A_297 = vector.shape_cast %slice3A_291 : vector<50x128xf32> to vector<1x50x128xf32>
    tpu.vector_store %arg10[%swap3A_292, %swap3A_293, %swap3A_294], %swap3A_297 {strides = array<i32>} : memref<64x50x128xf32, #tpu.memory_space<vmem>>, vector<1x50x128xf32>,
    %slice3A_298 = vector.extract_strided_slice %add3A_283 {offsets = [128, 0], sizes = [50, 128], strides = [1, 1]} : vector<256x128xf32> to vector<50x128xf32>
    %swap3A_299 = arith.constant 6 : index
    %swap3A_300 = arith.constant 0 : index
    %swap3A_301 = arith.constant 0 : index
    %swap3A_302 = vector.load %arg10[%swap3A_299, %swap3A_300, %swap3A_301] : memref<64x50x128xf32, #tpu.memory_space<vmem>>, vector<1x50x128xf32>
    %swap3A_303 = vector.shape_cast %swap3A_302 : vector<1x50x128xf32> to vector<50x128xf32>
    %swap3A_304 = vector.shape_cast %slice3A_298 : vector<50x128xf32> to vector<1x50x128xf32>
    tpu.vector_store %arg10[%swap3A_299, %swap3A_300, %swap3A_301], %swap3A_304 {strides = array<i32>} : memref<64x50x128xf32, #tpu.memory_space<vmem>>, vector<1x50x128xf32>,
    %slice3A_305 = vector.extract_strided_slice %add3A_283 {offsets = [192, 0], sizes = [50, 128], strides = [1, 1]} : vector<256x128xf32> to vector<50x128xf32>
    %swap3A_306 = arith.constant 7 : index
    %swap3A_307 = arith.constant 0 : index
    %swap3A_308 = arith.constant 0 : index
    %swap3A_309 = vector.load %arg10[%swap3A_306, %swap3A_307, %swap3A_308] : memref<64x50x128xf32, #tpu.memory_space<vmem>>, vector<1x50x128xf32>
    %swap3A_310 = vector.shape_cast %swap3A_309 : vector<1x50x128xf32> to vector<50x128xf32>
    %swap3A_311 = vector.shape_cast %slice3A_305 : vector<50x128xf32> to vector<1x50x128xf32>
    tpu.vector_store %arg10[%swap3A_306, %swap3A_307, %swap3A_308], %swap3A_311 {strides = array<i32>} : memref<64x50x128xf32, #tpu.memory_space<vmem>>, vector<1x50x128xf32>,
    %get3A_312 = arith.constant 400 : index
    %get3A_313 = arith.constant 0 : index
    %get3A_314 = vector.load %arg1[%get3A_312, %get3A_313] : memref<3200x128xf32, #tpu.memory_space<vmem>>, vector<200x128xf32>
    %get3A_315 = arith.constant 8 : index
    %get3A_316 = arith.constant 0 : index
    %get3A_317 = arith.constant 0 : index
    %get3A_318 = vector.load %arg3[%get3A_315, %get3A_316, %get3A_317] : memref<64x50x50xf32, #tpu.memory_space<vmem>>, vector<1x50x50xf32>
    %get3A_319 = vector.shape_cast %get3A_318 : vector<1x50x50xf32> to vector<50x50xf32>
    %get3A_320 = arith.constant 9 : index
    %get3A_321 = arith.constant 0 : index
    %get3A_322 = arith.constant 0 : index
    %get3A_323 = vector.load %arg3[%get3A_320, %get3A_321, %get3A_322] : memref<64x50x50xf32, #tpu.memory_space<vmem>>, vector<1x50x50xf32>
    %get3A_324 = vector.shape_cast %get3A_323 : vector<1x50x50xf32> to vector<50x50xf32>
    %get3A_325 = arith.constant 10 : index
    %get3A_326 = arith.constant 0 : index
    %get3A_327 = arith.constant 0 : index
    %get3A_328 = vector.load %arg3[%get3A_325, %get3A_326, %get3A_327] : memref<64x50x50xf32, #tpu.memory_space<vmem>>, vector<1x50x50xf32>
    %get3A_329 = vector.shape_cast %get3A_328 : vector<1x50x50xf32> to vector<50x50xf32>
    %get3A_330 = arith.constant 11 : index
    %get3A_331 = arith.constant 0 : index
    %get3A_332 = arith.constant 0 : index
    %get3A_333 = vector.load %arg3[%get3A_330, %get3A_331, %get3A_332] : memref<64x50x50xf32, #tpu.memory_space<vmem>>, vector<1x50x50xf32>
    %get3A_334 = vector.shape_cast %get3A_333 : vector<1x50x50xf32> to vector<50x50xf32>
    %broadcast_in_dim3A_335 = arith.constant 0.000000e+00 : f32
    %broadcast_in_dim3A_336 = vector.broadcast %broadcast_in_dim3A_335 : f32 to vector<50x14xf32>
    %broadcast_in_dim3A_337 = arith.constant 0.000000e+00 : f32
    %broadcast_in_dim3A_338 = vector.broadcast %broadcast_in_dim3A_337 : f32 to vector<14x64xf32>
    %concatenate3A_339 = tpu.concatenate %get3A_319, %broadcast_in_dim3A_336 in 1 : vector<50x50xf32>, vector<50x14xf32> -> vector<50x64xf32>
    %concatenate3A_340 = tpu.concatenate %get3A_324, %broadcast_in_dim3A_336 in 1 : vector<50x50xf32>, vector<50x14xf32> -> vector<50x64xf32>
    %concatenate3A_341 = tpu.concatenate %get3A_329, %broadcast_in_dim3A_336 in 1 : vector<50x50xf32>, vector<50x14xf32> -> vector<50x64xf32>
    %concatenate3A_342 = tpu.concatenate %get3A_334, %broadcast_in_dim3A_336 in 1 : vector<50x50xf32>, vector<50x14xf32> -> vector<50x64xf32>
    %concatenate3A_343 = tpu.concatenate %concatenate3A_339, %broadcast_in_dim3A_338, %concatenate3A_340, %broadcast_in_dim3A_338, %concatenate3A_341, %broadcast_in_dim3A_338, %concatenate3A_342, %broadcast_in_dim3A_338 in 0 : vector<50x64xf32>, vector<14x64xf32>, vector<50x64xf32>, vector<14x64xf32>, vector<50x64xf32>, vector<14x64xf32>, vector<50x64xf32>, vector<14x64xf32> -> vector<256x64xf32>
    %gt3A_344 = arith.constant 0.000000e+00 : f32
    %gt3A_345 = vector.broadcast %gt3A_344 : f32 to vector<256x64xf32>
    %gt3A_346 = arith.cmpf ogt, %concatenate3A_343, %gt3A_345 : vector<256x64xf32>
    %broadcast_in_dim3A_347 = arith.constant 0.000000e+00 : f32
    %broadcast_in_dim3A_348 = vector.broadcast %broadcast_in_dim3A_347 : f32 to vector<14x128xf32>
    %slice3A_349 = vector.extract_strided_slice %get3A_314 {offsets = [0, 0], sizes = [50, 128], strides = [1, 1]} : vector<200x128xf32> to vector<50x128xf32>
    %slice3A_350 = vector.extract_strided_slice %get3A_314 {offsets = [50, 0], sizes = [50, 128], strides = [1, 1]} : vector<200x128xf32> to vector<50x128xf32>
    %slice3A_351 = vector.extract_strided_slice %get3A_314 {offsets = [100, 0], sizes = [50, 128], strides = [1, 1]} : vector<200x128xf32> to vector<50x128xf32>
    %slice3A_352 = vector.extract_strided_slice %get3A_314 {offsets = [150, 0], sizes = [50, 128], strides = [1, 1]} : vector<200x128xf32> to vector<50x128xf32>
    %concatenate3A_353 = tpu.concatenate %slice3A_349, %broadcast_in_dim3A_348, %slice3A_350, %broadcast_in_dim3A_348, %slice3A_351, %broadcast_in_dim3A_348, %slice3A_352, %broadcast_in_dim3A_348 in 0 : vector<50x128xf32>, vector<14x128xf32>, vector<50x128xf32>, vector<14x128xf32>, vector<50x128xf32>, vector<14x128xf32>, vector<50x128xf32>, vector<14x128xf32> -> vector<256x128xf32>
    %convert_element_type3A_354 = arith.truncf %concatenate3A_353 : vector<256x128xf32> to vector<256x128xbf16>
    %convert_element_type3A_355 = arith.truncf %get3A_1 : vector<128x1xf32> to vector<128x1xbf16>
    %dot_general3A_356 = arith.constant dense<0.000000e+00> : vector<256x1xf32>
    %dot_general3A_357 = tpu.matmul %convert_element_type3A_354, %convert_element_type3A_355, %dot_general3A_356 {dimension_numbers = #tpu.dot_dimension_numbers<[1], [0], [0], [1], [0, 0, 1, 1], [], []>, transpose_lhs_hint = false} : vector<256x128xbf16>, vector<128x1xbf16>, vector<256x1xf32> -> vector<256x1xf32>
    %add3A_358 = vector.broadcast %get3A_11 : f32 to vector<256x1xf32>
    %add3A_359 = arith.addf %dot_general3A_357, %add3A_358 : vector<256x1xf32>
    %ge3A_360 = arith.constant 0.000000e+00 : f32
    %ge3A_361 = vector.broadcast %ge3A_360 : f32 to vector<256x1xf32>
    %ge3A_362 = arith.cmpf oge, %add3A_359, %ge3A_361 : vector<256x1xf32>
    %mul3A_363 = arith.constant 2.000000e-01 : f32
    %mul3A_364 = vector.broadcast %mul3A_363 : f32 to vector<256x1xf32>
    %mul3A_365 = arith.mulf %mul3A_364, %add3A_359 : vector<256x1xf32>
    %select_n3A_366 = arith.select %ge3A_362, %add3A_359, %mul3A_365 : vector<256x1xi1>, vector<256x1xf32>
    %mul3A_367 = vector.broadcast %select_n3A_366 : vector<256x1xf32> to vector<256x64xf32>
    %mul3A_368 = arith.mulf %mul3A_367, %get3A_17 : vector<256x64xf32>
    %convert_element_type3A_369 = arith.truncf %get3A_14 : vector<256x256xf32> to vector<256x256xbf16>
    %convert_element_type3A_370 = arith.truncf %mul3A_368 : vector<256x64xf32> to vector<256x64xbf16>
    %dot_general3A_371 = arith.constant dense<0.000000e+00> : vector<256x64xf32>
    %dot_general3A_372 = tpu.matmul %convert_element_type3A_369, %convert_element_type3A_370, %dot_general3A_371 {dimension_numbers = #tpu.dot_dimension_numbers<[1], [0], [0], [1], [0, 0, 1, 1], [], []>, transpose_lhs_hint = false} : vector<256x256xbf16>, vector<256x64xbf16>, vector<256x64xf32> -> vector<256x64xf32>
    %exp3A_373 = math.exp %dot_general3A_372 : vector<256x64xf32>
    %jit3A_374 = arith.constant 0.000000e+00 : f32
    %broadcast_in_dim3A_375 = vector.broadcast %jit3A_374 : f32 to vector<256x64xf32>
    %select_n3A_376 = arith.select %gt3A_346, %exp3A_373, %broadcast_in_dim3A_375 : vector<256x64xi1>, vector<256x64xf32>
    %reduce_sum3A_377 = arith.constant dense<0.000000e+00> : vector<256xf32>
    %reduce_sum3A_378 = vector.multi_reduction <add>, %select_n3A_376, %reduce_sum3A_377 [1] : vector<256x64xf32> to vector<256xf32>
    %broadcast_in_dim3A_379 = vector.shape_cast %reduce_sum3A_378 : vector<256xf32> to vector<256x1xf32>
    %le3A_380 = arith.constant 0.000000e+00 : f32
    %le3A_381 = vector.broadcast %le3A_380 : f32 to vector<256x1xf32>
    %le3A_382 = arith.cmpf ole, %broadcast_in_dim3A_379, %le3A_381 : vector<256x1xf32>
    %convert_element_type3A_383 = arith.extui %le3A_382 : vector<256x1xi1> to vector<256x1xi32>
    %convert_element_type3A_384 = arith.sitofp %convert_element_type3A_383 : vector<256x1xi32> to vector<256x1xf32>
    %add3A_385 = arith.addf %broadcast_in_dim3A_379, %convert_element_type3A_384 : vector<256x1xf32>
    %div3A_386 = vector.broadcast %add3A_385 : vector<256x1xf32> to vector<256x64xf32>
    %div3A_387 = arith.divf %select_n3A_376, %div3A_386 : vector<256x64xf32>
    %concatenate3A_388 = tpu.concatenate %div3A_387, %div3A_387, %div3A_387, %div3A_387 in 1 : vector<256x64xf32>, vector<256x64xf32>, vector<256x64xf32>, vector<256x64xf32> -> vector<256x256xf32>
    %mul3A_389 = arith.mulf %concatenate3A_388, %get3A_14 : vector<256x256xf32>
    %convert_element_type3A_390 = arith.truncf %mul3A_389 : vector<256x256xf32> to vector<256x256xbf16>
    %convert_element_type3A_391 = arith.truncf %concatenate3A_353 : vector<256x128xf32> to vector<256x128xbf16>
    %dot_general3A_392 = arith.constant dense<0.000000e+00> : vector<256x128xf32>
    %dot_general3A_393 = tpu.matmul %convert_element_type3A_390, %convert_element_type3A_391, %dot_general3A_392 {dimension_numbers = #tpu.dot_dimension_numbers<[1], [0], [0], [1], [0, 0, 1, 1], [], []>, transpose_lhs_hint = false} : vector<256x256xbf16>, vector<256x128xbf16>, vector<256x128xf32> -> vector<256x128xf32>
    %convert_element_type3A_394 = arith.truncf %concatenate3A_353 : vector<256x128xf32> to vector<256x128xbf16>
    %convert_element_type3A_395 = arith.truncf %get3A_4 : vector<128x1xf32> to vector<128x1xbf16>
    %dot_general3A_396 = arith.constant dense<0.000000e+00> : vector<256x1xf32>
    %dot_general3A_397 = tpu.matmul %convert_element_type3A_394, %convert_element_type3A_395, %dot_general3A_396 {dimension_numbers = #tpu.dot_dimension_numbers<[1], [0], [0], [1], [0, 0, 1, 1], [], []>, transpose_lhs_hint = false} : vector<256x128xbf16>, vector<128x1xbf16>, vector<256x1xf32> -> vector<256x1xf32>
    %convert_element_type3A_398 = arith.truncf %dot_general3A_393 : vector<256x128xf32> to vector<256x128xbf16>
    %convert_element_type3A_399 = arith.truncf %get3A_7 : vector<128x1xf32> to vector<128x1xbf16>
    %dot_general3A_400 = arith.constant dense<0.000000e+00> : vector<256x1xf32>
    %dot_general3A_401 = tpu.matmul %convert_element_type3A_398, %convert_element_type3A_399, %dot_general3A_400 {dimension_numbers = #tpu.dot_dimension_numbers<[1], [0], [0], [1], [0, 0, 1, 1], [], []>, transpose_lhs_hint = false} : vector<256x128xbf16>, vector<128x1xbf16>, vector<256x1xf32> -> vector<256x1xf32>
    %mul3A_402 = vector.broadcast %dot_general3A_397 : vector<256x1xf32> to vector<256x64xf32>
    %mul3A_403 = arith.mulf %mul3A_402, %get3A_17 : vector<256x64xf32>
    %convert_element_type3A_404 = arith.truncf %get3A_14 : vector<256x256xf32> to vector<256x256xbf16>
    %convert_element_type3A_405 = arith.truncf %mul3A_403 : vector<256x64xf32> to vector<256x64xbf16>
    %dot_general3A_406 = arith.constant dense<0.000000e+00> : vector<256x64xf32>
    %dot_general3A_407 = tpu.matmul %convert_element_type3A_404, %convert_element_type3A_405, %dot_general3A_406 {dimension_numbers = #tpu.dot_dimension_numbers<[1], [0], [0], [1], [0, 0, 1, 1], [], []>, transpose_lhs_hint = false} : vector<256x256xbf16>, vector<256x64xbf16>, vector<256x64xf32> -> vector<256x64xf32>
    %add3A_408 = vector.broadcast %dot_general3A_401 : vector<256x1xf32> to vector<256x64xf32>
    %add3A_409 = arith.addf %dot_general3A_407, %add3A_408 : vector<256x64xf32>
    %ge3A_410 = arith.constant 0.000000e+00 : f32
    %ge3A_411 = vector.broadcast %ge3A_410 : f32 to vector<256x64xf32>
    %ge3A_412 = arith.cmpf oge, %add3A_409, %ge3A_411 : vector<256x64xf32>
    %mul3A_413 = arith.constant 2.000000e-01 : f32
    %mul3A_414 = vector.broadcast %mul3A_413 : f32 to vector<256x64xf32>
    %mul3A_415 = arith.mulf %mul3A_414, %add3A_409 : vector<256x64xf32>
    %select_n3A_416 = arith.select %ge3A_412, %add3A_409, %mul3A_415 : vector<256x64xi1>, vector<256x64xf32>
    %exp3A_417 = math.exp %select_n3A_416 : vector<256x64xf32>
    %jit3A_418 = arith.constant 0.000000e+00 : f32
    %broadcast_in_dim3A_419 = vector.broadcast %jit3A_418 : f32 to vector<256x64xf32>
    %select_n3A_420 = arith.select %gt3A_346, %exp3A_417, %broadcast_in_dim3A_419 : vector<256x64xi1>, vector<256x64xf32>
    %convert_element_type3A_421 = arith.truncf %get3A_14 : vector<256x256xf32> to vector<256x256xbf16>
    %convert_element_type3A_422 = arith.truncf %select_n3A_420 : vector<256x64xf32> to vector<256x64xbf16>
    %dot_general3A_423 = arith.constant dense<0.000000e+00> : vector<256x64xf32>
    %dot_general3A_424 = tpu.matmul %convert_element_type3A_421, %convert_element_type3A_422, %dot_general3A_423 {dimension_numbers = #tpu.dot_dimension_numbers<[1], [0], [0], [1], [0, 0, 1, 1], [], []>, transpose_lhs_hint = false} : vector<256x256xbf16>, vector<256x64xbf16>, vector<256x64xf32> -> vector<256x64xf32>
    %gt3A_425 = arith.constant 0.000000e+00 : f32
    %gt3A_426 = vector.broadcast %gt3A_425 : f32 to vector<256x64xf32>
    %gt3A_427 = arith.cmpf ogt, %dot_general3A_424, %gt3A_426 : vector<256x64xf32>
    %div3A_428 = arith.divf %select_n3A_420, %dot_general3A_424 : vector<256x64xf32>
    %jit3A_429 = arith.constant 2.000000e-02 : f32
    %broadcast_in_dim3A_430 = vector.broadcast %jit3A_429 : f32 to vector<256x64xf32>
    %select_n3A_431 = arith.select %gt3A_427, %div3A_428, %broadcast_in_dim3A_430 : vector<256x64xi1>, vector<256x64xf32>
    %concatenate3A_432 = tpu.concatenate %select_n3A_431, %select_n3A_431, %select_n3A_431, %select_n3A_431 in 1 : vector<256x64xf32>, vector<256x64xf32>, vector<256x64xf32>, vector<256x64xf32> -> vector<256x256xf32>
    %mul3A_433 = arith.mulf %concatenate3A_432, %get3A_14 : vector<256x256xf32>
    %convert_element_type3A_434 = arith.truncf %mul3A_433 : vector<256x256xf32> to vector<256x256xbf16>
    %convert_element_type3A_435 = arith.truncf %dot_general3A_393 : vector<256x128xf32> to vector<256x128xbf16>
    %dot_general3A_436 = arith.constant dense<0.000000e+00> : vector<256x128xf32>
    %dot_general3A_437 = tpu.matmul %convert_element_type3A_434, %convert_element_type3A_435, %dot_general3A_436 {dimension_numbers = #tpu.dot_dimension_numbers<[0], [0], [1], [1], [0, 1, 1, 1], [], []>, transpose_lhs_hint = false} : vector<256x256xbf16>, vector<256x128xbf16>, vector<256x128xf32> -> vector<256x128xf32>
    %add3A_438 = arith.addf %dot_general3A_437, %concatenate3A_353 : vector<256x128xf32>
    %slice3A_439 = vector.extract_strided_slice %add3A_438 {offsets = [0, 0], sizes = [50, 128], strides = [1, 1]} : vector<256x128xf32> to vector<50x128xf32>
    %swap3A_440 = arith.constant 8 : index
    %swap3A_441 = arith.constant 0 : index
    %swap3A_442 = arith.constant 0 : index
    %swap3A_443 = vector.load %arg10[%swap3A_440, %swap3A_441, %swap3A_442] : memref<64x50x128xf32, #tpu.memory_space<vmem>>, vector<1x50x128xf32>
    %swap3A_444 = vector.shape_cast %swap3A_443 : vector<1x50x128xf32> to vector<50x128xf32>
    %swap3A_445 = vector.shape_cast %slice3A_439 : vector<50x128xf32> to vector<1x50x128xf32>
    tpu.vector_store %arg10[%swap3A_440, %swap3A_441, %swap3A_442], %swap3A_445 {strides = array<i32>} : memref<64x50x128xf32, #tpu.memory_space<vmem>>, vector<1x50x128xf32>,
    %slice3A_446 = vector.extract_strided_slice %add3A_438 {offsets = [64, 0], sizes = [50, 128], strides = [1, 1]} : vector<256x128xf32> to vector<50x128xf32>
    %swap3A_447 = arith.constant 9 : index
    %swap3A_448 = arith.constant 0 : index
    %swap3A_449 = arith.constant 0 : index
    %swap3A_450 = vector.load %arg10[%swap3A_447, %swap3A_448, %swap3A_449] : memref<64x50x128xf32, #tpu.memory_space<vmem>>, vector<1x50x128xf32>
    %swap3A_451 = vector.shape_cast %swap3A_450 : vector<1x50x128xf32> to vector<50x128xf32>
    %swap3A_452 = vector.shape_cast %slice3A_446 : vector<50x128xf32> to vector<1x50x128xf32>
    tpu.vector_store %arg10[%swap3A_447, %swap3A_448, %swap3A_449], %swap3A_452 {strides = array<i32>} : memref<64x50x128xf32, #tpu.memory_space<vmem>>, vector<1x50x128xf32>,
    %slice3A_453 = vector.extract_strided_slice %add3A_438 {offsets = [128, 0], sizes = [50, 128], strides = [1, 1]} : vector<256x128xf32> to vector<50x128xf32>
    %swap3A_454 = arith.constant 10 : index
    %swap3A_455 = arith.constant 0 : index
    %swap3A_456 = arith.constant 0 : index
    %swap3A_457 = vector.load %arg10[%swap3A_454, %swap3A_455, %swap3A_456] : memref<64x50x128xf32, #tpu.memory_space<vmem>>, vector<1x50x128xf32>
    %swap3A_458 = vector.shape_cast %swap3A_457 : vector<1x50x128xf32> to vector<50x128xf32>
    %swap3A_459 = vector.shape_cast %slice3A_453 : vector<50x128xf32> to vector<1x50x128xf32>
    tpu.vector_store %arg10[%swap3A_454, %swap3A_455, %swap3A_456], %swap3A_459 {strides = array<i32>} : memref<64x50x128xf32, #tpu.memory_space<vmem>>, vector<1x50x128xf32>,
    %slice3A_460 = vector.extract_strided_slice %add3A_438 {offsets = [192, 0], sizes = [50, 128], strides = [1, 1]} : vector<256x128xf32> to vector<50x128xf32>
    %swap3A_461 = arith.constant 11 : index
    %swap3A_462 = arith.constant 0 : index
    %swap3A_463 = arith.constant 0 : index
    %swap3A_464 = vector.load %arg10[%swap3A_461, %swap3A_462, %swap3A_463] : memref<64x50x128xf32, #tpu.memory_space<vmem>>, vector<1x50x128xf32>
    %swap3A_465 = vector.shape_cast %swap3A_464 : vector<1x50x128xf32> to vector<50x128xf32>
    %swap3A_466 = vector.shape_cast %slice3A_460 : vector<50x128xf32> to vector<1x50x128xf32>
    tpu.vector_store %arg10[%swap3A_461, %swap3A_462, %swap3A_463], %swap3A_466 {strides = array<i32>} : memref<64x50x128xf32, #tpu.memory_space<vmem>>, vector<1x50x128xf32>,
    %get3A_467 = arith.constant 600 : index
    %get3A_468 = arith.constant 0 : index
    %get3A_469 = vector.load %arg1[%get3A_467, %get3A_468] : memref<3200x128xf32, #tpu.memory_space<vmem>>, vector<200x128xf32>
    %get3A_470 = arith.constant 12 : index
    %get3A_471 = arith.constant 0 : index
    %get3A_472 = arith.constant 0 : index
    %get3A_473 = vector.load %arg3[%get3A_470, %get3A_471, %get3A_472] : memref<64x50x50xf32, #tpu.memory_space<vmem>>, vector<1x50x50xf32>
    %get3A_474 = vector.shape_cast %get3A_473 : vector<1x50x50xf32> to vector<50x50xf32>
    %get3A_475 = arith.constant 13 : index
    %get3A_476 = arith.constant 0 : index
    %get3A_477 = arith.constant 0 : index
    %get3A_478 = vector.load %arg3[%get3A_475, %get3A_476, %get3A_477] : memref<64x50x50xf32, #tpu.memory_space<vmem>>, vector<1x50x50xf32>
    %get3A_479 = vector.shape_cast %get3A_478 : vector<1x50x50xf32> to vector<50x50xf32>
    %get3A_480 = arith.constant 14 : index
    %get3A_481 = arith.constant 0 : index
    %get3A_482 = arith.constant 0 : index
    %get3A_483 = vector.load %arg3[%get3A_480, %get3A_481, %get3A_482] : memref<64x50x50xf32, #tpu.memory_space<vmem>>, vector<1x50x50xf32>
    %get3A_484 = vector.shape_cast %get3A_483 : vector<1x50x50xf32> to vector<50x50xf32>
    %get3A_485 = arith.constant 15 : index
    %get3A_486 = arith.constant 0 : index
    %get3A_487 = arith.constant 0 : index
    %get3A_488 = vector.load %arg3[%get3A_485, %get3A_486, %get3A_487] : memref<64x50x50xf32, #tpu.memory_space<vmem>>, vector<1x50x50xf32>
    %get3A_489 = vector.shape_cast %get3A_488 : vector<1x50x50xf32> to vector<50x50xf32>
    %broadcast_in_dim3A_490 = arith.constant 0.000000e+00 : f32
    %broadcast_in_dim3A_491 = vector.broadcast %broadcast_in_dim3A_490 : f32 to vector<50x14xf32>
    %broadcast_in_dim3A_492 = arith.constant 0.000000e+00 : f32
    %broadcast_in_dim3A_493 = vector.broadcast %broadcast_in_dim3A_492 : f32 to vector<14x64xf32>
    %concatenate3A_494 = tpu.concatenate %get3A_474, %broadcast_in_dim3A_491 in 1 : vector<50x50xf32>, vector<50x14xf32> -> vector<50x64xf32>
    %concatenate3A_495 = tpu.concatenate %get3A_479, %broadcast_in_dim3A_491 in 1 : vector<50x50xf32>, vector<50x14xf32> -> vector<50x64xf32>
    %concatenate3A_496 = tpu.concatenate %get3A_484, %broadcast_in_dim3A_491 in 1 : vector<50x50xf32>, vector<50x14xf32> -> vector<50x64xf32>
    %concatenate3A_497 = tpu.concatenate %get3A_489, %broadcast_in_dim3A_491 in 1 : vector<50x50xf32>, vector<50x14xf32> -> vector<50x64xf32>
    %concatenate3A_498 = tpu.concatenate %concatenate3A_494, %broadcast_in_dim3A_493, %concatenate3A_495, %broadcast_in_dim3A_493, %concatenate3A_496, %broadcast_in_dim3A_493, %concatenate3A_497, %broadcast_in_dim3A_493 in 0 : vector<50x64xf32>, vector<14x64xf32>, vector<50x64xf32>, vector<14x64xf32>, vector<50x64xf32>, vector<14x64xf32>, vector<50x64xf32>, vector<14x64xf32> -> vector<256x64xf32>
    %gt3A_499 = arith.constant 0.000000e+00 : f32
    %gt3A_500 = vector.broadcast %gt3A_499 : f32 to vector<256x64xf32>
    %gt3A_501 = arith.cmpf ogt, %concatenate3A_498, %gt3A_500 : vector<256x64xf32>
    %broadcast_in_dim3A_502 = arith.constant 0.000000e+00 : f32
    %broadcast_in_dim3A_503 = vector.broadcast %broadcast_in_dim3A_502 : f32 to vector<14x128xf32>
    %slice3A_504 = vector.extract_strided_slice %get3A_469 {offsets = [0, 0], sizes = [50, 128], strides = [1, 1]} : vector<200x128xf32> to vector<50x128xf32>
    %slice3A_505 = vector.extract_strided_slice %get3A_469 {offsets = [50, 0], sizes = [50, 128], strides = [1, 1]} : vector<200x128xf32> to vector<50x128xf32>
    %slice3A_506 = vector.extract_strided_slice %get3A_469 {offsets = [100, 0], sizes = [50, 128], strides = [1, 1]} : vector<200x128xf32> to vector<50x128xf32>
    %slice3A_507 = vector.extract_strided_slice %get3A_469 {offsets = [150, 0], sizes = [50, 128], strides = [1, 1]} : vector<200x128xf32> to vector<50x128xf32>
    %concatenate3A_508 = tpu.concatenate %slice3A_504, %broadcast_in_dim3A_503, %slice3A_505, %broadcast_in_dim3A_503, %slice3A_506, %broadcast_in_dim3A_503, %slice3A_507, %broadcast_in_dim3A_503 in 0 : vector<50x128xf32>, vector<14x128xf32>, vector<50x128xf32>, vector<14x128xf32>, vector<50x128xf32>, vector<14x128xf32>, vector<50x128xf32>, vector<14x128xf32> -> vector<256x128xf32>
    %convert_element_type3A_509 = arith.truncf %concatenate3A_508 : vector<256x128xf32> to vector<256x128xbf16>
    %convert_element_type3A_510 = arith.truncf %get3A_1 : vector<128x1xf32> to vector<128x1xbf16>
    %dot_general3A_511 = arith.constant dense<0.000000e+00> : vector<256x1xf32>
    %dot_general3A_512 = tpu.matmul %convert_element_type3A_509, %convert_element_type3A_510, %dot_general3A_511 {dimension_numbers = #tpu.dot_dimension_numbers<[1], [0], [0], [1], [0, 0, 1, 1], [], []>, transpose_lhs_hint = false} : vector<256x128xbf16>, vector<128x1xbf16>, vector<256x1xf32> -> vector<256x1xf32>
    %add3A_513 = vector.broadcast %get3A_11 : f32 to vector<256x1xf32>
    %add3A_514 = arith.addf %dot_general3A_512, %add3A_513 : vector<256x1xf32>
    %ge3A_515 = arith.constant 0.000000e+00 : f32
    %ge3A_516 = vector.broadcast %ge3A_515 : f32 to vector<256x1xf32>
    %ge3A_517 = arith.cmpf oge, %add3A_514, %ge3A_516 : vector<256x1xf32>
    %mul3A_518 = arith.constant 2.000000e-01 : f32
    %mul3A_519 = vector.broadcast %mul3A_518 : f32 to vector<256x1xf32>
    %mul3A_520 = arith.mulf %mul3A_519, %add3A_514 : vector<256x1xf32>
    %select_n3A_521 = arith.select %ge3A_517, %add3A_514, %mul3A_520 : vector<256x1xi1>, vector<256x1xf32>
    %mul3A_522 = vector.broadcast %select_n3A_521 : vector<256x1xf32> to vector<256x64xf32>
    %mul3A_523 = arith.mulf %mul3A_522, %get3A_17 : vector<256x64xf32>
    %convert_element_type3A_524 = arith.truncf %get3A_14 : vector<256x256xf32> to vector<256x256xbf16>
    %convert_element_type3A_525 = arith.truncf %mul3A_523 : vector<256x64xf32> to vector<256x64xbf16>
    %dot_general3A_526 = arith.constant dense<0.000000e+00> : vector<256x64xf32>
    %dot_general3A_527 = tpu.matmul %convert_element_type3A_524, %convert_element_type3A_525, %dot_general3A_526 {dimension_numbers = #tpu.dot_dimension_numbers<[1], [0], [0], [1], [0, 0, 1, 1], [], []>, transpose_lhs_hint = false} : vector<256x256xbf16>, vector<256x64xbf16>, vector<256x64xf32> -> vector<256x64xf32>
    %exp3A_528 = math.exp %dot_general3A_527 : vector<256x64xf32>
    %jit3A_529 = arith.constant 0.000000e+00 : f32
    %broadcast_in_dim3A_530 = vector.broadcast %jit3A_529 : f32 to vector<256x64xf32>
    %select_n3A_531 = arith.select %gt3A_501, %exp3A_528, %broadcast_in_dim3A_530 : vector<256x64xi1>, vector<256x64xf32>
    %reduce_sum3A_532 = arith.constant dense<0.000000e+00> : vector<256xf32>
    %reduce_sum3A_533 = vector.multi_reduction <add>, %select_n3A_531, %reduce_sum3A_532 [1] : vector<256x64xf32> to vector<256xf32>
    %broadcast_in_dim3A_534 = vector.shape_cast %reduce_sum3A_533 : vector<256xf32> to vector<256x1xf32>
    %le3A_535 = arith.constant 0.000000e+00 : f32
    %le3A_536 = vector.broadcast %le3A_535 : f32 to vector<256x1xf32>
    %le3A_537 = arith.cmpf ole, %broadcast_in_dim3A_534, %le3A_536 : vector<256x1xf32>
    %convert_element_type3A_538 = arith.extui %le3A_537 : vector<256x1xi1> to vector<256x1xi32>
    %convert_element_type3A_539 = arith.sitofp %convert_element_type3A_538 : vector<256x1xi32> to vector<256x1xf32>
    %add3A_540 = arith.addf %broadcast_in_dim3A_534, %convert_element_type3A_539 : vector<256x1xf32>
    %div3A_541 = vector.broadcast %add3A_540 : vector<256x1xf32> to vector<256x64xf32>
    %div3A_542 = arith.divf %select_n3A_531, %div3A_541 : vector<256x64xf32>
    %concatenate3A_543 = tpu.concatenate %div3A_542, %div3A_542, %div3A_542, %div3A_542 in 1 : vector<256x64xf32>, vector<256x64xf32>, vector<256x64xf32>, vector<256x64xf32> -> vector<256x256xf32>
    %mul3A_544 = arith.mulf %concatenate3A_543, %get3A_14 : vector<256x256xf32>
    %convert_element_type3A_545 = arith.truncf %mul3A_544 : vector<256x256xf32> to vector<256x256xbf16>
    %convert_element_type3A_546 = arith.truncf %concatenate3A_508 : vector<256x128xf32> to vector<256x128xbf16>
    %dot_general3A_547 = arith.constant dense<0.000000e+00> : vector<256x128xf32>
    %dot_general3A_548 = tpu.matmul %convert_element_type3A_545, %convert_element_type3A_546, %dot_general3A_547 {dimension_numbers = #tpu.dot_dimension_numbers<[1], [0], [0], [1], [0, 0, 1, 1], [], []>, transpose_lhs_hint = false} : vector<256x256xbf16>, vector<256x128xbf16>, vector<256x128xf32> -> vector<256x128xf32>
    %convert_element_type3A_549 = arith.truncf %concatenate3A_508 : vector<256x128xf32> to vector<256x128xbf16>
    %convert_element_type3A_550 = arith.truncf %get3A_4 : vector<128x1xf32> to vector<128x1xbf16>
    %dot_general3A_551 = arith.constant dense<0.000000e+00> : vector<256x1xf32>
    %dot_general3A_552 = tpu.matmul %convert_element_type3A_549, %convert_element_type3A_550, %dot_general3A_551 {dimension_numbers = #tpu.dot_dimension_numbers<[1], [0], [0], [1], [0, 0, 1, 1], [], []>, transpose_lhs_hint = false} : vector<256x128xbf16>, vector<128x1xbf16>, vector<256x1xf32> -> vector<256x1xf32>
    %convert_element_type3A_553 = arith.truncf %dot_general3A_548 : vector<256x128xf32> to vector<256x128xbf16>
    %convert_element_type3A_554 = arith.truncf %get3A_7 : vector<128x1xf32> to vector<128x1xbf16>
    %dot_general3A_555 = arith.constant dense<0.000000e+00> : vector<256x1xf32>
    %dot_general3A_556 = tpu.matmul %convert_element_type3A_553, %convert_element_type3A_554, %dot_general3A_555 {dimension_numbers = #tpu.dot_dimension_numbers<[1], [0], [0], [1], [0, 0, 1, 1], [], []>, transpose_lhs_hint = false} : vector<256x128xbf16>, vector<128x1xbf16>, vector<256x1xf32> -> vector<256x1xf32>
    %mul3A_557 = vector.broadcast %dot_general3A_552 : vector<256x1xf32> to vector<256x64xf32>
    %mul3A_558 = arith.mulf %mul3A_557, %get3A_17 : vector<256x64xf32>
    %convert_element_type3A_559 = arith.truncf %get3A_14 : vector<256x256xf32> to vector<256x256xbf16>
    %convert_element_type3A_560 = arith.truncf %mul3A_558 : vector<256x64xf32> to vector<256x64xbf16>
    %dot_general3A_561 = arith.constant dense<0.000000e+00> : vector<256x64xf32>
    %dot_general3A_562 = tpu.matmul %convert_element_type3A_559, %convert_element_type3A_560, %dot_general3A_561 {dimension_numbers = #tpu.dot_dimension_numbers<[1], [0], [0], [1], [0, 0, 1, 1], [], []>, transpose_lhs_hint = false} : vector<256x256xbf16>, vector<256x64xbf16>, vector<256x64xf32> -> vector<256x64xf32>
    %add3A_563 = vector.broadcast %dot_general3A_556 : vector<256x1xf32> to vector<256x64xf32>
    %add3A_564 = arith.addf %dot_general3A_562, %add3A_563 : vector<256x64xf32>
    %ge3A_565 = arith.constant 0.000000e+00 : f32
    %ge3A_566 = vector.broadcast %ge3A_565 : f32 to vector<256x64xf32>
    %ge3A_567 = arith.cmpf oge, %add3A_564, %ge3A_566 : vector<256x64xf32>
    %mul3A_568 = arith.constant 2.000000e-01 : f32
    %mul3A_569 = vector.broadcast %mul3A_568 : f32 to vector<256x64xf32>
    %mul3A_570 = arith.mulf %mul3A_569, %add3A_564 : vector<256x64xf32>
    %select_n3A_571 = arith.select %ge3A_567, %add3A_564, %mul3A_570 : vector<256x64xi1>, vector<256x64xf32>
    %exp3A_572 = math.exp %select_n3A_571 : vector<256x64xf32>
    %jit3A_573 = arith.constant 0.000000e+00 : f32
    %broadcast_in_dim3A_574 = vector.broadcast %jit3A_573 : f32 to vector<256x64xf32>
    %select_n3A_575 = arith.select %gt3A_501, %exp3A_572, %broadcast_in_dim3A_574 : vector<256x64xi1>, vector<256x64xf32>
    %convert_element_type3A_576 = arith.truncf %get3A_14 : vector<256x256xf32> to vector<256x256xbf16>
    %convert_element_type3A_577 = arith.truncf %select_n3A_575 : vector<256x64xf32> to vector<256x64xbf16>
    %dot_general3A_578 = arith.constant dense<0.000000e+00> : vector<256x64xf32>
    %dot_general3A_579 = tpu.matmul %convert_element_type3A_576, %convert_element_type3A_577, %dot_general3A_578 {dimension_numbers = #tpu.dot_dimension_numbers<[1], [0], [0], [1], [0, 0, 1, 1], [], []>, transpose_lhs_hint = false} : vector<256x256xbf16>, vector<256x64xbf16>, vector<256x64xf32> -> vector<256x64xf32>
    %gt3A_580 = arith.constant 0.000000e+00 : f32
    %gt3A_581 = vector.broadcast %gt3A_580 : f32 to vector<256x64xf32>
    %gt3A_582 = arith.cmpf ogt, %dot_general3A_579, %gt3A_581 : vector<256x64xf32>
    %div3A_583 = arith.divf %select_n3A_575, %dot_general3A_579 : vector<256x64xf32>
    %jit3A_584 = arith.constant 2.000000e-02 : f32
    %broadcast_in_dim3A_585 = vector.broadcast %jit3A_584 : f32 to vector<256x64xf32>
    %select_n3A_586 = arith.select %gt3A_582, %div3A_583, %broadcast_in_dim3A_585 : vector<256x64xi1>, vector<256x64xf32>
    %concatenate3A_587 = tpu.concatenate %select_n3A_586, %select_n3A_586, %select_n3A_586, %select_n3A_586 in 1 : vector<256x64xf32>, vector<256x64xf32>, vector<256x64xf32>, vector<256x64xf32> -> vector<256x256xf32>
    %mul3A_588 = arith.mulf %concatenate3A_587, %get3A_14 : vector<256x256xf32>
    %convert_element_type3A_589 = arith.truncf %mul3A_588 : vector<256x256xf32> to vector<256x256xbf16>
    %convert_element_type3A_590 = arith.truncf %dot_general3A_548 : vector<256x128xf32> to vector<256x128xbf16>
    %dot_general3A_591 = arith.constant dense<0.000000e+00> : vector<256x128xf32>
    %dot_general3A_592 = tpu.matmul %convert_element_type3A_589, %convert_element_type3A_590, %dot_general3A_591 {dimension_numbers = #tpu.dot_dimension_numbers<[0], [0], [1], [1], [0, 1, 1, 1], [], []>, transpose_lhs_hint = false} : vector<256x256xbf16>, vector<256x128xbf16>, vector<256x128xf32> -> vector<256x128xf32>
    %add3A_593 = arith.addf %dot_general3A_592, %concatenate3A_508 : vector<256x128xf32>
    %slice3A_594 = vector.extract_strided_slice %add3A_593 {offsets = [0, 0], sizes = [50, 128], strides = [1, 1]} : vector<256x128xf32> to vector<50x128xf32>
    %swap3A_595 = arith.constant 12 : index
    %swap3A_596 = arith.constant 0 : index
    %swap3A_597 = arith.constant 0 : index
    %swap3A_598 = vector.load %arg10[%swap3A_595, %swap3A_596, %swap3A_597] : memref<64x50x128xf32, #tpu.memory_space<vmem>>, vector<1x50x128xf32>
    %swap3A_599 = vector.shape_cast %swap3A_598 : vector<1x50x128xf32> to vector<50x128xf32>
    %swap3A_600 = vector.shape_cast %slice3A_594 : vector<50x128xf32> to vector<1x50x128xf32>
    tpu.vector_store %arg10[%swap3A_595, %swap3A_596, %swap3A_597], %swap3A_600 {strides = array<i32>} : memref<64x50x128xf32, #tpu.memory_space<vmem>>, vector<1x50x128xf32>,
    %slice3A_601 = vector.extract_strided_slice %add3A_593 {offsets = [64, 0], sizes = [50, 128], strides = [1, 1]} : vector<256x128xf32> to vector<50x128xf32>
    %swap3A_602 = arith.constant 13 : index
    %swap3A_603 = arith.constant 0 : index
    %swap3A_604 = arith.constant 0 : index
    %swap3A_605 = vector.load %arg10[%swap3A_602, %swap3A_603, %swap3A_604] : memref<64x50x128xf32, #tpu.memory_space<vmem>>, vector<1x50x128xf32>
    %swap3A_606 = vector.shape_cast %swap3A_605 : vector<1x50x128xf32> to vector<50x128xf32>
    %swap3A_607 = vector.shape_cast %slice3A_601 : vector<50x128xf32> to vector<1x50x128xf32>
    tpu.vector_store %arg10[%swap3A_602, %swap3A_603, %swap3A_604], %swap3A_607 {strides = array<i32>} : memref<64x50x128xf32, #tpu.memory_space<vmem>>, vector<1x50x128xf32>,
    %slice3A_608 = vector.extract_strided_slice %add3A_593 {offsets = [128, 0], sizes = [50, 128], strides = [1, 1]} : vector<256x128xf32> to vector<50x128xf32>
    %swap3A_609 = arith.constant 14 : index
    %swap3A_610 = arith.constant 0 : index
    %swap3A_611 = arith.constant 0 : index
    %swap3A_612 = vector.load %arg10[%swap3A_609, %swap3A_610, %swap3A_611] : memref<64x50x128xf32, #tpu.memory_space<vmem>>, vector<1x50x128xf32>
    %swap3A_613 = vector.shape_cast %swap3A_612 : vector<1x50x128xf32> to vector<50x128xf32>
    %swap3A_614 = vector.shape_cast %slice3A_608 : vector<50x128xf32> to vector<1x50x128xf32>
    tpu.vector_store %arg10[%swap3A_609, %swap3A_610, %swap3A_611], %swap3A_614 {strides = array<i32>} : memref<64x50x128xf32, #tpu.memory_space<vmem>>, vector<1x50x128xf32>,
    %slice3A_615 = vector.extract_strided_slice %add3A_593 {offsets = [192, 0], sizes = [50, 128], strides = [1, 1]} : vector<256x128xf32> to vector<50x128xf32>
    %swap3A_616 = arith.constant 15 : index
    %swap3A_617 = arith.constant 0 : index
    %swap3A_618 = arith.constant 0 : index
    %swap3A_619 = vector.load %arg10[%swap3A_616, %swap3A_617, %swap3A_618] : memref<64x50x128xf32, #tpu.memory_space<vmem>>, vector<1x50x128xf32>
    %swap3A_620 = vector.shape_cast %swap3A_619 : vector<1x50x128xf32> to vector<50x128xf32>
    %swap3A_621 = vector.shape_cast %slice3A_615 : vector<50x128xf32> to vector<1x50x128xf32>
    tpu.vector_store %arg10[%swap3A_616, %swap3A_617, %swap3A_618], %swap3A_621 {strides = array<i32>} : memref<64x50x128xf32, #tpu.memory_space<vmem>>, vector<1x50x128xf32>,
    %get3A_622 = arith.constant 800 : index
    %get3A_623 = arith.constant 0 : index
    %get3A_624 = vector.load %arg1[%get3A_622, %get3A_623] : memref<3200x128xf32, #tpu.memory_space<vmem>>, vector<200x128xf32>
    %get3A_625 = arith.constant 16 : index
    %get3A_626 = arith.constant 0 : index
    %get3A_627 = arith.constant 0 : index
    %get3A_628 = vector.load %arg3[%get3A_625, %get3A_626, %get3A_627] : memref<64x50x50xf32, #tpu.memory_space<vmem>>, vector<1x50x50xf32>
    %get3A_629 = vector.shape_cast %get3A_628 : vector<1x50x50xf32> to vector<50x50xf32>
    %get3A_630 = arith.constant 17 : index
    %get3A_631 = arith.constant 0 : index
    %get3A_632 = arith.constant 0 : index
    %get3A_633 = vector.load %arg3[%get3A_630, %get3A_631, %get3A_632] : memref<64x50x50xf32, #tpu.memory_space<vmem>>, vector<1x50x50xf32>
    %get3A_634 = vector.shape_cast %get3A_633 : vector<1x50x50xf32> to vector<50x50xf32>
    %get3A_635 = arith.constant 18 : index
    %get3A_636 = arith.constant 0 : index
    %get3A_637 = arith.constant 0 : index
    %get3A_638 = vector.load %arg3[%get3A_635, %get3A_636, %get3A_637] : memref<64x50x50xf32, #tpu.memory_space<vmem>>, vector<1x50x50xf32>
    %get3A_639 = vector.shape_cast %get3A_638 : vector<1x50x50xf32> to vector<50x50xf32>
    %get3A_640 = arith.constant 19 : index
    %get3A_641 = arith.constant 0 : index
    %get3A_642 = arith.constant 0 : index
    %get3A_643 = vector.load %arg3[%get3A_640, %get3A_641, %get3A_642] : memref<64x50x50xf32, #tpu.memory_space<vmem>>, vector<1x50x50xf32>
    %get3A_644 = vector.shape_cast %get3A_643 : vector<1x50x50xf32> to vector<50x50xf32>
    %broadcast_in_dim3A_645 = arith.constant 0.000000e+00 : f32
    %broadcast_in_dim3A_646 = vector.broadcast %broadcast_in_dim3A_645 : f32 to vector<50x14xf32>
    %broadcast_in_dim3A_647 = arith.constant 0.000000e+00 : f32
    %broadcast_in_dim3A_648 = vector.broadcast %broadcast_in_dim3A_647 : f32 to vector<14x64xf32>
    %concatenate3A_649 = tpu.concatenate %get3A_629, %broadcast_in_dim3A_646 in 1 : vector<50x50xf32>, vector<50x14xf32> -> vector<50x64xf32>
    %concatenate3A_650 = tpu.concatenate %get3A_634, %broadcast_in_dim3A_646 in 1 : vector<50x50xf32>, vector<50x14xf32> -> vector<50x64xf32>
    %concatenate3A_651 = tpu.concatenate %get3A_639, %broadcast_in_dim3A_646 in 1 : vector<50x50xf32>, vector<50x14xf32> -> vector<50x64xf32>
    %concatenate3A_652 = tpu.concatenate %get3A_644, %broadcast_in_dim3A_646 in 1 : vector<50x50xf32>, vector<50x14xf32> -> vector<50x64xf32>
    %concatenate3A_653 = tpu.concatenate %concatenate3A_649, %broadcast_in_dim3A_648, %concatenate3A_650, %broadcast_in_dim3A_648, %concatenate3A_651, %broadcast_in_dim3A_648, %concatenate3A_652, %broadcast_in_dim3A_648 in 0 : vector<50x64xf32>, vector<14x64xf32>, vector<50x64xf32>, vector<14x64xf32>, vector<50x64xf32>, vector<14x64xf32>, vector<50x64xf32>, vector<14x64xf32> -> vector<256x64xf32>
    %gt3A_654 = arith.constant 0.000000e+00 : f32
    %gt3A_655 = vector.broadcast %gt3A_654 : f32 to vector<256x64xf32>
    %gt3A_656 = arith.cmpf ogt, %concatenate3A_653, %gt3A_655 : vector<256x64xf32>
    %broadcast_in_dim3A_657 = arith.constant 0.000000e+00 : f32
    %broadcast_in_dim3A_658 = vector.broadcast %broadcast_in_dim3A_657 : f32 to vector<14x128xf32>
    %slice3A_659 = vector.extract_strided_slice %get3A_624 {offsets = [0, 0], sizes = [50, 128], strides = [1, 1]} : vector<200x128xf32> to vector<50x128xf32>
    %slice3A_660 = vector.extract_strided_slice %get3A_624 {offsets = [50, 0], sizes = [50, 128], strides = [1, 1]} : vector<200x128xf32> to vector<50x128xf32>
    %slice3A_661 = vector.extract_strided_slice %get3A_624 {offsets = [100, 0], sizes = [50, 128], strides = [1, 1]} : vector<200x128xf32> to vector<50x128xf32>
    %slice3A_662 = vector.extract_strided_slice %get3A_624 {offsets = [150, 0], sizes = [50, 128], strides = [1, 1]} : vector<200x128xf32> to vector<50x128xf32>
    %concatenate3A_663 = tpu.concatenate %slice3A_659, %broadcast_in_dim3A_658, %slice3A_660, %broadcast_in_dim3A_658, %slice3A_661, %broadcast_in_dim3A_658, %slice3A_662, %broadcast_in_dim3A_658 in 0 : vector<50x128xf32>, vector<14x128xf32>, vector<50x128xf32>, vector<14x128xf32>, vector<50x128xf32>, vector<14x128xf32>, vector<50x128xf32>, vector<14x128xf32> -> vector<256x128xf32>
    %convert_element_type3A_664 = arith.truncf %concatenate3A_663 : vector<256x128xf32> to vector<256x128xbf16>
    %convert_element_type3A_665 = arith.truncf %get3A_1 : vector<128x1xf32> to vector<128x1xbf16>
    %dot_general3A_666 = arith.constant dense<0.000000e+00> : vector<256x1xf32>
    %dot_general3A_667 = tpu.matmul %convert_element_type3A_664, %convert_element_type3A_665, %dot_general3A_666 {dimension_numbers = #tpu.dot_dimension_numbers<[1], [0], [0], [1], [0, 0, 1, 1], [], []>, transpose_lhs_hint = false} : vector<256x128xbf16>, vector<128x1xbf16>, vector<256x1xf32> -> vector<256x1xf32>
    %add3A_668 = vector.broadcast %get3A_11 : f32 to vector<256x1xf32>
    %add3A_669 = arith.addf %dot_general3A_667, %add3A_668 : vector<256x1xf32>
    %ge3A_670 = arith.constant 0.000000e+00 : f32
    %ge3A_671 = vector.broadcast %ge3A_670 : f32 to vector<256x1xf32>
    %ge3A_672 = arith.cmpf oge, %add3A_669, %ge3A_671 : vector<256x1xf32>
    %mul3A_673 = arith.constant 2.000000e-01 : f32
    %mul3A_674 = vector.broadcast %mul3A_673 : f32 to vector<256x1xf32>
    %mul3A_675 = arith.mulf %mul3A_674, %add3A_669 : vector<256x1xf32>
    %select_n3A_676 = arith.select %ge3A_672, %add3A_669, %mul3A_675 : vector<256x1xi1>, vector<256x1xf32>
    %mul3A_677 = vector.broadcast %select_n3A_676 : vector<256x1xf32> to vector<256x64xf32>
    %mul3A_678 = arith.mulf %mul3A_677, %get3A_17 : vector<256x64xf32>
    %convert_element_type3A_679 = arith.truncf %get3A_14 : vector<256x256xf32> to vector<256x256xbf16>
    %convert_element_type3A_680 = arith.truncf %mul3A_678 : vector<256x64xf32> to vector<256x64xbf16>
    %dot_general3A_681 = arith.constant dense<0.000000e+00> : vector<256x64xf32>
    %dot_general3A_682 = tpu.matmul %convert_element_type3A_679, %convert_element_type3A_680, %dot_general3A_681 {dimension_numbers = #tpu.dot_dimension_numbers<[1], [0], [0], [1], [0, 0, 1, 1], [], []>, transpose_lhs_hint = false} : vector<256x256xbf16>, vector<256x64xbf16>, vector<256x64xf32> -> vector<256x64xf32>
    %exp3A_683 = math.exp %dot_general3A_682 : vector<256x64xf32>
    %jit3A_684 = arith.constant 0.000000e+00 : f32
    %broadcast_in_dim3A_685 = vector.broadcast %jit3A_684 : f32 to vector<256x64xf32>
    %select_n3A_686 = arith.select %gt3A_656, %exp3A_683, %broadcast_in_dim3A_685 : vector<256x64xi1>, vector<256x64xf32>
    %reduce_sum3A_687 = arith.constant dense<0.000000e+00> : vector<256xf32>
    %reduce_sum3A_688 = vector.multi_reduction <add>, %select_n3A_686, %reduce_sum3A_687 [1] : vector<256x64xf32> to vector<256xf32>
    %broadcast_in_dim3A_689 = vector.shape_cast %reduce_sum3A_688 : vector<256xf32> to vector<256x1xf32>
    %le3A_690 = arith.constant 0.000000e+00 : f32
    %le3A_691 = vector.broadcast %le3A_690 : f32 to vector<256x1xf32>
    %le3A_692 = arith.cmpf ole, %broadcast_in_dim3A_689, %le3A_691 : vector<256x1xf32>
    %convert_element_type3A_693 = arith.extui %le3A_692 : vector<256x1xi1> to vector<256x1xi32>
    %convert_element_type3A_694 = arith.sitofp %convert_element_type3A_693 : vector<256x1xi32> to vector<256x1xf32>
    %add3A_695 = arith.addf %broadcast_in_dim3A_689, %convert_element_type3A_694 : vector<256x1xf32>
    %div3A_696 = vector.broadcast %add3A_695 : vector<256x1xf32> to vector<256x64xf32>
    %div3A_697 = arith.divf %select_n3A_686, %div3A_696 : vector<256x64xf32>
    %concatenate3A_698 = tpu.concatenate %div3A_697, %div3A_697, %div3A_697, %div3A_697 in 1 : vector<256x64xf32>, vector<256x64xf32>, vector<256x64xf32>, vector<256x64xf32> -> vector<256x256xf32>
    %mul3A_699 = arith.mulf %concatenate3A_698, %get3A_14 : vector<256x256xf32>
    %convert_element_type3A_700 = arith.truncf %mul3A_699 : vector<256x256xf32> to vector<256x256xbf16>
    %convert_element_type3A_701 = arith.truncf %concatenate3A_663 : vector<256x128xf32> to vector<256x128xbf16>
    %dot_general3A_702 = arith.constant dense<0.000000e+00> : vector<256x128xf32>
    %dot_general3A_703 = tpu.matmul %convert_element_type3A_700, %convert_element_type3A_701, %dot_general3A_702 {dimension_numbers = #tpu.dot_dimension_numbers<[1], [0], [0], [1], [0, 0, 1, 1], [], []>, transpose_lhs_hint = false} : vector<256x256xbf16>, vector<256x128xbf16>, vector<256x128xf32> -> vector<256x128xf32>
    %convert_element_type3A_704 = arith.truncf %concatenate3A_663 : vector<256x128xf32> to vector<256x128xbf16>
    %convert_element_type3A_705 = arith.truncf %get3A_4 : vector<128x1xf32> to vector<128x1xbf16>
    %dot_general3A_706 = arith.constant dense<0.000000e+00> : vector<256x1xf32>
    %dot_general3A_707 = tpu.matmul %convert_element_type3A_704, %convert_element_type3A_705, %dot_general3A_706 {dimension_numbers = #tpu.dot_dimension_numbers<[1], [0], [0], [1], [0, 0, 1, 1], [], []>, transpose_lhs_hint = false} : vector<256x128xbf16>, vector<128x1xbf16>, vector<256x1xf32> -> vector<256x1xf32>
    %convert_element_type3A_708 = arith.truncf %dot_general3A_703 : vector<256x128xf32> to vector<256x128xbf16>
    %convert_element_type3A_709 = arith.truncf %get3A_7 : vector<128x1xf32> to vector<128x1xbf16>
    %dot_general3A_710 = arith.constant dense<0.000000e+00> : vector<256x1xf32>
    %dot_general3A_711 = tpu.matmul %convert_element_type3A_708, %convert_element_type3A_709, %dot_general3A_710 {dimension_numbers = #tpu.dot_dimension_numbers<[1], [0], [0], [1], [0, 0, 1, 1], [], []>, transpose_lhs_hint = false} : vector<256x128xbf16>, vector<128x1xbf16>, vector<256x1xf32> -> vector<256x1xf32>
    %mul3A_712 = vector.broadcast %dot_general3A_707 : vector<256x1xf32> to vector<256x64xf32>
    %mul3A_713 = arith.mulf %mul3A_712, %get3A_17 : vector<256x64xf32>
    %convert_element_type3A_714 = arith.truncf %get3A_14 : vector<256x256xf32> to vector<256x256xbf16>
    %convert_element_type3A_715 = arith.truncf %mul3A_713 : vector<256x64xf32> to vector<256x64xbf16>
    %dot_general3A_716 = arith.constant dense<0.000000e+00> : vector<256x64xf32>
    %dot_general3A_717 = tpu.matmul %convert_element_type3A_714, %convert_element_type3A_715, %dot_general3A_716 {dimension_numbers = #tpu.dot_dimension_numbers<[1], [0], [0], [1], [0, 0, 1, 1], [], []>, transpose_lhs_hint = false} : vector<256x256xbf16>, vector<256x64xbf16>, vector<256x64xf32> -> vector<256x64xf32>
    %add3A_718 = vector.broadcast %dot_general3A_711 : vector<256x1xf32> to vector<256x64xf32>
    %add3A_719 = arith.addf %dot_general3A_717, %add3A_718 : vector<256x64xf32>
    %ge3A_720 = arith.constant 0.000000e+00 : f32
    %ge3A_721 = vector.broadcast %ge3A_720 : f32 to vector<256x64xf32>
    %ge3A_722 = arith.cmpf oge, %add3A_719, %ge3A_721 : vector<256x64xf32>
    %mul3A_723 = arith.constant 2.000000e-01 : f32
    %mul3A_724 = vector.broadcast %mul3A_723 : f32 to vector<256x64xf32>
    %mul3A_725 = arith.mulf %mul3A_724, %add3A_719 : vector<256x64xf32>
    %select_n3A_726 = arith.select %ge3A_722, %add3A_719, %mul3A_725 : vector<256x64xi1>, vector<256x64xf32>
    %exp3A_727 = math.exp %select_n3A_726 : vector<256x64xf32>
    %jit3A_728 = arith.constant 0.000000e+00 : f32
    %broadcast_in_dim3A_729 = vector.broadcast %jit3A_728 : f32 to vector<256x64xf32>
    %select_n3A_730 = arith.select %gt3A_656, %exp3A_727, %broadcast_in_dim3A_729 : vector<256x64xi1>, vector<256x64xf32>
    %convert_element_type3A_731 = arith.truncf %get3A_14 : vector<256x256xf32> to vector<256x256xbf16>
    %convert_element_type3A_732 = arith.truncf %select_n3A_730 : vector<256x64xf32> to vector<256x64xbf16>
    %dot_general3A_733 = arith.constant dense<0.000000e+00> : vector<256x64xf32>
    %dot_general3A_734 = tpu.matmul %convert_element_type3A_731, %convert_element_type3A_732, %dot_general3A_733 {dimension_numbers = #tpu.dot_dimension_numbers<[1], [0], [0], [1], [0, 0, 1, 1], [], []>, transpose_lhs_hint = false} : vector<256x256xbf16>, vector<256x64xbf16>, vector<256x64xf32> -> vector<256x64xf32>
    %gt3A_735 = arith.constant 0.000000e+00 : f32
    %gt3A_736 = vector.broadcast %gt3A_735 : f32 to vector<256x64xf32>
    %gt3A_737 = arith.cmpf ogt, %dot_general3A_734, %gt3A_736 : vector<256x64xf32>
    %div3A_738 = arith.divf %select_n3A_730, %dot_general3A_734 : vector<256x64xf32>
    %jit3A_739 = arith.constant 2.000000e-02 : f32
    %broadcast_in_dim3A_740 = vector.broadcast %jit3A_739 : f32 to vector<256x64xf32>
    %select_n3A_741 = arith.select %gt3A_737, %div3A_738, %broadcast_in_dim3A_740 : vector<256x64xi1>, vector<256x64xf32>
    %concatenate3A_742 = tpu.concatenate %select_n3A_741, %select_n3A_741, %select_n3A_741, %select_n3A_741 in 1 : vector<256x64xf32>, vector<256x64xf32>, vector<256x64xf32>, vector<256x64xf32> -> vector<256x256xf32>
    %mul3A_743 = arith.mulf %concatenate3A_742, %get3A_14 : vector<256x256xf32>
    %convert_element_type3A_744 = arith.truncf %mul3A_743 : vector<256x256xf32> to vector<256x256xbf16>
    %convert_element_type3A_745 = arith.truncf %dot_general3A_703 : vector<256x128xf32> to vector<256x128xbf16>
    %dot_general3A_746 = arith.constant dense<0.000000e+00> : vector<256x128xf32>
    %dot_general3A_747 = tpu.matmul %convert_element_type3A_744, %convert_element_type3A_745, %dot_general3A_746 {dimension_numbers = #tpu.dot_dimension_numbers<[0], [0], [1], [1], [0, 1, 1, 1], [], []>, transpose_lhs_hint = false} : vector<256x256xbf16>, vector<256x128xbf16>, vector<256x128xf32> -> vector<256x128xf32>
    %add3A_748 = arith.addf %dot_general3A_747, %concatenate3A_663 : vector<256x128xf32>
    %slice3A_749 = vector.extract_strided_slice %add3A_748 {offsets = [0, 0], sizes = [50, 128], strides = [1, 1]} : vector<256x128xf32> to vector<50x128xf32>
    %swap3A_750 = arith.constant 16 : index
    %swap3A_751 = arith.constant 0 : index
    %swap3A_752 = arith.constant 0 : index
    %swap3A_753 = vector.load %arg10[%swap3A_750, %swap3A_751, %swap3A_752] : memref<64x50x128xf32, #tpu.memory_space<vmem>>, vector<1x50x128xf32>
    %swap3A_754 = vector.shape_cast %swap3A_753 : vector<1x50x128xf32> to vector<50x128xf32>
    %swap3A_755 = vector.shape_cast %slice3A_749 : vector<50x128xf32> to vector<1x50x128xf32>
    tpu.vector_store %arg10[%swap3A_750, %swap3A_751, %swap3A_752], %swap3A_755 {strides = array<i32>} : memref<64x50x128xf32, #tpu.memory_space<vmem>>, vector<1x50x128xf32>,
    %slice3A_756 = vector.extract_strided_slice %add3A_748 {offsets = [64, 0], sizes = [50, 128], strides = [1, 1]} : vector<256x128xf32> to vector<50x128xf32>
    %swap3A_757 = arith.constant 17 : index
    %swap3A_758 = arith.constant 0 : index
    %swap3A_759 = arith.constant 0 : index
    %swap3A_760 = vector.load %arg10[%swap3A_757, %swap3A_758, %swap3A_759] : memref<64x50x128xf32, #tpu.memory_space<vmem>>, vector<1x50x128xf32>
    %swap3A_761 = vector.shape_cast %swap3A_760 : vector<1x50x128xf32> to vector<50x128xf32>
    %swap3A_762 = vector.shape_cast %slice3A_756 : vector<50x128xf32> to vector<1x50x128xf32>
    tpu.vector_store %arg10[%swap3A_757, %swap3A_758, %swap3A_759], %swap3A_762 {strides = array<i32>} : memref<64x50x128xf32, #tpu.memory_space<vmem>>, vector<1x50x128xf32>,
    %slice3A_763 = vector.extract_strided_slice %add3A_748 {offsets = [128, 0], sizes = [50, 128], strides = [1, 1]} : vector<256x128xf32> to vector<50x128xf32>
    %swap3A_764 = arith.constant 18 : index
    %swap3A_765 = arith.constant 0 : index
    %swap3A_766 = arith.constant 0 : index
    %swap3A_767 = vector.load %arg10[%swap3A_764, %swap3A_765, %swap3A_766] : memref<64x50x128xf32, #tpu.memory_space<vmem>>, vector<1x50x128xf32>
    %swap3A_768 = vector.shape_cast %swap3A_767 : vector<1x50x128xf32> to vector<50x128xf32>
    %swap3A_769 = vector.shape_cast %slice3A_763 : vector<50x128xf32> to vector<1x50x128xf32>
    tpu.vector_store %arg10[%swap3A_764, %swap3A_765, %swap3A_766], %swap3A_769 {strides = array<i32>} : memref<64x50x128xf32, #tpu.memory_space<vmem>>, vector<1x50x128xf32>,
    %slice3A_770 = vector.extract_strided_slice %add3A_748 {offsets = [192, 0], sizes = [50, 128], strides = [1, 1]} : vector<256x128xf32> to vector<50x128xf32>
    %swap3A_771 = arith.constant 19 : index
    %swap3A_772 = arith.constant 0 : index
    %swap3A_773 = arith.constant 0 : index
    %swap3A_774 = vector.load %arg10[%swap3A_771, %swap3A_772, %swap3A_773] : memref<64x50x128xf32, #tpu.memory_space<vmem>>, vector<1x50x128xf32>
    %swap3A_775 = vector.shape_cast %swap3A_774 : vector<1x50x128xf32> to vector<50x128xf32>
    %swap3A_776 = vector.shape_cast %slice3A_770 : vector<50x128xf32> to vector<1x50x128xf32>
    tpu.vector_store %arg10[%swap3A_771, %swap3A_772, %swap3A_773], %swap3A_776 {strides = array<i32>} : memref<64x50x128xf32, #tpu.memory_space<vmem>>, vector<1x50x128xf32>,
    %get3A_777 = arith.constant 1000 : index
    %get3A_778 = arith.constant 0 : index
    %get3A_779 = vector.load %arg1[%get3A_777, %get3A_778] : memref<3200x128xf32, #tpu.memory_space<vmem>>, vector<200x128xf32>
    %get3A_780 = arith.constant 20 : index
    %get3A_781 = arith.constant 0 : index
    %get3A_782 = arith.constant 0 : index
    %get3A_783 = vector.load %arg3[%get3A_780, %get3A_781, %get3A_782] : memref<64x50x50xf32, #tpu.memory_space<vmem>>, vector<1x50x50xf32>
    %get3A_784 = vector.shape_cast %get3A_783 : vector<1x50x50xf32> to vector<50x50xf32>
    %get3A_785 = arith.constant 21 : index
    %get3A_786 = arith.constant 0 : index
    %get3A_787 = arith.constant 0 : index
    %get3A_788 = vector.load %arg3[%get3A_785, %get3A_786, %get3A_787] : memref<64x50x50xf32, #tpu.memory_space<vmem>>, vector<1x50x50xf32>
    %get3A_789 = vector.shape_cast %get3A_788 : vector<1x50x50xf32> to vector<50x50xf32>
    %get3A_790 = arith.constant 22 : index
    %get3A_791 = arith.constant 0 : index
    %get3A_792 = arith.constant 0 : index
    %get3A_793 = vector.load %arg3[%get3A_790, %get3A_791, %get3A_792] : memref<64x50x50xf32, #tpu.memory_space<vmem>>, vector<1x50x50xf32>
    %get3A_794 = vector.shape_cast %get3A_793 : vector<1x50x50xf32> to vector<50x50xf32>
    %get3A_795 = arith.constant 23 : index
    %get3A_796 = arith.constant 0 : index
    %get3A_797 = arith.constant 0 : index
    %get3A_798 = vector.load %arg3[%get3A_795, %get3A_796, %get3A_797] : memref<64x50x50xf32, #tpu.memory_space<vmem>>, vector<1x50x50xf32>
    %get3A_799 = vector.shape_cast %get3A_798 : vector<1x50x50xf32> to vector<50x50xf32>
    %broadcast_in_dim3A_800 = arith.constant 0.000000e+00 : f32
    %broadcast_in_dim3A_801 = vector.broadcast %broadcast_in_dim3A_800 : f32 to vector<50x14xf32>
    %broadcast_in_dim3A_802 = arith.constant 0.000000e+00 : f32
    %broadcast_in_dim3A_803 = vector.broadcast %broadcast_in_dim3A_802 : f32 to vector<14x64xf32>
    %concatenate3A_804 = tpu.concatenate %get3A_784, %broadcast_in_dim3A_801 in 1 : vector<50x50xf32>, vector<50x14xf32> -> vector<50x64xf32>
    %concatenate3A_805 = tpu.concatenate %get3A_789, %broadcast_in_dim3A_801 in 1 : vector<50x50xf32>, vector<50x14xf32> -> vector<50x64xf32>
    %concatenate3A_806 = tpu.concatenate %get3A_794, %broadcast_in_dim3A_801 in 1 : vector<50x50xf32>, vector<50x14xf32> -> vector<50x64xf32>
    %concatenate3A_807 = tpu.concatenate %get3A_799, %broadcast_in_dim3A_801 in 1 : vector<50x50xf32>, vector<50x14xf32> -> vector<50x64xf32>
    %concatenate3A_808 = tpu.concatenate %concatenate3A_804, %broadcast_in_dim3A_803, %concatenate3A_805, %broadcast_in_dim3A_803, %concatenate3A_806, %broadcast_in_dim3A_803, %concatenate3A_807, %broadcast_in_dim3A_803 in 0 : vector<50x64xf32>, vector<14x64xf32>, vector<50x64xf32>, vector<14x64xf32>, vector<50x64xf32>, vector<14x64xf32>, vector<50x64xf32>, vector<14x64xf32> -> vector<256x64xf32>
    %gt3A_809 = arith.constant 0.000000e+00 : f32
    %gt3A_810 = vector.broadcast %gt3A_809 : f32 to vector<256x64xf32>
    %gt3A_811 = arith.cmpf ogt, %concatenate3A_808, %gt3A_810 : vector<256x64xf32>
    %broadcast_in_dim3A_812 = arith.constant 0.000000e+00 : f32
    %broadcast_in_dim3A_813 = vector.broadcast %broadcast_in_dim3A_812 : f32 to vector<14x128xf32>
    %slice3A_814 = vector.extract_strided_slice %get3A_779 {offsets = [0, 0], sizes = [50, 128], strides = [1, 1]} : vector<200x128xf32> to vector<50x128xf32>
    %slice3A_815 = vector.extract_strided_slice %get3A_779 {offsets = [50, 0], sizes = [50, 128], strides = [1, 1]} : vector<200x128xf32> to vector<50x128xf32>
    %slice3A_816 = vector.extract_strided_slice %get3A_779 {offsets = [100, 0], sizes = [50, 128], strides = [1, 1]} : vector<200x128xf32> to vector<50x128xf32>
    %slice3A_817 = vector.extract_strided_slice %get3A_779 {offsets = [150, 0], sizes = [50, 128], strides = [1, 1]} : vector<200x128xf32> to vector<50x128xf32>
    %concatenate3A_818 = tpu.concatenate %slice3A_814, %broadcast_in_dim3A_813, %slice3A_815, %broadcast_in_dim3A_813, %slice3A_816, %broadcast_in_dim3A_813, %slice3A_817, %broadcast_in_dim3A_813 in 0 : vector<50x128xf32>, vector<14x128xf32>, vector<50x128xf32>, vector<14x128xf32>, vector<50x128xf32>, vector<14x128xf32>, vector<50x128xf32>, vector<14x128xf32> -> vector<256x128xf32>
    %convert_element_type3A_819 = arith.truncf %concatenate3A_818 : vector<256x128xf32> to vector<256x128xbf16>
    %convert_element_type3A_820 = arith.truncf %get3A_1 : vector<128x1xf32> to vector<128x1xbf16>
    %dot_general3A_821 = arith.constant dense<0.000000e+00> : vector<256x1xf32>
    %dot_general3A_822 = tpu.matmul %convert_element_type3A_819, %convert_element_type3A_820, %dot_general3A_821 {dimension_numbers = #tpu.dot_dimension_numbers<[1], [0], [0], [1], [0, 0, 1, 1], [], []>, transpose_lhs_hint = false} : vector<256x128xbf16>, vector<128x1xbf16>, vector<256x1xf32> -> vector<256x1xf32>
    %add3A_823 = vector.broadcast %get3A_11 : f32 to vector<256x1xf32>
    %add3A_824 = arith.addf %dot_general3A_822, %add3A_823 : vector<256x1xf32>
    %ge3A_825 = arith.constant 0.000000e+00 : f32
    %ge3A_826 = vector.broadcast %ge3A_825 : f32 to vector<256x1xf32>
    %ge3A_827 = arith.cmpf oge, %add3A_824, %ge3A_826 : vector<256x1xf32>
    %mul3A_828 = arith.constant 2.000000e-01 : f32
    %mul3A_829 = vector.broadcast %mul3A_828 : f32 to vector<256x1xf32>
    %mul3A_830 = arith.mulf %mul3A_829, %add3A_824 : vector<256x1xf32>
    %select_n3A_831 = arith.select %ge3A_827, %add3A_824, %mul3A_830 : vector<256x1xi1>, vector<256x1xf32>
    %mul3A_832 = vector.broadcast %select_n3A_831 : vector<256x1xf32> to vector<256x64xf32>
    %mul3A_833 = arith.mulf %mul3A_832, %get3A_17 : vector<256x64xf32>
    %convert_element_type3A_834 = arith.truncf %get3A_14 : vector<256x256xf32> to vector<256x256xbf16>
    %convert_element_type3A_835 = arith.truncf %mul3A_833 : vector<256x64xf32> to vector<256x64xbf16>
    %dot_general3A_836 = arith.constant dense<0.000000e+00> : vector<256x64xf32>
    %dot_general3A_837 = tpu.matmul %convert_element_type3A_834, %convert_element_type3A_835, %dot_general3A_836 {dimension_numbers = #tpu.dot_dimension_numbers<[1], [0], [0], [1], [0, 0, 1, 1], [], []>, transpose_lhs_hint = false} : vector<256x256xbf16>, vector<256x64xbf16>, vector<256x64xf32> -> vector<256x64xf32>
    %exp3A_838 = math.exp %dot_general3A_837 : vector<256x64xf32>
    %jit3A_839 = arith.constant 0.000000e+00 : f32
    %broadcast_in_dim3A_840 = vector.broadcast %jit3A_839 : f32 to vector<256x64xf32>
    %select_n3A_841 = arith.select %gt3A_811, %exp3A_838, %broadcast_in_dim3A_840 : vector<256x64xi1>, vector<256x64xf32>
    %reduce_sum3A_842 = arith.constant dense<0.000000e+00> : vector<256xf32>
    %reduce_sum3A_843 = vector.multi_reduction <add>, %select_n3A_841, %reduce_sum3A_842 [1] : vector<256x64xf32> to vector<256xf32>
    %broadcast_in_dim3A_844 = vector.shape_cast %reduce_sum3A_843 : vector<256xf32> to vector<256x1xf32>
    %le3A_845 = arith.constant 0.000000e+00 : f32
    %le3A_846 = vector.broadcast %le3A_845 : f32 to vector<256x1xf32>
    %le3A_847 = arith.cmpf ole, %broadcast_in_dim3A_844, %le3A_846 : vector<256x1xf32>
    %convert_element_type3A_848 = arith.extui %le3A_847 : vector<256x1xi1> to vector<256x1xi32>
    %convert_element_type3A_849 = arith.sitofp %convert_element_type3A_848 : vector<256x1xi32> to vector<256x1xf32>
    %add3A_850 = arith.addf %broadcast_in_dim3A_844, %convert_element_type3A_849 : vector<256x1xf32>
    %div3A_851 = vector.broadcast %add3A_850 : vector<256x1xf32> to vector<256x64xf32>
    %div3A_852 = arith.divf %select_n3A_841, %div3A_851 : vector<256x64xf32>
    %concatenate3A_853 = tpu.concatenate %div3A_852, %div3A_852, %div3A_852, %div3A_852 in 1 : vector<256x64xf32>, vector<256x64xf32>, vector<256x64xf32>, vector<256x64xf32> -> vector<256x256xf32>
    %mul3A_854 = arith.mulf %concatenate3A_853, %get3A_14 : vector<256x256xf32>
    %convert_element_type3A_855 = arith.truncf %mul3A_854 : vector<256x256xf32> to vector<256x256xbf16>
    %convert_element_type3A_856 = arith.truncf %concatenate3A_818 : vector<256x128xf32> to vector<256x128xbf16>
    %dot_general3A_857 = arith.constant dense<0.000000e+00> : vector<256x128xf32>
    %dot_general3A_858 = tpu.matmul %convert_element_type3A_855, %convert_element_type3A_856, %dot_general3A_857 {dimension_numbers = #tpu.dot_dimension_numbers<[1], [0], [0], [1], [0, 0, 1, 1], [], []>, transpose_lhs_hint = false} : vector<256x256xbf16>, vector<256x128xbf16>, vector<256x128xf32> -> vector<256x128xf32>
    %convert_element_type3A_859 = arith.truncf %concatenate3A_818 : vector<256x128xf32> to vector<256x128xbf16>
    %convert_element_type3A_860 = arith.truncf %get3A_4 : vector<128x1xf32> to vector<128x1xbf16>
    %dot_general3A_861 = arith.constant dense<0.000000e+00> : vector<256x1xf32>
    %dot_general3A_862 = tpu.matmul %convert_element_type3A_859, %convert_element_type3A_860, %dot_general3A_861 {dimension_numbers = #tpu.dot_dimension_numbers<[1], [0], [0], [1], [0, 0, 1, 1], [], []>, transpose_lhs_hint = false} : vector<256x128xbf16>, vector<128x1xbf16>, vector<256x1xf32> -> vector<256x1xf32>
    %convert_element_type3A_863 = arith.truncf %dot_general3A_858 : vector<256x128xf32> to vector<256x128xbf16>
    %convert_element_type3A_864 = arith.truncf %get3A_7 : vector<128x1xf32> to vector<128x1xbf16>
    %dot_general3A_865 = arith.constant dense<0.000000e+00> : vector<256x1xf32>
    %dot_general3A_866 = tpu.matmul %convert_element_type3A_863, %convert_element_type3A_864, %dot_general3A_865 {dimension_numbers = #tpu.dot_dimension_numbers<[1], [0], [0], [1], [0, 0, 1, 1], [], []>, transpose_lhs_hint = false} : vector<256x128xbf16>, vector<128x1xbf16>, vector<256x1xf32> -> vector<256x1xf32>
    %mul3A_867 = vector.broadcast %dot_general3A_862 : vector<256x1xf32> to vector<256x64xf32>
    %mul3A_868 = arith.mulf %mul3A_867, %get3A_17 : vector<256x64xf32>
    %convert_element_type3A_869 = arith.truncf %get3A_14 : vector<256x256xf32> to vector<256x256xbf16>
    %convert_element_type3A_870 = arith.truncf %mul3A_868 : vector<256x64xf32> to vector<256x64xbf16>
    %dot_general3A_871 = arith.constant dense<0.000000e+00> : vector<256x64xf32>
    %dot_general3A_872 = tpu.matmul %convert_element_type3A_869, %convert_element_type3A_870, %dot_general3A_871 {dimension_numbers = #tpu.dot_dimension_numbers<[1], [0], [0], [1], [0, 0, 1, 1], [], []>, transpose_lhs_hint = false} : vector<256x256xbf16>, vector<256x64xbf16>, vector<256x64xf32> -> vector<256x64xf32>
    %add3A_873 = vector.broadcast %dot_general3A_866 : vector<256x1xf32> to vector<256x64xf32>
    %add3A_874 = arith.addf %dot_general3A_872, %add3A_873 : vector<256x64xf32>
    %ge3A_875 = arith.constant 0.000000e+00 : f32
    %ge3A_876 = vector.broadcast %ge3A_875 : f32 to vector<256x64xf32>
    %ge3A_877 = arith.cmpf oge, %add3A_874, %ge3A_876 : vector<256x64xf32>
    %mul3A_878 = arith.constant 2.000000e-01 : f32
    %mul3A_879 = vector.broadcast %mul3A_878 : f32 to vector<256x64xf32>
    %mul3A_880 = arith.mulf %mul3A_879, %add3A_874 : vector<256x64xf32>
    %select_n3A_881 = arith.select %ge3A_877, %add3A_874, %mul3A_880 : vector<256x64xi1>, vector<256x64xf32>
    %exp3A_882 = math.exp %select_n3A_881 : vector<256x64xf32>
    %jit3A_883 = arith.constant 0.000000e+00 : f32
    %broadcast_in_dim3A_884 = vector.broadcast %jit3A_883 : f32 to vector<256x64xf32>
    %select_n3A_885 = arith.select %gt3A_811, %exp3A_882, %broadcast_in_dim3A_884 : vector<256x64xi1>, vector<256x64xf32>
    %convert_element_type3A_886 = arith.truncf %get3A_14 : vector<256x256xf32> to vector<256x256xbf16>
    %convert_element_type3A_887 = arith.truncf %select_n3A_885 : vector<256x64xf32> to vector<256x64xbf16>
    %dot_general3A_888 = arith.constant dense<0.000000e+00> : vector<256x64xf32>
    %dot_general3A_889 = tpu.matmul %convert_element_type3A_886, %convert_element_type3A_887, %dot_general3A_888 {dimension_numbers = #tpu.dot_dimension_numbers<[1], [0], [0], [1], [0, 0, 1, 1], [], []>, transpose_lhs_hint = false} : vector<256x256xbf16>, vector<256x64xbf16>, vector<256x64xf32> -> vector<256x64xf32>
    %gt3A_890 = arith.constant 0.000000e+00 : f32
    %gt3A_891 = vector.broadcast %gt3A_890 : f32 to vector<256x64xf32>
    %gt3A_892 = arith.cmpf ogt, %dot_general3A_889, %gt3A_891 : vector<256x64xf32>
    %div3A_893 = arith.divf %select_n3A_885, %dot_general3A_889 : vector<256x64xf32>
    %jit3A_894 = arith.constant 2.000000e-02 : f32
    %broadcast_in_dim3A_895 = vector.broadcast %jit3A_894 : f32 to vector<256x64xf32>
    %select_n3A_896 = arith.select %gt3A_892, %div3A_893, %broadcast_in_dim3A_895 : vector<256x64xi1>, vector<256x64xf32>
    %concatenate3A_897 = tpu.concatenate %select_n3A_896, %select_n3A_896, %select_n3A_896, %select_n3A_896 in 1 : vector<256x64xf32>, vector<256x64xf32>, vector<256x64xf32>, vector<256x64xf32> -> vector<256x256xf32>
    %mul3A_898 = arith.mulf %concatenate3A_897, %get3A_14 : vector<256x256xf32>
    %convert_element_type3A_899 = arith.truncf %mul3A_898 : vector<256x256xf32> to vector<256x256xbf16>
    %convert_element_type3A_900 = arith.truncf %dot_general3A_858 : vector<256x128xf32> to vector<256x128xbf16>
    %dot_general3A_901 = arith.constant dense<0.000000e+00> : vector<256x128xf32>
    %dot_general3A_902 = tpu.matmul %convert_element_type3A_899, %convert_element_type3A_900, %dot_general3A_901 {dimension_numbers = #tpu.dot_dimension_numbers<[0], [0], [1], [1], [0, 1, 1, 1], [], []>, transpose_lhs_hint = false} : vector<256x256xbf16>, vector<256x128xbf16>, vector<256x128xf32> -> vector<256x128xf32>
    %add3A_903 = arith.addf %dot_general3A_902, %concatenate3A_818 : vector<256x128xf32>
    %slice3A_904 = vector.extract_strided_slice %add3A_903 {offsets = [0, 0], sizes = [50, 128], strides = [1, 1]} : vector<256x128xf32> to vector<50x128xf32>
    %swap3A_905 = arith.constant 20 : index
    %swap3A_906 = arith.constant 0 : index
    %swap3A_907 = arith.constant 0 : index
    %swap3A_908 = vector.load %arg10[%swap3A_905, %swap3A_906, %swap3A_907] : memref<64x50x128xf32, #tpu.memory_space<vmem>>, vector<1x50x128xf32>
    %swap3A_909 = vector.shape_cast %swap3A_908 : vector<1x50x128xf32> to vector<50x128xf32>
    %swap3A_910 = vector.shape_cast %slice3A_904 : vector<50x128xf32> to vector<1x50x128xf32>
    tpu.vector_store %arg10[%swap3A_905, %swap3A_906, %swap3A_907], %swap3A_910 {strides = array<i32>} : memref<64x50x128xf32, #tpu.memory_space<vmem>>, vector<1x50x128xf32>,
    %slice3A_911 = vector.extract_strided_slice %add3A_903 {offsets = [64, 0], sizes = [50, 128], strides = [1, 1]} : vector<256x128xf32> to vector<50x128xf32>
    %swap3A_912 = arith.constant 21 : index
    %swap3A_913 = arith.constant 0 : index
    %swap3A_914 = arith.constant 0 : index
    %swap3A_915 = vector.load %arg10[%swap3A_912, %swap3A_913, %swap3A_914] : memref<64x50x128xf32, #tpu.memory_space<vmem>>, vector<1x50x128xf32>
    %swap3A_916 = vector.shape_cast %swap3A_915 : vector<1x50x128xf32> to vector<50x128xf32>
    %swap3A_917 = vector.shape_cast %slice3A_911 : vector<50x128xf32> to vector<1x50x128xf32>
    tpu.vector_store %arg10[%swap3A_912, %swap3A_913, %swap3A_914], %swap3A_917 {strides = array<i32>} : memref<64x50x128xf32, #tpu.memory_space<vmem>>, vector<1x50x128xf32>,
    %slice3A_918 = vector.extract_strided_slice %add3A_903 {offsets = [128, 0], sizes = [50, 128], strides = [1, 1]} : vector<256x128xf32> to vector<50x128xf32>
    %swap3A_919 = arith.constant 22 : index
    %swap3A_920 = arith.constant 0 : index
    %swap3A_921 = arith.constant 0 : index
    %swap3A_922 = vector.load %arg10[%swap3A_919, %swap3A_920, %swap3A_921] : memref<64x50x128xf32, #tpu.memory_space<vmem>>, vector<1x50x128xf32>
    %swap3A_923 = vector.shape_cast %swap3A_922 : vector<1x50x128xf32> to vector<50x128xf32>
    %swap3A_924 = vector.shape_cast %slice3A_918 : vector<50x128xf32> to vector<1x50x128xf32>
    tpu.vector_store %arg10[%swap3A_919, %swap3A_920, %swap3A_921], %swap3A_924 {strides = array<i32>} : memref<64x50x128xf32, #tpu.memory_space<vmem>>, vector<1x50x128xf32>,
    %slice3A_925 = vector.extract_strided_slice %add3A_903 {offsets = [192, 0], sizes = [50, 128], strides = [1, 1]} : vector<256x128xf32> to vector<50x128xf32>
    %swap3A_926 = arith.constant 23 : index
    %swap3A_927 = arith.constant 0 : index
    %swap3A_928 = arith.constant 0 : index
    %swap3A_929 = vector.load %arg10[%swap3A_926, %swap3A_927, %swap3A_928] : memref<64x50x128xf32, #tpu.memory_space<vmem>>, vector<1x50x128xf32>
    %swap3A_930 = vector.shape_cast %swap3A_929 : vector<1x50x128xf32> to vector<50x128xf32>
    %swap3A_931 = vector.shape_cast %slice3A_925 : vector<50x128xf32> to vector<1x50x128xf32>
    tpu.vector_store %arg10[%swap3A_926, %swap3A_927, %swap3A_928], %swap3A_931 {strides = array<i32>} : memref<64x50x128xf32, #tpu.memory_space<vmem>>, vector<1x50x128xf32>,
    %get3A_932 = arith.constant 1200 : index
    %get3A_933 = arith.constant 0 : index
    %get3A_934 = vector.load %arg1[%get3A_932, %get3A_933] : memref<3200x128xf32, #tpu.memory_space<vmem>>, vector<200x128xf32>
    %get3A_935 = arith.constant 24 : index
    %get3A_936 = arith.constant 0 : index
    %get3A_937 = arith.constant 0 : index
    %get3A_938 = vector.load %arg3[%get3A_935, %get3A_936, %get3A_937] : memref<64x50x50xf32, #tpu.memory_space<vmem>>, vector<1x50x50xf32>
    %get3A_939 = vector.shape_cast %get3A_938 : vector<1x50x50xf32> to vector<50x50xf32>
    %get3A_940 = arith.constant 25 : index
    %get3A_941 = arith.constant 0 : index
    %get3A_942 = arith.constant 0 : index
    %get3A_943 = vector.load %arg3[%get3A_940, %get3A_941, %get3A_942] : memref<64x50x50xf32, #tpu.memory_space<vmem>>, vector<1x50x50xf32>
    %get3A_944 = vector.shape_cast %get3A_943 : vector<1x50x50xf32> to vector<50x50xf32>
    %get3A_945 = arith.constant 26 : index
    %get3A_946 = arith.constant 0 : index
    %get3A_947 = arith.constant 0 : index
    %get3A_948 = vector.load %arg3[%get3A_945, %get3A_946, %get3A_947] : memref<64x50x50xf32, #tpu.memory_space<vmem>>, vector<1x50x50xf32>
    %get3A_949 = vector.shape_cast %get3A_948 : vector<1x50x50xf32> to vector<50x50xf32>
    %get3A_950 = arith.constant 27 : index
    %get3A_951 = arith.constant 0 : index
    %get3A_952 = arith.constant 0 : index
    %get3A_953 = vector.load %arg3[%get3A_950, %get3A_951, %get3A_952] : memref<64x50x50xf32, #tpu.memory_space<vmem>>, vector<1x50x50xf32>
    %get3A_954 = vector.shape_cast %get3A_953 : vector<1x50x50xf32> to vector<50x50xf32>
    %broadcast_in_dim3A_955 = arith.constant 0.000000e+00 : f32
    %broadcast_in_dim3A_956 = vector.broadcast %broadcast_in_dim3A_955 : f32 to vector<50x14xf32>
    %broadcast_in_dim3A_957 = arith.constant 0.000000e+00 : f32
    %broadcast_in_dim3A_958 = vector.broadcast %broadcast_in_dim3A_957 : f32 to vector<14x64xf32>
    %concatenate3A_959 = tpu.concatenate %get3A_939, %broadcast_in_dim3A_956 in 1 : vector<50x50xf32>, vector<50x14xf32> -> vector<50x64xf32>
    %concatenate3A_960 = tpu.concatenate %get3A_944, %broadcast_in_dim3A_956 in 1 : vector<50x50xf32>, vector<50x14xf32> -> vector<50x64xf32>
    %concatenate3A_961 = tpu.concatenate %get3A_949, %broadcast_in_dim3A_956 in 1 : vector<50x50xf32>, vector<50x14xf32> -> vector<50x64xf32>
    %concatenate3A_962 = tpu.concatenate %get3A_954, %broadcast_in_dim3A_956 in 1 : vector<50x50xf32>, vector<50x14xf32> -> vector<50x64xf32>
    %concatenate3A_963 = tpu.concatenate %concatenate3A_959, %broadcast_in_dim3A_958, %concatenate3A_960, %broadcast_in_dim3A_958, %concatenate3A_961, %broadcast_in_dim3A_958, %concatenate3A_962, %broadcast_in_dim3A_958 in 0 : vector<50x64xf32>, vector<14x64xf32>, vector<50x64xf32>, vector<14x64xf32>, vector<50x64xf32>, vector<14x64xf32>, vector<50x64xf32>, vector<14x64xf32> -> vector<256x64xf32>
    %gt3A_964 = arith.constant 0.000000e+00 : f32
    %gt3A_965 = vector.broadcast %gt3A_964 : f32 to vector<256x64xf32>
    %gt3A_966 = arith.cmpf ogt, %concatenate3A_963, %gt3A_965 : vector<256x64xf32>
    %broadcast_in_dim3A_967 = arith.constant 0.000000e+00 : f32
    %broadcast_in_dim3A_968 = vector.broadcast %broadcast_in_dim3A_967 : f32 to vector<14x128xf32>
    %slice3A_969 = vector.extract_strided_slice %get3A_934 {offsets = [0, 0], sizes = [50, 128], strides = [1, 1]} : vector<200x128xf32> to vector<50x128xf32>
    %slice3A_970 = vector.extract_strided_slice %get3A_934 {offsets = [50, 0], sizes = [50, 128], strides = [1, 1]} : vector<200x128xf32> to vector<50x128xf32>
    %slice3A_971 = vector.extract_strided_slice %get3A_934 {offsets = [100, 0], sizes = [50, 128], strides = [1, 1]} : vector<200x128xf32> to vector<50x128xf32>
    %slice3A_972 = vector.extract_strided_slice %get3A_934 {offsets = [150, 0], sizes = [50, 128], strides = [1, 1]} : vector<200x128xf32> to vector<50x128xf32>
    %concatenate3A_973 = tpu.concatenate %slice3A_969, %broadcast_in_dim3A_968, %slice3A_970, %broadcast_in_dim3A_968, %slice3A_971, %broadcast_in_dim3A_968, %slice3A_972, %broadcast_in_dim3A_968 in 0 : vector<50x128xf32>, vector<14x128xf32>, vector<50x128xf32>, vector<14x128xf32>, vector<50x128xf32>, vector<14x128xf32>, vector<50x128xf32>, vector<14x128xf32> -> vector<256x128xf32>
    %convert_element_type3A_974 = arith.truncf %concatenate3A_973 : vector<256x128xf32> to vector<256x128xbf16>
    %convert_element_type3A_975 = arith.truncf %get3A_1 : vector<128x1xf32> to vector<128x1xbf16>
    %dot_general3A_976 = arith.constant dense<0.000000e+00> : vector<256x1xf32>
    %dot_general3A_977 = tpu.matmul %convert_element_type3A_974, %convert_element_type3A_975, %dot_general3A_976 {dimension_numbers = #tpu.dot_dimension_numbers<[1], [0], [0], [1], [0, 0, 1, 1], [], []>, transpose_lhs_hint = false} : vector<256x128xbf16>, vector<128x1xbf16>, vector<256x1xf32> -> vector<256x1xf32>
    %add3A_978 = vector.broadcast %get3A_11 : f32 to vector<256x1xf32>
    %add3A_979 = arith.addf %dot_general3A_977, %add3A_978 : vector<256x1xf32>
    %ge3A_980 = arith.constant 0.000000e+00 : f32
    %ge3A_981 = vector.broadcast %ge3A_980 : f32 to vector<256x1xf32>
    %ge3A_982 = arith.cmpf oge, %add3A_979, %ge3A_981 : vector<256x1xf32>
    %mul3A_983 = arith.constant 2.000000e-01 : f32
    %mul3A_984 = vector.broadcast %mul3A_983 : f32 to vector<256x1xf32>
    %mul3A_985 = arith.mulf %mul3A_984, %add3A_979 : vector<256x1xf32>
    %select_n3A_986 = arith.select %ge3A_982, %add3A_979, %mul3A_985 : vector<256x1xi1>, vector<256x1xf32>
    %mul3A_987 = vector.broadcast %select_n3A_986 : vector<256x1xf32> to vector<256x64xf32>
    %mul3A_988 = arith.mulf %mul3A_987, %get3A_17 : vector<256x64xf32>
    %convert_element_type3A_989 = arith.truncf %get3A_14 : vector<256x256xf32> to vector<256x256xbf16>
    %convert_element_type3A_990 = arith.truncf %mul3A_988 : vector<256x64xf32> to vector<256x64xbf16>
    %dot_general3A_991 = arith.constant dense<0.000000e+00> : vector<256x64xf32>
    %dot_general3A_992 = tpu.matmul %convert_element_type3A_989, %convert_element_type3A_990, %dot_general3A_991 {dimension_numbers = #tpu.dot_dimension_numbers<[1], [0], [0], [1], [0, 0, 1, 1], [], []>, transpose_lhs_hint = false} : vector<256x256xbf16>, vector<256x64xbf16>, vector<256x64xf32> -> vector<256x64xf32>
    %exp3A_993 = math.exp %dot_general3A_992 : vector<256x64xf32>
    %jit3A_994 = arith.constant 0.000000e+00 : f32
    %broadcast_in_dim3A_995 = vector.broadcast %jit3A_994 : f32 to vector<256x64xf32>
    %select_n3A_996 = arith.select %gt3A_966, %exp3A_993, %broadcast_in_dim3A_995 : vector<256x64xi1>, vector<256x64xf32>
    %reduce_sum3A_997 = arith.constant dense<0.000000e+00> : vector<256xf32>
    %reduce_sum3A_998 = vector.multi_reduction <add>, %select_n3A_996, %reduce_sum3A_997 [1] : vector<256x64xf32> to vector<256xf32>
    %broadcast_in_dim3A_999 = vector.shape_cast %reduce_sum3A_998 : vector<256xf32> to vector<256x1xf32>
    %le3A_1000 = arith.constant 0.000000e+00 : f32
    %le3A_1001 = vector.broadcast %le3A_1000 : f32 to vector<256x1xf32>
    %le3A_1002 = arith.cmpf ole, %broadcast_in_dim3A_999, %le3A_1001 : vector<256x1xf32>
    %convert_element_type3A_1003 = arith.extui %le3A_1002 : vector<256x1xi1> to vector<256x1xi32>
    %convert_element_type3A_1004 = arith.sitofp %convert_element_type3A_1003 : vector<256x1xi32> to vector<256x1xf32>
    %add3A_1005 = arith.addf %broadcast_in_dim3A_999, %convert_element_type3A_1004 : vector<256x1xf32>
    %div3A_1006 = vector.broadcast %add3A_1005 : vector<256x1xf32> to vector<256x64xf32>
    %div3A_1007 = arith.divf %select_n3A_996, %div3A_1006 : vector<256x64xf32>
    %concatenate3A_1008 = tpu.concatenate %div3A_1007, %div3A_1007, %div3A_1007, %div3A_1007 in 1 : vector<256x64xf32>, vector<256x64xf32>, vector<256x64xf32>, vector<256x64xf32> -> vector<256x256xf32>
    %mul3A_1009 = arith.mulf %concatenate3A_1008, %get3A_14 : vector<256x256xf32>
    %convert_element_type3A_1010 = arith.truncf %mul3A_1009 : vector<256x256xf32> to vector<256x256xbf16>
    %convert_element_type3A_1011 = arith.truncf %concatenate3A_973 : vector<256x128xf32> to vector<256x128xbf16>
    %dot_general3A_1012 = arith.constant dense<0.000000e+00> : vector<256x128xf32>
    %dot_general3A_1013 = tpu.matmul %convert_element_type3A_1010, %convert_element_type3A_1011, %dot_general3A_1012 {dimension_numbers = #tpu.dot_dimension_numbers<[1], [0], [0], [1], [0, 0, 1, 1], [], []>, transpose_lhs_hint = false} : vector<256x256xbf16>, vector<256x128xbf16>, vector<256x128xf32> -> vector<256x128xf32>
    %convert_element_type3A_1014 = arith.truncf %concatenate3A_973 : vector<256x128xf32> to vector<256x128xbf16>
    %convert_element_type3A_1015 = arith.truncf %get3A_4 : vector<128x1xf32> to vector<128x1xbf16>
    %dot_general3A_1016 = arith.constant dense<0.000000e+00> : vector<256x1xf32>
    %dot_general3A_1017 = tpu.matmul %convert_element_type3A_1014, %convert_element_type3A_1015, %dot_general3A_1016 {dimension_numbers = #tpu.dot_dimension_numbers<[1], [0], [0], [1], [0, 0, 1, 1], [], []>, transpose_lhs_hint = false} : vector<256x128xbf16>, vector<128x1xbf16>, vector<256x1xf32> -> vector<256x1xf32>
    %convert_element_type3A_1018 = arith.truncf %dot_general3A_1013 : vector<256x128xf32> to vector<256x128xbf16>
    %convert_element_type3A_1019 = arith.truncf %get3A_7 : vector<128x1xf32> to vector<128x1xbf16>
    %dot_general3A_1020 = arith.constant dense<0.000000e+00> : vector<256x1xf32>
    %dot_general3A_1021 = tpu.matmul %convert_element_type3A_1018, %convert_element_type3A_1019, %dot_general3A_1020 {dimension_numbers = #tpu.dot_dimension_numbers<[1], [0], [0], [1], [0, 0, 1, 1], [], []>, transpose_lhs_hint = false} : vector<256x128xbf16>, vector<128x1xbf16>, vector<256x1xf32> -> vector<256x1xf32>
    %mul3A_1022 = vector.broadcast %dot_general3A_1017 : vector<256x1xf32> to vector<256x64xf32>
    %mul3A_1023 = arith.mulf %mul3A_1022, %get3A_17 : vector<256x64xf32>
    %convert_element_type3A_1024 = arith.truncf %get3A_14 : vector<256x256xf32> to vector<256x256xbf16>
    %convert_element_type3A_1025 = arith.truncf %mul3A_1023 : vector<256x64xf32> to vector<256x64xbf16>
    %dot_general3A_1026 = arith.constant dense<0.000000e+00> : vector<256x64xf32>
    %dot_general3A_1027 = tpu.matmul %convert_element_type3A_1024, %convert_element_type3A_1025, %dot_general3A_1026 {dimension_numbers = #tpu.dot_dimension_numbers<[1], [0], [0], [1], [0, 0, 1, 1], [], []>, transpose_lhs_hint = false} : vector<256x256xbf16>, vector<256x64xbf16>, vector<256x64xf32> -> vector<256x64xf32>
    %add3A_1028 = vector.broadcast %dot_general3A_1021 : vector<256x1xf32> to vector<256x64xf32>
    %add3A_1029 = arith.addf %dot_general3A_1027, %add3A_1028 : vector<256x64xf32>
    %ge3A_1030 = arith.constant 0.000000e+00 : f32
    %ge3A_1031 = vector.broadcast %ge3A_1030 : f32 to vector<256x64xf32>
    %ge3A_1032 = arith.cmpf oge, %add3A_1029, %ge3A_1031 : vector<256x64xf32>
    %mul3A_1033 = arith.constant 2.000000e-01 : f32
    %mul3A_1034 = vector.broadcast %mul3A_1033 : f32 to vector<256x64xf32>
    %mul3A_1035 = arith.mulf %mul3A_1034, %add3A_1029 : vector<256x64xf32>
    %select_n3A_1036 = arith.select %ge3A_1032, %add3A_1029, %mul3A_1035 : vector<256x64xi1>, vector<256x64xf32>
    %exp3A_1037 = math.exp %select_n3A_1036 : vector<256x64xf32>
    %jit3A_1038 = arith.constant 0.000000e+00 : f32
    %broadcast_in_dim3A_1039 = vector.broadcast %jit3A_1038 : f32 to vector<256x64xf32>
    %select_n3A_1040 = arith.select %gt3A_966, %exp3A_1037, %broadcast_in_dim3A_1039 : vector<256x64xi1>, vector<256x64xf32>
    %convert_element_type3A_1041 = arith.truncf %get3A_14 : vector<256x256xf32> to vector<256x256xbf16>
    %convert_element_type3A_1042 = arith.truncf %select_n3A_1040 : vector<256x64xf32> to vector<256x64xbf16>
    %dot_general3A_1043 = arith.constant dense<0.000000e+00> : vector<256x64xf32>
    %dot_general3A_1044 = tpu.matmul %convert_element_type3A_1041, %convert_element_type3A_1042, %dot_general3A_1043 {dimension_numbers = #tpu.dot_dimension_numbers<[1], [0], [0], [1], [0, 0, 1, 1], [], []>, transpose_lhs_hint = false} : vector<256x256xbf16>, vector<256x64xbf16>, vector<256x64xf32> -> vector<256x64xf32>
    %gt3A_1045 = arith.constant 0.000000e+00 : f32
    %gt3A_1046 = vector.broadcast %gt3A_1045 : f32 to vector<256x64xf32>
    %gt3A_1047 = arith.cmpf ogt, %dot_general3A_1044, %gt3A_1046 : vector<256x64xf32>
    %div3A_1048 = arith.divf %select_n3A_1040, %dot_general3A_1044 : vector<256x64xf32>
    %jit3A_1049 = arith.constant 2.000000e-02 : f32
    %broadcast_in_dim3A_1050 = vector.broadcast %jit3A_1049 : f32 to vector<256x64xf32>
    %select_n3A_1051 = arith.select %gt3A_1047, %div3A_1048, %broadcast_in_dim3A_1050 : vector<256x64xi1>, vector<256x64xf32>
    %concatenate3A_1052 = tpu.concatenate %select_n3A_1051, %select_n3A_1051, %select_n3A_1051, %select_n3A_1051 in 1 : vector<256x64xf32>, vector<256x64xf32>, vector<256x64xf32>, vector<256x64xf32> -> vector<256x256xf32>
    %mul3A_1053 = arith.mulf %concatenate3A_1052, %get3A_14 : vector<256x256xf32>
    %convert_element_type3A_1054 = arith.truncf %mul3A_1053 : vector<256x256xf32> to vector<256x256xbf16>
    %convert_element_type3A_1055 = arith.truncf %dot_general3A_1013 : vector<256x128xf32> to vector<256x128xbf16>
    %dot_general3A_1056 = arith.constant dense<0.000000e+00> : vector<256x128xf32>
    %dot_general3A_1057 = tpu.matmul %convert_element_type3A_1054, %convert_element_type3A_1055, %dot_general3A_1056 {dimension_numbers = #tpu.dot_dimension_numbers<[0], [0], [1], [1], [0, 1, 1, 1], [], []>, transpose_lhs_hint = false} : vector<256x256xbf16>, vector<256x128xbf16>, vector<256x128xf32> -> vector<256x128xf32>
    %add3A_1058 = arith.addf %dot_general3A_1057, %concatenate3A_973 : vector<256x128xf32>
    %slice3A_1059 = vector.extract_strided_slice %add3A_1058 {offsets = [0, 0], sizes = [50, 128], strides = [1, 1]} : vector<256x128xf32> to vector<50x128xf32>
    %swap3A_1060 = arith.constant 24 : index
    %swap3A_1061 = arith.constant 0 : index
    %swap3A_1062 = arith.constant 0 : index
    %swap3A_1063 = vector.load %arg10[%swap3A_1060, %swap3A_1061, %swap3A_1062] : memref<64x50x128xf32, #tpu.memory_space<vmem>>, vector<1x50x128xf32>
    %swap3A_1064 = vector.shape_cast %swap3A_1063 : vector<1x50x128xf32> to vector<50x128xf32>
    %swap3A_1065 = vector.shape_cast %slice3A_1059 : vector<50x128xf32> to vector<1x50x128xf32>
    tpu.vector_store %arg10[%swap3A_1060, %swap3A_1061, %swap3A_1062], %swap3A_1065 {strides = array<i32>} : memref<64x50x128xf32, #tpu.memory_space<vmem>>, vector<1x50x128xf32>,
    %slice3A_1066 = vector.extract_strided_slice %add3A_1058 {offsets = [64, 0], sizes = [50, 128], strides = [1, 1]} : vector<256x128xf32> to vector<50x128xf32>
    %swap3A_1067 = arith.constant 25 : index
    %swap3A_1068 = arith.constant 0 : index
    %swap3A_1069 = arith.constant 0 : index
    %swap3A_1070 = vector.load %arg10[%swap3A_1067, %swap3A_1068, %swap3A_1069] : memref<64x50x128xf32, #tpu.memory_space<vmem>>, vector<1x50x128xf32>
    %swap3A_1071 = vector.shape_cast %swap3A_1070 : vector<1x50x128xf32> to vector<50x128xf32>
    %swap3A_1072 = vector.shape_cast %slice3A_1066 : vector<50x128xf32> to vector<1x50x128xf32>
    tpu.vector_store %arg10[%swap3A_1067, %swap3A_1068, %swap3A_1069], %swap3A_1072 {strides = array<i32>} : memref<64x50x128xf32, #tpu.memory_space<vmem>>, vector<1x50x128xf32>,
    %slice3A_1073 = vector.extract_strided_slice %add3A_1058 {offsets = [128, 0], sizes = [50, 128], strides = [1, 1]} : vector<256x128xf32> to vector<50x128xf32>
    %swap3A_1074 = arith.constant 26 : index
    %swap3A_1075 = arith.constant 0 : index
    %swap3A_1076 = arith.constant 0 : index
    %swap3A_1077 = vector.load %arg10[%swap3A_1074, %swap3A_1075, %swap3A_1076] : memref<64x50x128xf32, #tpu.memory_space<vmem>>, vector<1x50x128xf32>
    %swap3A_1078 = vector.shape_cast %swap3A_1077 : vector<1x50x128xf32> to vector<50x128xf32>
    %swap3A_1079 = vector.shape_cast %slice3A_1073 : vector<50x128xf32> to vector<1x50x128xf32>
    tpu.vector_store %arg10[%swap3A_1074, %swap3A_1075, %swap3A_1076], %swap3A_1079 {strides = array<i32>} : memref<64x50x128xf32, #tpu.memory_space<vmem>>, vector<1x50x128xf32>,
    %slice3A_1080 = vector.extract_strided_slice %add3A_1058 {offsets = [192, 0], sizes = [50, 128], strides = [1, 1]} : vector<256x128xf32> to vector<50x128xf32>
    %swap3A_1081 = arith.constant 27 : index
    %swap3A_1082 = arith.constant 0 : index
    %swap3A_1083 = arith.constant 0 : index
    %swap3A_1084 = vector.load %arg10[%swap3A_1081, %swap3A_1082, %swap3A_1083] : memref<64x50x128xf32, #tpu.memory_space<vmem>>, vector<1x50x128xf32>
    %swap3A_1085 = vector.shape_cast %swap3A_1084 : vector<1x50x128xf32> to vector<50x128xf32>
    %swap3A_1086 = vector.shape_cast %slice3A_1080 : vector<50x128xf32> to vector<1x50x128xf32>
    tpu.vector_store %arg10[%swap3A_1081, %swap3A_1082, %swap3A_1083], %swap3A_1086 {strides = array<i32>} : memref<64x50x128xf32, #tpu.memory_space<vmem>>, vector<1x50x128xf32>,
    %get3A_1087 = arith.constant 1400 : index
    %get3A_1088 = arith.constant 0 : index
    %get3A_1089 = vector.load %arg1[%get3A_1087, %get3A_1088] : memref<3200x128xf32, #tpu.memory_space<vmem>>, vector<200x128xf32>
    %get3A_1090 = arith.constant 28 : index
    %get3A_1091 = arith.constant 0 : index
    %get3A_1092 = arith.constant 0 : index
    %get3A_1093 = vector.load %arg3[%get3A_1090, %get3A_1091, %get3A_1092] : memref<64x50x50xf32, #tpu.memory_space<vmem>>, vector<1x50x50xf32>
    %get3A_1094 = vector.shape_cast %get3A_1093 : vector<1x50x50xf32> to vector<50x50xf32>
    %get3A_1095 = arith.constant 29 : index
    %get3A_1096 = arith.constant 0 : index
    %get3A_1097 = arith.constant 0 : index
    %get3A_1098 = vector.load %arg3[%get3A_1095, %get3A_1096, %get3A_1097] : memref<64x50x50xf32, #tpu.memory_space<vmem>>, vector<1x50x50xf32>
    %get3A_1099 = vector.shape_cast %get3A_1098 : vector<1x50x50xf32> to vector<50x50xf32>
    %get3A_1100 = arith.constant 30 : index
    %get3A_1101 = arith.constant 0 : index
    %get3A_1102 = arith.constant 0 : index
    %get3A_1103 = vector.load %arg3[%get3A_1100, %get3A_1101, %get3A_1102] : memref<64x50x50xf32, #tpu.memory_space<vmem>>, vector<1x50x50xf32>
    %get3A_1104 = vector.shape_cast %get3A_1103 : vector<1x50x50xf32> to vector<50x50xf32>
    %get3A_1105 = arith.constant 31 : index
    %get3A_1106 = arith.constant 0 : index
    %get3A_1107 = arith.constant 0 : index
    %get3A_1108 = vector.load %arg3[%get3A_1105, %get3A_1106, %get3A_1107] : memref<64x50x50xf32, #tpu.memory_space<vmem>>, vector<1x50x50xf32>
    %get3A_1109 = vector.shape_cast %get3A_1108 : vector<1x50x50xf32> to vector<50x50xf32>
    %broadcast_in_dim3A_1110 = arith.constant 0.000000e+00 : f32
    %broadcast_in_dim3A_1111 = vector.broadcast %broadcast_in_dim3A_1110 : f32 to vector<50x14xf32>
    %broadcast_in_dim3A_1112 = arith.constant 0.000000e+00 : f32
    %broadcast_in_dim3A_1113 = vector.broadcast %broadcast_in_dim3A_1112 : f32 to vector<14x64xf32>
    %concatenate3A_1114 = tpu.concatenate %get3A_1094, %broadcast_in_dim3A_1111 in 1 : vector<50x50xf32>, vector<50x14xf32> -> vector<50x64xf32>
    %concatenate3A_1115 = tpu.concatenate %get3A_1099, %broadcast_in_dim3A_1111 in 1 : vector<50x50xf32>, vector<50x14xf32> -> vector<50x64xf32>
    %concatenate3A_1116 = tpu.concatenate %get3A_1104, %broadcast_in_dim3A_1111 in 1 : vector<50x50xf32>, vector<50x14xf32> -> vector<50x64xf32>
    %concatenate3A_1117 = tpu.concatenate %get3A_1109, %broadcast_in_dim3A_1111 in 1 : vector<50x50xf32>, vector<50x14xf32> -> vector<50x64xf32>
    %concatenate3A_1118 = tpu.concatenate %concatenate3A_1114, %broadcast_in_dim3A_1113, %concatenate3A_1115, %broadcast_in_dim3A_1113, %concatenate3A_1116, %broadcast_in_dim3A_1113, %concatenate3A_1117, %broadcast_in_dim3A_1113 in 0 : vector<50x64xf32>, vector<14x64xf32>, vector<50x64xf32>, vector<14x64xf32>, vector<50x64xf32>, vector<14x64xf32>, vector<50x64xf32>, vector<14x64xf32> -> vector<256x64xf32>
    %gt3A_1119 = arith.constant 0.000000e+00 : f32
    %gt3A_1120 = vector.broadcast %gt3A_1119 : f32 to vector<256x64xf32>
    %gt3A_1121 = arith.cmpf ogt, %concatenate3A_1118, %gt3A_1120 : vector<256x64xf32>
    %broadcast_in_dim3A_1122 = arith.constant 0.000000e+00 : f32
    %broadcast_in_dim3A_1123 = vector.broadcast %broadcast_in_dim3A_1122 : f32 to vector<14x128xf32>
    %slice3A_1124 = vector.extract_strided_slice %get3A_1089 {offsets = [0, 0], sizes = [50, 128], strides = [1, 1]} : vector<200x128xf32> to vector<50x128xf32>
    %slice3A_1125 = vector.extract_strided_slice %get3A_1089 {offsets = [50, 0], sizes = [50, 128], strides = [1, 1]} : vector<200x128xf32> to vector<50x128xf32>
    %slice3A_1126 = vector.extract_strided_slice %get3A_1089 {offsets = [100, 0], sizes = [50, 128], strides = [1, 1]} : vector<200x128xf32> to vector<50x128xf32>
    %slice3A_1127 = vector.extract_strided_slice %get3A_1089 {offsets = [150, 0], sizes = [50, 128], strides = [1, 1]} : vector<200x128xf32> to vector<50x128xf32>
    %concatenate3A_1128 = tpu.concatenate %slice3A_1124, %broadcast_in_dim3A_1123, %slice3A_1125, %broadcast_in_dim3A_1123, %slice3A_1126, %broadcast_in_dim3A_1123, %slice3A_1127, %broadcast_in_dim3A_1123 in 0 : vector<50x128xf32>, vector<14x128xf32>, vector<50x128xf32>, vector<14x128xf32>, vector<50x128xf32>, vector<14x128xf32>, vector<50x128xf32>, vector<14x128xf32> -> vector<256x128xf32>
    %convert_element_type3A_1129 = arith.truncf %concatenate3A_1128 : vector<256x128xf32> to vector<256x128xbf16>
    %convert_element_type3A_1130 = arith.truncf %get3A_1 : vector<128x1xf32> to vector<128x1xbf16>
    %dot_general3A_1131 = arith.constant dense<0.000000e+00> : vector<256x1xf32>
    %dot_general3A_1132 = tpu.matmul %convert_element_type3A_1129, %convert_element_type3A_1130, %dot_general3A_1131 {dimension_numbers = #tpu.dot_dimension_numbers<[1], [0], [0], [1], [0, 0, 1, 1], [], []>, transpose_lhs_hint = false} : vector<256x128xbf16>, vector<128x1xbf16>, vector<256x1xf32> -> vector<256x1xf32>
    %add3A_1133 = vector.broadcast %get3A_11 : f32 to vector<256x1xf32>
    %add3A_1134 = arith.addf %dot_general3A_1132, %add3A_1133 : vector<256x1xf32>
    %ge3A_1135 = arith.constant 0.000000e+00 : f32
    %ge3A_1136 = vector.broadcast %ge3A_1135 : f32 to vector<256x1xf32>
    %ge3A_1137 = arith.cmpf oge, %add3A_1134, %ge3A_1136 : vector<256x1xf32>
    %mul3A_1138 = arith.constant 2.000000e-01 : f32
    %mul3A_1139 = vector.broadcast %mul3A_1138 : f32 to vector<256x1xf32>
    %mul3A_1140 = arith.mulf %mul3A_1139, %add3A_1134 : vector<256x1xf32>
    %select_n3A_1141 = arith.select %ge3A_1137, %add3A_1134, %mul3A_1140 : vector<256x1xi1>, vector<256x1xf32>
    %mul3A_1142 = vector.broadcast %select_n3A_1141 : vector<256x1xf32> to vector<256x64xf32>
    %mul3A_1143 = arith.mulf %mul3A_1142, %get3A_17 : vector<256x64xf32>
    %convert_element_type3A_1144 = arith.truncf %get3A_14 : vector<256x256xf32> to vector<256x256xbf16>
    %convert_element_type3A_1145 = arith.truncf %mul3A_1143 : vector<256x64xf32> to vector<256x64xbf16>
    %dot_general3A_1146 = arith.constant dense<0.000000e+00> : vector<256x64xf32>
    %dot_general3A_1147 = tpu.matmul %convert_element_type3A_1144, %convert_element_type3A_1145, %dot_general3A_1146 {dimension_numbers = #tpu.dot_dimension_numbers<[1], [0], [0], [1], [0, 0, 1, 1], [], []>, transpose_lhs_hint = false} : vector<256x256xbf16>, vector<256x64xbf16>, vector<256x64xf32> -> vector<256x64xf32>
    %exp3A_1148 = math.exp %dot_general3A_1147 : vector<256x64xf32>
    %jit3A_1149 = arith.constant 0.000000e+00 : f32
    %broadcast_in_dim3A_1150 = vector.broadcast %jit3A_1149 : f32 to vector<256x64xf32>
    %select_n3A_1151 = arith.select %gt3A_1121, %exp3A_1148, %broadcast_in_dim3A_1150 : vector<256x64xi1>, vector<256x64xf32>
    %reduce_sum3A_1152 = arith.constant dense<0.000000e+00> : vector<256xf32>
    %reduce_sum3A_1153 = vector.multi_reduction <add>, %select_n3A_1151, %reduce_sum3A_1152 [1] : vector<256x64xf32> to vector<256xf32>
    %broadcast_in_dim3A_1154 = vector.shape_cast %reduce_sum3A_1153 : vector<256xf32> to vector<256x1xf32>
    %le3A_1155 = arith.constant 0.000000e+00 : f32
    %le3A_1156 = vector.broadcast %le3A_1155 : f32 to vector<256x1xf32>
    %le3A_1157 = arith.cmpf ole, %broadcast_in_dim3A_1154, %le3A_1156 : vector<256x1xf32>
    %convert_element_type3A_1158 = arith.extui %le3A_1157 : vector<256x1xi1> to vector<256x1xi32>
    %convert_element_type3A_1159 = arith.sitofp %convert_element_type3A_1158 : vector<256x1xi32> to vector<256x1xf32>
    %add3A_1160 = arith.addf %broadcast_in_dim3A_1154, %convert_element_type3A_1159 : vector<256x1xf32>
    %div3A_1161 = vector.broadcast %add3A_1160 : vector<256x1xf32> to vector<256x64xf32>
    %div3A_1162 = arith.divf %select_n3A_1151, %div3A_1161 : vector<256x64xf32>
    %concatenate3A_1163 = tpu.concatenate %div3A_1162, %div3A_1162, %div3A_1162, %div3A_1162 in 1 : vector<256x64xf32>, vector<256x64xf32>, vector<256x64xf32>, vector<256x64xf32> -> vector<256x256xf32>
    %mul3A_1164 = arith.mulf %concatenate3A_1163, %get3A_14 : vector<256x256xf32>
    %convert_element_type3A_1165 = arith.truncf %mul3A_1164 : vector<256x256xf32> to vector<256x256xbf16>
    %convert_element_type3A_1166 = arith.truncf %concatenate3A_1128 : vector<256x128xf32> to vector<256x128xbf16>
    %dot_general3A_1167 = arith.constant dense<0.000000e+00> : vector<256x128xf32>
    %dot_general3A_1168 = tpu.matmul %convert_element_type3A_1165, %convert_element_type3A_1166, %dot_general3A_1167 {dimension_numbers = #tpu.dot_dimension_numbers<[1], [0], [0], [1], [0, 0, 1, 1], [], []>, transpose_lhs_hint = false} : vector<256x256xbf16>, vector<256x128xbf16>, vector<256x128xf32> -> vector<256x128xf32>
    %convert_element_type3A_1169 = arith.truncf %concatenate3A_1128 : vector<256x128xf32> to vector<256x128xbf16>
    %convert_element_type3A_1170 = arith.truncf %get3A_4 : vector<128x1xf32> to vector<128x1xbf16>
    %dot_general3A_1171 = arith.constant dense<0.000000e+00> : vector<256x1xf32>
    %dot_general3A_1172 = tpu.matmul %convert_element_type3A_1169, %convert_element_type3A_1170, %dot_general3A_1171 {dimension_numbers = #tpu.dot_dimension_numbers<[1], [0], [0], [1], [0, 0, 1, 1], [], []>, transpose_lhs_hint = false} : vector<256x128xbf16>, vector<128x1xbf16>, vector<256x1xf32> -> vector<256x1xf32>
    %convert_element_type3A_1173 = arith.truncf %dot_general3A_1168 : vector<256x128xf32> to vector<256x128xbf16>
    %convert_element_type3A_1174 = arith.truncf %get3A_7 : vector<128x1xf32> to vector<128x1xbf16>
    %dot_general3A_1175 = arith.constant dense<0.000000e+00> : vector<256x1xf32>
    %dot_general3A_1176 = tpu.matmul %convert_element_type3A_1173, %convert_element_type3A_1174, %dot_general3A_1175 {dimension_numbers = #tpu.dot_dimension_numbers<[1], [0], [0], [1], [0, 0, 1, 1], [], []>, transpose_lhs_hint = false} : vector<256x128xbf16>, vector<128x1xbf16>, vector<256x1xf32> -> vector<256x1xf32>
    %mul3A_1177 = vector.broadcast %dot_general3A_1172 : vector<256x1xf32> to vector<256x64xf32>
    %mul3A_1178 = arith.mulf %mul3A_1177, %get3A_17 : vector<256x64xf32>
    %convert_element_type3A_1179 = arith.truncf %get3A_14 : vector<256x256xf32> to vector<256x256xbf16>
    %convert_element_type3A_1180 = arith.truncf %mul3A_1178 : vector<256x64xf32> to vector<256x64xbf16>
    %dot_general3A_1181 = arith.constant dense<0.000000e+00> : vector<256x64xf32>
    %dot_general3A_1182 = tpu.matmul %convert_element_type3A_1179, %convert_element_type3A_1180, %dot_general3A_1181 {dimension_numbers = #tpu.dot_dimension_numbers<[1], [0], [0], [1], [0, 0, 1, 1], [], []>, transpose_lhs_hint = false} : vector<256x256xbf16>, vector<256x64xbf16>, vector<256x64xf32> -> vector<256x64xf32>
    %add3A_1183 = vector.broadcast %dot_general3A_1176 : vector<256x1xf32> to vector<256x64xf32>
    %add3A_1184 = arith.addf %dot_general3A_1182, %add3A_1183 : vector<256x64xf32>
    %ge3A_1185 = arith.constant 0.000000e+00 : f32
    %ge3A_1186 = vector.broadcast %ge3A_1185 : f32 to vector<256x64xf32>
    %ge3A_1187 = arith.cmpf oge, %add3A_1184, %ge3A_1186 : vector<256x64xf32>
    %mul3A_1188 = arith.constant 2.000000e-01 : f32
    %mul3A_1189 = vector.broadcast %mul3A_1188 : f32 to vector<256x64xf32>
    %mul3A_1190 = arith.mulf %mul3A_1189, %add3A_1184 : vector<256x64xf32>
    %select_n3A_1191 = arith.select %ge3A_1187, %add3A_1184, %mul3A_1190 : vector<256x64xi1>, vector<256x64xf32>
    %exp3A_1192 = math.exp %select_n3A_1191 : vector<256x64xf32>
    %jit3A_1193 = arith.constant 0.000000e+00 : f32
    %broadcast_in_dim3A_1194 = vector.broadcast %jit3A_1193 : f32 to vector<256x64xf32>
    %select_n3A_1195 = arith.select %gt3A_1121, %exp3A_1192, %broadcast_in_dim3A_1194 : vector<256x64xi1>, vector<256x64xf32>
    %convert_element_type3A_1196 = arith.truncf %get3A_14 : vector<256x256xf32> to vector<256x256xbf16>
    %convert_element_type3A_1197 = arith.truncf %select_n3A_1195 : vector<256x64xf32> to vector<256x64xbf16>
    %dot_general3A_1198 = arith.constant dense<0.000000e+00> : vector<256x64xf32>
    %dot_general3A_1199 = tpu.matmul %convert_element_type3A_1196, %convert_element_type3A_1197, %dot_general3A_1198 {dimension_numbers = #tpu.dot_dimension_numbers<[1], [0], [0], [1], [0, 0, 1, 1], [], []>, transpose_lhs_hint = false} : vector<256x256xbf16>, vector<256x64xbf16>, vector<256x64xf32> -> vector<256x64xf32>
    %gt3A_1200 = arith.constant 0.000000e+00 : f32
    %gt3A_1201 = vector.broadcast %gt3A_1200 : f32 to vector<256x64xf32>
    %gt3A_1202 = arith.cmpf ogt, %dot_general3A_1199, %gt3A_1201 : vector<256x64xf32>
    %div3A_1203 = arith.divf %select_n3A_1195, %dot_general3A_1199 : vector<256x64xf32>
    %jit3A_1204 = arith.constant 2.000000e-02 : f32
    %broadcast_in_dim3A_1205 = vector.broadcast %jit3A_1204 : f32 to vector<256x64xf32>
    %select_n3A_1206 = arith.select %gt3A_1202, %div3A_1203, %broadcast_in_dim3A_1205 : vector<256x64xi1>, vector<256x64xf32>
    %concatenate3A_1207 = tpu.concatenate %select_n3A_1206, %select_n3A_1206, %select_n3A_1206, %select_n3A_1206 in 1 : vector<256x64xf32>, vector<256x64xf32>, vector<256x64xf32>, vector<256x64xf32> -> vector<256x256xf32>
    %mul3A_1208 = arith.mulf %concatenate3A_1207, %get3A_14 : vector<256x256xf32>
    %convert_element_type3A_1209 = arith.truncf %mul3A_1208 : vector<256x256xf32> to vector<256x256xbf16>
    %convert_element_type3A_1210 = arith.truncf %dot_general3A_1168 : vector<256x128xf32> to vector<256x128xbf16>
    %dot_general3A_1211 = arith.constant dense<0.000000e+00> : vector<256x128xf32>
    %dot_general3A_1212 = tpu.matmul %convert_element_type3A_1209, %convert_element_type3A_1210, %dot_general3A_1211 {dimension_numbers = #tpu.dot_dimension_numbers<[0], [0], [1], [1], [0, 1, 1, 1], [], []>, transpose_lhs_hint = false} : vector<256x256xbf16>, vector<256x128xbf16>, vector<256x128xf32> -> vector<256x128xf32>
    %add3A_1213 = arith.addf %dot_general3A_1212, %concatenate3A_1128 : vector<256x128xf32>
    %slice3A_1214 = vector.extract_strided_slice %add3A_1213 {offsets = [0, 0], sizes = [50, 128], strides = [1, 1]} : vector<256x128xf32> to vector<50x128xf32>
    %swap3A_1215 = arith.constant 28 : index
    %swap3A_1216 = arith.constant 0 : index
    %swap3A_1217 = arith.constant 0 : index
    %swap3A_1218 = vector.load %arg10[%swap3A_1215, %swap3A_1216, %swap3A_1217] : memref<64x50x128xf32, #tpu.memory_space<vmem>>, vector<1x50x128xf32>
    %swap3A_1219 = vector.shape_cast %swap3A_1218 : vector<1x50x128xf32> to vector<50x128xf32>
    %swap3A_1220 = vector.shape_cast %slice3A_1214 : vector<50x128xf32> to vector<1x50x128xf32>
    tpu.vector_store %arg10[%swap3A_1215, %swap3A_1216, %swap3A_1217], %swap3A_1220 {strides = array<i32>} : memref<64x50x128xf32, #tpu.memory_space<vmem>>, vector<1x50x128xf32>,
    %slice3A_1221 = vector.extract_strided_slice %add3A_1213 {offsets = [64, 0], sizes = [50, 128], strides = [1, 1]} : vector<256x128xf32> to vector<50x128xf32>
    %swap3A_1222 = arith.constant 29 : index
    %swap3A_1223 = arith.constant 0 : index
    %swap3A_1224 = arith.constant 0 : index
    %swap3A_1225 = vector.load %arg10[%swap3A_1222, %swap3A_1223, %swap3A_1224] : memref<64x50x128xf32, #tpu.memory_space<vmem>>, vector<1x50x128xf32>
    %swap3A_1226 = vector.shape_cast %swap3A_1225 : vector<1x50x128xf32> to vector<50x128xf32>
    %swap3A_1227 = vector.shape_cast %slice3A_1221 : vector<50x128xf32> to vector<1x50x128xf32>
    tpu.vector_store %arg10[%swap3A_1222, %swap3A_1223, %swap3A_1224], %swap3A_1227 {strides = array<i32>} : memref<64x50x128xf32, #tpu.memory_space<vmem>>, vector<1x50x128xf32>,
    %slice3A_1228 = vector.extract_strided_slice %add3A_1213 {offsets = [128, 0], sizes = [50, 128], strides = [1, 1]} : vector<256x128xf32> to vector<50x128xf32>
    %swap3A_1229 = arith.constant 30 : index
    %swap3A_1230 = arith.constant 0 : index
    %swap3A_1231 = arith.constant 0 : index
    %swap3A_1232 = vector.load %arg10[%swap3A_1229, %swap3A_1230, %swap3A_1231] : memref<64x50x128xf32, #tpu.memory_space<vmem>>, vector<1x50x128xf32>
    %swap3A_1233 = vector.shape_cast %swap3A_1232 : vector<1x50x128xf32> to vector<50x128xf32>
    %swap3A_1234 = vector.shape_cast %slice3A_1228 : vector<50x128xf32> to vector<1x50x128xf32>
    tpu.vector_store %arg10[%swap3A_1229, %swap3A_1230, %swap3A_1231], %swap3A_1234 {strides = array<i32>} : memref<64x50x128xf32, #tpu.memory_space<vmem>>, vector<1x50x128xf32>,
    %slice3A_1235 = vector.extract_strided_slice %add3A_1213 {offsets = [192, 0], sizes = [50, 128], strides = [1, 1]} : vector<256x128xf32> to vector<50x128xf32>
    %swap3A_1236 = arith.constant 31 : index
    %swap3A_1237 = arith.constant 0 : index
    %swap3A_1238 = arith.constant 0 : index
    %swap3A_1239 = vector.load %arg10[%swap3A_1236, %swap3A_1237, %swap3A_1238] : memref<64x50x128xf32, #tpu.memory_space<vmem>>, vector<1x50x128xf32>
    %swap3A_1240 = vector.shape_cast %swap3A_1239 : vector<1x50x128xf32> to vector<50x128xf32>
    %swap3A_1241 = vector.shape_cast %slice3A_1235 : vector<50x128xf32> to vector<1x50x128xf32>
    tpu.vector_store %arg10[%swap3A_1236, %swap3A_1237, %swap3A_1238], %swap3A_1241 {strides = array<i32>} : memref<64x50x128xf32, #tpu.memory_space<vmem>>, vector<1x50x128xf32>,
    %get3A_1242 = arith.constant 1600 : index
    %get3A_1243 = arith.constant 0 : index
    %get3A_1244 = vector.load %arg1[%get3A_1242, %get3A_1243] : memref<3200x128xf32, #tpu.memory_space<vmem>>, vector<200x128xf32>
    %get3A_1245 = arith.constant 32 : index
    %get3A_1246 = arith.constant 0 : index
    %get3A_1247 = arith.constant 0 : index
    %get3A_1248 = vector.load %arg3[%get3A_1245, %get3A_1246, %get3A_1247] : memref<64x50x50xf32, #tpu.memory_space<vmem>>, vector<1x50x50xf32>
    %get3A_1249 = vector.shape_cast %get3A_1248 : vector<1x50x50xf32> to vector<50x50xf32>
    %get3A_1250 = arith.constant 33 : index
    %get3A_1251 = arith.constant 0 : index
    %get3A_1252 = arith.constant 0 : index
    %get3A_1253 = vector.load %arg3[%get3A_1250, %get3A_1251, %get3A_1252] : memref<64x50x50xf32, #tpu.memory_space<vmem>>, vector<1x50x50xf32>
    %get3A_1254 = vector.shape_cast %get3A_1253 : vector<1x50x50xf32> to vector<50x50xf32>
    %get3A_1255 = arith.constant 34 : index
    %get3A_1256 = arith.constant 0 : index
    %get3A_1257 = arith.constant 0 : index
    %get3A_1258 = vector.load %arg3[%get3A_1255, %get3A_1256, %get3A_1257] : memref<64x50x50xf32, #tpu.memory_space<vmem>>, vector<1x50x50xf32>
    %get3A_1259 = vector.shape_cast %get3A_1258 : vector<1x50x50xf32> to vector<50x50xf32>
    %get3A_1260 = arith.constant 35 : index
    %get3A_1261 = arith.constant 0 : index
    %get3A_1262 = arith.constant 0 : index
    %get3A_1263 = vector.load %arg3[%get3A_1260, %get3A_1261, %get3A_1262] : memref<64x50x50xf32, #tpu.memory_space<vmem>>, vector<1x50x50xf32>
    %get3A_1264 = vector.shape_cast %get3A_1263 : vector<1x50x50xf32> to vector<50x50xf32>
    %broadcast_in_dim3A_1265 = arith.constant 0.000000e+00 : f32
    %broadcast_in_dim3A_1266 = vector.broadcast %broadcast_in_dim3A_1265 : f32 to vector<50x14xf32>
    %broadcast_in_dim3A_1267 = arith.constant 0.000000e+00 : f32
    %broadcast_in_dim3A_1268 = vector.broadcast %broadcast_in_dim3A_1267 : f32 to vector<14x64xf32>
    %concatenate3A_1269 = tpu.concatenate %get3A_1249, %broadcast_in_dim3A_1266 in 1 : vector<50x50xf32>, vector<50x14xf32> -> vector<50x64xf32>
    %concatenate3A_1270 = tpu.concatenate %get3A_1254, %broadcast_in_dim3A_1266 in 1 : vector<50x50xf32>, vector<50x14xf32> -> vector<50x64xf32>
    %concatenate3A_1271 = tpu.concatenate %get3A_1259, %broadcast_in_dim3A_1266 in 1 : vector<50x50xf32>, vector<50x14xf32> -> vector<50x64xf32>
    %concatenate3A_1272 = tpu.concatenate %get3A_1264, %broadcast_in_dim3A_1266 in 1 : vector<50x50xf32>, vector<50x14xf32> -> vector<50x64xf32>
    %concatenate3A_1273 = tpu.concatenate %concatenate3A_1269, %broadcast_in_dim3A_1268, %concatenate3A_1270, %broadcast_in_dim3A_1268, %concatenate3A_1271, %broadcast_in_dim3A_1268, %concatenate3A_1272, %broadcast_in_dim3A_1268 in 0 : vector<50x64xf32>, vector<14x64xf32>, vector<50x64xf32>, vector<14x64xf32>, vector<50x64xf32>, vector<14x64xf32>, vector<50x64xf32>, vector<14x64xf32> -> vector<256x64xf32>
    %gt3A_1274 = arith.constant 0.000000e+00 : f32
    %gt3A_1275 = vector.broadcast %gt3A_1274 : f32 to vector<256x64xf32>
    %gt3A_1276 = arith.cmpf ogt, %concatenate3A_1273, %gt3A_1275 : vector<256x64xf32>
    %broadcast_in_dim3A_1277 = arith.constant 0.000000e+00 : f32
    %broadcast_in_dim3A_1278 = vector.broadcast %broadcast_in_dim3A_1277 : f32 to vector<14x128xf32>
    %slice3A_1279 = vector.extract_strided_slice %get3A_1244 {offsets = [0, 0], sizes = [50, 128], strides = [1, 1]} : vector<200x128xf32> to vector<50x128xf32>
    %slice3A_1280 = vector.extract_strided_slice %get3A_1244 {offsets = [50, 0], sizes = [50, 128], strides = [1, 1]} : vector<200x128xf32> to vector<50x128xf32>
    %slice3A_1281 = vector.extract_strided_slice %get3A_1244 {offsets = [100, 0], sizes = [50, 128], strides = [1, 1]} : vector<200x128xf32> to vector<50x128xf32>
    %slice3A_1282 = vector.extract_strided_slice %get3A_1244 {offsets = [150, 0], sizes = [50, 128], strides = [1, 1]} : vector<200x128xf32> to vector<50x128xf32>
    %concatenate3A_1283 = tpu.concatenate %slice3A_1279, %broadcast_in_dim3A_1278, %slice3A_1280, %broadcast_in_dim3A_1278, %slice3A_1281, %broadcast_in_dim3A_1278, %slice3A_1282, %broadcast_in_dim3A_1278 in 0 : vector<50x128xf32>, vector<14x128xf32>, vector<50x128xf32>, vector<14x128xf32>, vector<50x128xf32>, vector<14x128xf32>, vector<50x128xf32>, vector<14x128xf32> -> vector<256x128xf32>
    %convert_element_type3A_1284 = arith.truncf %concatenate3A_1283 : vector<256x128xf32> to vector<256x128xbf16>
    %convert_element_type3A_1285 = arith.truncf %get3A_1 : vector<128x1xf32> to vector<128x1xbf16>
    %dot_general3A_1286 = arith.constant dense<0.000000e+00> : vector<256x1xf32>
    %dot_general3A_1287 = tpu.matmul %convert_element_type3A_1284, %convert_element_type3A_1285, %dot_general3A_1286 {dimension_numbers = #tpu.dot_dimension_numbers<[1], [0], [0], [1], [0, 0, 1, 1], [], []>, transpose_lhs_hint = false} : vector<256x128xbf16>, vector<128x1xbf16>, vector<256x1xf32> -> vector<256x1xf32>
    %add3A_1288 = vector.broadcast %get3A_11 : f32 to vector<256x1xf32>
    %add3A_1289 = arith.addf %dot_general3A_1287, %add3A_1288 : vector<256x1xf32>
    %ge3A_1290 = arith.constant 0.000000e+00 : f32
    %ge3A_1291 = vector.broadcast %ge3A_1290 : f32 to vector<256x1xf32>
    %ge3A_1292 = arith.cmpf oge, %add3A_1289, %ge3A_1291 : vector<256x1xf32>
    %mul3A_1293 = arith.constant 2.000000e-01 : f32
    %mul3A_1294 = vector.broadcast %mul3A_1293 : f32 to vector<256x1xf32>
    %mul3A_1295 = arith.mulf %mul3A_1294, %add3A_1289 : vector<256x1xf32>
    %select_n3A_1296 = arith.select %ge3A_1292, %add3A_1289, %mul3A_1295 : vector<256x1xi1>, vector<256x1xf32>
    %mul3A_1297 = vector.broadcast %select_n3A_1296 : vector<256x1xf32> to vector<256x64xf32>
    %mul3A_1298 = arith.mulf %mul3A_1297, %get3A_17 : vector<256x64xf32>
    %convert_element_type3A_1299 = arith.truncf %get3A_14 : vector<256x256xf32> to vector<256x256xbf16>
    %convert_element_type3A_1300 = arith.truncf %mul3A_1298 : vector<256x64xf32> to vector<256x64xbf16>
    %dot_general3A_1301 = arith.constant dense<0.000000e+00> : vector<256x64xf32>
    %dot_general3A_1302 = tpu.matmul %convert_element_type3A_1299, %convert_element_type3A_1300, %dot_general3A_1301 {dimension_numbers = #tpu.dot_dimension_numbers<[1], [0], [0], [1], [0, 0, 1, 1], [], []>, transpose_lhs_hint = false} : vector<256x256xbf16>, vector<256x64xbf16>, vector<256x64xf32> -> vector<256x64xf32>
    %exp3A_1303 = math.exp %dot_general3A_1302 : vector<256x64xf32>
    %jit3A_1304 = arith.constant 0.000000e+00 : f32
    %broadcast_in_dim3A_1305 = vector.broadcast %jit3A_1304 : f32 to vector<256x64xf32>
    %select_n3A_1306 = arith.select %gt3A_1276, %exp3A_1303, %broadcast_in_dim3A_1305 : vector<256x64xi1>, vector<256x64xf32>
    %reduce_sum3A_1307 = arith.constant dense<0.000000e+00> : vector<256xf32>
    %reduce_sum3A_1308 = vector.multi_reduction <add>, %select_n3A_1306, %reduce_sum3A_1307 [1] : vector<256x64xf32> to vector<256xf32>
    %broadcast_in_dim3A_1309 = vector.shape_cast %reduce_sum3A_1308 : vector<256xf32> to vector<256x1xf32>
    %le3A_1310 = arith.constant 0.000000e+00 : f32
    %le3A_1311 = vector.broadcast %le3A_1310 : f32 to vector<256x1xf32>
    %le3A_1312 = arith.cmpf ole, %broadcast_in_dim3A_1309, %le3A_1311 : vector<256x1xf32>
    %convert_element_type3A_1313 = arith.extui %le3A_1312 : vector<256x1xi1> to vector<256x1xi32>
    %convert_element_type3A_1314 = arith.sitofp %convert_element_type3A_1313 : vector<256x1xi32> to vector<256x1xf32>
    %add3A_1315 = arith.addf %broadcast_in_dim3A_1309, %convert_element_type3A_1314 : vector<256x1xf32>
    %div3A_1316 = vector.broadcast %add3A_1315 : vector<256x1xf32> to vector<256x64xf32>
    %div3A_1317 = arith.divf %select_n3A_1306, %div3A_1316 : vector<256x64xf32>
    %concatenate3A_1318 = tpu.concatenate %div3A_1317, %div3A_1317, %div3A_1317, %div3A_1317 in 1 : vector<256x64xf32>, vector<256x64xf32>, vector<256x64xf32>, vector<256x64xf32> -> vector<256x256xf32>
    %mul3A_1319 = arith.mulf %concatenate3A_1318, %get3A_14 : vector<256x256xf32>
    %convert_element_type3A_1320 = arith.truncf %mul3A_1319 : vector<256x256xf32> to vector<256x256xbf16>
    %convert_element_type3A_1321 = arith.truncf %concatenate3A_1283 : vector<256x128xf32> to vector<256x128xbf16>
    %dot_general3A_1322 = arith.constant dense<0.000000e+00> : vector<256x128xf32>
    %dot_general3A_1323 = tpu.matmul %convert_element_type3A_1320, %convert_element_type3A_1321, %dot_general3A_1322 {dimension_numbers = #tpu.dot_dimension_numbers<[1], [0], [0], [1], [0, 0, 1, 1], [], []>, transpose_lhs_hint = false} : vector<256x256xbf16>, vector<256x128xbf16>, vector<256x128xf32> -> vector<256x128xf32>
    %convert_element_type3A_1324 = arith.truncf %concatenate3A_1283 : vector<256x128xf32> to vector<256x128xbf16>
    %convert_element_type3A_1325 = arith.truncf %get3A_4 : vector<128x1xf32> to vector<128x1xbf16>
    %dot_general3A_1326 = arith.constant dense<0.000000e+00> : vector<256x1xf32>
    %dot_general3A_1327 = tpu.matmul %convert_element_type3A_1324, %convert_element_type3A_1325, %dot_general3A_1326 {dimension_numbers = #tpu.dot_dimension_numbers<[1], [0], [0], [1], [0, 0, 1, 1], [], []>, transpose_lhs_hint = false} : vector<256x128xbf16>, vector<128x1xbf16>, vector<256x1xf32> -> vector<256x1xf32>
    %convert_element_type3A_1328 = arith.truncf %dot_general3A_1323 : vector<256x128xf32> to vector<256x128xbf16>
    %convert_element_type3A_1329 = arith.truncf %get3A_7 : vector<128x1xf32> to vector<128x1xbf16>
    %dot_general3A_1330 = arith.constant dense<0.000000e+00> : vector<256x1xf32>
    %dot_general3A_1331 = tpu.matmul %convert_element_type3A_1328, %convert_element_type3A_1329, %dot_general3A_1330 {dimension_numbers = #tpu.dot_dimension_numbers<[1], [0], [0], [1], [0, 0, 1, 1], [], []>, transpose_lhs_hint = false} : vector<256x128xbf16>, vector<128x1xbf16>, vector<256x1xf32> -> vector<256x1xf32>
    %mul3A_1332 = vector.broadcast %dot_general3A_1327 : vector<256x1xf32> to vector<256x64xf32>
    %mul3A_1333 = arith.mulf %mul3A_1332, %get3A_17 : vector<256x64xf32>
    %convert_element_type3A_1334 = arith.truncf %get3A_14 : vector<256x256xf32> to vector<256x256xbf16>
    %convert_element_type3A_1335 = arith.truncf %mul3A_1333 : vector<256x64xf32> to vector<256x64xbf16>
    %dot_general3A_1336 = arith.constant dense<0.000000e+00> : vector<256x64xf32>
    %dot_general3A_1337 = tpu.matmul %convert_element_type3A_1334, %convert_element_type3A_1335, %dot_general3A_1336 {dimension_numbers = #tpu.dot_dimension_numbers<[1], [0], [0], [1], [0, 0, 1, 1], [], []>, transpose_lhs_hint = false} : vector<256x256xbf16>, vector<256x64xbf16>, vector<256x64xf32> -> vector<256x64xf32>
    %add3A_1338 = vector.broadcast %dot_general3A_1331 : vector<256x1xf32> to vector<256x64xf32>
    %add3A_1339 = arith.addf %dot_general3A_1337, %add3A_1338 : vector<256x64xf32>
    %ge3A_1340 = arith.constant 0.000000e+00 : f32
    %ge3A_1341 = vector.broadcast %ge3A_1340 : f32 to vector<256x64xf32>
    %ge3A_1342 = arith.cmpf oge, %add3A_1339, %ge3A_1341 : vector<256x64xf32>
    %mul3A_1343 = arith.constant 2.000000e-01 : f32
    %mul3A_1344 = vector.broadcast %mul3A_1343 : f32 to vector<256x64xf32>
    %mul3A_1345 = arith.mulf %mul3A_1344, %add3A_1339 : vector<256x64xf32>
    %select_n3A_1346 = arith.select %ge3A_1342, %add3A_1339, %mul3A_1345 : vector<256x64xi1>, vector<256x64xf32>
    %exp3A_1347 = math.exp %select_n3A_1346 : vector<256x64xf32>
    %jit3A_1348 = arith.constant 0.000000e+00 : f32
    %broadcast_in_dim3A_1349 = vector.broadcast %jit3A_1348 : f32 to vector<256x64xf32>
    %select_n3A_1350 = arith.select %gt3A_1276, %exp3A_1347, %broadcast_in_dim3A_1349 : vector<256x64xi1>, vector<256x64xf32>
    %convert_element_type3A_1351 = arith.truncf %get3A_14 : vector<256x256xf32> to vector<256x256xbf16>
    %convert_element_type3A_1352 = arith.truncf %select_n3A_1350 : vector<256x64xf32> to vector<256x64xbf16>
    %dot_general3A_1353 = arith.constant dense<0.000000e+00> : vector<256x64xf32>
    %dot_general3A_1354 = tpu.matmul %convert_element_type3A_1351, %convert_element_type3A_1352, %dot_general3A_1353 {dimension_numbers = #tpu.dot_dimension_numbers<[1], [0], [0], [1], [0, 0, 1, 1], [], []>, transpose_lhs_hint = false} : vector<256x256xbf16>, vector<256x64xbf16>, vector<256x64xf32> -> vector<256x64xf32>
    %gt3A_1355 = arith.constant 0.000000e+00 : f32
    %gt3A_1356 = vector.broadcast %gt3A_1355 : f32 to vector<256x64xf32>
    %gt3A_1357 = arith.cmpf ogt, %dot_general3A_1354, %gt3A_1356 : vector<256x64xf32>
    %div3A_1358 = arith.divf %select_n3A_1350, %dot_general3A_1354 : vector<256x64xf32>
    %jit3A_1359 = arith.constant 2.000000e-02 : f32
    %broadcast_in_dim3A_1360 = vector.broadcast %jit3A_1359 : f32 to vector<256x64xf32>
    %select_n3A_1361 = arith.select %gt3A_1357, %div3A_1358, %broadcast_in_dim3A_1360 : vector<256x64xi1>, vector<256x64xf32>
    %concatenate3A_1362 = tpu.concatenate %select_n3A_1361, %select_n3A_1361, %select_n3A_1361, %select_n3A_1361 in 1 : vector<256x64xf32>, vector<256x64xf32>, vector<256x64xf32>, vector<256x64xf32> -> vector<256x256xf32>
    %mul3A_1363 = arith.mulf %concatenate3A_1362, %get3A_14 : vector<256x256xf32>
    %convert_element_type3A_1364 = arith.truncf %mul3A_1363 : vector<256x256xf32> to vector<256x256xbf16>
    %convert_element_type3A_1365 = arith.truncf %dot_general3A_1323 : vector<256x128xf32> to vector<256x128xbf16>
    %dot_general3A_1366 = arith.constant dense<0.000000e+00> : vector<256x128xf32>
    %dot_general3A_1367 = tpu.matmul %convert_element_type3A_1364, %convert_element_type3A_1365, %dot_general3A_1366 {dimension_numbers = #tpu.dot_dimension_numbers<[0], [0], [1], [1], [0, 1, 1, 1], [], []>, transpose_lhs_hint = false} : vector<256x256xbf16>, vector<256x128xbf16>, vector<256x128xf32> -> vector<256x128xf32>
    %add3A_1368 = arith.addf %dot_general3A_1367, %concatenate3A_1283 : vector<256x128xf32>
    %slice3A_1369 = vector.extract_strided_slice %add3A_1368 {offsets = [0, 0], sizes = [50, 128], strides = [1, 1]} : vector<256x128xf32> to vector<50x128xf32>
    %swap3A_1370 = arith.constant 32 : index
    %swap3A_1371 = arith.constant 0 : index
    %swap3A_1372 = arith.constant 0 : index
    %swap3A_1373 = vector.load %arg10[%swap3A_1370, %swap3A_1371, %swap3A_1372] : memref<64x50x128xf32, #tpu.memory_space<vmem>>, vector<1x50x128xf32>
    %swap3A_1374 = vector.shape_cast %swap3A_1373 : vector<1x50x128xf32> to vector<50x128xf32>
    %swap3A_1375 = vector.shape_cast %slice3A_1369 : vector<50x128xf32> to vector<1x50x128xf32>
    tpu.vector_store %arg10[%swap3A_1370, %swap3A_1371, %swap3A_1372], %swap3A_1375 {strides = array<i32>} : memref<64x50x128xf32, #tpu.memory_space<vmem>>, vector<1x50x128xf32>,
    %slice3A_1376 = vector.extract_strided_slice %add3A_1368 {offsets = [64, 0], sizes = [50, 128], strides = [1, 1]} : vector<256x128xf32> to vector<50x128xf32>
    %swap3A_1377 = arith.constant 33 : index
    %swap3A_1378 = arith.constant 0 : index
    %swap3A_1379 = arith.constant 0 : index
    %swap3A_1380 = vector.load %arg10[%swap3A_1377, %swap3A_1378, %swap3A_1379] : memref<64x50x128xf32, #tpu.memory_space<vmem>>, vector<1x50x128xf32>
    %swap3A_1381 = vector.shape_cast %swap3A_1380 : vector<1x50x128xf32> to vector<50x128xf32>
    %swap3A_1382 = vector.shape_cast %slice3A_1376 : vector<50x128xf32> to vector<1x50x128xf32>
    tpu.vector_store %arg10[%swap3A_1377, %swap3A_1378, %swap3A_1379], %swap3A_1382 {strides = array<i32>} : memref<64x50x128xf32, #tpu.memory_space<vmem>>, vector<1x50x128xf32>,
    %slice3A_1383 = vector.extract_strided_slice %add3A_1368 {offsets = [128, 0], sizes = [50, 128], strides = [1, 1]} : vector<256x128xf32> to vector<50x128xf32>
    %swap3A_1384 = arith.constant 34 : index
    %swap3A_1385 = arith.constant 0 : index
    %swap3A_1386 = arith.constant 0 : index
    %swap3A_1387 = vector.load %arg10[%swap3A_1384, %swap3A_1385, %swap3A_1386] : memref<64x50x128xf32, #tpu.memory_space<vmem>>, vector<1x50x128xf32>
    %swap3A_1388 = vector.shape_cast %swap3A_1387 : vector<1x50x128xf32> to vector<50x128xf32>
    %swap3A_1389 = vector.shape_cast %slice3A_1383 : vector<50x128xf32> to vector<1x50x128xf32>
    tpu.vector_store %arg10[%swap3A_1384, %swap3A_1385, %swap3A_1386], %swap3A_1389 {strides = array<i32>} : memref<64x50x128xf32, #tpu.memory_space<vmem>>, vector<1x50x128xf32>,
    %slice3A_1390 = vector.extract_strided_slice %add3A_1368 {offsets = [192, 0], sizes = [50, 128], strides = [1, 1]} : vector<256x128xf32> to vector<50x128xf32>
    %swap3A_1391 = arith.constant 35 : index
    %swap3A_1392 = arith.constant 0 : index
    %swap3A_1393 = arith.constant 0 : index
    %swap3A_1394 = vector.load %arg10[%swap3A_1391, %swap3A_1392, %swap3A_1393] : memref<64x50x128xf32, #tpu.memory_space<vmem>>, vector<1x50x128xf32>
    %swap3A_1395 = vector.shape_cast %swap3A_1394 : vector<1x50x128xf32> to vector<50x128xf32>
    %swap3A_1396 = vector.shape_cast %slice3A_1390 : vector<50x128xf32> to vector<1x50x128xf32>
    tpu.vector_store %arg10[%swap3A_1391, %swap3A_1392, %swap3A_1393], %swap3A_1396 {strides = array<i32>} : memref<64x50x128xf32, #tpu.memory_space<vmem>>, vector<1x50x128xf32>,
    %get3A_1397 = arith.constant 1800 : index
    %get3A_1398 = arith.constant 0 : index
    %get3A_1399 = vector.load %arg1[%get3A_1397, %get3A_1398] : memref<3200x128xf32, #tpu.memory_space<vmem>>, vector<200x128xf32>
    %get3A_1400 = arith.constant 36 : index
    %get3A_1401 = arith.constant 0 : index
    %get3A_1402 = arith.constant 0 : index
    %get3A_1403 = vector.load %arg3[%get3A_1400, %get3A_1401, %get3A_1402] : memref<64x50x50xf32, #tpu.memory_space<vmem>>, vector<1x50x50xf32>
    %get3A_1404 = vector.shape_cast %get3A_1403 : vector<1x50x50xf32> to vector<50x50xf32>
    %get3A_1405 = arith.constant 37 : index
    %get3A_1406 = arith.constant 0 : index
    %get3A_1407 = arith.constant 0 : index
    %get3A_1408 = vector.load %arg3[%get3A_1405, %get3A_1406, %get3A_1407] : memref<64x50x50xf32, #tpu.memory_space<vmem>>, vector<1x50x50xf32>
    %get3A_1409 = vector.shape_cast %get3A_1408 : vector<1x50x50xf32> to vector<50x50xf32>
    %get3A_1410 = arith.constant 38 : index
    %get3A_1411 = arith.constant 0 : index
    %get3A_1412 = arith.constant 0 : index
    %get3A_1413 = vector.load %arg3[%get3A_1410, %get3A_1411, %get3A_1412] : memref<64x50x50xf32, #tpu.memory_space<vmem>>, vector<1x50x50xf32>
    %get3A_1414 = vector.shape_cast %get3A_1413 : vector<1x50x50xf32> to vector<50x50xf32>
    %get3A_1415 = arith.constant 39 : index
    %get3A_1416 = arith.constant 0 : index
    %get3A_1417 = arith.constant 0 : index
    %get3A_1418 = vector.load %arg3[%get3A_1415, %get3A_1416, %get3A_1417] : memref<64x50x50xf32, #tpu.memory_space<vmem>>, vector<1x50x50xf32>
    %get3A_1419 = vector.shape_cast %get3A_1418 : vector<1x50x50xf32> to vector<50x50xf32>
    %broadcast_in_dim3A_1420 = arith.constant 0.000000e+00 : f32
    %broadcast_in_dim3A_1421 = vector.broadcast %broadcast_in_dim3A_1420 : f32 to vector<50x14xf32>
    %broadcast_in_dim3A_1422 = arith.constant 0.000000e+00 : f32
    %broadcast_in_dim3A_1423 = vector.broadcast %broadcast_in_dim3A_1422 : f32 to vector<14x64xf32>
    %concatenate3A_1424 = tpu.concatenate %get3A_1404, %broadcast_in_dim3A_1421 in 1 : vector<50x50xf32>, vector<50x14xf32> -> vector<50x64xf32>
    %concatenate3A_1425 = tpu.concatenate %get3A_1409, %broadcast_in_dim3A_1421 in 1 : vector<50x50xf32>, vector<50x14xf32> -> vector<50x64xf32>
    %concatenate3A_1426 = tpu.concatenate %get3A_1414, %broadcast_in_dim3A_1421 in 1 : vector<50x50xf32>, vector<50x14xf32> -> vector<50x64xf32>
    %concatenate3A_1427 = tpu.concatenate %get3A_1419, %broadcast_in_dim3A_1421 in 1 : vector<50x50xf32>, vector<50x14xf32> -> vector<50x64xf32>
    %concatenate3A_1428 = tpu.concatenate %concatenate3A_1424, %broadcast_in_dim3A_1423, %concatenate3A_1425, %broadcast_in_dim3A_1423, %concatenate3A_1426, %broadcast_in_dim3A_1423, %concatenate3A_1427, %broadcast_in_dim3A_1423 in 0 : vector<50x64xf32>, vector<14x64xf32>, vector<50x64xf32>, vector<14x64xf32>, vector<50x64xf32>, vector<14x64xf32>, vector<50x64xf32>, vector<14x64xf32> -> vector<256x64xf32>
    %gt3A_1429 = arith.constant 0.000000e+00 : f32
    %gt3A_1430 = vector.broadcast %gt3A_1429 : f32 to vector<256x64xf32>
    %gt3A_1431 = arith.cmpf ogt, %concatenate3A_1428, %gt3A_1430 : vector<256x64xf32>
    %broadcast_in_dim3A_1432 = arith.constant 0.000000e+00 : f32
    %broadcast_in_dim3A_1433 = vector.broadcast %broadcast_in_dim3A_1432 : f32 to vector<14x128xf32>
    %slice3A_1434 = vector.extract_strided_slice %get3A_1399 {offsets = [0, 0], sizes = [50, 128], strides = [1, 1]} : vector<200x128xf32> to vector<50x128xf32>
    %slice3A_1435 = vector.extract_strided_slice %get3A_1399 {offsets = [50, 0], sizes = [50, 128], strides = [1, 1]} : vector<200x128xf32> to vector<50x128xf32>
    %slice3A_1436 = vector.extract_strided_slice %get3A_1399 {offsets = [100, 0], sizes = [50, 128], strides = [1, 1]} : vector<200x128xf32> to vector<50x128xf32>
    %slice3A_1437 = vector.extract_strided_slice %get3A_1399 {offsets = [150, 0], sizes = [50, 128], strides = [1, 1]} : vector<200x128xf32> to vector<50x128xf32>
    %concatenate3A_1438 = tpu.concatenate %slice3A_1434, %broadcast_in_dim3A_1433, %slice3A_1435, %broadcast_in_dim3A_1433, %slice3A_1436, %broadcast_in_dim3A_1433, %slice3A_1437, %broadcast_in_dim3A_1433 in 0 : vector<50x128xf32>, vector<14x128xf32>, vector<50x128xf32>, vector<14x128xf32>, vector<50x128xf32>, vector<14x128xf32>, vector<50x128xf32>, vector<14x128xf32> -> vector<256x128xf32>
    %convert_element_type3A_1439 = arith.truncf %concatenate3A_1438 : vector<256x128xf32> to vector<256x128xbf16>
    %convert_element_type3A_1440 = arith.truncf %get3A_1 : vector<128x1xf32> to vector<128x1xbf16>
    %dot_general3A_1441 = arith.constant dense<0.000000e+00> : vector<256x1xf32>
    %dot_general3A_1442 = tpu.matmul %convert_element_type3A_1439, %convert_element_type3A_1440, %dot_general3A_1441 {dimension_numbers = #tpu.dot_dimension_numbers<[1], [0], [0], [1], [0, 0, 1, 1], [], []>, transpose_lhs_hint = false} : vector<256x128xbf16>, vector<128x1xbf16>, vector<256x1xf32> -> vector<256x1xf32>
    %add3A_1443 = vector.broadcast %get3A_11 : f32 to vector<256x1xf32>
    %add3A_1444 = arith.addf %dot_general3A_1442, %add3A_1443 : vector<256x1xf32>
    %ge3A_1445 = arith.constant 0.000000e+00 : f32
    %ge3A_1446 = vector.broadcast %ge3A_1445 : f32 to vector<256x1xf32>
    %ge3A_1447 = arith.cmpf oge, %add3A_1444, %ge3A_1446 : vector<256x1xf32>
    %mul3A_1448 = arith.constant 2.000000e-01 : f32
    %mul3A_1449 = vector.broadcast %mul3A_1448 : f32 to vector<256x1xf32>
    %mul3A_1450 = arith.mulf %mul3A_1449, %add3A_1444 : vector<256x1xf32>
    %select_n3A_1451 = arith.select %ge3A_1447, %add3A_1444, %mul3A_1450 : vector<256x1xi1>, vector<256x1xf32>
    %mul3A_1452 = vector.broadcast %select_n3A_1451 : vector<256x1xf32> to vector<256x64xf32>
    %mul3A_1453 = arith.mulf %mul3A_1452, %get3A_17 : vector<256x64xf32>
    %convert_element_type3A_1454 = arith.truncf %get3A_14 : vector<256x256xf32> to vector<256x256xbf16>
    %convert_element_type3A_1455 = arith.truncf %mul3A_1453 : vector<256x64xf32> to vector<256x64xbf16>
    %dot_general3A_1456 = arith.constant dense<0.000000e+00> : vector<256x64xf32>
    %dot_general3A_1457 = tpu.matmul %convert_element_type3A_1454, %convert_element_type3A_1455, %dot_general3A_1456 {dimension_numbers = #tpu.dot_dimension_numbers<[1], [0], [0], [1], [0, 0, 1, 1], [], []>, transpose_lhs_hint = false} : vector<256x256xbf16>, vector<256x64xbf16>, vector<256x64xf32> -> vector<256x64xf32>
    %exp3A_1458 = math.exp %dot_general3A_1457 : vector<256x64xf32>
    %jit3A_1459 = arith.constant 0.000000e+00 : f32
    %broadcast_in_dim3A_1460 = vector.broadcast %jit3A_1459 : f32 to vector<256x64xf32>
    %select_n3A_1461 = arith.select %gt3A_1431, %exp3A_1458, %broadcast_in_dim3A_1460 : vector<256x64xi1>, vector<256x64xf32>
    %reduce_sum3A_1462 = arith.constant dense<0.000000e+00> : vector<256xf32>
    %reduce_sum3A_1463 = vector.multi_reduction <add>, %select_n3A_1461, %reduce_sum3A_1462 [1] : vector<256x64xf32> to vector<256xf32>
    %broadcast_in_dim3A_1464 = vector.shape_cast %reduce_sum3A_1463 : vector<256xf32> to vector<256x1xf32>
    %le3A_1465 = arith.constant 0.000000e+00 : f32
    %le3A_1466 = vector.broadcast %le3A_1465 : f32 to vector<256x1xf32>
    %le3A_1467 = arith.cmpf ole, %broadcast_in_dim3A_1464, %le3A_1466 : vector<256x1xf32>
    %convert_element_type3A_1468 = arith.extui %le3A_1467 : vector<256x1xi1> to vector<256x1xi32>
    %convert_element_type3A_1469 = arith.sitofp %convert_element_type3A_1468 : vector<256x1xi32> to vector<256x1xf32>
    %add3A_1470 = arith.addf %broadcast_in_dim3A_1464, %convert_element_type3A_1469 : vector<256x1xf32>
    %div3A_1471 = vector.broadcast %add3A_1470 : vector<256x1xf32> to vector<256x64xf32>
    %div3A_1472 = arith.divf %select_n3A_1461, %div3A_1471 : vector<256x64xf32>
    %concatenate3A_1473 = tpu.concatenate %div3A_1472, %div3A_1472, %div3A_1472, %div3A_1472 in 1 : vector<256x64xf32>, vector<256x64xf32>, vector<256x64xf32>, vector<256x64xf32> -> vector<256x256xf32>
    %mul3A_1474 = arith.mulf %concatenate3A_1473, %get3A_14 : vector<256x256xf32>
    %convert_element_type3A_1475 = arith.truncf %mul3A_1474 : vector<256x256xf32> to vector<256x256xbf16>
    %convert_element_type3A_1476 = arith.truncf %concatenate3A_1438 : vector<256x128xf32> to vector<256x128xbf16>
    %dot_general3A_1477 = arith.constant dense<0.000000e+00> : vector<256x128xf32>
    %dot_general3A_1478 = tpu.matmul %convert_element_type3A_1475, %convert_element_type3A_1476, %dot_general3A_1477 {dimension_numbers = #tpu.dot_dimension_numbers<[1], [0], [0], [1], [0, 0, 1, 1], [], []>, transpose_lhs_hint = false} : vector<256x256xbf16>, vector<256x128xbf16>, vector<256x128xf32> -> vector<256x128xf32>
    %convert_element_type3A_1479 = arith.truncf %concatenate3A_1438 : vector<256x128xf32> to vector<256x128xbf16>
    %convert_element_type3A_1480 = arith.truncf %get3A_4 : vector<128x1xf32> to vector<128x1xbf16>
    %dot_general3A_1481 = arith.constant dense<0.000000e+00> : vector<256x1xf32>
    %dot_general3A_1482 = tpu.matmul %convert_element_type3A_1479, %convert_element_type3A_1480, %dot_general3A_1481 {dimension_numbers = #tpu.dot_dimension_numbers<[1], [0], [0], [1], [0, 0, 1, 1], [], []>, transpose_lhs_hint = false} : vector<256x128xbf16>, vector<128x1xbf16>, vector<256x1xf32> -> vector<256x1xf32>
    %convert_element_type3A_1483 = arith.truncf %dot_general3A_1478 : vector<256x128xf32> to vector<256x128xbf16>
    %convert_element_type3A_1484 = arith.truncf %get3A_7 : vector<128x1xf32> to vector<128x1xbf16>
    %dot_general3A_1485 = arith.constant dense<0.000000e+00> : vector<256x1xf32>
    %dot_general3A_1486 = tpu.matmul %convert_element_type3A_1483, %convert_element_type3A_1484, %dot_general3A_1485 {dimension_numbers = #tpu.dot_dimension_numbers<[1], [0], [0], [1], [0, 0, 1, 1], [], []>, transpose_lhs_hint = false} : vector<256x128xbf16>, vector<128x1xbf16>, vector<256x1xf32> -> vector<256x1xf32>
    %mul3A_1487 = vector.broadcast %dot_general3A_1482 : vector<256x1xf32> to vector<256x64xf32>
    %mul3A_1488 = arith.mulf %mul3A_1487, %get3A_17 : vector<256x64xf32>
    %convert_element_type3A_1489 = arith.truncf %get3A_14 : vector<256x256xf32> to vector<256x256xbf16>
    %convert_element_type3A_1490 = arith.truncf %mul3A_1488 : vector<256x64xf32> to vector<256x64xbf16>
    %dot_general3A_1491 = arith.constant dense<0.000000e+00> : vector<256x64xf32>
    %dot_general3A_1492 = tpu.matmul %convert_element_type3A_1489, %convert_element_type3A_1490, %dot_general3A_1491 {dimension_numbers = #tpu.dot_dimension_numbers<[1], [0], [0], [1], [0, 0, 1, 1], [], []>, transpose_lhs_hint = false} : vector<256x256xbf16>, vector<256x64xbf16>, vector<256x64xf32> -> vector<256x64xf32>
    %add3A_1493 = vector.broadcast %dot_general3A_1486 : vector<256x1xf32> to vector<256x64xf32>
    %add3A_1494 = arith.addf %dot_general3A_1492, %add3A_1493 : vector<256x64xf32>
    %ge3A_1495 = arith.constant 0.000000e+00 : f32
    %ge3A_1496 = vector.broadcast %ge3A_1495 : f32 to vector<256x64xf32>
    %ge3A_1497 = arith.cmpf oge, %add3A_1494, %ge3A_1496 : vector<256x64xf32>
    %mul3A_1498 = arith.constant 2.000000e-01 : f32
    %mul3A_1499 = vector.broadcast %mul3A_1498 : f32 to vector<256x64xf32>
    %mul3A_1500 = arith.mulf %mul3A_1499, %add3A_1494 : vector<256x64xf32>
    %select_n3A_1501 = arith.select %ge3A_1497, %add3A_1494, %mul3A_1500 : vector<256x64xi1>, vector<256x64xf32>
    %exp3A_1502 = math.exp %select_n3A_1501 : vector<256x64xf32>
    %jit3A_1503 = arith.constant 0.000000e+00 : f32
    %broadcast_in_dim3A_1504 = vector.broadcast %jit3A_1503 : f32 to vector<256x64xf32>
    %select_n3A_1505 = arith.select %gt3A_1431, %exp3A_1502, %broadcast_in_dim3A_1504 : vector<256x64xi1>, vector<256x64xf32>
    %convert_element_type3A_1506 = arith.truncf %get3A_14 : vector<256x256xf32> to vector<256x256xbf16>
    %convert_element_type3A_1507 = arith.truncf %select_n3A_1505 : vector<256x64xf32> to vector<256x64xbf16>
    %dot_general3A_1508 = arith.constant dense<0.000000e+00> : vector<256x64xf32>
    %dot_general3A_1509 = tpu.matmul %convert_element_type3A_1506, %convert_element_type3A_1507, %dot_general3A_1508 {dimension_numbers = #tpu.dot_dimension_numbers<[1], [0], [0], [1], [0, 0, 1, 1], [], []>, transpose_lhs_hint = false} : vector<256x256xbf16>, vector<256x64xbf16>, vector<256x64xf32> -> vector<256x64xf32>
    %gt3A_1510 = arith.constant 0.000000e+00 : f32
    %gt3A_1511 = vector.broadcast %gt3A_1510 : f32 to vector<256x64xf32>
    %gt3A_1512 = arith.cmpf ogt, %dot_general3A_1509, %gt3A_1511 : vector<256x64xf32>
    %div3A_1513 = arith.divf %select_n3A_1505, %dot_general3A_1509 : vector<256x64xf32>
    %jit3A_1514 = arith.constant 2.000000e-02 : f32
    %broadcast_in_dim3A_1515 = vector.broadcast %jit3A_1514 : f32 to vector<256x64xf32>
    %select_n3A_1516 = arith.select %gt3A_1512, %div3A_1513, %broadcast_in_dim3A_1515 : vector<256x64xi1>, vector<256x64xf32>
    %concatenate3A_1517 = tpu.concatenate %select_n3A_1516, %select_n3A_1516, %select_n3A_1516, %select_n3A_1516 in 1 : vector<256x64xf32>, vector<256x64xf32>, vector<256x64xf32>, vector<256x64xf32> -> vector<256x256xf32>
    %mul3A_1518 = arith.mulf %concatenate3A_1517, %get3A_14 : vector<256x256xf32>
    %convert_element_type3A_1519 = arith.truncf %mul3A_1518 : vector<256x256xf32> to vector<256x256xbf16>
    %convert_element_type3A_1520 = arith.truncf %dot_general3A_1478 : vector<256x128xf32> to vector<256x128xbf16>
    %dot_general3A_1521 = arith.constant dense<0.000000e+00> : vector<256x128xf32>
    %dot_general3A_1522 = tpu.matmul %convert_element_type3A_1519, %convert_element_type3A_1520, %dot_general3A_1521 {dimension_numbers = #tpu.dot_dimension_numbers<[0], [0], [1], [1], [0, 1, 1, 1], [], []>, transpose_lhs_hint = false} : vector<256x256xbf16>, vector<256x128xbf16>, vector<256x128xf32> -> vector<256x128xf32>
    %add3A_1523 = arith.addf %dot_general3A_1522, %concatenate3A_1438 : vector<256x128xf32>
    %slice3A_1524 = vector.extract_strided_slice %add3A_1523 {offsets = [0, 0], sizes = [50, 128], strides = [1, 1]} : vector<256x128xf32> to vector<50x128xf32>
    %swap3A_1525 = arith.constant 36 : index
    %swap3A_1526 = arith.constant 0 : index
    %swap3A_1527 = arith.constant 0 : index
    %swap3A_1528 = vector.load %arg10[%swap3A_1525, %swap3A_1526, %swap3A_1527] : memref<64x50x128xf32, #tpu.memory_space<vmem>>, vector<1x50x128xf32>
    %swap3A_1529 = vector.shape_cast %swap3A_1528 : vector<1x50x128xf32> to vector<50x128xf32>
    %swap3A_1530 = vector.shape_cast %slice3A_1524 : vector<50x128xf32> to vector<1x50x128xf32>
    tpu.vector_store %arg10[%swap3A_1525, %swap3A_1526, %swap3A_1527], %swap3A_1530 {strides = array<i32>} : memref<64x50x128xf32, #tpu.memory_space<vmem>>, vector<1x50x128xf32>,
    %slice3A_1531 = vector.extract_strided_slice %add3A_1523 {offsets = [64, 0], sizes = [50, 128], strides = [1, 1]} : vector<256x128xf32> to vector<50x128xf32>
    %swap3A_1532 = arith.constant 37 : index
    %swap3A_1533 = arith.constant 0 : index
    %swap3A_1534 = arith.constant 0 : index
    %swap3A_1535 = vector.load %arg10[%swap3A_1532, %swap3A_1533, %swap3A_1534] : memref<64x50x128xf32, #tpu.memory_space<vmem>>, vector<1x50x128xf32>
    %swap3A_1536 = vector.shape_cast %swap3A_1535 : vector<1x50x128xf32> to vector<50x128xf32>
    %swap3A_1537 = vector.shape_cast %slice3A_1531 : vector<50x128xf32> to vector<1x50x128xf32>
    tpu.vector_store %arg10[%swap3A_1532, %swap3A_1533, %swap3A_1534], %swap3A_1537 {strides = array<i32>} : memref<64x50x128xf32, #tpu.memory_space<vmem>>, vector<1x50x128xf32>,
    %slice3A_1538 = vector.extract_strided_slice %add3A_1523 {offsets = [128, 0], sizes = [50, 128], strides = [1, 1]} : vector<256x128xf32> to vector<50x128xf32>
    %swap3A_1539 = arith.constant 38 : index
    %swap3A_1540 = arith.constant 0 : index
    %swap3A_1541 = arith.constant 0 : index
    %swap3A_1542 = vector.load %arg10[%swap3A_1539, %swap3A_1540, %swap3A_1541] : memref<64x50x128xf32, #tpu.memory_space<vmem>>, vector<1x50x128xf32>
    %swap3A_1543 = vector.shape_cast %swap3A_1542 : vector<1x50x128xf32> to vector<50x128xf32>
    %swap3A_1544 = vector.shape_cast %slice3A_1538 : vector<50x128xf32> to vector<1x50x128xf32>
    tpu.vector_store %arg10[%swap3A_1539, %swap3A_1540, %swap3A_1541], %swap3A_1544 {strides = array<i32>} : memref<64x50x128xf32, #tpu.memory_space<vmem>>, vector<1x50x128xf32>,
    %slice3A_1545 = vector.extract_strided_slice %add3A_1523 {offsets = [192, 0], sizes = [50, 128], strides = [1, 1]} : vector<256x128xf32> to vector<50x128xf32>
    %swap3A_1546 = arith.constant 39 : index
    %swap3A_1547 = arith.constant 0 : index
    %swap3A_1548 = arith.constant 0 : index
    %swap3A_1549 = vector.load %arg10[%swap3A_1546, %swap3A_1547, %swap3A_1548] : memref<64x50x128xf32, #tpu.memory_space<vmem>>, vector<1x50x128xf32>
    %swap3A_1550 = vector.shape_cast %swap3A_1549 : vector<1x50x128xf32> to vector<50x128xf32>
    %swap3A_1551 = vector.shape_cast %slice3A_1545 : vector<50x128xf32> to vector<1x50x128xf32>
    tpu.vector_store %arg10[%swap3A_1546, %swap3A_1547, %swap3A_1548], %swap3A_1551 {strides = array<i32>} : memref<64x50x128xf32, #tpu.memory_space<vmem>>, vector<1x50x128xf32>,
    %get3A_1552 = arith.constant 2000 : index
    %get3A_1553 = arith.constant 0 : index
    %get3A_1554 = vector.load %arg1[%get3A_1552, %get3A_1553] : memref<3200x128xf32, #tpu.memory_space<vmem>>, vector<200x128xf32>
    %get3A_1555 = arith.constant 40 : index
    %get3A_1556 = arith.constant 0 : index
    %get3A_1557 = arith.constant 0 : index
    %get3A_1558 = vector.load %arg3[%get3A_1555, %get3A_1556, %get3A_1557] : memref<64x50x50xf32, #tpu.memory_space<vmem>>, vector<1x50x50xf32>
    %get3A_1559 = vector.shape_cast %get3A_1558 : vector<1x50x50xf32> to vector<50x50xf32>
    %get3A_1560 = arith.constant 41 : index
    %get3A_1561 = arith.constant 0 : index
    %get3A_1562 = arith.constant 0 : index
    %get3A_1563 = vector.load %arg3[%get3A_1560, %get3A_1561, %get3A_1562] : memref<64x50x50xf32, #tpu.memory_space<vmem>>, vector<1x50x50xf32>
    %get3A_1564 = vector.shape_cast %get3A_1563 : vector<1x50x50xf32> to vector<50x50xf32>
    %get3A_1565 = arith.constant 42 : index
    %get3A_1566 = arith.constant 0 : index
    %get3A_1567 = arith.constant 0 : index
    %get3A_1568 = vector.load %arg3[%get3A_1565, %get3A_1566, %get3A_1567] : memref<64x50x50xf32, #tpu.memory_space<vmem>>, vector<1x50x50xf32>
    %get3A_1569 = vector.shape_cast %get3A_1568 : vector<1x50x50xf32> to vector<50x50xf32>
    %get3A_1570 = arith.constant 43 : index
    %get3A_1571 = arith.constant 0 : index
    %get3A_1572 = arith.constant 0 : index
    %get3A_1573 = vector.load %arg3[%get3A_1570, %get3A_1571, %get3A_1572] : memref<64x50x50xf32, #tpu.memory_space<vmem>>, vector<1x50x50xf32>
    %get3A_1574 = vector.shape_cast %get3A_1573 : vector<1x50x50xf32> to vector<50x50xf32>
    %broadcast_in_dim3A_1575 = arith.constant 0.000000e+00 : f32
    %broadcast_in_dim3A_1576 = vector.broadcast %broadcast_in_dim3A_1575 : f32 to vector<50x14xf32>
    %broadcast_in_dim3A_1577 = arith.constant 0.000000e+00 : f32
    %broadcast_in_dim3A_1578 = vector.broadcast %broadcast_in_dim3A_1577 : f32 to vector<14x64xf32>
    %concatenate3A_1579 = tpu.concatenate %get3A_1559, %broadcast_in_dim3A_1576 in 1 : vector<50x50xf32>, vector<50x14xf32> -> vector<50x64xf32>
    %concatenate3A_1580 = tpu.concatenate %get3A_1564, %broadcast_in_dim3A_1576 in 1 : vector<50x50xf32>, vector<50x14xf32> -> vector<50x64xf32>
    %concatenate3A_1581 = tpu.concatenate %get3A_1569, %broadcast_in_dim3A_1576 in 1 : vector<50x50xf32>, vector<50x14xf32> -> vector<50x64xf32>
    %concatenate3A_1582 = tpu.concatenate %get3A_1574, %broadcast_in_dim3A_1576 in 1 : vector<50x50xf32>, vector<50x14xf32> -> vector<50x64xf32>
    %concatenate3A_1583 = tpu.concatenate %concatenate3A_1579, %broadcast_in_dim3A_1578, %concatenate3A_1580, %broadcast_in_dim3A_1578, %concatenate3A_1581, %broadcast_in_dim3A_1578, %concatenate3A_1582, %broadcast_in_dim3A_1578 in 0 : vector<50x64xf32>, vector<14x64xf32>, vector<50x64xf32>, vector<14x64xf32>, vector<50x64xf32>, vector<14x64xf32>, vector<50x64xf32>, vector<14x64xf32> -> vector<256x64xf32>
    %gt3A_1584 = arith.constant 0.000000e+00 : f32
    %gt3A_1585 = vector.broadcast %gt3A_1584 : f32 to vector<256x64xf32>
    %gt3A_1586 = arith.cmpf ogt, %concatenate3A_1583, %gt3A_1585 : vector<256x64xf32>
    %broadcast_in_dim3A_1587 = arith.constant 0.000000e+00 : f32
    %broadcast_in_dim3A_1588 = vector.broadcast %broadcast_in_dim3A_1587 : f32 to vector<14x128xf32>
    %slice3A_1589 = vector.extract_strided_slice %get3A_1554 {offsets = [0, 0], sizes = [50, 128], strides = [1, 1]} : vector<200x128xf32> to vector<50x128xf32>
    %slice3A_1590 = vector.extract_strided_slice %get3A_1554 {offsets = [50, 0], sizes = [50, 128], strides = [1, 1]} : vector<200x128xf32> to vector<50x128xf32>
    %slice3A_1591 = vector.extract_strided_slice %get3A_1554 {offsets = [100, 0], sizes = [50, 128], strides = [1, 1]} : vector<200x128xf32> to vector<50x128xf32>
    %slice3A_1592 = vector.extract_strided_slice %get3A_1554 {offsets = [150, 0], sizes = [50, 128], strides = [1, 1]} : vector<200x128xf32> to vector<50x128xf32>
    %concatenate3A_1593 = tpu.concatenate %slice3A_1589, %broadcast_in_dim3A_1588, %slice3A_1590, %broadcast_in_dim3A_1588, %slice3A_1591, %broadcast_in_dim3A_1588, %slice3A_1592, %broadcast_in_dim3A_1588 in 0 : vector<50x128xf32>, vector<14x128xf32>, vector<50x128xf32>, vector<14x128xf32>, vector<50x128xf32>, vector<14x128xf32>, vector<50x128xf32>, vector<14x128xf32> -> vector<256x128xf32>
    %convert_element_type3A_1594 = arith.truncf %concatenate3A_1593 : vector<256x128xf32> to vector<256x128xbf16>
    %convert_element_type3A_1595 = arith.truncf %get3A_1 : vector<128x1xf32> to vector<128x1xbf16>
    %dot_general3A_1596 = arith.constant dense<0.000000e+00> : vector<256x1xf32>
    %dot_general3A_1597 = tpu.matmul %convert_element_type3A_1594, %convert_element_type3A_1595, %dot_general3A_1596 {dimension_numbers = #tpu.dot_dimension_numbers<[1], [0], [0], [1], [0, 0, 1, 1], [], []>, transpose_lhs_hint = false} : vector<256x128xbf16>, vector<128x1xbf16>, vector<256x1xf32> -> vector<256x1xf32>
    %add3A_1598 = vector.broadcast %get3A_11 : f32 to vector<256x1xf32>
    %add3A_1599 = arith.addf %dot_general3A_1597, %add3A_1598 : vector<256x1xf32>
    %ge3A_1600 = arith.constant 0.000000e+00 : f32
    %ge3A_1601 = vector.broadcast %ge3A_1600 : f32 to vector<256x1xf32>
    %ge3A_1602 = arith.cmpf oge, %add3A_1599, %ge3A_1601 : vector<256x1xf32>
    %mul3A_1603 = arith.constant 2.000000e-01 : f32
    %mul3A_1604 = vector.broadcast %mul3A_1603 : f32 to vector<256x1xf32>
    %mul3A_1605 = arith.mulf %mul3A_1604, %add3A_1599 : vector<256x1xf32>
    %select_n3A_1606 = arith.select %ge3A_1602, %add3A_1599, %mul3A_1605 : vector<256x1xi1>, vector<256x1xf32>
    %mul3A_1607 = vector.broadcast %select_n3A_1606 : vector<256x1xf32> to vector<256x64xf32>
    %mul3A_1608 = arith.mulf %mul3A_1607, %get3A_17 : vector<256x64xf32>
    %convert_element_type3A_1609 = arith.truncf %get3A_14 : vector<256x256xf32> to vector<256x256xbf16>
    %convert_element_type3A_1610 = arith.truncf %mul3A_1608 : vector<256x64xf32> to vector<256x64xbf16>
    %dot_general3A_1611 = arith.constant dense<0.000000e+00> : vector<256x64xf32>
    %dot_general3A_1612 = tpu.matmul %convert_element_type3A_1609, %convert_element_type3A_1610, %dot_general3A_1611 {dimension_numbers = #tpu.dot_dimension_numbers<[1], [0], [0], [1], [0, 0, 1, 1], [], []>, transpose_lhs_hint = false} : vector<256x256xbf16>, vector<256x64xbf16>, vector<256x64xf32> -> vector<256x64xf32>
    %exp3A_1613 = math.exp %dot_general3A_1612 : vector<256x64xf32>
    %jit3A_1614 = arith.constant 0.000000e+00 : f32
    %broadcast_in_dim3A_1615 = vector.broadcast %jit3A_1614 : f32 to vector<256x64xf32>
    %select_n3A_1616 = arith.select %gt3A_1586, %exp3A_1613, %broadcast_in_dim3A_1615 : vector<256x64xi1>, vector<256x64xf32>
    %reduce_sum3A_1617 = arith.constant dense<0.000000e+00> : vector<256xf32>
    %reduce_sum3A_1618 = vector.multi_reduction <add>, %select_n3A_1616, %reduce_sum3A_1617 [1] : vector<256x64xf32> to vector<256xf32>
    %broadcast_in_dim3A_1619 = vector.shape_cast %reduce_sum3A_1618 : vector<256xf32> to vector<256x1xf32>
    %le3A_1620 = arith.constant 0.000000e+00 : f32
    %le3A_1621 = vector.broadcast %le3A_1620 : f32 to vector<256x1xf32>
    %le3A_1622 = arith.cmpf ole, %broadcast_in_dim3A_1619, %le3A_1621 : vector<256x1xf32>
    %convert_element_type3A_1623 = arith.extui %le3A_1622 : vector<256x1xi1> to vector<256x1xi32>
    %convert_element_type3A_1624 = arith.sitofp %convert_element_type3A_1623 : vector<256x1xi32> to vector<256x1xf32>
    %add3A_1625 = arith.addf %broadcast_in_dim3A_1619, %convert_element_type3A_1624 : vector<256x1xf32>
    %div3A_1626 = vector.broadcast %add3A_1625 : vector<256x1xf32> to vector<256x64xf32>
    %div3A_1627 = arith.divf %select_n3A_1616, %div3A_1626 : vector<256x64xf32>
    %concatenate3A_1628 = tpu.concatenate %div3A_1627, %div3A_1627, %div3A_1627, %div3A_1627 in 1 : vector<256x64xf32>, vector<256x64xf32>, vector<256x64xf32>, vector<256x64xf32> -> vector<256x256xf32>
    %mul3A_1629 = arith.mulf %concatenate3A_1628, %get3A_14 : vector<256x256xf32>
    %convert_element_type3A_1630 = arith.truncf %mul3A_1629 : vector<256x256xf32> to vector<256x256xbf16>
    %convert_element_type3A_1631 = arith.truncf %concatenate3A_1593 : vector<256x128xf32> to vector<256x128xbf16>
    %dot_general3A_1632 = arith.constant dense<0.000000e+00> : vector<256x128xf32>
    %dot_general3A_1633 = tpu.matmul %convert_element_type3A_1630, %convert_element_type3A_1631, %dot_general3A_1632 {dimension_numbers = #tpu.dot_dimension_numbers<[1], [0], [0], [1], [0, 0, 1, 1], [], []>, transpose_lhs_hint = false} : vector<256x256xbf16>, vector<256x128xbf16>, vector<256x128xf32> -> vector<256x128xf32>
    %convert_element_type3A_1634 = arith.truncf %concatenate3A_1593 : vector<256x128xf32> to vector<256x128xbf16>
    %convert_element_type3A_1635 = arith.truncf %get3A_4 : vector<128x1xf32> to vector<128x1xbf16>
    %dot_general3A_1636 = arith.constant dense<0.000000e+00> : vector<256x1xf32>
    %dot_general3A_1637 = tpu.matmul %convert_element_type3A_1634, %convert_element_type3A_1635, %dot_general3A_1636 {dimension_numbers = #tpu.dot_dimension_numbers<[1], [0], [0], [1], [0, 0, 1, 1], [], []>, transpose_lhs_hint = false} : vector<256x128xbf16>, vector<128x1xbf16>, vector<256x1xf32> -> vector<256x1xf32>
    %convert_element_type3A_1638 = arith.truncf %dot_general3A_1633 : vector<256x128xf32> to vector<256x128xbf16>
    %convert_element_type3A_1639 = arith.truncf %get3A_7 : vector<128x1xf32> to vector<128x1xbf16>
    %dot_general3A_1640 = arith.constant dense<0.000000e+00> : vector<256x1xf32>
    %dot_general3A_1641 = tpu.matmul %convert_element_type3A_1638, %convert_element_type3A_1639, %dot_general3A_1640 {dimension_numbers = #tpu.dot_dimension_numbers<[1], [0], [0], [1], [0, 0, 1, 1], [], []>, transpose_lhs_hint = false} : vector<256x128xbf16>, vector<128x1xbf16>, vector<256x1xf32> -> vector<256x1xf32>
    %mul3A_1642 = vector.broadcast %dot_general3A_1637 : vector<256x1xf32> to vector<256x64xf32>
    %mul3A_1643 = arith.mulf %mul3A_1642, %get3A_17 : vector<256x64xf32>
    %convert_element_type3A_1644 = arith.truncf %get3A_14 : vector<256x256xf32> to vector<256x256xbf16>
    %convert_element_type3A_1645 = arith.truncf %mul3A_1643 : vector<256x64xf32> to vector<256x64xbf16>
    %dot_general3A_1646 = arith.constant dense<0.000000e+00> : vector<256x64xf32>
    %dot_general3A_1647 = tpu.matmul %convert_element_type3A_1644, %convert_element_type3A_1645, %dot_general3A_1646 {dimension_numbers = #tpu.dot_dimension_numbers<[1], [0], [0], [1], [0, 0, 1, 1], [], []>, transpose_lhs_hint = false} : vector<256x256xbf16>, vector<256x64xbf16>, vector<256x64xf32> -> vector<256x64xf32>
    %add3A_1648 = vector.broadcast %dot_general3A_1641 : vector<256x1xf32> to vector<256x64xf32>
    %add3A_1649 = arith.addf %dot_general3A_1647, %add3A_1648 : vector<256x64xf32>
    %ge3A_1650 = arith.constant 0.000000e+00 : f32
    %ge3A_1651 = vector.broadcast %ge3A_1650 : f32 to vector<256x64xf32>
    %ge3A_1652 = arith.cmpf oge, %add3A_1649, %ge3A_1651 : vector<256x64xf32>
    %mul3A_1653 = arith.constant 2.000000e-01 : f32
    %mul3A_1654 = vector.broadcast %mul3A_1653 : f32 to vector<256x64xf32>
    %mul3A_1655 = arith.mulf %mul3A_1654, %add3A_1649 : vector<256x64xf32>
    %select_n3A_1656 = arith.select %ge3A_1652, %add3A_1649, %mul3A_1655 : vector<256x64xi1>, vector<256x64xf32>
    %exp3A_1657 = math.exp %select_n3A_1656 : vector<256x64xf32>
    %jit3A_1658 = arith.constant 0.000000e+00 : f32
    %broadcast_in_dim3A_1659 = vector.broadcast %jit3A_1658 : f32 to vector<256x64xf32>
    %select_n3A_1660 = arith.select %gt3A_1586, %exp3A_1657, %broadcast_in_dim3A_1659 : vector<256x64xi1>, vector<256x64xf32>
    %convert_element_type3A_1661 = arith.truncf %get3A_14 : vector<256x256xf32> to vector<256x256xbf16>
    %convert_element_type3A_1662 = arith.truncf %select_n3A_1660 : vector<256x64xf32> to vector<256x64xbf16>
    %dot_general3A_1663 = arith.constant dense<0.000000e+00> : vector<256x64xf32>
    %dot_general3A_1664 = tpu.matmul %convert_element_type3A_1661, %convert_element_type3A_1662, %dot_general3A_1663 {dimension_numbers = #tpu.dot_dimension_numbers<[1], [0], [0], [1], [0, 0, 1, 1], [], []>, transpose_lhs_hint = false} : vector<256x256xbf16>, vector<256x64xbf16>, vector<256x64xf32> -> vector<256x64xf32>
    %gt3A_1665 = arith.constant 0.000000e+00 : f32
    %gt3A_1666 = vector.broadcast %gt3A_1665 : f32 to vector<256x64xf32>
    %gt3A_1667 = arith.cmpf ogt, %dot_general3A_1664, %gt3A_1666 : vector<256x64xf32>
    %div3A_1668 = arith.divf %select_n3A_1660, %dot_general3A_1664 : vector<256x64xf32>
    %jit3A_1669 = arith.constant 2.000000e-02 : f32
    %broadcast_in_dim3A_1670 = vector.broadcast %jit3A_1669 : f32 to vector<256x64xf32>
    %select_n3A_1671 = arith.select %gt3A_1667, %div3A_1668, %broadcast_in_dim3A_1670 : vector<256x64xi1>, vector<256x64xf32>
    %concatenate3A_1672 = tpu.concatenate %select_n3A_1671, %select_n3A_1671, %select_n3A_1671, %select_n3A_1671 in 1 : vector<256x64xf32>, vector<256x64xf32>, vector<256x64xf32>, vector<256x64xf32> -> vector<256x256xf32>
    %mul3A_1673 = arith.mulf %concatenate3A_1672, %get3A_14 : vector<256x256xf32>
    %convert_element_type3A_1674 = arith.truncf %mul3A_1673 : vector<256x256xf32> to vector<256x256xbf16>
    %convert_element_type3A_1675 = arith.truncf %dot_general3A_1633 : vector<256x128xf32> to vector<256x128xbf16>
    %dot_general3A_1676 = arith.constant dense<0.000000e+00> : vector<256x128xf32>
    %dot_general3A_1677 = tpu.matmul %convert_element_type3A_1674, %convert_element_type3A_1675, %dot_general3A_1676 {dimension_numbers = #tpu.dot_dimension_numbers<[0], [0], [1], [1], [0, 1, 1, 1], [], []>, transpose_lhs_hint = false} : vector<256x256xbf16>, vector<256x128xbf16>, vector<256x128xf32> -> vector<256x128xf32>
    %add3A_1678 = arith.addf %dot_general3A_1677, %concatenate3A_1593 : vector<256x128xf32>
    %slice3A_1679 = vector.extract_strided_slice %add3A_1678 {offsets = [0, 0], sizes = [50, 128], strides = [1, 1]} : vector<256x128xf32> to vector<50x128xf32>
    %swap3A_1680 = arith.constant 40 : index
    %swap3A_1681 = arith.constant 0 : index
    %swap3A_1682 = arith.constant 0 : index
    %swap3A_1683 = vector.load %arg10[%swap3A_1680, %swap3A_1681, %swap3A_1682] : memref<64x50x128xf32, #tpu.memory_space<vmem>>, vector<1x50x128xf32>
    %swap3A_1684 = vector.shape_cast %swap3A_1683 : vector<1x50x128xf32> to vector<50x128xf32>
    %swap3A_1685 = vector.shape_cast %slice3A_1679 : vector<50x128xf32> to vector<1x50x128xf32>
    tpu.vector_store %arg10[%swap3A_1680, %swap3A_1681, %swap3A_1682], %swap3A_1685 {strides = array<i32>} : memref<64x50x128xf32, #tpu.memory_space<vmem>>, vector<1x50x128xf32>,
    %slice3A_1686 = vector.extract_strided_slice %add3A_1678 {offsets = [64, 0], sizes = [50, 128], strides = [1, 1]} : vector<256x128xf32> to vector<50x128xf32>
    %swap3A_1687 = arith.constant 41 : index
    %swap3A_1688 = arith.constant 0 : index
    %swap3A_1689 = arith.constant 0 : index
    %swap3A_1690 = vector.load %arg10[%swap3A_1687, %swap3A_1688, %swap3A_1689] : memref<64x50x128xf32, #tpu.memory_space<vmem>>, vector<1x50x128xf32>
    %swap3A_1691 = vector.shape_cast %swap3A_1690 : vector<1x50x128xf32> to vector<50x128xf32>
    %swap3A_1692 = vector.shape_cast %slice3A_1686 : vector<50x128xf32> to vector<1x50x128xf32>
    tpu.vector_store %arg10[%swap3A_1687, %swap3A_1688, %swap3A_1689], %swap3A_1692 {strides = array<i32>} : memref<64x50x128xf32, #tpu.memory_space<vmem>>, vector<1x50x128xf32>,
    %slice3A_1693 = vector.extract_strided_slice %add3A_1678 {offsets = [128, 0], sizes = [50, 128], strides = [1, 1]} : vector<256x128xf32> to vector<50x128xf32>
    %swap3A_1694 = arith.constant 42 : index
    %swap3A_1695 = arith.constant 0 : index
    %swap3A_1696 = arith.constant 0 : index
    %swap3A_1697 = vector.load %arg10[%swap3A_1694, %swap3A_1695, %swap3A_1696] : memref<64x50x128xf32, #tpu.memory_space<vmem>>, vector<1x50x128xf32>
    %swap3A_1698 = vector.shape_cast %swap3A_1697 : vector<1x50x128xf32> to vector<50x128xf32>
    %swap3A_1699 = vector.shape_cast %slice3A_1693 : vector<50x128xf32> to vector<1x50x128xf32>
    tpu.vector_store %arg10[%swap3A_1694, %swap3A_1695, %swap3A_1696], %swap3A_1699 {strides = array<i32>} : memref<64x50x128xf32, #tpu.memory_space<vmem>>, vector<1x50x128xf32>,
    %slice3A_1700 = vector.extract_strided_slice %add3A_1678 {offsets = [192, 0], sizes = [50, 128], strides = [1, 1]} : vector<256x128xf32> to vector<50x128xf32>
    %swap3A_1701 = arith.constant 43 : index
    %swap3A_1702 = arith.constant 0 : index
    %swap3A_1703 = arith.constant 0 : index
    %swap3A_1704 = vector.load %arg10[%swap3A_1701, %swap3A_1702, %swap3A_1703] : memref<64x50x128xf32, #tpu.memory_space<vmem>>, vector<1x50x128xf32>
    %swap3A_1705 = vector.shape_cast %swap3A_1704 : vector<1x50x128xf32> to vector<50x128xf32>
    %swap3A_1706 = vector.shape_cast %slice3A_1700 : vector<50x128xf32> to vector<1x50x128xf32>
    tpu.vector_store %arg10[%swap3A_1701, %swap3A_1702, %swap3A_1703], %swap3A_1706 {strides = array<i32>} : memref<64x50x128xf32, #tpu.memory_space<vmem>>, vector<1x50x128xf32>,
    %get3A_1707 = arith.constant 2200 : index
    %get3A_1708 = arith.constant 0 : index
    %get3A_1709 = vector.load %arg1[%get3A_1707, %get3A_1708] : memref<3200x128xf32, #tpu.memory_space<vmem>>, vector<200x128xf32>
    %get3A_1710 = arith.constant 44 : index
    %get3A_1711 = arith.constant 0 : index
    %get3A_1712 = arith.constant 0 : index
    %get3A_1713 = vector.load %arg3[%get3A_1710, %get3A_1711, %get3A_1712] : memref<64x50x50xf32, #tpu.memory_space<vmem>>, vector<1x50x50xf32>
    %get3A_1714 = vector.shape_cast %get3A_1713 : vector<1x50x50xf32> to vector<50x50xf32>
    %get3A_1715 = arith.constant 45 : index
    %get3A_1716 = arith.constant 0 : index
    %get3A_1717 = arith.constant 0 : index
    %get3A_1718 = vector.load %arg3[%get3A_1715, %get3A_1716, %get3A_1717] : memref<64x50x50xf32, #tpu.memory_space<vmem>>, vector<1x50x50xf32>
    %get3A_1719 = vector.shape_cast %get3A_1718 : vector<1x50x50xf32> to vector<50x50xf32>
    %get3A_1720 = arith.constant 46 : index
    %get3A_1721 = arith.constant 0 : index
    %get3A_1722 = arith.constant 0 : index
    %get3A_1723 = vector.load %arg3[%get3A_1720, %get3A_1721, %get3A_1722] : memref<64x50x50xf32, #tpu.memory_space<vmem>>, vector<1x50x50xf32>
    %get3A_1724 = vector.shape_cast %get3A_1723 : vector<1x50x50xf32> to vector<50x50xf32>
    %get3A_1725 = arith.constant 47 : index
    %get3A_1726 = arith.constant 0 : index
    %get3A_1727 = arith.constant 0 : index
    %get3A_1728 = vector.load %arg3[%get3A_1725, %get3A_1726, %get3A_1727] : memref<64x50x50xf32, #tpu.memory_space<vmem>>, vector<1x50x50xf32>
    %get3A_1729 = vector.shape_cast %get3A_1728 : vector<1x50x50xf32> to vector<50x50xf32>
    %broadcast_in_dim3A_1730 = arith.constant 0.000000e+00 : f32
    %broadcast_in_dim3A_1731 = vector.broadcast %broadcast_in_dim3A_1730 : f32 to vector<50x14xf32>
    %broadcast_in_dim3A_1732 = arith.constant 0.000000e+00 : f32
    %broadcast_in_dim3A_1733 = vector.broadcast %broadcast_in_dim3A_1732 : f32 to vector<14x64xf32>
    %concatenate3A_1734 = tpu.concatenate %get3A_1714, %broadcast_in_dim3A_1731 in 1 : vector<50x50xf32>, vector<50x14xf32> -> vector<50x64xf32>
    %concatenate3A_1735 = tpu.concatenate %get3A_1719, %broadcast_in_dim3A_1731 in 1 : vector<50x50xf32>, vector<50x14xf32> -> vector<50x64xf32>
    %concatenate3A_1736 = tpu.concatenate %get3A_1724, %broadcast_in_dim3A_1731 in 1 : vector<50x50xf32>, vector<50x14xf32> -> vector<50x64xf32>
    %concatenate3A_1737 = tpu.concatenate %get3A_1729, %broadcast_in_dim3A_1731 in 1 : vector<50x50xf32>, vector<50x14xf32> -> vector<50x64xf32>
    %concatenate3A_1738 = tpu.concatenate %concatenate3A_1734, %broadcast_in_dim3A_1733, %concatenate3A_1735, %broadcast_in_dim3A_1733, %concatenate3A_1736, %broadcast_in_dim3A_1733, %concatenate3A_1737, %broadcast_in_dim3A_1733 in 0 : vector<50x64xf32>, vector<14x64xf32>, vector<50x64xf32>, vector<14x64xf32>, vector<50x64xf32>, vector<14x64xf32>, vector<50x64xf32>, vector<14x64xf32> -> vector<256x64xf32>
    %gt3A_1739 = arith.constant 0.000000e+00 : f32
    %gt3A_1740 = vector.broadcast %gt3A_1739 : f32 to vector<256x64xf32>
    %gt3A_1741 = arith.cmpf ogt, %concatenate3A_1738, %gt3A_1740 : vector<256x64xf32>
    %broadcast_in_dim3A_1742 = arith.constant 0.000000e+00 : f32
    %broadcast_in_dim3A_1743 = vector.broadcast %broadcast_in_dim3A_1742 : f32 to vector<14x128xf32>
    %slice3A_1744 = vector.extract_strided_slice %get3A_1709 {offsets = [0, 0], sizes = [50, 128], strides = [1, 1]} : vector<200x128xf32> to vector<50x128xf32>
    %slice3A_1745 = vector.extract_strided_slice %get3A_1709 {offsets = [50, 0], sizes = [50, 128], strides = [1, 1]} : vector<200x128xf32> to vector<50x128xf32>
    %slice3A_1746 = vector.extract_strided_slice %get3A_1709 {offsets = [100, 0], sizes = [50, 128], strides = [1, 1]} : vector<200x128xf32> to vector<50x128xf32>
    %slice3A_1747 = vector.extract_strided_slice %get3A_1709 {offsets = [150, 0], sizes = [50, 128], strides = [1, 1]} : vector<200x128xf32> to vector<50x128xf32>
    %concatenate3A_1748 = tpu.concatenate %slice3A_1744, %broadcast_in_dim3A_1743, %slice3A_1745, %broadcast_in_dim3A_1743, %slice3A_1746, %broadcast_in_dim3A_1743, %slice3A_1747, %broadcast_in_dim3A_1743 in 0 : vector<50x128xf32>, vector<14x128xf32>, vector<50x128xf32>, vector<14x128xf32>, vector<50x128xf32>, vector<14x128xf32>, vector<50x128xf32>, vector<14x128xf32> -> vector<256x128xf32>
    %convert_element_type3A_1749 = arith.truncf %concatenate3A_1748 : vector<256x128xf32> to vector<256x128xbf16>
    %convert_element_type3A_1750 = arith.truncf %get3A_1 : vector<128x1xf32> to vector<128x1xbf16>
    %dot_general3A_1751 = arith.constant dense<0.000000e+00> : vector<256x1xf32>
    %dot_general3A_1752 = tpu.matmul %convert_element_type3A_1749, %convert_element_type3A_1750, %dot_general3A_1751 {dimension_numbers = #tpu.dot_dimension_numbers<[1], [0], [0], [1], [0, 0, 1, 1], [], []>, transpose_lhs_hint = false} : vector<256x128xbf16>, vector<128x1xbf16>, vector<256x1xf32> -> vector<256x1xf32>
    %add3A_1753 = vector.broadcast %get3A_11 : f32 to vector<256x1xf32>
    %add3A_1754 = arith.addf %dot_general3A_1752, %add3A_1753 : vector<256x1xf32>
    %ge3A_1755 = arith.constant 0.000000e+00 : f32
    %ge3A_1756 = vector.broadcast %ge3A_1755 : f32 to vector<256x1xf32>
    %ge3A_1757 = arith.cmpf oge, %add3A_1754, %ge3A_1756 : vector<256x1xf32>
    %mul3A_1758 = arith.constant 2.000000e-01 : f32
    %mul3A_1759 = vector.broadcast %mul3A_1758 : f32 to vector<256x1xf32>
    %mul3A_1760 = arith.mulf %mul3A_1759, %add3A_1754 : vector<256x1xf32>
    %select_n3A_1761 = arith.select %ge3A_1757, %add3A_1754, %mul3A_1760 : vector<256x1xi1>, vector<256x1xf32>
    %mul3A_1762 = vector.broadcast %select_n3A_1761 : vector<256x1xf32> to vector<256x64xf32>
    %mul3A_1763 = arith.mulf %mul3A_1762, %get3A_17 : vector<256x64xf32>
    %convert_element_type3A_1764 = arith.truncf %get3A_14 : vector<256x256xf32> to vector<256x256xbf16>
    %convert_element_type3A_1765 = arith.truncf %mul3A_1763 : vector<256x64xf32> to vector<256x64xbf16>
    %dot_general3A_1766 = arith.constant dense<0.000000e+00> : vector<256x64xf32>
    %dot_general3A_1767 = tpu.matmul %convert_element_type3A_1764, %convert_element_type3A_1765, %dot_general3A_1766 {dimension_numbers = #tpu.dot_dimension_numbers<[1], [0], [0], [1], [0, 0, 1, 1], [], []>, transpose_lhs_hint = false} : vector<256x256xbf16>, vector<256x64xbf16>, vector<256x64xf32> -> vector<256x64xf32>
    %exp3A_1768 = math.exp %dot_general3A_1767 : vector<256x64xf32>
    %jit3A_1769 = arith.constant 0.000000e+00 : f32
    %broadcast_in_dim3A_1770 = vector.broadcast %jit3A_1769 : f32 to vector<256x64xf32>
    %select_n3A_1771 = arith.select %gt3A_1741, %exp3A_1768, %broadcast_in_dim3A_1770 : vector<256x64xi1>, vector<256x64xf32>
    %reduce_sum3A_1772 = arith.constant dense<0.000000e+00> : vector<256xf32>
    %reduce_sum3A_1773 = vector.multi_reduction <add>, %select_n3A_1771, %reduce_sum3A_1772 [1] : vector<256x64xf32> to vector<256xf32>
    %broadcast_in_dim3A_1774 = vector.shape_cast %reduce_sum3A_1773 : vector<256xf32> to vector<256x1xf32>
    %le3A_1775 = arith.constant 0.000000e+00 : f32
    %le3A_1776 = vector.broadcast %le3A_1775 : f32 to vector<256x1xf32>
    %le3A_1777 = arith.cmpf ole, %broadcast_in_dim3A_1774, %le3A_1776 : vector<256x1xf32>
    %convert_element_type3A_1778 = arith.extui %le3A_1777 : vector<256x1xi1> to vector<256x1xi32>
    %convert_element_type3A_1779 = arith.sitofp %convert_element_type3A_1778 : vector<256x1xi32> to vector<256x1xf32>
    %add3A_1780 = arith.addf %broadcast_in_dim3A_1774, %convert_element_type3A_1779 : vector<256x1xf32>
    %div3A_1781 = vector.broadcast %add3A_1780 : vector<256x1xf32> to vector<256x64xf32>
    %div3A_1782 = arith.divf %select_n3A_1771, %div3A_1781 : vector<256x64xf32>
    %concatenate3A_1783 = tpu.concatenate %div3A_1782, %div3A_1782, %div3A_1782, %div3A_1782 in 1 : vector<256x64xf32>, vector<256x64xf32>, vector<256x64xf32>, vector<256x64xf32> -> vector<256x256xf32>
    %mul3A_1784 = arith.mulf %concatenate3A_1783, %get3A_14 : vector<256x256xf32>
    %convert_element_type3A_1785 = arith.truncf %mul3A_1784 : vector<256x256xf32> to vector<256x256xbf16>
    %convert_element_type3A_1786 = arith.truncf %concatenate3A_1748 : vector<256x128xf32> to vector<256x128xbf16>
    %dot_general3A_1787 = arith.constant dense<0.000000e+00> : vector<256x128xf32>
    %dot_general3A_1788 = tpu.matmul %convert_element_type3A_1785, %convert_element_type3A_1786, %dot_general3A_1787 {dimension_numbers = #tpu.dot_dimension_numbers<[1], [0], [0], [1], [0, 0, 1, 1], [], []>, transpose_lhs_hint = false} : vector<256x256xbf16>, vector<256x128xbf16>, vector<256x128xf32> -> vector<256x128xf32>
    %convert_element_type3A_1789 = arith.truncf %concatenate3A_1748 : vector<256x128xf32> to vector<256x128xbf16>
    %convert_element_type3A_1790 = arith.truncf %get3A_4 : vector<128x1xf32> to vector<128x1xbf16>
    %dot_general3A_1791 = arith.constant dense<0.000000e+00> : vector<256x1xf32>
    %dot_general3A_1792 = tpu.matmul %convert_element_type3A_1789, %convert_element_type3A_1790, %dot_general3A_1791 {dimension_numbers = #tpu.dot_dimension_numbers<[1], [0], [0], [1], [0, 0, 1, 1], [], []>, transpose_lhs_hint = false} : vector<256x128xbf16>, vector<128x1xbf16>, vector<256x1xf32> -> vector<256x1xf32>
    %convert_element_type3A_1793 = arith.truncf %dot_general3A_1788 : vector<256x128xf32> to vector<256x128xbf16>
    %convert_element_type3A_1794 = arith.truncf %get3A_7 : vector<128x1xf32> to vector<128x1xbf16>
    %dot_general3A_1795 = arith.constant dense<0.000000e+00> : vector<256x1xf32>
    %dot_general3A_1796 = tpu.matmul %convert_element_type3A_1793, %convert_element_type3A_1794, %dot_general3A_1795 {dimension_numbers = #tpu.dot_dimension_numbers<[1], [0], [0], [1], [0, 0, 1, 1], [], []>, transpose_lhs_hint = false} : vector<256x128xbf16>, vector<128x1xbf16>, vector<256x1xf32> -> vector<256x1xf32>
    %mul3A_1797 = vector.broadcast %dot_general3A_1792 : vector<256x1xf32> to vector<256x64xf32>
    %mul3A_1798 = arith.mulf %mul3A_1797, %get3A_17 : vector<256x64xf32>
    %convert_element_type3A_1799 = arith.truncf %get3A_14 : vector<256x256xf32> to vector<256x256xbf16>
    %convert_element_type3A_1800 = arith.truncf %mul3A_1798 : vector<256x64xf32> to vector<256x64xbf16>
    %dot_general3A_1801 = arith.constant dense<0.000000e+00> : vector<256x64xf32>
    %dot_general3A_1802 = tpu.matmul %convert_element_type3A_1799, %convert_element_type3A_1800, %dot_general3A_1801 {dimension_numbers = #tpu.dot_dimension_numbers<[1], [0], [0], [1], [0, 0, 1, 1], [], []>, transpose_lhs_hint = false} : vector<256x256xbf16>, vector<256x64xbf16>, vector<256x64xf32> -> vector<256x64xf32>
    %add3A_1803 = vector.broadcast %dot_general3A_1796 : vector<256x1xf32> to vector<256x64xf32>
    %add3A_1804 = arith.addf %dot_general3A_1802, %add3A_1803 : vector<256x64xf32>
    %ge3A_1805 = arith.constant 0.000000e+00 : f32
    %ge3A_1806 = vector.broadcast %ge3A_1805 : f32 to vector<256x64xf32>
    %ge3A_1807 = arith.cmpf oge, %add3A_1804, %ge3A_1806 : vector<256x64xf32>
    %mul3A_1808 = arith.constant 2.000000e-01 : f32
    %mul3A_1809 = vector.broadcast %mul3A_1808 : f32 to vector<256x64xf32>
    %mul3A_1810 = arith.mulf %mul3A_1809, %add3A_1804 : vector<256x64xf32>
    %select_n3A_1811 = arith.select %ge3A_1807, %add3A_1804, %mul3A_1810 : vector<256x64xi1>, vector<256x64xf32>
    %exp3A_1812 = math.exp %select_n3A_1811 : vector<256x64xf32>
    %jit3A_1813 = arith.constant 0.000000e+00 : f32
    %broadcast_in_dim3A_1814 = vector.broadcast %jit3A_1813 : f32 to vector<256x64xf32>
    %select_n3A_1815 = arith.select %gt3A_1741, %exp3A_1812, %broadcast_in_dim3A_1814 : vector<256x64xi1>, vector<256x64xf32>
    %convert_element_type3A_1816 = arith.truncf %get3A_14 : vector<256x256xf32> to vector<256x256xbf16>
    %convert_element_type3A_1817 = arith.truncf %select_n3A_1815 : vector<256x64xf32> to vector<256x64xbf16>
    %dot_general3A_1818 = arith.constant dense<0.000000e+00> : vector<256x64xf32>
    %dot_general3A_1819 = tpu.matmul %convert_element_type3A_1816, %convert_element_type3A_1817, %dot_general3A_1818 {dimension_numbers = #tpu.dot_dimension_numbers<[1], [0], [0], [1], [0, 0, 1, 1], [], []>, transpose_lhs_hint = false} : vector<256x256xbf16>, vector<256x64xbf16>, vector<256x64xf32> -> vector<256x64xf32>
    %gt3A_1820 = arith.constant 0.000000e+00 : f32
    %gt3A_1821 = vector.broadcast %gt3A_1820 : f32 to vector<256x64xf32>
    %gt3A_1822 = arith.cmpf ogt, %dot_general3A_1819, %gt3A_1821 : vector<256x64xf32>
    %div3A_1823 = arith.divf %select_n3A_1815, %dot_general3A_1819 : vector<256x64xf32>
    %jit3A_1824 = arith.constant 2.000000e-02 : f32
    %broadcast_in_dim3A_1825 = vector.broadcast %jit3A_1824 : f32 to vector<256x64xf32>
    %select_n3A_1826 = arith.select %gt3A_1822, %div3A_1823, %broadcast_in_dim3A_1825 : vector<256x64xi1>, vector<256x64xf32>
    %concatenate3A_1827 = tpu.concatenate %select_n3A_1826, %select_n3A_1826, %select_n3A_1826, %select_n3A_1826 in 1 : vector<256x64xf32>, vector<256x64xf32>, vector<256x64xf32>, vector<256x64xf32> -> vector<256x256xf32>
    %mul3A_1828 = arith.mulf %concatenate3A_1827, %get3A_14 : vector<256x256xf32>
    %convert_element_type3A_1829 = arith.truncf %mul3A_1828 : vector<256x256xf32> to vector<256x256xbf16>
    %convert_element_type3A_1830 = arith.truncf %dot_general3A_1788 : vector<256x128xf32> to vector<256x128xbf16>
    %dot_general3A_1831 = arith.constant dense<0.000000e+00> : vector<256x128xf32>
    %dot_general3A_1832 = tpu.matmul %convert_element_type3A_1829, %convert_element_type3A_1830, %dot_general3A_1831 {dimension_numbers = #tpu.dot_dimension_numbers<[0], [0], [1], [1], [0, 1, 1, 1], [], []>, transpose_lhs_hint = false} : vector<256x256xbf16>, vector<256x128xbf16>, vector<256x128xf32> -> vector<256x128xf32>
    %add3A_1833 = arith.addf %dot_general3A_1832, %concatenate3A_1748 : vector<256x128xf32>
    %slice3A_1834 = vector.extract_strided_slice %add3A_1833 {offsets = [0, 0], sizes = [50, 128], strides = [1, 1]} : vector<256x128xf32> to vector<50x128xf32>
    %swap3A_1835 = arith.constant 44 : index
    %swap3A_1836 = arith.constant 0 : index
    %swap3A_1837 = arith.constant 0 : index
    %swap3A_1838 = vector.load %arg10[%swap3A_1835, %swap3A_1836, %swap3A_1837] : memref<64x50x128xf32, #tpu.memory_space<vmem>>, vector<1x50x128xf32>
    %swap3A_1839 = vector.shape_cast %swap3A_1838 : vector<1x50x128xf32> to vector<50x128xf32>
    %swap3A_1840 = vector.shape_cast %slice3A_1834 : vector<50x128xf32> to vector<1x50x128xf32>
    tpu.vector_store %arg10[%swap3A_1835, %swap3A_1836, %swap3A_1837], %swap3A_1840 {strides = array<i32>} : memref<64x50x128xf32, #tpu.memory_space<vmem>>, vector<1x50x128xf32>,
    %slice3A_1841 = vector.extract_strided_slice %add3A_1833 {offsets = [64, 0], sizes = [50, 128], strides = [1, 1]} : vector<256x128xf32> to vector<50x128xf32>
    %swap3A_1842 = arith.constant 45 : index
    %swap3A_1843 = arith.constant 0 : index
    %swap3A_1844 = arith.constant 0 : index
    %swap3A_1845 = vector.load %arg10[%swap3A_1842, %swap3A_1843, %swap3A_1844] : memref<64x50x128xf32, #tpu.memory_space<vmem>>, vector<1x50x128xf32>
    %swap3A_1846 = vector.shape_cast %swap3A_1845 : vector<1x50x128xf32> to vector<50x128xf32>
    %swap3A_1847 = vector.shape_cast %slice3A_1841 : vector<50x128xf32> to vector<1x50x128xf32>
    tpu.vector_store %arg10[%swap3A_1842, %swap3A_1843, %swap3A_1844], %swap3A_1847 {strides = array<i32>} : memref<64x50x128xf32, #tpu.memory_space<vmem>>, vector<1x50x128xf32>,
    %slice3A_1848 = vector.extract_strided_slice %add3A_1833 {offsets = [128, 0], sizes = [50, 128], strides = [1, 1]} : vector<256x128xf32> to vector<50x128xf32>
    %swap3A_1849 = arith.constant 46 : index
    %swap3A_1850 = arith.constant 0 : index
    %swap3A_1851 = arith.constant 0 : index
    %swap3A_1852 = vector.load %arg10[%swap3A_1849, %swap3A_1850, %swap3A_1851] : memref<64x50x128xf32, #tpu.memory_space<vmem>>, vector<1x50x128xf32>
    %swap3A_1853 = vector.shape_cast %swap3A_1852 : vector<1x50x128xf32> to vector<50x128xf32>
    %swap3A_1854 = vector.shape_cast %slice3A_1848 : vector<50x128xf32> to vector<1x50x128xf32>
    tpu.vector_store %arg10[%swap3A_1849, %swap3A_1850, %swap3A_1851], %swap3A_1854 {strides = array<i32>} : memref<64x50x128xf32, #tpu.memory_space<vmem>>, vector<1x50x128xf32>,
    %slice3A_1855 = vector.extract_strided_slice %add3A_1833 {offsets = [192, 0], sizes = [50, 128], strides = [1, 1]} : vector<256x128xf32> to vector<50x128xf32>
    %swap3A_1856 = arith.constant 47 : index
    %swap3A_1857 = arith.constant 0 : index
    %swap3A_1858 = arith.constant 0 : index
    %swap3A_1859 = vector.load %arg10[%swap3A_1856, %swap3A_1857, %swap3A_1858] : memref<64x50x128xf32, #tpu.memory_space<vmem>>, vector<1x50x128xf32>
    %swap3A_1860 = vector.shape_cast %swap3A_1859 : vector<1x50x128xf32> to vector<50x128xf32>
    %swap3A_1861 = vector.shape_cast %slice3A_1855 : vector<50x128xf32> to vector<1x50x128xf32>
    tpu.vector_store %arg10[%swap3A_1856, %swap3A_1857, %swap3A_1858], %swap3A_1861 {strides = array<i32>} : memref<64x50x128xf32, #tpu.memory_space<vmem>>, vector<1x50x128xf32>,
    %get3A_1862 = arith.constant 2400 : index
    %get3A_1863 = arith.constant 0 : index
    %get3A_1864 = vector.load %arg1[%get3A_1862, %get3A_1863] : memref<3200x128xf32, #tpu.memory_space<vmem>>, vector<200x128xf32>
    %get3A_1865 = arith.constant 48 : index
    %get3A_1866 = arith.constant 0 : index
    %get3A_1867 = arith.constant 0 : index
    %get3A_1868 = vector.load %arg3[%get3A_1865, %get3A_1866, %get3A_1867] : memref<64x50x50xf32, #tpu.memory_space<vmem>>, vector<1x50x50xf32>
    %get3A_1869 = vector.shape_cast %get3A_1868 : vector<1x50x50xf32> to vector<50x50xf32>
    %get3A_1870 = arith.constant 49 : index
    %get3A_1871 = arith.constant 0 : index
    %get3A_1872 = arith.constant 0 : index
    %get3A_1873 = vector.load %arg3[%get3A_1870, %get3A_1871, %get3A_1872] : memref<64x50x50xf32, #tpu.memory_space<vmem>>, vector<1x50x50xf32>
    %get3A_1874 = vector.shape_cast %get3A_1873 : vector<1x50x50xf32> to vector<50x50xf32>
    %get3A_1875 = arith.constant 50 : index
    %get3A_1876 = arith.constant 0 : index
    %get3A_1877 = arith.constant 0 : index
    %get3A_1878 = vector.load %arg3[%get3A_1875, %get3A_1876, %get3A_1877] : memref<64x50x50xf32, #tpu.memory_space<vmem>>, vector<1x50x50xf32>
    %get3A_1879 = vector.shape_cast %get3A_1878 : vector<1x50x50xf32> to vector<50x50xf32>
    %get3A_1880 = arith.constant 51 : index
    %get3A_1881 = arith.constant 0 : index
    %get3A_1882 = arith.constant 0 : index
    %get3A_1883 = vector.load %arg3[%get3A_1880, %get3A_1881, %get3A_1882] : memref<64x50x50xf32, #tpu.memory_space<vmem>>, vector<1x50x50xf32>
    %get3A_1884 = vector.shape_cast %get3A_1883 : vector<1x50x50xf32> to vector<50x50xf32>
    %broadcast_in_dim3A_1885 = arith.constant 0.000000e+00 : f32
    %broadcast_in_dim3A_1886 = vector.broadcast %broadcast_in_dim3A_1885 : f32 to vector<50x14xf32>
    %broadcast_in_dim3A_1887 = arith.constant 0.000000e+00 : f32
    %broadcast_in_dim3A_1888 = vector.broadcast %broadcast_in_dim3A_1887 : f32 to vector<14x64xf32>
    %concatenate3A_1889 = tpu.concatenate %get3A_1869, %broadcast_in_dim3A_1886 in 1 : vector<50x50xf32>, vector<50x14xf32> -> vector<50x64xf32>
    %concatenate3A_1890 = tpu.concatenate %get3A_1874, %broadcast_in_dim3A_1886 in 1 : vector<50x50xf32>, vector<50x14xf32> -> vector<50x64xf32>
    %concatenate3A_1891 = tpu.concatenate %get3A_1879, %broadcast_in_dim3A_1886 in 1 : vector<50x50xf32>, vector<50x14xf32> -> vector<50x64xf32>
    %concatenate3A_1892 = tpu.concatenate %get3A_1884, %broadcast_in_dim3A_1886 in 1 : vector<50x50xf32>, vector<50x14xf32> -> vector<50x64xf32>
    %concatenate3A_1893 = tpu.concatenate %concatenate3A_1889, %broadcast_in_dim3A_1888, %concatenate3A_1890, %broadcast_in_dim3A_1888, %concatenate3A_1891, %broadcast_in_dim3A_1888, %concatenate3A_1892, %broadcast_in_dim3A_1888 in 0 : vector<50x64xf32>, vector<14x64xf32>, vector<50x64xf32>, vector<14x64xf32>, vector<50x64xf32>, vector<14x64xf32>, vector<50x64xf32>, vector<14x64xf32> -> vector<256x64xf32>
    %gt3A_1894 = arith.constant 0.000000e+00 : f32
    %gt3A_1895 = vector.broadcast %gt3A_1894 : f32 to vector<256x64xf32>
    %gt3A_1896 = arith.cmpf ogt, %concatenate3A_1893, %gt3A_1895 : vector<256x64xf32>
    %broadcast_in_dim3A_1897 = arith.constant 0.000000e+00 : f32
    %broadcast_in_dim3A_1898 = vector.broadcast %broadcast_in_dim3A_1897 : f32 to vector<14x128xf32>
    %slice3A_1899 = vector.extract_strided_slice %get3A_1864 {offsets = [0, 0], sizes = [50, 128], strides = [1, 1]} : vector<200x128xf32> to vector<50x128xf32>
    %slice3A_1900 = vector.extract_strided_slice %get3A_1864 {offsets = [50, 0], sizes = [50, 128], strides = [1, 1]} : vector<200x128xf32> to vector<50x128xf32>
    %slice3A_1901 = vector.extract_strided_slice %get3A_1864 {offsets = [100, 0], sizes = [50, 128], strides = [1, 1]} : vector<200x128xf32> to vector<50x128xf32>
    %slice3A_1902 = vector.extract_strided_slice %get3A_1864 {offsets = [150, 0], sizes = [50, 128], strides = [1, 1]} : vector<200x128xf32> to vector<50x128xf32>
    %concatenate3A_1903 = tpu.concatenate %slice3A_1899, %broadcast_in_dim3A_1898, %slice3A_1900, %broadcast_in_dim3A_1898, %slice3A_1901, %broadcast_in_dim3A_1898, %slice3A_1902, %broadcast_in_dim3A_1898 in 0 : vector<50x128xf32>, vector<14x128xf32>, vector<50x128xf32>, vector<14x128xf32>, vector<50x128xf32>, vector<14x128xf32>, vector<50x128xf32>, vector<14x128xf32> -> vector<256x128xf32>
    %convert_element_type3A_1904 = arith.truncf %concatenate3A_1903 : vector<256x128xf32> to vector<256x128xbf16>
    %convert_element_type3A_1905 = arith.truncf %get3A_1 : vector<128x1xf32> to vector<128x1xbf16>
    %dot_general3A_1906 = arith.constant dense<0.000000e+00> : vector<256x1xf32>
    %dot_general3A_1907 = tpu.matmul %convert_element_type3A_1904, %convert_element_type3A_1905, %dot_general3A_1906 {dimension_numbers = #tpu.dot_dimension_numbers<[1], [0], [0], [1], [0, 0, 1, 1], [], []>, transpose_lhs_hint = false} : vector<256x128xbf16>, vector<128x1xbf16>, vector<256x1xf32> -> vector<256x1xf32>
    %add3A_1908 = vector.broadcast %get3A_11 : f32 to vector<256x1xf32>
    %add3A_1909 = arith.addf %dot_general3A_1907, %add3A_1908 : vector<256x1xf32>
    %ge3A_1910 = arith.constant 0.000000e+00 : f32
    %ge3A_1911 = vector.broadcast %ge3A_1910 : f32 to vector<256x1xf32>
    %ge3A_1912 = arith.cmpf oge, %add3A_1909, %ge3A_1911 : vector<256x1xf32>
    %mul3A_1913 = arith.constant 2.000000e-01 : f32
    %mul3A_1914 = vector.broadcast %mul3A_1913 : f32 to vector<256x1xf32>
    %mul3A_1915 = arith.mulf %mul3A_1914, %add3A_1909 : vector<256x1xf32>
    %select_n3A_1916 = arith.select %ge3A_1912, %add3A_1909, %mul3A_1915 : vector<256x1xi1>, vector<256x1xf32>
    %mul3A_1917 = vector.broadcast %select_n3A_1916 : vector<256x1xf32> to vector<256x64xf32>
    %mul3A_1918 = arith.mulf %mul3A_1917, %get3A_17 : vector<256x64xf32>
    %convert_element_type3A_1919 = arith.truncf %get3A_14 : vector<256x256xf32> to vector<256x256xbf16>
    %convert_element_type3A_1920 = arith.truncf %mul3A_1918 : vector<256x64xf32> to vector<256x64xbf16>
    %dot_general3A_1921 = arith.constant dense<0.000000e+00> : vector<256x64xf32>
    %dot_general3A_1922 = tpu.matmul %convert_element_type3A_1919, %convert_element_type3A_1920, %dot_general3A_1921 {dimension_numbers = #tpu.dot_dimension_numbers<[1], [0], [0], [1], [0, 0, 1, 1], [], []>, transpose_lhs_hint = false} : vector<256x256xbf16>, vector<256x64xbf16>, vector<256x64xf32> -> vector<256x64xf32>
    %exp3A_1923 = math.exp %dot_general3A_1922 : vector<256x64xf32>
    %jit3A_1924 = arith.constant 0.000000e+00 : f32
    %broadcast_in_dim3A_1925 = vector.broadcast %jit3A_1924 : f32 to vector<256x64xf32>
    %select_n3A_1926 = arith.select %gt3A_1896, %exp3A_1923, %broadcast_in_dim3A_1925 : vector<256x64xi1>, vector<256x64xf32>
    %reduce_sum3A_1927 = arith.constant dense<0.000000e+00> : vector<256xf32>
    %reduce_sum3A_1928 = vector.multi_reduction <add>, %select_n3A_1926, %reduce_sum3A_1927 [1] : vector<256x64xf32> to vector<256xf32>
    %broadcast_in_dim3A_1929 = vector.shape_cast %reduce_sum3A_1928 : vector<256xf32> to vector<256x1xf32>
    %le3A_1930 = arith.constant 0.000000e+00 : f32
    %le3A_1931 = vector.broadcast %le3A_1930 : f32 to vector<256x1xf32>
    %le3A_1932 = arith.cmpf ole, %broadcast_in_dim3A_1929, %le3A_1931 : vector<256x1xf32>
    %convert_element_type3A_1933 = arith.extui %le3A_1932 : vector<256x1xi1> to vector<256x1xi32>
    %convert_element_type3A_1934 = arith.sitofp %convert_element_type3A_1933 : vector<256x1xi32> to vector<256x1xf32>
    %add3A_1935 = arith.addf %broadcast_in_dim3A_1929, %convert_element_type3A_1934 : vector<256x1xf32>
    %div3A_1936 = vector.broadcast %add3A_1935 : vector<256x1xf32> to vector<256x64xf32>
    %div3A_1937 = arith.divf %select_n3A_1926, %div3A_1936 : vector<256x64xf32>
    %concatenate3A_1938 = tpu.concatenate %div3A_1937, %div3A_1937, %div3A_1937, %div3A_1937 in 1 : vector<256x64xf32>, vector<256x64xf32>, vector<256x64xf32>, vector<256x64xf32> -> vector<256x256xf32>
    %mul3A_1939 = arith.mulf %concatenate3A_1938, %get3A_14 : vector<256x256xf32>
    %convert_element_type3A_1940 = arith.truncf %mul3A_1939 : vector<256x256xf32> to vector<256x256xbf16>
    %convert_element_type3A_1941 = arith.truncf %concatenate3A_1903 : vector<256x128xf32> to vector<256x128xbf16>
    %dot_general3A_1942 = arith.constant dense<0.000000e+00> : vector<256x128xf32>
    %dot_general3A_1943 = tpu.matmul %convert_element_type3A_1940, %convert_element_type3A_1941, %dot_general3A_1942 {dimension_numbers = #tpu.dot_dimension_numbers<[1], [0], [0], [1], [0, 0, 1, 1], [], []>, transpose_lhs_hint = false} : vector<256x256xbf16>, vector<256x128xbf16>, vector<256x128xf32> -> vector<256x128xf32>
    %convert_element_type3A_1944 = arith.truncf %concatenate3A_1903 : vector<256x128xf32> to vector<256x128xbf16>
    %convert_element_type3A_1945 = arith.truncf %get3A_4 : vector<128x1xf32> to vector<128x1xbf16>
    %dot_general3A_1946 = arith.constant dense<0.000000e+00> : vector<256x1xf32>
    %dot_general3A_1947 = tpu.matmul %convert_element_type3A_1944, %convert_element_type3A_1945, %dot_general3A_1946 {dimension_numbers = #tpu.dot_dimension_numbers<[1], [0], [0], [1], [0, 0, 1, 1], [], []>, transpose_lhs_hint = false} : vector<256x128xbf16>, vector<128x1xbf16>, vector<256x1xf32> -> vector<256x1xf32>
    %convert_element_type3A_1948 = arith.truncf %dot_general3A_1943 : vector<256x128xf32> to vector<256x128xbf16>
    %convert_element_type3A_1949 = arith.truncf %get3A_7 : vector<128x1xf32> to vector<128x1xbf16>
    %dot_general3A_1950 = arith.constant dense<0.000000e+00> : vector<256x1xf32>
    %dot_general3A_1951 = tpu.matmul %convert_element_type3A_1948, %convert_element_type3A_1949, %dot_general3A_1950 {dimension_numbers = #tpu.dot_dimension_numbers<[1], [0], [0], [1], [0, 0, 1, 1], [], []>, transpose_lhs_hint = false} : vector<256x128xbf16>, vector<128x1xbf16>, vector<256x1xf32> -> vector<256x1xf32>
    %mul3A_1952 = vector.broadcast %dot_general3A_1947 : vector<256x1xf32> to vector<256x64xf32>
    %mul3A_1953 = arith.mulf %mul3A_1952, %get3A_17 : vector<256x64xf32>
    %convert_element_type3A_1954 = arith.truncf %get3A_14 : vector<256x256xf32> to vector<256x256xbf16>
    %convert_element_type3A_1955 = arith.truncf %mul3A_1953 : vector<256x64xf32> to vector<256x64xbf16>
    %dot_general3A_1956 = arith.constant dense<0.000000e+00> : vector<256x64xf32>
    %dot_general3A_1957 = tpu.matmul %convert_element_type3A_1954, %convert_element_type3A_1955, %dot_general3A_1956 {dimension_numbers = #tpu.dot_dimension_numbers<[1], [0], [0], [1], [0, 0, 1, 1], [], []>, transpose_lhs_hint = false} : vector<256x256xbf16>, vector<256x64xbf16>, vector<256x64xf32> -> vector<256x64xf32>
    %add3A_1958 = vector.broadcast %dot_general3A_1951 : vector<256x1xf32> to vector<256x64xf32>
    %add3A_1959 = arith.addf %dot_general3A_1957, %add3A_1958 : vector<256x64xf32>
    %ge3A_1960 = arith.constant 0.000000e+00 : f32
    %ge3A_1961 = vector.broadcast %ge3A_1960 : f32 to vector<256x64xf32>
    %ge3A_1962 = arith.cmpf oge, %add3A_1959, %ge3A_1961 : vector<256x64xf32>
    %mul3A_1963 = arith.constant 2.000000e-01 : f32
    %mul3A_1964 = vector.broadcast %mul3A_1963 : f32 to vector<256x64xf32>
    %mul3A_1965 = arith.mulf %mul3A_1964, %add3A_1959 : vector<256x64xf32>
    %select_n3A_1966 = arith.select %ge3A_1962, %add3A_1959, %mul3A_1965 : vector<256x64xi1>, vector<256x64xf32>
    %exp3A_1967 = math.exp %select_n3A_1966 : vector<256x64xf32>
    %jit3A_1968 = arith.constant 0.000000e+00 : f32
    %broadcast_in_dim3A_1969 = vector.broadcast %jit3A_1968 : f32 to vector<256x64xf32>
    %select_n3A_1970 = arith.select %gt3A_1896, %exp3A_1967, %broadcast_in_dim3A_1969 : vector<256x64xi1>, vector<256x64xf32>
    %convert_element_type3A_1971 = arith.truncf %get3A_14 : vector<256x256xf32> to vector<256x256xbf16>
    %convert_element_type3A_1972 = arith.truncf %select_n3A_1970 : vector<256x64xf32> to vector<256x64xbf16>
    %dot_general3A_1973 = arith.constant dense<0.000000e+00> : vector<256x64xf32>
    %dot_general3A_1974 = tpu.matmul %convert_element_type3A_1971, %convert_element_type3A_1972, %dot_general3A_1973 {dimension_numbers = #tpu.dot_dimension_numbers<[1], [0], [0], [1], [0, 0, 1, 1], [], []>, transpose_lhs_hint = false} : vector<256x256xbf16>, vector<256x64xbf16>, vector<256x64xf32> -> vector<256x64xf32>
    %gt3A_1975 = arith.constant 0.000000e+00 : f32
    %gt3A_1976 = vector.broadcast %gt3A_1975 : f32 to vector<256x64xf32>
    %gt3A_1977 = arith.cmpf ogt, %dot_general3A_1974, %gt3A_1976 : vector<256x64xf32>
    %div3A_1978 = arith.divf %select_n3A_1970, %dot_general3A_1974 : vector<256x64xf32>
    %jit3A_1979 = arith.constant 2.000000e-02 : f32
    %broadcast_in_dim3A_1980 = vector.broadcast %jit3A_1979 : f32 to vector<256x64xf32>
    %select_n3A_1981 = arith.select %gt3A_1977, %div3A_1978, %broadcast_in_dim3A_1980 : vector<256x64xi1>, vector<256x64xf32>
    %concatenate3A_1982 = tpu.concatenate %select_n3A_1981, %select_n3A_1981, %select_n3A_1981, %select_n3A_1981 in 1 : vector<256x64xf32>, vector<256x64xf32>, vector<256x64xf32>, vector<256x64xf32> -> vector<256x256xf32>
    %mul3A_1983 = arith.mulf %concatenate3A_1982, %get3A_14 : vector<256x256xf32>
    %convert_element_type3A_1984 = arith.truncf %mul3A_1983 : vector<256x256xf32> to vector<256x256xbf16>
    %convert_element_type3A_1985 = arith.truncf %dot_general3A_1943 : vector<256x128xf32> to vector<256x128xbf16>
    %dot_general3A_1986 = arith.constant dense<0.000000e+00> : vector<256x128xf32>
    %dot_general3A_1987 = tpu.matmul %convert_element_type3A_1984, %convert_element_type3A_1985, %dot_general3A_1986 {dimension_numbers = #tpu.dot_dimension_numbers<[0], [0], [1], [1], [0, 1, 1, 1], [], []>, transpose_lhs_hint = false} : vector<256x256xbf16>, vector<256x128xbf16>, vector<256x128xf32> -> vector<256x128xf32>
    %add3A_1988 = arith.addf %dot_general3A_1987, %concatenate3A_1903 : vector<256x128xf32>
    %slice3A_1989 = vector.extract_strided_slice %add3A_1988 {offsets = [0, 0], sizes = [50, 128], strides = [1, 1]} : vector<256x128xf32> to vector<50x128xf32>
    %swap3A_1990 = arith.constant 48 : index
    %swap3A_1991 = arith.constant 0 : index
    %swap3A_1992 = arith.constant 0 : index
    %swap3A_1993 = vector.load %arg10[%swap3A_1990, %swap3A_1991, %swap3A_1992] : memref<64x50x128xf32, #tpu.memory_space<vmem>>, vector<1x50x128xf32>
    %swap3A_1994 = vector.shape_cast %swap3A_1993 : vector<1x50x128xf32> to vector<50x128xf32>
    %swap3A_1995 = vector.shape_cast %slice3A_1989 : vector<50x128xf32> to vector<1x50x128xf32>
    tpu.vector_store %arg10[%swap3A_1990, %swap3A_1991, %swap3A_1992], %swap3A_1995 {strides = array<i32>} : memref<64x50x128xf32, #tpu.memory_space<vmem>>, vector<1x50x128xf32>,
    %slice3A_1996 = vector.extract_strided_slice %add3A_1988 {offsets = [64, 0], sizes = [50, 128], strides = [1, 1]} : vector<256x128xf32> to vector<50x128xf32>
    %swap3A_1997 = arith.constant 49 : index
    %swap3A_1998 = arith.constant 0 : index
    %swap3A_1999 = arith.constant 0 : index
    %swap3A_2000 = vector.load %arg10[%swap3A_1997, %swap3A_1998, %swap3A_1999] : memref<64x50x128xf32, #tpu.memory_space<vmem>>, vector<1x50x128xf32>
    %swap3A_2001 = vector.shape_cast %swap3A_2000 : vector<1x50x128xf32> to vector<50x128xf32>
    %swap3A_2002 = vector.shape_cast %slice3A_1996 : vector<50x128xf32> to vector<1x50x128xf32>
    tpu.vector_store %arg10[%swap3A_1997, %swap3A_1998, %swap3A_1999], %swap3A_2002 {strides = array<i32>} : memref<64x50x128xf32, #tpu.memory_space<vmem>>, vector<1x50x128xf32>,
    %slice3A_2003 = vector.extract_strided_slice %add3A_1988 {offsets = [128, 0], sizes = [50, 128], strides = [1, 1]} : vector<256x128xf32> to vector<50x128xf32>
    %swap3A_2004 = arith.constant 50 : index
    %swap3A_2005 = arith.constant 0 : index
    %swap3A_2006 = arith.constant 0 : index
    %swap3A_2007 = vector.load %arg10[%swap3A_2004, %swap3A_2005, %swap3A_2006] : memref<64x50x128xf32, #tpu.memory_space<vmem>>, vector<1x50x128xf32>
    %swap3A_2008 = vector.shape_cast %swap3A_2007 : vector<1x50x128xf32> to vector<50x128xf32>
    %swap3A_2009 = vector.shape_cast %slice3A_2003 : vector<50x128xf32> to vector<1x50x128xf32>
    tpu.vector_store %arg10[%swap3A_2004, %swap3A_2005, %swap3A_2006], %swap3A_2009 {strides = array<i32>} : memref<64x50x128xf32, #tpu.memory_space<vmem>>, vector<1x50x128xf32>,
    %slice3A_2010 = vector.extract_strided_slice %add3A_1988 {offsets = [192, 0], sizes = [50, 128], strides = [1, 1]} : vector<256x128xf32> to vector<50x128xf32>
    %swap3A_2011 = arith.constant 51 : index
    %swap3A_2012 = arith.constant 0 : index
    %swap3A_2013 = arith.constant 0 : index
    %swap3A_2014 = vector.load %arg10[%swap3A_2011, %swap3A_2012, %swap3A_2013] : memref<64x50x128xf32, #tpu.memory_space<vmem>>, vector<1x50x128xf32>
    %swap3A_2015 = vector.shape_cast %swap3A_2014 : vector<1x50x128xf32> to vector<50x128xf32>
    %swap3A_2016 = vector.shape_cast %slice3A_2010 : vector<50x128xf32> to vector<1x50x128xf32>
    tpu.vector_store %arg10[%swap3A_2011, %swap3A_2012, %swap3A_2013], %swap3A_2016 {strides = array<i32>} : memref<64x50x128xf32, #tpu.memory_space<vmem>>, vector<1x50x128xf32>,
    %get3A_2017 = arith.constant 2600 : index
    %get3A_2018 = arith.constant 0 : index
    %get3A_2019 = vector.load %arg1[%get3A_2017, %get3A_2018] : memref<3200x128xf32, #tpu.memory_space<vmem>>, vector<200x128xf32>
    %get3A_2020 = arith.constant 52 : index
    %get3A_2021 = arith.constant 0 : index
    %get3A_2022 = arith.constant 0 : index
    %get3A_2023 = vector.load %arg3[%get3A_2020, %get3A_2021, %get3A_2022] : memref<64x50x50xf32, #tpu.memory_space<vmem>>, vector<1x50x50xf32>
    %get3A_2024 = vector.shape_cast %get3A_2023 : vector<1x50x50xf32> to vector<50x50xf32>
    %get3A_2025 = arith.constant 53 : index
    %get3A_2026 = arith.constant 0 : index
    %get3A_2027 = arith.constant 0 : index
    %get3A_2028 = vector.load %arg3[%get3A_2025, %get3A_2026, %get3A_2027] : memref<64x50x50xf32, #tpu.memory_space<vmem>>, vector<1x50x50xf32>
    %get3A_2029 = vector.shape_cast %get3A_2028 : vector<1x50x50xf32> to vector<50x50xf32>
    %get3A_2030 = arith.constant 54 : index
    %get3A_2031 = arith.constant 0 : index
    %get3A_2032 = arith.constant 0 : index
    %get3A_2033 = vector.load %arg3[%get3A_2030, %get3A_2031, %get3A_2032] : memref<64x50x50xf32, #tpu.memory_space<vmem>>, vector<1x50x50xf32>
    %get3A_2034 = vector.shape_cast %get3A_2033 : vector<1x50x50xf32> to vector<50x50xf32>
    %get3A_2035 = arith.constant 55 : index
    %get3A_2036 = arith.constant 0 : index
    %get3A_2037 = arith.constant 0 : index
    %get3A_2038 = vector.load %arg3[%get3A_2035, %get3A_2036, %get3A_2037] : memref<64x50x50xf32, #tpu.memory_space<vmem>>, vector<1x50x50xf32>
    %get3A_2039 = vector.shape_cast %get3A_2038 : vector<1x50x50xf32> to vector<50x50xf32>
    %broadcast_in_dim3A_2040 = arith.constant 0.000000e+00 : f32
    %broadcast_in_dim3A_2041 = vector.broadcast %broadcast_in_dim3A_2040 : f32 to vector<50x14xf32>
    %broadcast_in_dim3A_2042 = arith.constant 0.000000e+00 : f32
    %broadcast_in_dim3A_2043 = vector.broadcast %broadcast_in_dim3A_2042 : f32 to vector<14x64xf32>
    %concatenate3A_2044 = tpu.concatenate %get3A_2024, %broadcast_in_dim3A_2041 in 1 : vector<50x50xf32>, vector<50x14xf32> -> vector<50x64xf32>
    %concatenate3A_2045 = tpu.concatenate %get3A_2029, %broadcast_in_dim3A_2041 in 1 : vector<50x50xf32>, vector<50x14xf32> -> vector<50x64xf32>
    %concatenate3A_2046 = tpu.concatenate %get3A_2034, %broadcast_in_dim3A_2041 in 1 : vector<50x50xf32>, vector<50x14xf32> -> vector<50x64xf32>
    %concatenate3A_2047 = tpu.concatenate %get3A_2039, %broadcast_in_dim3A_2041 in 1 : vector<50x50xf32>, vector<50x14xf32> -> vector<50x64xf32>
    %concatenate3A_2048 = tpu.concatenate %concatenate3A_2044, %broadcast_in_dim3A_2043, %concatenate3A_2045, %broadcast_in_dim3A_2043, %concatenate3A_2046, %broadcast_in_dim3A_2043, %concatenate3A_2047, %broadcast_in_dim3A_2043 in 0 : vector<50x64xf32>, vector<14x64xf32>, vector<50x64xf32>, vector<14x64xf32>, vector<50x64xf32>, vector<14x64xf32>, vector<50x64xf32>, vector<14x64xf32> -> vector<256x64xf32>
    %gt3A_2049 = arith.constant 0.000000e+00 : f32
    %gt3A_2050 = vector.broadcast %gt3A_2049 : f32 to vector<256x64xf32>
    %gt3A_2051 = arith.cmpf ogt, %concatenate3A_2048, %gt3A_2050 : vector<256x64xf32>
    %broadcast_in_dim3A_2052 = arith.constant 0.000000e+00 : f32
    %broadcast_in_dim3A_2053 = vector.broadcast %broadcast_in_dim3A_2052 : f32 to vector<14x128xf32>
    %slice3A_2054 = vector.extract_strided_slice %get3A_2019 {offsets = [0, 0], sizes = [50, 128], strides = [1, 1]} : vector<200x128xf32> to vector<50x128xf32>
    %slice3A_2055 = vector.extract_strided_slice %get3A_2019 {offsets = [50, 0], sizes = [50, 128], strides = [1, 1]} : vector<200x128xf32> to vector<50x128xf32>
    %slice3A_2056 = vector.extract_strided_slice %get3A_2019 {offsets = [100, 0], sizes = [50, 128], strides = [1, 1]} : vector<200x128xf32> to vector<50x128xf32>
    %slice3A_2057 = vector.extract_strided_slice %get3A_2019 {offsets = [150, 0], sizes = [50, 128], strides = [1, 1]} : vector<200x128xf32> to vector<50x128xf32>
    %concatenate3A_2058 = tpu.concatenate %slice3A_2054, %broadcast_in_dim3A_2053, %slice3A_2055, %broadcast_in_dim3A_2053, %slice3A_2056, %broadcast_in_dim3A_2053, %slice3A_2057, %broadcast_in_dim3A_2053 in 0 : vector<50x128xf32>, vector<14x128xf32>, vector<50x128xf32>, vector<14x128xf32>, vector<50x128xf32>, vector<14x128xf32>, vector<50x128xf32>, vector<14x128xf32> -> vector<256x128xf32>
    %convert_element_type3A_2059 = arith.truncf %concatenate3A_2058 : vector<256x128xf32> to vector<256x128xbf16>
    %convert_element_type3A_2060 = arith.truncf %get3A_1 : vector<128x1xf32> to vector<128x1xbf16>
    %dot_general3A_2061 = arith.constant dense<0.000000e+00> : vector<256x1xf32>
    %dot_general3A_2062 = tpu.matmul %convert_element_type3A_2059, %convert_element_type3A_2060, %dot_general3A_2061 {dimension_numbers = #tpu.dot_dimension_numbers<[1], [0], [0], [1], [0, 0, 1, 1], [], []>, transpose_lhs_hint = false} : vector<256x128xbf16>, vector<128x1xbf16>, vector<256x1xf32> -> vector<256x1xf32>
    %add3A_2063 = vector.broadcast %get3A_11 : f32 to vector<256x1xf32>
    %add3A_2064 = arith.addf %dot_general3A_2062, %add3A_2063 : vector<256x1xf32>
    %ge3A_2065 = arith.constant 0.000000e+00 : f32
    %ge3A_2066 = vector.broadcast %ge3A_2065 : f32 to vector<256x1xf32>
    %ge3A_2067 = arith.cmpf oge, %add3A_2064, %ge3A_2066 : vector<256x1xf32>
    %mul3A_2068 = arith.constant 2.000000e-01 : f32
    %mul3A_2069 = vector.broadcast %mul3A_2068 : f32 to vector<256x1xf32>
    %mul3A_2070 = arith.mulf %mul3A_2069, %add3A_2064 : vector<256x1xf32>
    %select_n3A_2071 = arith.select %ge3A_2067, %add3A_2064, %mul3A_2070 : vector<256x1xi1>, vector<256x1xf32>
    %mul3A_2072 = vector.broadcast %select_n3A_2071 : vector<256x1xf32> to vector<256x64xf32>
    %mul3A_2073 = arith.mulf %mul3A_2072, %get3A_17 : vector<256x64xf32>
    %convert_element_type3A_2074 = arith.truncf %get3A_14 : vector<256x256xf32> to vector<256x256xbf16>
    %convert_element_type3A_2075 = arith.truncf %mul3A_2073 : vector<256x64xf32> to vector<256x64xbf16>
    %dot_general3A_2076 = arith.constant dense<0.000000e+00> : vector<256x64xf32>
    %dot_general3A_2077 = tpu.matmul %convert_element_type3A_2074, %convert_element_type3A_2075, %dot_general3A_2076 {dimension_numbers = #tpu.dot_dimension_numbers<[1], [0], [0], [1], [0, 0, 1, 1], [], []>, transpose_lhs_hint = false} : vector<256x256xbf16>, vector<256x64xbf16>, vector<256x64xf32> -> vector<256x64xf32>
    %exp3A_2078 = math.exp %dot_general3A_2077 : vector<256x64xf32>
    %jit3A_2079 = arith.constant 0.000000e+00 : f32
    %broadcast_in_dim3A_2080 = vector.broadcast %jit3A_2079 : f32 to vector<256x64xf32>
    %select_n3A_2081 = arith.select %gt3A_2051, %exp3A_2078, %broadcast_in_dim3A_2080 : vector<256x64xi1>, vector<256x64xf32>
    %reduce_sum3A_2082 = arith.constant dense<0.000000e+00> : vector<256xf32>
    %reduce_sum3A_2083 = vector.multi_reduction <add>, %select_n3A_2081, %reduce_sum3A_2082 [1] : vector<256x64xf32> to vector<256xf32>
    %broadcast_in_dim3A_2084 = vector.shape_cast %reduce_sum3A_2083 : vector<256xf32> to vector<256x1xf32>
    %le3A_2085 = arith.constant 0.000000e+00 : f32
    %le3A_2086 = vector.broadcast %le3A_2085 : f32 to vector<256x1xf32>
    %le3A_2087 = arith.cmpf ole, %broadcast_in_dim3A_2084, %le3A_2086 : vector<256x1xf32>
    %convert_element_type3A_2088 = arith.extui %le3A_2087 : vector<256x1xi1> to vector<256x1xi32>
    %convert_element_type3A_2089 = arith.sitofp %convert_element_type3A_2088 : vector<256x1xi32> to vector<256x1xf32>
    %add3A_2090 = arith.addf %broadcast_in_dim3A_2084, %convert_element_type3A_2089 : vector<256x1xf32>
    %div3A_2091 = vector.broadcast %add3A_2090 : vector<256x1xf32> to vector<256x64xf32>
    %div3A_2092 = arith.divf %select_n3A_2081, %div3A_2091 : vector<256x64xf32>
    %concatenate3A_2093 = tpu.concatenate %div3A_2092, %div3A_2092, %div3A_2092, %div3A_2092 in 1 : vector<256x64xf32>, vector<256x64xf32>, vector<256x64xf32>, vector<256x64xf32> -> vector<256x256xf32>
    %mul3A_2094 = arith.mulf %concatenate3A_2093, %get3A_14 : vector<256x256xf32>
    %convert_element_type3A_2095 = arith.truncf %mul3A_2094 : vector<256x256xf32> to vector<256x256xbf16>
    %convert_element_type3A_2096 = arith.truncf %concatenate3A_2058 : vector<256x128xf32> to vector<256x128xbf16>
    %dot_general3A_2097 = arith.constant dense<0.000000e+00> : vector<256x128xf32>
    %dot_general3A_2098 = tpu.matmul %convert_element_type3A_2095, %convert_element_type3A_2096, %dot_general3A_2097 {dimension_numbers = #tpu.dot_dimension_numbers<[1], [0], [0], [1], [0, 0, 1, 1], [], []>, transpose_lhs_hint = false} : vector<256x256xbf16>, vector<256x128xbf16>, vector<256x128xf32> -> vector<256x128xf32>
    %convert_element_type3A_2099 = arith.truncf %concatenate3A_2058 : vector<256x128xf32> to vector<256x128xbf16>
    %convert_element_type3A_2100 = arith.truncf %get3A_4 : vector<128x1xf32> to vector<128x1xbf16>
    %dot_general3A_2101 = arith.constant dense<0.000000e+00> : vector<256x1xf32>
    %dot_general3A_2102 = tpu.matmul %convert_element_type3A_2099, %convert_element_type3A_2100, %dot_general3A_2101 {dimension_numbers = #tpu.dot_dimension_numbers<[1], [0], [0], [1], [0, 0, 1, 1], [], []>, transpose_lhs_hint = false} : vector<256x128xbf16>, vector<128x1xbf16>, vector<256x1xf32> -> vector<256x1xf32>
    %convert_element_type3A_2103 = arith.truncf %dot_general3A_2098 : vector<256x128xf32> to vector<256x128xbf16>
    %convert_element_type3A_2104 = arith.truncf %get3A_7 : vector<128x1xf32> to vector<128x1xbf16>
    %dot_general3A_2105 = arith.constant dense<0.000000e+00> : vector<256x1xf32>
    %dot_general3A_2106 = tpu.matmul %convert_element_type3A_2103, %convert_element_type3A_2104, %dot_general3A_2105 {dimension_numbers = #tpu.dot_dimension_numbers<[1], [0], [0], [1], [0, 0, 1, 1], [], []>, transpose_lhs_hint = false} : vector<256x128xbf16>, vector<128x1xbf16>, vector<256x1xf32> -> vector<256x1xf32>
    %mul3A_2107 = vector.broadcast %dot_general3A_2102 : vector<256x1xf32> to vector<256x64xf32>
    %mul3A_2108 = arith.mulf %mul3A_2107, %get3A_17 : vector<256x64xf32>
    %convert_element_type3A_2109 = arith.truncf %get3A_14 : vector<256x256xf32> to vector<256x256xbf16>
    %convert_element_type3A_2110 = arith.truncf %mul3A_2108 : vector<256x64xf32> to vector<256x64xbf16>
    %dot_general3A_2111 = arith.constant dense<0.000000e+00> : vector<256x64xf32>
    %dot_general3A_2112 = tpu.matmul %convert_element_type3A_2109, %convert_element_type3A_2110, %dot_general3A_2111 {dimension_numbers = #tpu.dot_dimension_numbers<[1], [0], [0], [1], [0, 0, 1, 1], [], []>, transpose_lhs_hint = false} : vector<256x256xbf16>, vector<256x64xbf16>, vector<256x64xf32> -> vector<256x64xf32>
    %add3A_2113 = vector.broadcast %dot_general3A_2106 : vector<256x1xf32> to vector<256x64xf32>
    %add3A_2114 = arith.addf %dot_general3A_2112, %add3A_2113 : vector<256x64xf32>
    %ge3A_2115 = arith.constant 0.000000e+00 : f32
    %ge3A_2116 = vector.broadcast %ge3A_2115 : f32 to vector<256x64xf32>
    %ge3A_2117 = arith.cmpf oge, %add3A_2114, %ge3A_2116 : vector<256x64xf32>
    %mul3A_2118 = arith.constant 2.000000e-01 : f32
    %mul3A_2119 = vector.broadcast %mul3A_2118 : f32 to vector<256x64xf32>
    %mul3A_2120 = arith.mulf %mul3A_2119, %add3A_2114 : vector<256x64xf32>
    %select_n3A_2121 = arith.select %ge3A_2117, %add3A_2114, %mul3A_2120 : vector<256x64xi1>, vector<256x64xf32>
    %exp3A_2122 = math.exp %select_n3A_2121 : vector<256x64xf32>
    %jit3A_2123 = arith.constant 0.000000e+00 : f32
    %broadcast_in_dim3A_2124 = vector.broadcast %jit3A_2123 : f32 to vector<256x64xf32>
    %select_n3A_2125 = arith.select %gt3A_2051, %exp3A_2122, %broadcast_in_dim3A_2124 : vector<256x64xi1>, vector<256x64xf32>
    %convert_element_type3A_2126 = arith.truncf %get3A_14 : vector<256x256xf32> to vector<256x256xbf16>
    %convert_element_type3A_2127 = arith.truncf %select_n3A_2125 : vector<256x64xf32> to vector<256x64xbf16>
    %dot_general3A_2128 = arith.constant dense<0.000000e+00> : vector<256x64xf32>
    %dot_general3A_2129 = tpu.matmul %convert_element_type3A_2126, %convert_element_type3A_2127, %dot_general3A_2128 {dimension_numbers = #tpu.dot_dimension_numbers<[1], [0], [0], [1], [0, 0, 1, 1], [], []>, transpose_lhs_hint = false} : vector<256x256xbf16>, vector<256x64xbf16>, vector<256x64xf32> -> vector<256x64xf32>
    %gt3A_2130 = arith.constant 0.000000e+00 : f32
    %gt3A_2131 = vector.broadcast %gt3A_2130 : f32 to vector<256x64xf32>
    %gt3A_2132 = arith.cmpf ogt, %dot_general3A_2129, %gt3A_2131 : vector<256x64xf32>
    %div3A_2133 = arith.divf %select_n3A_2125, %dot_general3A_2129 : vector<256x64xf32>
    %jit3A_2134 = arith.constant 2.000000e-02 : f32
    %broadcast_in_dim3A_2135 = vector.broadcast %jit3A_2134 : f32 to vector<256x64xf32>
    %select_n3A_2136 = arith.select %gt3A_2132, %div3A_2133, %broadcast_in_dim3A_2135 : vector<256x64xi1>, vector<256x64xf32>
    %concatenate3A_2137 = tpu.concatenate %select_n3A_2136, %select_n3A_2136, %select_n3A_2136, %select_n3A_2136 in 1 : vector<256x64xf32>, vector<256x64xf32>, vector<256x64xf32>, vector<256x64xf32> -> vector<256x256xf32>
    %mul3A_2138 = arith.mulf %concatenate3A_2137, %get3A_14 : vector<256x256xf32>
    %convert_element_type3A_2139 = arith.truncf %mul3A_2138 : vector<256x256xf32> to vector<256x256xbf16>
    %convert_element_type3A_2140 = arith.truncf %dot_general3A_2098 : vector<256x128xf32> to vector<256x128xbf16>
    %dot_general3A_2141 = arith.constant dense<0.000000e+00> : vector<256x128xf32>
    %dot_general3A_2142 = tpu.matmul %convert_element_type3A_2139, %convert_element_type3A_2140, %dot_general3A_2141 {dimension_numbers = #tpu.dot_dimension_numbers<[0], [0], [1], [1], [0, 1, 1, 1], [], []>, transpose_lhs_hint = false} : vector<256x256xbf16>, vector<256x128xbf16>, vector<256x128xf32> -> vector<256x128xf32>
    %add3A_2143 = arith.addf %dot_general3A_2142, %concatenate3A_2058 : vector<256x128xf32>
    %slice3A_2144 = vector.extract_strided_slice %add3A_2143 {offsets = [0, 0], sizes = [50, 128], strides = [1, 1]} : vector<256x128xf32> to vector<50x128xf32>
    %swap3A_2145 = arith.constant 52 : index
    %swap3A_2146 = arith.constant 0 : index
    %swap3A_2147 = arith.constant 0 : index
    %swap3A_2148 = vector.load %arg10[%swap3A_2145, %swap3A_2146, %swap3A_2147] : memref<64x50x128xf32, #tpu.memory_space<vmem>>, vector<1x50x128xf32>
    %swap3A_2149 = vector.shape_cast %swap3A_2148 : vector<1x50x128xf32> to vector<50x128xf32>
    %swap3A_2150 = vector.shape_cast %slice3A_2144 : vector<50x128xf32> to vector<1x50x128xf32>
    tpu.vector_store %arg10[%swap3A_2145, %swap3A_2146, %swap3A_2147], %swap3A_2150 {strides = array<i32>} : memref<64x50x128xf32, #tpu.memory_space<vmem>>, vector<1x50x128xf32>,
    %slice3A_2151 = vector.extract_strided_slice %add3A_2143 {offsets = [64, 0], sizes = [50, 128], strides = [1, 1]} : vector<256x128xf32> to vector<50x128xf32>
    %swap3A_2152 = arith.constant 53 : index
    %swap3A_2153 = arith.constant 0 : index
    %swap3A_2154 = arith.constant 0 : index
    %swap3A_2155 = vector.load %arg10[%swap3A_2152, %swap3A_2153, %swap3A_2154] : memref<64x50x128xf32, #tpu.memory_space<vmem>>, vector<1x50x128xf32>
    %swap3A_2156 = vector.shape_cast %swap3A_2155 : vector<1x50x128xf32> to vector<50x128xf32>
    %swap3A_2157 = vector.shape_cast %slice3A_2151 : vector<50x128xf32> to vector<1x50x128xf32>
    tpu.vector_store %arg10[%swap3A_2152, %swap3A_2153, %swap3A_2154], %swap3A_2157 {strides = array<i32>} : memref<64x50x128xf32, #tpu.memory_space<vmem>>, vector<1x50x128xf32>,
    %slice3A_2158 = vector.extract_strided_slice %add3A_2143 {offsets = [128, 0], sizes = [50, 128], strides = [1, 1]} : vector<256x128xf32> to vector<50x128xf32>
    %swap3A_2159 = arith.constant 54 : index
    %swap3A_2160 = arith.constant 0 : index
    %swap3A_2161 = arith.constant 0 : index
    %swap3A_2162 = vector.load %arg10[%swap3A_2159, %swap3A_2160, %swap3A_2161] : memref<64x50x128xf32, #tpu.memory_space<vmem>>, vector<1x50x128xf32>
    %swap3A_2163 = vector.shape_cast %swap3A_2162 : vector<1x50x128xf32> to vector<50x128xf32>
    %swap3A_2164 = vector.shape_cast %slice3A_2158 : vector<50x128xf32> to vector<1x50x128xf32>
    tpu.vector_store %arg10[%swap3A_2159, %swap3A_2160, %swap3A_2161], %swap3A_2164 {strides = array<i32>} : memref<64x50x128xf32, #tpu.memory_space<vmem>>, vector<1x50x128xf32>,
    %slice3A_2165 = vector.extract_strided_slice %add3A_2143 {offsets = [192, 0], sizes = [50, 128], strides = [1, 1]} : vector<256x128xf32> to vector<50x128xf32>
    %swap3A_2166 = arith.constant 55 : index
    %swap3A_2167 = arith.constant 0 : index
    %swap3A_2168 = arith.constant 0 : index
    %swap3A_2169 = vector.load %arg10[%swap3A_2166, %swap3A_2167, %swap3A_2168] : memref<64x50x128xf32, #tpu.memory_space<vmem>>, vector<1x50x128xf32>
    %swap3A_2170 = vector.shape_cast %swap3A_2169 : vector<1x50x128xf32> to vector<50x128xf32>
    %swap3A_2171 = vector.shape_cast %slice3A_2165 : vector<50x128xf32> to vector<1x50x128xf32>
    tpu.vector_store %arg10[%swap3A_2166, %swap3A_2167, %swap3A_2168], %swap3A_2171 {strides = array<i32>} : memref<64x50x128xf32, #tpu.memory_space<vmem>>, vector<1x50x128xf32>,
    %get3A_2172 = arith.constant 2800 : index
    %get3A_2173 = arith.constant 0 : index
    %get3A_2174 = vector.load %arg1[%get3A_2172, %get3A_2173] : memref<3200x128xf32, #tpu.memory_space<vmem>>, vector<200x128xf32>
    %get3A_2175 = arith.constant 56 : index
    %get3A_2176 = arith.constant 0 : index
    %get3A_2177 = arith.constant 0 : index
    %get3A_2178 = vector.load %arg3[%get3A_2175, %get3A_2176, %get3A_2177] : memref<64x50x50xf32, #tpu.memory_space<vmem>>, vector<1x50x50xf32>
    %get3A_2179 = vector.shape_cast %get3A_2178 : vector<1x50x50xf32> to vector<50x50xf32>
    %get3A_2180 = arith.constant 57 : index
    %get3A_2181 = arith.constant 0 : index
    %get3A_2182 = arith.constant 0 : index
    %get3A_2183 = vector.load %arg3[%get3A_2180, %get3A_2181, %get3A_2182] : memref<64x50x50xf32, #tpu.memory_space<vmem>>, vector<1x50x50xf32>
    %get3A_2184 = vector.shape_cast %get3A_2183 : vector<1x50x50xf32> to vector<50x50xf32>
    %get3A_2185 = arith.constant 58 : index
    %get3A_2186 = arith.constant 0 : index
    %get3A_2187 = arith.constant 0 : index
    %get3A_2188 = vector.load %arg3[%get3A_2185, %get3A_2186, %get3A_2187] : memref<64x50x50xf32, #tpu.memory_space<vmem>>, vector<1x50x50xf32>
    %get3A_2189 = vector.shape_cast %get3A_2188 : vector<1x50x50xf32> to vector<50x50xf32>
    %get3A_2190 = arith.constant 59 : index
    %get3A_2191 = arith.constant 0 : index
    %get3A_2192 = arith.constant 0 : index
    %get3A_2193 = vector.load %arg3[%get3A_2190, %get3A_2191, %get3A_2192] : memref<64x50x50xf32, #tpu.memory_space<vmem>>, vector<1x50x50xf32>
    %get3A_2194 = vector.shape_cast %get3A_2193 : vector<1x50x50xf32> to vector<50x50xf32>
    %broadcast_in_dim3A_2195 = arith.constant 0.000000e+00 : f32
    %broadcast_in_dim3A_2196 = vector.broadcast %broadcast_in_dim3A_2195 : f32 to vector<50x14xf32>
    %broadcast_in_dim3A_2197 = arith.constant 0.000000e+00 : f32
    %broadcast_in_dim3A_2198 = vector.broadcast %broadcast_in_dim3A_2197 : f32 to vector<14x64xf32>
    %concatenate3A_2199 = tpu.concatenate %get3A_2179, %broadcast_in_dim3A_2196 in 1 : vector<50x50xf32>, vector<50x14xf32> -> vector<50x64xf32>
    %concatenate3A_2200 = tpu.concatenate %get3A_2184, %broadcast_in_dim3A_2196 in 1 : vector<50x50xf32>, vector<50x14xf32> -> vector<50x64xf32>
    %concatenate3A_2201 = tpu.concatenate %get3A_2189, %broadcast_in_dim3A_2196 in 1 : vector<50x50xf32>, vector<50x14xf32> -> vector<50x64xf32>
    %concatenate3A_2202 = tpu.concatenate %get3A_2194, %broadcast_in_dim3A_2196 in 1 : vector<50x50xf32>, vector<50x14xf32> -> vector<50x64xf32>
    %concatenate3A_2203 = tpu.concatenate %concatenate3A_2199, %broadcast_in_dim3A_2198, %concatenate3A_2200, %broadcast_in_dim3A_2198, %concatenate3A_2201, %broadcast_in_dim3A_2198, %concatenate3A_2202, %broadcast_in_dim3A_2198 in 0 : vector<50x64xf32>, vector<14x64xf32>, vector<50x64xf32>, vector<14x64xf32>, vector<50x64xf32>, vector<14x64xf32>, vector<50x64xf32>, vector<14x64xf32> -> vector<256x64xf32>
    %gt3A_2204 = arith.constant 0.000000e+00 : f32
    %gt3A_2205 = vector.broadcast %gt3A_2204 : f32 to vector<256x64xf32>
    %gt3A_2206 = arith.cmpf ogt, %concatenate3A_2203, %gt3A_2205 : vector<256x64xf32>
    %broadcast_in_dim3A_2207 = arith.constant 0.000000e+00 : f32
    %broadcast_in_dim3A_2208 = vector.broadcast %broadcast_in_dim3A_2207 : f32 to vector<14x128xf32>
    %slice3A_2209 = vector.extract_strided_slice %get3A_2174 {offsets = [0, 0], sizes = [50, 128], strides = [1, 1]} : vector<200x128xf32> to vector<50x128xf32>
    %slice3A_2210 = vector.extract_strided_slice %get3A_2174 {offsets = [50, 0], sizes = [50, 128], strides = [1, 1]} : vector<200x128xf32> to vector<50x128xf32>
    %slice3A_2211 = vector.extract_strided_slice %get3A_2174 {offsets = [100, 0], sizes = [50, 128], strides = [1, 1]} : vector<200x128xf32> to vector<50x128xf32>
    %slice3A_2212 = vector.extract_strided_slice %get3A_2174 {offsets = [150, 0], sizes = [50, 128], strides = [1, 1]} : vector<200x128xf32> to vector<50x128xf32>
    %concatenate3A_2213 = tpu.concatenate %slice3A_2209, %broadcast_in_dim3A_2208, %slice3A_2210, %broadcast_in_dim3A_2208, %slice3A_2211, %broadcast_in_dim3A_2208, %slice3A_2212, %broadcast_in_dim3A_2208 in 0 : vector<50x128xf32>, vector<14x128xf32>, vector<50x128xf32>, vector<14x128xf32>, vector<50x128xf32>, vector<14x128xf32>, vector<50x128xf32>, vector<14x128xf32> -> vector<256x128xf32>
    %convert_element_type3A_2214 = arith.truncf %concatenate3A_2213 : vector<256x128xf32> to vector<256x128xbf16>
    %convert_element_type3A_2215 = arith.truncf %get3A_1 : vector<128x1xf32> to vector<128x1xbf16>
    %dot_general3A_2216 = arith.constant dense<0.000000e+00> : vector<256x1xf32>
    %dot_general3A_2217 = tpu.matmul %convert_element_type3A_2214, %convert_element_type3A_2215, %dot_general3A_2216 {dimension_numbers = #tpu.dot_dimension_numbers<[1], [0], [0], [1], [0, 0, 1, 1], [], []>, transpose_lhs_hint = false} : vector<256x128xbf16>, vector<128x1xbf16>, vector<256x1xf32> -> vector<256x1xf32>
    %add3A_2218 = vector.broadcast %get3A_11 : f32 to vector<256x1xf32>
    %add3A_2219 = arith.addf %dot_general3A_2217, %add3A_2218 : vector<256x1xf32>
    %ge3A_2220 = arith.constant 0.000000e+00 : f32
    %ge3A_2221 = vector.broadcast %ge3A_2220 : f32 to vector<256x1xf32>
    %ge3A_2222 = arith.cmpf oge, %add3A_2219, %ge3A_2221 : vector<256x1xf32>
    %mul3A_2223 = arith.constant 2.000000e-01 : f32
    %mul3A_2224 = vector.broadcast %mul3A_2223 : f32 to vector<256x1xf32>
    %mul3A_2225 = arith.mulf %mul3A_2224, %add3A_2219 : vector<256x1xf32>
    %select_n3A_2226 = arith.select %ge3A_2222, %add3A_2219, %mul3A_2225 : vector<256x1xi1>, vector<256x1xf32>
    %mul3A_2227 = vector.broadcast %select_n3A_2226 : vector<256x1xf32> to vector<256x64xf32>
    %mul3A_2228 = arith.mulf %mul3A_2227, %get3A_17 : vector<256x64xf32>
    %convert_element_type3A_2229 = arith.truncf %get3A_14 : vector<256x256xf32> to vector<256x256xbf16>
    %convert_element_type3A_2230 = arith.truncf %mul3A_2228 : vector<256x64xf32> to vector<256x64xbf16>
    %dot_general3A_2231 = arith.constant dense<0.000000e+00> : vector<256x64xf32>
    %dot_general3A_2232 = tpu.matmul %convert_element_type3A_2229, %convert_element_type3A_2230, %dot_general3A_2231 {dimension_numbers = #tpu.dot_dimension_numbers<[1], [0], [0], [1], [0, 0, 1, 1], [], []>, transpose_lhs_hint = false} : vector<256x256xbf16>, vector<256x64xbf16>, vector<256x64xf32> -> vector<256x64xf32>
    %exp3A_2233 = math.exp %dot_general3A_2232 : vector<256x64xf32>
    %jit3A_2234 = arith.constant 0.000000e+00 : f32
    %broadcast_in_dim3A_2235 = vector.broadcast %jit3A_2234 : f32 to vector<256x64xf32>
    %select_n3A_2236 = arith.select %gt3A_2206, %exp3A_2233, %broadcast_in_dim3A_2235 : vector<256x64xi1>, vector<256x64xf32>
    %reduce_sum3A_2237 = arith.constant dense<0.000000e+00> : vector<256xf32>
    %reduce_sum3A_2238 = vector.multi_reduction <add>, %select_n3A_2236, %reduce_sum3A_2237 [1] : vector<256x64xf32> to vector<256xf32>
    %broadcast_in_dim3A_2239 = vector.shape_cast %reduce_sum3A_2238 : vector<256xf32> to vector<256x1xf32>
    %le3A_2240 = arith.constant 0.000000e+00 : f32
    %le3A_2241 = vector.broadcast %le3A_2240 : f32 to vector<256x1xf32>
    %le3A_2242 = arith.cmpf ole, %broadcast_in_dim3A_2239, %le3A_2241 : vector<256x1xf32>
    %convert_element_type3A_2243 = arith.extui %le3A_2242 : vector<256x1xi1> to vector<256x1xi32>
    %convert_element_type3A_2244 = arith.sitofp %convert_element_type3A_2243 : vector<256x1xi32> to vector<256x1xf32>
    %add3A_2245 = arith.addf %broadcast_in_dim3A_2239, %convert_element_type3A_2244 : vector<256x1xf32>
    %div3A_2246 = vector.broadcast %add3A_2245 : vector<256x1xf32> to vector<256x64xf32>
    %div3A_2247 = arith.divf %select_n3A_2236, %div3A_2246 : vector<256x64xf32>
    %concatenate3A_2248 = tpu.concatenate %div3A_2247, %div3A_2247, %div3A_2247, %div3A_2247 in 1 : vector<256x64xf32>, vector<256x64xf32>, vector<256x64xf32>, vector<256x64xf32> -> vector<256x256xf32>
    %mul3A_2249 = arith.mulf %concatenate3A_2248, %get3A_14 : vector<256x256xf32>
    %convert_element_type3A_2250 = arith.truncf %mul3A_2249 : vector<256x256xf32> to vector<256x256xbf16>
    %convert_element_type3A_2251 = arith.truncf %concatenate3A_2213 : vector<256x128xf32> to vector<256x128xbf16>
    %dot_general3A_2252 = arith.constant dense<0.000000e+00> : vector<256x128xf32>
    %dot_general3A_2253 = tpu.matmul %convert_element_type3A_2250, %convert_element_type3A_2251, %dot_general3A_2252 {dimension_numbers = #tpu.dot_dimension_numbers<[1], [0], [0], [1], [0, 0, 1, 1], [], []>, transpose_lhs_hint = false} : vector<256x256xbf16>, vector<256x128xbf16>, vector<256x128xf32> -> vector<256x128xf32>
    %convert_element_type3A_2254 = arith.truncf %concatenate3A_2213 : vector<256x128xf32> to vector<256x128xbf16>
    %convert_element_type3A_2255 = arith.truncf %get3A_4 : vector<128x1xf32> to vector<128x1xbf16>
    %dot_general3A_2256 = arith.constant dense<0.000000e+00> : vector<256x1xf32>
    %dot_general3A_2257 = tpu.matmul %convert_element_type3A_2254, %convert_element_type3A_2255, %dot_general3A_2256 {dimension_numbers = #tpu.dot_dimension_numbers<[1], [0], [0], [1], [0, 0, 1, 1], [], []>, transpose_lhs_hint = false} : vector<256x128xbf16>, vector<128x1xbf16>, vector<256x1xf32> -> vector<256x1xf32>
    %convert_element_type3A_2258 = arith.truncf %dot_general3A_2253 : vector<256x128xf32> to vector<256x128xbf16>
    %convert_element_type3A_2259 = arith.truncf %get3A_7 : vector<128x1xf32> to vector<128x1xbf16>
    %dot_general3A_2260 = arith.constant dense<0.000000e+00> : vector<256x1xf32>
    %dot_general3A_2261 = tpu.matmul %convert_element_type3A_2258, %convert_element_type3A_2259, %dot_general3A_2260 {dimension_numbers = #tpu.dot_dimension_numbers<[1], [0], [0], [1], [0, 0, 1, 1], [], []>, transpose_lhs_hint = false} : vector<256x128xbf16>, vector<128x1xbf16>, vector<256x1xf32> -> vector<256x1xf32>
    %mul3A_2262 = vector.broadcast %dot_general3A_2257 : vector<256x1xf32> to vector<256x64xf32>
    %mul3A_2263 = arith.mulf %mul3A_2262, %get3A_17 : vector<256x64xf32>
    %convert_element_type3A_2264 = arith.truncf %get3A_14 : vector<256x256xf32> to vector<256x256xbf16>
    %convert_element_type3A_2265 = arith.truncf %mul3A_2263 : vector<256x64xf32> to vector<256x64xbf16>
    %dot_general3A_2266 = arith.constant dense<0.000000e+00> : vector<256x64xf32>
    %dot_general3A_2267 = tpu.matmul %convert_element_type3A_2264, %convert_element_type3A_2265, %dot_general3A_2266 {dimension_numbers = #tpu.dot_dimension_numbers<[1], [0], [0], [1], [0, 0, 1, 1], [], []>, transpose_lhs_hint = false} : vector<256x256xbf16>, vector<256x64xbf16>, vector<256x64xf32> -> vector<256x64xf32>
    %add3A_2268 = vector.broadcast %dot_general3A_2261 : vector<256x1xf32> to vector<256x64xf32>
    %add3A_2269 = arith.addf %dot_general3A_2267, %add3A_2268 : vector<256x64xf32>
    %ge3A_2270 = arith.constant 0.000000e+00 : f32
    %ge3A_2271 = vector.broadcast %ge3A_2270 : f32 to vector<256x64xf32>
    %ge3A_2272 = arith.cmpf oge, %add3A_2269, %ge3A_2271 : vector<256x64xf32>
    %mul3A_2273 = arith.constant 2.000000e-01 : f32
    %mul3A_2274 = vector.broadcast %mul3A_2273 : f32 to vector<256x64xf32>
    %mul3A_2275 = arith.mulf %mul3A_2274, %add3A_2269 : vector<256x64xf32>
    %select_n3A_2276 = arith.select %ge3A_2272, %add3A_2269, %mul3A_2275 : vector<256x64xi1>, vector<256x64xf32>
    %exp3A_2277 = math.exp %select_n3A_2276 : vector<256x64xf32>
    %jit3A_2278 = arith.constant 0.000000e+00 : f32
    %broadcast_in_dim3A_2279 = vector.broadcast %jit3A_2278 : f32 to vector<256x64xf32>
    %select_n3A_2280 = arith.select %gt3A_2206, %exp3A_2277, %broadcast_in_dim3A_2279 : vector<256x64xi1>, vector<256x64xf32>
    %convert_element_type3A_2281 = arith.truncf %get3A_14 : vector<256x256xf32> to vector<256x256xbf16>
    %convert_element_type3A_2282 = arith.truncf %select_n3A_2280 : vector<256x64xf32> to vector<256x64xbf16>
    %dot_general3A_2283 = arith.constant dense<0.000000e+00> : vector<256x64xf32>
    %dot_general3A_2284 = tpu.matmul %convert_element_type3A_2281, %convert_element_type3A_2282, %dot_general3A_2283 {dimension_numbers = #tpu.dot_dimension_numbers<[1], [0], [0], [1], [0, 0, 1, 1], [], []>, transpose_lhs_hint = false} : vector<256x256xbf16>, vector<256x64xbf16>, vector<256x64xf32> -> vector<256x64xf32>
    %gt3A_2285 = arith.constant 0.000000e+00 : f32
    %gt3A_2286 = vector.broadcast %gt3A_2285 : f32 to vector<256x64xf32>
    %gt3A_2287 = arith.cmpf ogt, %dot_general3A_2284, %gt3A_2286 : vector<256x64xf32>
    %div3A_2288 = arith.divf %select_n3A_2280, %dot_general3A_2284 : vector<256x64xf32>
    %jit3A_2289 = arith.constant 2.000000e-02 : f32
    %broadcast_in_dim3A_2290 = vector.broadcast %jit3A_2289 : f32 to vector<256x64xf32>
    %select_n3A_2291 = arith.select %gt3A_2287, %div3A_2288, %broadcast_in_dim3A_2290 : vector<256x64xi1>, vector<256x64xf32>
    %concatenate3A_2292 = tpu.concatenate %select_n3A_2291, %select_n3A_2291, %select_n3A_2291, %select_n3A_2291 in 1 : vector<256x64xf32>, vector<256x64xf32>, vector<256x64xf32>, vector<256x64xf32> -> vector<256x256xf32>
    %mul3A_2293 = arith.mulf %concatenate3A_2292, %get3A_14 : vector<256x256xf32>
    %convert_element_type3A_2294 = arith.truncf %mul3A_2293 : vector<256x256xf32> to vector<256x256xbf16>
    %convert_element_type3A_2295 = arith.truncf %dot_general3A_2253 : vector<256x128xf32> to vector<256x128xbf16>
    %dot_general3A_2296 = arith.constant dense<0.000000e+00> : vector<256x128xf32>
    %dot_general3A_2297 = tpu.matmul %convert_element_type3A_2294, %convert_element_type3A_2295, %dot_general3A_2296 {dimension_numbers = #tpu.dot_dimension_numbers<[0], [0], [1], [1], [0, 1, 1, 1], [], []>, transpose_lhs_hint = false} : vector<256x256xbf16>, vector<256x128xbf16>, vector<256x128xf32> -> vector<256x128xf32>
    %add3A_2298 = arith.addf %dot_general3A_2297, %concatenate3A_2213 : vector<256x128xf32>
    %slice3A_2299 = vector.extract_strided_slice %add3A_2298 {offsets = [0, 0], sizes = [50, 128], strides = [1, 1]} : vector<256x128xf32> to vector<50x128xf32>
    %swap3A_2300 = arith.constant 56 : index
    %swap3A_2301 = arith.constant 0 : index
    %swap3A_2302 = arith.constant 0 : index
    %swap3A_2303 = vector.load %arg10[%swap3A_2300, %swap3A_2301, %swap3A_2302] : memref<64x50x128xf32, #tpu.memory_space<vmem>>, vector<1x50x128xf32>
    %swap3A_2304 = vector.shape_cast %swap3A_2303 : vector<1x50x128xf32> to vector<50x128xf32>
    %swap3A_2305 = vector.shape_cast %slice3A_2299 : vector<50x128xf32> to vector<1x50x128xf32>
    tpu.vector_store %arg10[%swap3A_2300, %swap3A_2301, %swap3A_2302], %swap3A_2305 {strides = array<i32>} : memref<64x50x128xf32, #tpu.memory_space<vmem>>, vector<1x50x128xf32>,
    %slice3A_2306 = vector.extract_strided_slice %add3A_2298 {offsets = [64, 0], sizes = [50, 128], strides = [1, 1]} : vector<256x128xf32> to vector<50x128xf32>
    %swap3A_2307 = arith.constant 57 : index
    %swap3A_2308 = arith.constant 0 : index
    %swap3A_2309 = arith.constant 0 : index
    %swap3A_2310 = vector.load %arg10[%swap3A_2307, %swap3A_2308, %swap3A_2309] : memref<64x50x128xf32, #tpu.memory_space<vmem>>, vector<1x50x128xf32>
    %swap3A_2311 = vector.shape_cast %swap3A_2310 : vector<1x50x128xf32> to vector<50x128xf32>
    %swap3A_2312 = vector.shape_cast %slice3A_2306 : vector<50x128xf32> to vector<1x50x128xf32>
    tpu.vector_store %arg10[%swap3A_2307, %swap3A_2308, %swap3A_2309], %swap3A_2312 {strides = array<i32>} : memref<64x50x128xf32, #tpu.memory_space<vmem>>, vector<1x50x128xf32>,
    %slice3A_2313 = vector.extract_strided_slice %add3A_2298 {offsets = [128, 0], sizes = [50, 128], strides = [1, 1]} : vector<256x128xf32> to vector<50x128xf32>
    %swap3A_2314 = arith.constant 58 : index
    %swap3A_2315 = arith.constant 0 : index
    %swap3A_2316 = arith.constant 0 : index
    %swap3A_2317 = vector.load %arg10[%swap3A_2314, %swap3A_2315, %swap3A_2316] : memref<64x50x128xf32, #tpu.memory_space<vmem>>, vector<1x50x128xf32>
    %swap3A_2318 = vector.shape_cast %swap3A_2317 : vector<1x50x128xf32> to vector<50x128xf32>
    %swap3A_2319 = vector.shape_cast %slice3A_2313 : vector<50x128xf32> to vector<1x50x128xf32>
    tpu.vector_store %arg10[%swap3A_2314, %swap3A_2315, %swap3A_2316], %swap3A_2319 {strides = array<i32>} : memref<64x50x128xf32, #tpu.memory_space<vmem>>, vector<1x50x128xf32>,
    %slice3A_2320 = vector.extract_strided_slice %add3A_2298 {offsets = [192, 0], sizes = [50, 128], strides = [1, 1]} : vector<256x128xf32> to vector<50x128xf32>
    %swap3A_2321 = arith.constant 59 : index
    %swap3A_2322 = arith.constant 0 : index
    %swap3A_2323 = arith.constant 0 : index
    %swap3A_2324 = vector.load %arg10[%swap3A_2321, %swap3A_2322, %swap3A_2323] : memref<64x50x128xf32, #tpu.memory_space<vmem>>, vector<1x50x128xf32>
    %swap3A_2325 = vector.shape_cast %swap3A_2324 : vector<1x50x128xf32> to vector<50x128xf32>
    %swap3A_2326 = vector.shape_cast %slice3A_2320 : vector<50x128xf32> to vector<1x50x128xf32>
    tpu.vector_store %arg10[%swap3A_2321, %swap3A_2322, %swap3A_2323], %swap3A_2326 {strides = array<i32>} : memref<64x50x128xf32, #tpu.memory_space<vmem>>, vector<1x50x128xf32>,
    %get3A_2327 = arith.constant 3000 : index
    %get3A_2328 = arith.constant 0 : index
    %get3A_2329 = vector.load %arg1[%get3A_2327, %get3A_2328] : memref<3200x128xf32, #tpu.memory_space<vmem>>, vector<200x128xf32>
    %get3A_2330 = arith.constant 60 : index
    %get3A_2331 = arith.constant 0 : index
    %get3A_2332 = arith.constant 0 : index
    %get3A_2333 = vector.load %arg3[%get3A_2330, %get3A_2331, %get3A_2332] : memref<64x50x50xf32, #tpu.memory_space<vmem>>, vector<1x50x50xf32>
    %get3A_2334 = vector.shape_cast %get3A_2333 : vector<1x50x50xf32> to vector<50x50xf32>
    %get3A_2335 = arith.constant 61 : index
    %get3A_2336 = arith.constant 0 : index
    %get3A_2337 = arith.constant 0 : index
    %get3A_2338 = vector.load %arg3[%get3A_2335, %get3A_2336, %get3A_2337] : memref<64x50x50xf32, #tpu.memory_space<vmem>>, vector<1x50x50xf32>
    %get3A_2339 = vector.shape_cast %get3A_2338 : vector<1x50x50xf32> to vector<50x50xf32>
    %get3A_2340 = arith.constant 62 : index
    %get3A_2341 = arith.constant 0 : index
    %get3A_2342 = arith.constant 0 : index
    %get3A_2343 = vector.load %arg3[%get3A_2340, %get3A_2341, %get3A_2342] : memref<64x50x50xf32, #tpu.memory_space<vmem>>, vector<1x50x50xf32>
    %get3A_2344 = vector.shape_cast %get3A_2343 : vector<1x50x50xf32> to vector<50x50xf32>
    %get3A_2345 = arith.constant 63 : index
    %get3A_2346 = arith.constant 0 : index
    %get3A_2347 = arith.constant 0 : index
    %get3A_2348 = vector.load %arg3[%get3A_2345, %get3A_2346, %get3A_2347] : memref<64x50x50xf32, #tpu.memory_space<vmem>>, vector<1x50x50xf32>
    %get3A_2349 = vector.shape_cast %get3A_2348 : vector<1x50x50xf32> to vector<50x50xf32>
    %broadcast_in_dim3A_2350 = arith.constant 0.000000e+00 : f32
    %broadcast_in_dim3A_2351 = vector.broadcast %broadcast_in_dim3A_2350 : f32 to vector<50x14xf32>
    %broadcast_in_dim3A_2352 = arith.constant 0.000000e+00 : f32
    %broadcast_in_dim3A_2353 = vector.broadcast %broadcast_in_dim3A_2352 : f32 to vector<14x64xf32>
    %concatenate3A_2354 = tpu.concatenate %get3A_2334, %broadcast_in_dim3A_2351 in 1 : vector<50x50xf32>, vector<50x14xf32> -> vector<50x64xf32>
    %concatenate3A_2355 = tpu.concatenate %get3A_2339, %broadcast_in_dim3A_2351 in 1 : vector<50x50xf32>, vector<50x14xf32> -> vector<50x64xf32>
    %concatenate3A_2356 = tpu.concatenate %get3A_2344, %broadcast_in_dim3A_2351 in 1 : vector<50x50xf32>, vector<50x14xf32> -> vector<50x64xf32>
    %concatenate3A_2357 = tpu.concatenate %get3A_2349, %broadcast_in_dim3A_2351 in 1 : vector<50x50xf32>, vector<50x14xf32> -> vector<50x64xf32>
    %concatenate3A_2358 = tpu.concatenate %concatenate3A_2354, %broadcast_in_dim3A_2353, %concatenate3A_2355, %broadcast_in_dim3A_2353, %concatenate3A_2356, %broadcast_in_dim3A_2353, %concatenate3A_2357, %broadcast_in_dim3A_2353 in 0 : vector<50x64xf32>, vector<14x64xf32>, vector<50x64xf32>, vector<14x64xf32>, vector<50x64xf32>, vector<14x64xf32>, vector<50x64xf32>, vector<14x64xf32> -> vector<256x64xf32>
    %gt3A_2359 = arith.constant 0.000000e+00 : f32
    %gt3A_2360 = vector.broadcast %gt3A_2359 : f32 to vector<256x64xf32>
    %gt3A_2361 = arith.cmpf ogt, %concatenate3A_2358, %gt3A_2360 : vector<256x64xf32>
    %broadcast_in_dim3A_2362 = arith.constant 0.000000e+00 : f32
    %broadcast_in_dim3A_2363 = vector.broadcast %broadcast_in_dim3A_2362 : f32 to vector<14x128xf32>
    %slice3A_2364 = vector.extract_strided_slice %get3A_2329 {offsets = [0, 0], sizes = [50, 128], strides = [1, 1]} : vector<200x128xf32> to vector<50x128xf32>
    %slice3A_2365 = vector.extract_strided_slice %get3A_2329 {offsets = [50, 0], sizes = [50, 128], strides = [1, 1]} : vector<200x128xf32> to vector<50x128xf32>
    %slice3A_2366 = vector.extract_strided_slice %get3A_2329 {offsets = [100, 0], sizes = [50, 128], strides = [1, 1]} : vector<200x128xf32> to vector<50x128xf32>
    %slice3A_2367 = vector.extract_strided_slice %get3A_2329 {offsets = [150, 0], sizes = [50, 128], strides = [1, 1]} : vector<200x128xf32> to vector<50x128xf32>
    %concatenate3A_2368 = tpu.concatenate %slice3A_2364, %broadcast_in_dim3A_2363, %slice3A_2365, %broadcast_in_dim3A_2363, %slice3A_2366, %broadcast_in_dim3A_2363, %slice3A_2367, %broadcast_in_dim3A_2363 in 0 : vector<50x128xf32>, vector<14x128xf32>, vector<50x128xf32>, vector<14x128xf32>, vector<50x128xf32>, vector<14x128xf32>, vector<50x128xf32>, vector<14x128xf32> -> vector<256x128xf32>
    %convert_element_type3A_2369 = arith.truncf %concatenate3A_2368 : vector<256x128xf32> to vector<256x128xbf16>
    %convert_element_type3A_2370 = arith.truncf %get3A_1 : vector<128x1xf32> to vector<128x1xbf16>
    %dot_general3A_2371 = arith.constant dense<0.000000e+00> : vector<256x1xf32>
    %dot_general3A_2372 = tpu.matmul %convert_element_type3A_2369, %convert_element_type3A_2370, %dot_general3A_2371 {dimension_numbers = #tpu.dot_dimension_numbers<[1], [0], [0], [1], [0, 0, 1, 1], [], []>, transpose_lhs_hint = false} : vector<256x128xbf16>, vector<128x1xbf16>, vector<256x1xf32> -> vector<256x1xf32>
    %add3A_2373 = vector.broadcast %get3A_11 : f32 to vector<256x1xf32>
    %add3A_2374 = arith.addf %dot_general3A_2372, %add3A_2373 : vector<256x1xf32>
    %ge3A_2375 = arith.constant 0.000000e+00 : f32
    %ge3A_2376 = vector.broadcast %ge3A_2375 : f32 to vector<256x1xf32>
    %ge3A_2377 = arith.cmpf oge, %add3A_2374, %ge3A_2376 : vector<256x1xf32>
    %mul3A_2378 = arith.constant 2.000000e-01 : f32
    %mul3A_2379 = vector.broadcast %mul3A_2378 : f32 to vector<256x1xf32>
    %mul3A_2380 = arith.mulf %mul3A_2379, %add3A_2374 : vector<256x1xf32>
    %select_n3A_2381 = arith.select %ge3A_2377, %add3A_2374, %mul3A_2380 : vector<256x1xi1>, vector<256x1xf32>
    %mul3A_2382 = vector.broadcast %select_n3A_2381 : vector<256x1xf32> to vector<256x64xf32>
    %mul3A_2383 = arith.mulf %mul3A_2382, %get3A_17 : vector<256x64xf32>
    %convert_element_type3A_2384 = arith.truncf %get3A_14 : vector<256x256xf32> to vector<256x256xbf16>
    %convert_element_type3A_2385 = arith.truncf %mul3A_2383 : vector<256x64xf32> to vector<256x64xbf16>
    %dot_general3A_2386 = arith.constant dense<0.000000e+00> : vector<256x64xf32>
    %dot_general3A_2387 = tpu.matmul %convert_element_type3A_2384, %convert_element_type3A_2385, %dot_general3A_2386 {dimension_numbers = #tpu.dot_dimension_numbers<[1], [0], [0], [1], [0, 0, 1, 1], [], []>, transpose_lhs_hint = false} : vector<256x256xbf16>, vector<256x64xbf16>, vector<256x64xf32> -> vector<256x64xf32>
    %exp3A_2388 = math.exp %dot_general3A_2387 : vector<256x64xf32>
    %jit3A_2389 = arith.constant 0.000000e+00 : f32
    %broadcast_in_dim3A_2390 = vector.broadcast %jit3A_2389 : f32 to vector<256x64xf32>
    %select_n3A_2391 = arith.select %gt3A_2361, %exp3A_2388, %broadcast_in_dim3A_2390 : vector<256x64xi1>, vector<256x64xf32>
    %reduce_sum3A_2392 = arith.constant dense<0.000000e+00> : vector<256xf32>
    %reduce_sum3A_2393 = vector.multi_reduction <add>, %select_n3A_2391, %reduce_sum3A_2392 [1] : vector<256x64xf32> to vector<256xf32>
    %broadcast_in_dim3A_2394 = vector.shape_cast %reduce_sum3A_2393 : vector<256xf32> to vector<256x1xf32>
    %le3A_2395 = arith.constant 0.000000e+00 : f32
    %le3A_2396 = vector.broadcast %le3A_2395 : f32 to vector<256x1xf32>
    %le3A_2397 = arith.cmpf ole, %broadcast_in_dim3A_2394, %le3A_2396 : vector<256x1xf32>
    %convert_element_type3A_2398 = arith.extui %le3A_2397 : vector<256x1xi1> to vector<256x1xi32>
    %convert_element_type3A_2399 = arith.sitofp %convert_element_type3A_2398 : vector<256x1xi32> to vector<256x1xf32>
    %add3A_2400 = arith.addf %broadcast_in_dim3A_2394, %convert_element_type3A_2399 : vector<256x1xf32>
    %div3A_2401 = vector.broadcast %add3A_2400 : vector<256x1xf32> to vector<256x64xf32>
    %div3A_2402 = arith.divf %select_n3A_2391, %div3A_2401 : vector<256x64xf32>
    %concatenate3A_2403 = tpu.concatenate %div3A_2402, %div3A_2402, %div3A_2402, %div3A_2402 in 1 : vector<256x64xf32>, vector<256x64xf32>, vector<256x64xf32>, vector<256x64xf32> -> vector<256x256xf32>
    %mul3A_2404 = arith.mulf %concatenate3A_2403, %get3A_14 : vector<256x256xf32>
    %convert_element_type3A_2405 = arith.truncf %mul3A_2404 : vector<256x256xf32> to vector<256x256xbf16>
    %convert_element_type3A_2406 = arith.truncf %concatenate3A_2368 : vector<256x128xf32> to vector<256x128xbf16>
    %dot_general3A_2407 = arith.constant dense<0.000000e+00> : vector<256x128xf32>
    %dot_general3A_2408 = tpu.matmul %convert_element_type3A_2405, %convert_element_type3A_2406, %dot_general3A_2407 {dimension_numbers = #tpu.dot_dimension_numbers<[1], [0], [0], [1], [0, 0, 1, 1], [], []>, transpose_lhs_hint = false} : vector<256x256xbf16>, vector<256x128xbf16>, vector<256x128xf32> -> vector<256x128xf32>
    %convert_element_type3A_2409 = arith.truncf %concatenate3A_2368 : vector<256x128xf32> to vector<256x128xbf16>
    %convert_element_type3A_2410 = arith.truncf %get3A_4 : vector<128x1xf32> to vector<128x1xbf16>
    %dot_general3A_2411 = arith.constant dense<0.000000e+00> : vector<256x1xf32>
    %dot_general3A_2412 = tpu.matmul %convert_element_type3A_2409, %convert_element_type3A_2410, %dot_general3A_2411 {dimension_numbers = #tpu.dot_dimension_numbers<[1], [0], [0], [1], [0, 0, 1, 1], [], []>, transpose_lhs_hint = false} : vector<256x128xbf16>, vector<128x1xbf16>, vector<256x1xf32> -> vector<256x1xf32>
    %convert_element_type3A_2413 = arith.truncf %dot_general3A_2408 : vector<256x128xf32> to vector<256x128xbf16>
    %convert_element_type3A_2414 = arith.truncf %get3A_7 : vector<128x1xf32> to vector<128x1xbf16>
    %dot_general3A_2415 = arith.constant dense<0.000000e+00> : vector<256x1xf32>
    %dot_general3A_2416 = tpu.matmul %convert_element_type3A_2413, %convert_element_type3A_2414, %dot_general3A_2415 {dimension_numbers = #tpu.dot_dimension_numbers<[1], [0], [0], [1], [0, 0, 1, 1], [], []>, transpose_lhs_hint = false} : vector<256x128xbf16>, vector<128x1xbf16>, vector<256x1xf32> -> vector<256x1xf32>
    %mul3A_2417 = vector.broadcast %dot_general3A_2412 : vector<256x1xf32> to vector<256x64xf32>
    %mul3A_2418 = arith.mulf %mul3A_2417, %get3A_17 : vector<256x64xf32>
    %convert_element_type3A_2419 = arith.truncf %get3A_14 : vector<256x256xf32> to vector<256x256xbf16>
    %convert_element_type3A_2420 = arith.truncf %mul3A_2418 : vector<256x64xf32> to vector<256x64xbf16>
    %dot_general3A_2421 = arith.constant dense<0.000000e+00> : vector<256x64xf32>
    %dot_general3A_2422 = tpu.matmul %convert_element_type3A_2419, %convert_element_type3A_2420, %dot_general3A_2421 {dimension_numbers = #tpu.dot_dimension_numbers<[1], [0], [0], [1], [0, 0, 1, 1], [], []>, transpose_lhs_hint = false} : vector<256x256xbf16>, vector<256x64xbf16>, vector<256x64xf32> -> vector<256x64xf32>
    %add3A_2423 = vector.broadcast %dot_general3A_2416 : vector<256x1xf32> to vector<256x64xf32>
    %add3A_2424 = arith.addf %dot_general3A_2422, %add3A_2423 : vector<256x64xf32>
    %ge3A_2425 = arith.constant 0.000000e+00 : f32
    %ge3A_2426 = vector.broadcast %ge3A_2425 : f32 to vector<256x64xf32>
    %ge3A_2427 = arith.cmpf oge, %add3A_2424, %ge3A_2426 : vector<256x64xf32>
    %mul3A_2428 = arith.constant 2.000000e-01 : f32
    %mul3A_2429 = vector.broadcast %mul3A_2428 : f32 to vector<256x64xf32>
    %mul3A_2430 = arith.mulf %mul3A_2429, %add3A_2424 : vector<256x64xf32>
    %select_n3A_2431 = arith.select %ge3A_2427, %add3A_2424, %mul3A_2430 : vector<256x64xi1>, vector<256x64xf32>
    %exp3A_2432 = math.exp %select_n3A_2431 : vector<256x64xf32>
    %jit3A_2433 = arith.constant 0.000000e+00 : f32
    %broadcast_in_dim3A_2434 = vector.broadcast %jit3A_2433 : f32 to vector<256x64xf32>
    %select_n3A_2435 = arith.select %gt3A_2361, %exp3A_2432, %broadcast_in_dim3A_2434 : vector<256x64xi1>, vector<256x64xf32>
    %convert_element_type3A_2436 = arith.truncf %get3A_14 : vector<256x256xf32> to vector<256x256xbf16>
    %convert_element_type3A_2437 = arith.truncf %select_n3A_2435 : vector<256x64xf32> to vector<256x64xbf16>
    %dot_general3A_2438 = arith.constant dense<0.000000e+00> : vector<256x64xf32>
    %dot_general3A_2439 = tpu.matmul %convert_element_type3A_2436, %convert_element_type3A_2437, %dot_general3A_2438 {dimension_numbers = #tpu.dot_dimension_numbers<[1], [0], [0], [1], [0, 0, 1, 1], [], []>, transpose_lhs_hint = false} : vector<256x256xbf16>, vector<256x64xbf16>, vector<256x64xf32> -> vector<256x64xf32>
    %gt3A_2440 = arith.constant 0.000000e+00 : f32
    %gt3A_2441 = vector.broadcast %gt3A_2440 : f32 to vector<256x64xf32>
    %gt3A_2442 = arith.cmpf ogt, %dot_general3A_2439, %gt3A_2441 : vector<256x64xf32>
    %div3A_2443 = arith.divf %select_n3A_2435, %dot_general3A_2439 : vector<256x64xf32>
    %jit3A_2444 = arith.constant 2.000000e-02 : f32
    %broadcast_in_dim3A_2445 = vector.broadcast %jit3A_2444 : f32 to vector<256x64xf32>
    %select_n3A_2446 = arith.select %gt3A_2442, %div3A_2443, %broadcast_in_dim3A_2445 : vector<256x64xi1>, vector<256x64xf32>
    %concatenate3A_2447 = tpu.concatenate %select_n3A_2446, %select_n3A_2446, %select_n3A_2446, %select_n3A_2446 in 1 : vector<256x64xf32>, vector<256x64xf32>, vector<256x64xf32>, vector<256x64xf32> -> vector<256x256xf32>
    %mul3A_2448 = arith.mulf %concatenate3A_2447, %get3A_14 : vector<256x256xf32>
    %convert_element_type3A_2449 = arith.truncf %mul3A_2448 : vector<256x256xf32> to vector<256x256xbf16>
    %convert_element_type3A_2450 = arith.truncf %dot_general3A_2408 : vector<256x128xf32> to vector<256x128xbf16>
    %dot_general3A_2451 = arith.constant dense<0.000000e+00> : vector<256x128xf32>
    %dot_general3A_2452 = tpu.matmul %convert_element_type3A_2449, %convert_element_type3A_2450, %dot_general3A_2451 {dimension_numbers = #tpu.dot_dimension_numbers<[0], [0], [1], [1], [0, 1, 1, 1], [], []>, transpose_lhs_hint = false} : vector<256x256xbf16>, vector<256x128xbf16>, vector<256x128xf32> -> vector<256x128xf32>
    %add3A_2453 = arith.addf %dot_general3A_2452, %concatenate3A_2368 : vector<256x128xf32>
    %slice3A_2454 = vector.extract_strided_slice %add3A_2453 {offsets = [0, 0], sizes = [50, 128], strides = [1, 1]} : vector<256x128xf32> to vector<50x128xf32>
    %swap3A_2455 = arith.constant 60 : index
    %swap3A_2456 = arith.constant 0 : index
    %swap3A_2457 = arith.constant 0 : index
    %swap3A_2458 = vector.load %arg10[%swap3A_2455, %swap3A_2456, %swap3A_2457] : memref<64x50x128xf32, #tpu.memory_space<vmem>>, vector<1x50x128xf32>
    %swap3A_2459 = vector.shape_cast %swap3A_2458 : vector<1x50x128xf32> to vector<50x128xf32>
    %swap3A_2460 = vector.shape_cast %slice3A_2454 : vector<50x128xf32> to vector<1x50x128xf32>
    tpu.vector_store %arg10[%swap3A_2455, %swap3A_2456, %swap3A_2457], %swap3A_2460 {strides = array<i32>} : memref<64x50x128xf32, #tpu.memory_space<vmem>>, vector<1x50x128xf32>,
    %slice3A_2461 = vector.extract_strided_slice %add3A_2453 {offsets = [64, 0], sizes = [50, 128], strides = [1, 1]} : vector<256x128xf32> to vector<50x128xf32>
    %swap3A_2462 = arith.constant 61 : index
    %swap3A_2463 = arith.constant 0 : index
    %swap3A_2464 = arith.constant 0 : index
    %swap3A_2465 = vector.load %arg10[%swap3A_2462, %swap3A_2463, %swap3A_2464] : memref<64x50x128xf32, #tpu.memory_space<vmem>>, vector<1x50x128xf32>
    %swap3A_2466 = vector.shape_cast %swap3A_2465 : vector<1x50x128xf32> to vector<50x128xf32>
    %swap3A_2467 = vector.shape_cast %slice3A_2461 : vector<50x128xf32> to vector<1x50x128xf32>
    tpu.vector_store %arg10[%swap3A_2462, %swap3A_2463, %swap3A_2464], %swap3A_2467 {strides = array<i32>} : memref<64x50x128xf32, #tpu.memory_space<vmem>>, vector<1x50x128xf32>,
    %slice3A_2468 = vector.extract_strided_slice %add3A_2453 {offsets = [128, 0], sizes = [50, 128], strides = [1, 1]} : vector<256x128xf32> to vector<50x128xf32>
    %swap3A_2469 = arith.constant 62 : index
    %swap3A_2470 = arith.constant 0 : index
    %swap3A_2471 = arith.constant 0 : index
    %swap3A_2472 = vector.load %arg10[%swap3A_2469, %swap3A_2470, %swap3A_2471] : memref<64x50x128xf32, #tpu.memory_space<vmem>>, vector<1x50x128xf32>
    %swap3A_2473 = vector.shape_cast %swap3A_2472 : vector<1x50x128xf32> to vector<50x128xf32>
    %swap3A_2474 = vector.shape_cast %slice3A_2468 : vector<50x128xf32> to vector<1x50x128xf32>
    tpu.vector_store %arg10[%swap3A_2469, %swap3A_2470, %swap3A_2471], %swap3A_2474 {strides = array<i32>} : memref<64x50x128xf32, #tpu.memory_space<vmem>>, vector<1x50x128xf32>,
    %slice3A_2475 = vector.extract_strided_slice %add3A_2453 {offsets = [192, 0], sizes = [50, 128], strides = [1, 1]} : vector<256x128xf32> to vector<50x128xf32>
    %swap3A_2476 = arith.constant 63 : index
    %swap3A_2477 = arith.constant 0 : index
    %swap3A_2478 = arith.constant 0 : index
    %swap3A_2479 = vector.load %arg10[%swap3A_2476, %swap3A_2477, %swap3A_2478] : memref<64x50x128xf32, #tpu.memory_space<vmem>>, vector<1x50x128xf32>
    %swap3A_2480 = vector.shape_cast %swap3A_2479 : vector<1x50x128xf32> to vector<50x128xf32>
    %swap3A_2481 = vector.shape_cast %slice3A_2475 : vector<50x128xf32> to vector<1x50x128xf32>
    tpu.vector_store %arg10[%swap3A_2476, %swap3A_2477, %swap3A_2478], %swap3A_2481 {strides = array<i32>} : memref<64x50x128xf32, #tpu.memory_space<vmem>>, vector<1x50x128xf32>,
    %get3A_2482 = arith.constant 0 : index
    %get3A_2483 = arith.constant 0 : index
    %get3A_2484 = vector.load %arg2[%get3A_2482, %get3A_2483] : memref<3200x128xf32, #tpu.memory_space<vmem>>, vector<50x128xf32>
    %swap3A_2485 = arith.constant 0 : index
    %swap3A_2486 = arith.constant 0 : index
    %swap3A_2487 = arith.constant 0 : index
    %swap3A_2488 = vector.load %arg11[%swap3A_2485, %swap3A_2486, %swap3A_2487] : memref<64x50x128xf32, #tpu.memory_space<vmem>>, vector<1x50x128xf32>
    %swap3A_2489 = vector.shape_cast %swap3A_2488 : vector<1x50x128xf32> to vector<50x128xf32>
    %swap3A_2490 = vector.shape_cast %get3A_2484 : vector<50x128xf32> to vector<1x50x128xf32>
    tpu.vector_store %arg11[%swap3A_2485, %swap3A_2486, %swap3A_2487], %swap3A_2490 {strides = array<i32>} : memref<64x50x128xf32, #tpu.memory_space<vmem>>, vector<1x50x128xf32>,
    %get3A_2491 = arith.constant 50 : index
    %get3A_2492 = arith.constant 0 : index
    %get3A_2493 = vector.load %arg2[%get3A_2491, %get3A_2492] : memref<3200x128xf32, #tpu.memory_space<vmem>>, vector<50x128xf32>
    %swap3A_2494 = arith.constant 1 : index
    %swap3A_2495 = arith.constant 0 : index
    %swap3A_2496 = arith.constant 0 : index
    %swap3A_2497 = vector.load %arg11[%swap3A_2494, %swap3A_2495, %swap3A_2496] : memref<64x50x128xf32, #tpu.memory_space<vmem>>, vector<1x50x128xf32>
    %swap3A_2498 = vector.shape_cast %swap3A_2497 : vector<1x50x128xf32> to vector<50x128xf32>
    %swap3A_2499 = vector.shape_cast %get3A_2493 : vector<50x128xf32> to vector<1x50x128xf32>
    tpu.vector_store %arg11[%swap3A_2494, %swap3A_2495, %swap3A_2496], %swap3A_2499 {strides = array<i32>} : memref<64x50x128xf32, #tpu.memory_space<vmem>>, vector<1x50x128xf32>,
    %get3A_2500 = arith.constant 100 : index
    %get3A_2501 = arith.constant 0 : index
    %get3A_2502 = vector.load %arg2[%get3A_2500, %get3A_2501] : memref<3200x128xf32, #tpu.memory_space<vmem>>, vector<50x128xf32>
    %swap3A_2503 = arith.constant 2 : index
    %swap3A_2504 = arith.constant 0 : index
    %swap3A_2505 = arith.constant 0 : index
    %swap3A_2506 = vector.load %arg11[%swap3A_2503, %swap3A_2504, %swap3A_2505] : memref<64x50x128xf32, #tpu.memory_space<vmem>>, vector<1x50x128xf32>
    %swap3A_2507 = vector.shape_cast %swap3A_2506 : vector<1x50x128xf32> to vector<50x128xf32>
    %swap3A_2508 = vector.shape_cast %get3A_2502 : vector<50x128xf32> to vector<1x50x128xf32>
    tpu.vector_store %arg11[%swap3A_2503, %swap3A_2504, %swap3A_2505], %swap3A_2508 {strides = array<i32>} : memref<64x50x128xf32, #tpu.memory_space<vmem>>, vector<1x50x128xf32>,
    %get3A_2509 = arith.constant 150 : index
    %get3A_2510 = arith.constant 0 : index
    %get3A_2511 = vector.load %arg2[%get3A_2509, %get3A_2510] : memref<3200x128xf32, #tpu.memory_space<vmem>>, vector<50x128xf32>
    %swap3A_2512 = arith.constant 3 : index
    %swap3A_2513 = arith.constant 0 : index
    %swap3A_2514 = arith.constant 0 : index
    %swap3A_2515 = vector.load %arg11[%swap3A_2512, %swap3A_2513, %swap3A_2514] : memref<64x50x128xf32, #tpu.memory_space<vmem>>, vector<1x50x128xf32>
    %swap3A_2516 = vector.shape_cast %swap3A_2515 : vector<1x50x128xf32> to vector<50x128xf32>
    %swap3A_2517 = vector.shape_cast %get3A_2511 : vector<50x128xf32> to vector<1x50x128xf32>
    tpu.vector_store %arg11[%swap3A_2512, %swap3A_2513, %swap3A_2514], %swap3A_2517 {strides = array<i32>} : memref<64x50x128xf32, #tpu.memory_space<vmem>>, vector<1x50x128xf32>,
    %get3A_2518 = arith.constant 200 : index
    %get3A_2519 = arith.constant 0 : index
    %get3A_2520 = vector.load %arg2[%get3A_2518, %get3A_2519] : memref<3200x128xf32, #tpu.memory_space<vmem>>, vector<50x128xf32>
    %swap3A_2521 = arith.constant 4 : index
    %swap3A_2522 = arith.constant 0 : index
    %swap3A_2523 = arith.constant 0 : index
    %swap3A_2524 = vector.load %arg11[%swap3A_2521, %swap3A_2522, %swap3A_2523] : memref<64x50x128xf32, #tpu.memory_space<vmem>>, vector<1x50x128xf32>
    %swap3A_2525 = vector.shape_cast %swap3A_2524 : vector<1x50x128xf32> to vector<50x128xf32>
    %swap3A_2526 = vector.shape_cast %get3A_2520 : vector<50x128xf32> to vector<1x50x128xf32>
    tpu.vector_store %arg11[%swap3A_2521, %swap3A_2522, %swap3A_2523], %swap3A_2526 {strides = array<i32>} : memref<64x50x128xf32, #tpu.memory_space<vmem>>, vector<1x50x128xf32>,
    %get3A_2527 = arith.constant 250 : index
    %get3A_2528 = arith.constant 0 : index
    %get3A_2529 = vector.load %arg2[%get3A_2527, %get3A_2528] : memref<3200x128xf32, #tpu.memory_space<vmem>>, vector<50x128xf32>
    %swap3A_2530 = arith.constant 5 : index
    %swap3A_2531 = arith.constant 0 : index
    %swap3A_2532 = arith.constant 0 : index
    %swap3A_2533 = vector.load %arg11[%swap3A_2530, %swap3A_2531, %swap3A_2532] : memref<64x50x128xf32, #tpu.memory_space<vmem>>, vector<1x50x128xf32>
    %swap3A_2534 = vector.shape_cast %swap3A_2533 : vector<1x50x128xf32> to vector<50x128xf32>
    %swap3A_2535 = vector.shape_cast %get3A_2529 : vector<50x128xf32> to vector<1x50x128xf32>
    tpu.vector_store %arg11[%swap3A_2530, %swap3A_2531, %swap3A_2532], %swap3A_2535 {strides = array<i32>} : memref<64x50x128xf32, #tpu.memory_space<vmem>>, vector<1x50x128xf32>,
    %get3A_2536 = arith.constant 300 : index
    %get3A_2537 = arith.constant 0 : index
    %get3A_2538 = vector.load %arg2[%get3A_2536, %get3A_2537] : memref<3200x128xf32, #tpu.memory_space<vmem>>, vector<50x128xf32>
    %swap3A_2539 = arith.constant 6 : index
    %swap3A_2540 = arith.constant 0 : index
    %swap3A_2541 = arith.constant 0 : index
    %swap3A_2542 = vector.load %arg11[%swap3A_2539, %swap3A_2540, %swap3A_2541] : memref<64x50x128xf32, #tpu.memory_space<vmem>>, vector<1x50x128xf32>
    %swap3A_2543 = vector.shape_cast %swap3A_2542 : vector<1x50x128xf32> to vector<50x128xf32>
    %swap3A_2544 = vector.shape_cast %get3A_2538 : vector<50x128xf32> to vector<1x50x128xf32>
    tpu.vector_store %arg11[%swap3A_2539, %swap3A_2540, %swap3A_2541], %swap3A_2544 {strides = array<i32>} : memref<64x50x128xf32, #tpu.memory_space<vmem>>, vector<1x50x128xf32>,
    %get3A_2545 = arith.constant 350 : index
    %get3A_2546 = arith.constant 0 : index
    %get3A_2547 = vector.load %arg2[%get3A_2545, %get3A_2546] : memref<3200x128xf32, #tpu.memory_space<vmem>>, vector<50x128xf32>
    %swap3A_2548 = arith.constant 7 : index
    %swap3A_2549 = arith.constant 0 : index
    %swap3A_2550 = arith.constant 0 : index
    %swap3A_2551 = vector.load %arg11[%swap3A_2548, %swap3A_2549, %swap3A_2550] : memref<64x50x128xf32, #tpu.memory_space<vmem>>, vector<1x50x128xf32>
    %swap3A_2552 = vector.shape_cast %swap3A_2551 : vector<1x50x128xf32> to vector<50x128xf32>
    %swap3A_2553 = vector.shape_cast %get3A_2547 : vector<50x128xf32> to vector<1x50x128xf32>
    tpu.vector_store %arg11[%swap3A_2548, %swap3A_2549, %swap3A_2550], %swap3A_2553 {strides = array<i32>} : memref<64x50x128xf32, #tpu.memory_space<vmem>>, vector<1x50x128xf32>,
    %get3A_2554 = arith.constant 400 : index
    %get3A_2555 = arith.constant 0 : index
    %get3A_2556 = vector.load %arg2[%get3A_2554, %get3A_2555] : memref<3200x128xf32, #tpu.memory_space<vmem>>, vector<50x128xf32>
    %swap3A_2557 = arith.constant 8 : index
    %swap3A_2558 = arith.constant 0 : index
    %swap3A_2559 = arith.constant 0 : index
    %swap3A_2560 = vector.load %arg11[%swap3A_2557, %swap3A_2558, %swap3A_2559] : memref<64x50x128xf32, #tpu.memory_space<vmem>>, vector<1x50x128xf32>
    %swap3A_2561 = vector.shape_cast %swap3A_2560 : vector<1x50x128xf32> to vector<50x128xf32>
    %swap3A_2562 = vector.shape_cast %get3A_2556 : vector<50x128xf32> to vector<1x50x128xf32>
    tpu.vector_store %arg11[%swap3A_2557, %swap3A_2558, %swap3A_2559], %swap3A_2562 {strides = array<i32>} : memref<64x50x128xf32, #tpu.memory_space<vmem>>, vector<1x50x128xf32>,
    %get3A_2563 = arith.constant 450 : index
    %get3A_2564 = arith.constant 0 : index
    %get3A_2565 = vector.load %arg2[%get3A_2563, %get3A_2564] : memref<3200x128xf32, #tpu.memory_space<vmem>>, vector<50x128xf32>
    %swap3A_2566 = arith.constant 9 : index
    %swap3A_2567 = arith.constant 0 : index
    %swap3A_2568 = arith.constant 0 : index
    %swap3A_2569 = vector.load %arg11[%swap3A_2566, %swap3A_2567, %swap3A_2568] : memref<64x50x128xf32, #tpu.memory_space<vmem>>, vector<1x50x128xf32>
    %swap3A_2570 = vector.shape_cast %swap3A_2569 : vector<1x50x128xf32> to vector<50x128xf32>
    %swap3A_2571 = vector.shape_cast %get3A_2565 : vector<50x128xf32> to vector<1x50x128xf32>
    tpu.vector_store %arg11[%swap3A_2566, %swap3A_2567, %swap3A_2568], %swap3A_2571 {strides = array<i32>} : memref<64x50x128xf32, #tpu.memory_space<vmem>>, vector<1x50x128xf32>,
    %get3A_2572 = arith.constant 500 : index
    %get3A_2573 = arith.constant 0 : index
    %get3A_2574 = vector.load %arg2[%get3A_2572, %get3A_2573] : memref<3200x128xf32, #tpu.memory_space<vmem>>, vector<50x128xf32>
    %swap3A_2575 = arith.constant 10 : index
    %swap3A_2576 = arith.constant 0 : index
    %swap3A_2577 = arith.constant 0 : index
    %swap3A_2578 = vector.load %arg11[%swap3A_2575, %swap3A_2576, %swap3A_2577] : memref<64x50x128xf32, #tpu.memory_space<vmem>>, vector<1x50x128xf32>
    %swap3A_2579 = vector.shape_cast %swap3A_2578 : vector<1x50x128xf32> to vector<50x128xf32>
    %swap3A_2580 = vector.shape_cast %get3A_2574 : vector<50x128xf32> to vector<1x50x128xf32>
    tpu.vector_store %arg11[%swap3A_2575, %swap3A_2576, %swap3A_2577], %swap3A_2580 {strides = array<i32>} : memref<64x50x128xf32, #tpu.memory_space<vmem>>, vector<1x50x128xf32>,
    %get3A_2581 = arith.constant 550 : index
    %get3A_2582 = arith.constant 0 : index
    %get3A_2583 = vector.load %arg2[%get3A_2581, %get3A_2582] : memref<3200x128xf32, #tpu.memory_space<vmem>>, vector<50x128xf32>
    %swap3A_2584 = arith.constant 11 : index
    %swap3A_2585 = arith.constant 0 : index
    %swap3A_2586 = arith.constant 0 : index
    %swap3A_2587 = vector.load %arg11[%swap3A_2584, %swap3A_2585, %swap3A_2586] : memref<64x50x128xf32, #tpu.memory_space<vmem>>, vector<1x50x128xf32>
    %swap3A_2588 = vector.shape_cast %swap3A_2587 : vector<1x50x128xf32> to vector<50x128xf32>
    %swap3A_2589 = vector.shape_cast %get3A_2583 : vector<50x128xf32> to vector<1x50x128xf32>
    tpu.vector_store %arg11[%swap3A_2584, %swap3A_2585, %swap3A_2586], %swap3A_2589 {strides = array<i32>} : memref<64x50x128xf32, #tpu.memory_space<vmem>>, vector<1x50x128xf32>,
    %get3A_2590 = arith.constant 600 : index
    %get3A_2591 = arith.constant 0 : index
    %get3A_2592 = vector.load %arg2[%get3A_2590, %get3A_2591] : memref<3200x128xf32, #tpu.memory_space<vmem>>, vector<50x128xf32>
    %swap3A_2593 = arith.constant 12 : index
    %swap3A_2594 = arith.constant 0 : index
    %swap3A_2595 = arith.constant 0 : index
    %swap3A_2596 = vector.load %arg11[%swap3A_2593, %swap3A_2594, %swap3A_2595] : memref<64x50x128xf32, #tpu.memory_space<vmem>>, vector<1x50x128xf32>
    %swap3A_2597 = vector.shape_cast %swap3A_2596 : vector<1x50x128xf32> to vector<50x128xf32>
    %swap3A_2598 = vector.shape_cast %get3A_2592 : vector<50x128xf32> to vector<1x50x128xf32>
    tpu.vector_store %arg11[%swap3A_2593, %swap3A_2594, %swap3A_2595], %swap3A_2598 {strides = array<i32>} : memref<64x50x128xf32, #tpu.memory_space<vmem>>, vector<1x50x128xf32>,
    %get3A_2599 = arith.constant 650 : index
    %get3A_2600 = arith.constant 0 : index
    %get3A_2601 = vector.load %arg2[%get3A_2599, %get3A_2600] : memref<3200x128xf32, #tpu.memory_space<vmem>>, vector<50x128xf32>
    %swap3A_2602 = arith.constant 13 : index
    %swap3A_2603 = arith.constant 0 : index
    %swap3A_2604 = arith.constant 0 : index
    %swap3A_2605 = vector.load %arg11[%swap3A_2602, %swap3A_2603, %swap3A_2604] : memref<64x50x128xf32, #tpu.memory_space<vmem>>, vector<1x50x128xf32>
    %swap3A_2606 = vector.shape_cast %swap3A_2605 : vector<1x50x128xf32> to vector<50x128xf32>
    %swap3A_2607 = vector.shape_cast %get3A_2601 : vector<50x128xf32> to vector<1x50x128xf32>
    tpu.vector_store %arg11[%swap3A_2602, %swap3A_2603, %swap3A_2604], %swap3A_2607 {strides = array<i32>} : memref<64x50x128xf32, #tpu.memory_space<vmem>>, vector<1x50x128xf32>,
    %get3A_2608 = arith.constant 700 : index
    %get3A_2609 = arith.constant 0 : index
    %get3A_2610 = vector.load %arg2[%get3A_2608, %get3A_2609] : memref<3200x128xf32, #tpu.memory_space<vmem>>, vector<50x128xf32>
    %swap3A_2611 = arith.constant 14 : index
    %swap3A_2612 = arith.constant 0 : index
    %swap3A_2613 = arith.constant 0 : index
    %swap3A_2614 = vector.load %arg11[%swap3A_2611, %swap3A_2612, %swap3A_2613] : memref<64x50x128xf32, #tpu.memory_space<vmem>>, vector<1x50x128xf32>
    %swap3A_2615 = vector.shape_cast %swap3A_2614 : vector<1x50x128xf32> to vector<50x128xf32>
    %swap3A_2616 = vector.shape_cast %get3A_2610 : vector<50x128xf32> to vector<1x50x128xf32>
    tpu.vector_store %arg11[%swap3A_2611, %swap3A_2612, %swap3A_2613], %swap3A_2616 {strides = array<i32>} : memref<64x50x128xf32, #tpu.memory_space<vmem>>, vector<1x50x128xf32>,
    %get3A_2617 = arith.constant 750 : index
    %get3A_2618 = arith.constant 0 : index
    %get3A_2619 = vector.load %arg2[%get3A_2617, %get3A_2618] : memref<3200x128xf32, #tpu.memory_space<vmem>>, vector<50x128xf32>
    %swap3A_2620 = arith.constant 15 : index
    %swap3A_2621 = arith.constant 0 : index
    %swap3A_2622 = arith.constant 0 : index
    %swap3A_2623 = vector.load %arg11[%swap3A_2620, %swap3A_2621, %swap3A_2622] : memref<64x50x128xf32, #tpu.memory_space<vmem>>, vector<1x50x128xf32>
    %swap3A_2624 = vector.shape_cast %swap3A_2623 : vector<1x50x128xf32> to vector<50x128xf32>
    %swap3A_2625 = vector.shape_cast %get3A_2619 : vector<50x128xf32> to vector<1x50x128xf32>
    tpu.vector_store %arg11[%swap3A_2620, %swap3A_2621, %swap3A_2622], %swap3A_2625 {strides = array<i32>} : memref<64x50x128xf32, #tpu.memory_space<vmem>>, vector<1x50x128xf32>,
    %get3A_2626 = arith.constant 800 : index
    %get3A_2627 = arith.constant 0 : index
    %get3A_2628 = vector.load %arg2[%get3A_2626, %get3A_2627] : memref<3200x128xf32, #tpu.memory_space<vmem>>, vector<50x128xf32>
    %swap3A_2629 = arith.constant 16 : index
    %swap3A_2630 = arith.constant 0 : index
    %swap3A_2631 = arith.constant 0 : index
    %swap3A_2632 = vector.load %arg11[%swap3A_2629, %swap3A_2630, %swap3A_2631] : memref<64x50x128xf32, #tpu.memory_space<vmem>>, vector<1x50x128xf32>
    %swap3A_2633 = vector.shape_cast %swap3A_2632 : vector<1x50x128xf32> to vector<50x128xf32>
    %swap3A_2634 = vector.shape_cast %get3A_2628 : vector<50x128xf32> to vector<1x50x128xf32>
    tpu.vector_store %arg11[%swap3A_2629, %swap3A_2630, %swap3A_2631], %swap3A_2634 {strides = array<i32>} : memref<64x50x128xf32, #tpu.memory_space<vmem>>, vector<1x50x128xf32>,
    %get3A_2635 = arith.constant 850 : index
    %get3A_2636 = arith.constant 0 : index
    %get3A_2637 = vector.load %arg2[%get3A_2635, %get3A_2636] : memref<3200x128xf32, #tpu.memory_space<vmem>>, vector<50x128xf32>
    %swap3A_2638 = arith.constant 17 : index
    %swap3A_2639 = arith.constant 0 : index
    %swap3A_2640 = arith.constant 0 : index
    %swap3A_2641 = vector.load %arg11[%swap3A_2638, %swap3A_2639, %swap3A_2640] : memref<64x50x128xf32, #tpu.memory_space<vmem>>, vector<1x50x128xf32>
    %swap3A_2642 = vector.shape_cast %swap3A_2641 : vector<1x50x128xf32> to vector<50x128xf32>
    %swap3A_2643 = vector.shape_cast %get3A_2637 : vector<50x128xf32> to vector<1x50x128xf32>
    tpu.vector_store %arg11[%swap3A_2638, %swap3A_2639, %swap3A_2640], %swap3A_2643 {strides = array<i32>} : memref<64x50x128xf32, #tpu.memory_space<vmem>>, vector<1x50x128xf32>,
    %get3A_2644 = arith.constant 900 : index
    %get3A_2645 = arith.constant 0 : index
    %get3A_2646 = vector.load %arg2[%get3A_2644, %get3A_2645] : memref<3200x128xf32, #tpu.memory_space<vmem>>, vector<50x128xf32>
    %swap3A_2647 = arith.constant 18 : index
    %swap3A_2648 = arith.constant 0 : index
    %swap3A_2649 = arith.constant 0 : index
    %swap3A_2650 = vector.load %arg11[%swap3A_2647, %swap3A_2648, %swap3A_2649] : memref<64x50x128xf32, #tpu.memory_space<vmem>>, vector<1x50x128xf32>
    %swap3A_2651 = vector.shape_cast %swap3A_2650 : vector<1x50x128xf32> to vector<50x128xf32>
    %swap3A_2652 = vector.shape_cast %get3A_2646 : vector<50x128xf32> to vector<1x50x128xf32>
    tpu.vector_store %arg11[%swap3A_2647, %swap3A_2648, %swap3A_2649], %swap3A_2652 {strides = array<i32>} : memref<64x50x128xf32, #tpu.memory_space<vmem>>, vector<1x50x128xf32>,
    %get3A_2653 = arith.constant 950 : index
    %get3A_2654 = arith.constant 0 : index
    %get3A_2655 = vector.load %arg2[%get3A_2653, %get3A_2654] : memref<3200x128xf32, #tpu.memory_space<vmem>>, vector<50x128xf32>
    %swap3A_2656 = arith.constant 19 : index
    %swap3A_2657 = arith.constant 0 : index
    %swap3A_2658 = arith.constant 0 : index
    %swap3A_2659 = vector.load %arg11[%swap3A_2656, %swap3A_2657, %swap3A_2658] : memref<64x50x128xf32, #tpu.memory_space<vmem>>, vector<1x50x128xf32>
    %swap3A_2660 = vector.shape_cast %swap3A_2659 : vector<1x50x128xf32> to vector<50x128xf32>
    %swap3A_2661 = vector.shape_cast %get3A_2655 : vector<50x128xf32> to vector<1x50x128xf32>
    tpu.vector_store %arg11[%swap3A_2656, %swap3A_2657, %swap3A_2658], %swap3A_2661 {strides = array<i32>} : memref<64x50x128xf32, #tpu.memory_space<vmem>>, vector<1x50x128xf32>,
    %get3A_2662 = arith.constant 1000 : index
    %get3A_2663 = arith.constant 0 : index
    %get3A_2664 = vector.load %arg2[%get3A_2662, %get3A_2663] : memref<3200x128xf32, #tpu.memory_space<vmem>>, vector<50x128xf32>
    %swap3A_2665 = arith.constant 20 : index
    %swap3A_2666 = arith.constant 0 : index
    %swap3A_2667 = arith.constant 0 : index
    %swap3A_2668 = vector.load %arg11[%swap3A_2665, %swap3A_2666, %swap3A_2667] : memref<64x50x128xf32, #tpu.memory_space<vmem>>, vector<1x50x128xf32>
    %swap3A_2669 = vector.shape_cast %swap3A_2668 : vector<1x50x128xf32> to vector<50x128xf32>
    %swap3A_2670 = vector.shape_cast %get3A_2664 : vector<50x128xf32> to vector<1x50x128xf32>
    tpu.vector_store %arg11[%swap3A_2665, %swap3A_2666, %swap3A_2667], %swap3A_2670 {strides = array<i32>} : memref<64x50x128xf32, #tpu.memory_space<vmem>>, vector<1x50x128xf32>,
    %get3A_2671 = arith.constant 1050 : index
    %get3A_2672 = arith.constant 0 : index
    %get3A_2673 = vector.load %arg2[%get3A_2671, %get3A_2672] : memref<3200x128xf32, #tpu.memory_space<vmem>>, vector<50x128xf32>
    %swap3A_2674 = arith.constant 21 : index
    %swap3A_2675 = arith.constant 0 : index
    %swap3A_2676 = arith.constant 0 : index
    %swap3A_2677 = vector.load %arg11[%swap3A_2674, %swap3A_2675, %swap3A_2676] : memref<64x50x128xf32, #tpu.memory_space<vmem>>, vector<1x50x128xf32>
    %swap3A_2678 = vector.shape_cast %swap3A_2677 : vector<1x50x128xf32> to vector<50x128xf32>
    %swap3A_2679 = vector.shape_cast %get3A_2673 : vector<50x128xf32> to vector<1x50x128xf32>
    tpu.vector_store %arg11[%swap3A_2674, %swap3A_2675, %swap3A_2676], %swap3A_2679 {strides = array<i32>} : memref<64x50x128xf32, #tpu.memory_space<vmem>>, vector<1x50x128xf32>,
    %get3A_2680 = arith.constant 1100 : index
    %get3A_2681 = arith.constant 0 : index
    %get3A_2682 = vector.load %arg2[%get3A_2680, %get3A_2681] : memref<3200x128xf32, #tpu.memory_space<vmem>>, vector<50x128xf32>
    %swap3A_2683 = arith.constant 22 : index
    %swap3A_2684 = arith.constant 0 : index
    %swap3A_2685 = arith.constant 0 : index
    %swap3A_2686 = vector.load %arg11[%swap3A_2683, %swap3A_2684, %swap3A_2685] : memref<64x50x128xf32, #tpu.memory_space<vmem>>, vector<1x50x128xf32>
    %swap3A_2687 = vector.shape_cast %swap3A_2686 : vector<1x50x128xf32> to vector<50x128xf32>
    %swap3A_2688 = vector.shape_cast %get3A_2682 : vector<50x128xf32> to vector<1x50x128xf32>
    tpu.vector_store %arg11[%swap3A_2683, %swap3A_2684, %swap3A_2685], %swap3A_2688 {strides = array<i32>} : memref<64x50x128xf32, #tpu.memory_space<vmem>>, vector<1x50x128xf32>,
    %get3A_2689 = arith.constant 1150 : index
    %get3A_2690 = arith.constant 0 : index
    %get3A_2691 = vector.load %arg2[%get3A_2689, %get3A_2690] : memref<3200x128xf32, #tpu.memory_space<vmem>>, vector<50x128xf32>
    %swap3A_2692 = arith.constant 23 : index
    %swap3A_2693 = arith.constant 0 : index
    %swap3A_2694 = arith.constant 0 : index
    %swap3A_2695 = vector.load %arg11[%swap3A_2692, %swap3A_2693, %swap3A_2694] : memref<64x50x128xf32, #tpu.memory_space<vmem>>, vector<1x50x128xf32>
    %swap3A_2696 = vector.shape_cast %swap3A_2695 : vector<1x50x128xf32> to vector<50x128xf32>
    %swap3A_2697 = vector.shape_cast %get3A_2691 : vector<50x128xf32> to vector<1x50x128xf32>
    tpu.vector_store %arg11[%swap3A_2692, %swap3A_2693, %swap3A_2694], %swap3A_2697 {strides = array<i32>} : memref<64x50x128xf32, #tpu.memory_space<vmem>>, vector<1x50x128xf32>,
    %get3A_2698 = arith.constant 1200 : index
    %get3A_2699 = arith.constant 0 : index
    %get3A_2700 = vector.load %arg2[%get3A_2698, %get3A_2699] : memref<3200x128xf32, #tpu.memory_space<vmem>>, vector<50x128xf32>
    %swap3A_2701 = arith.constant 24 : index
    %swap3A_2702 = arith.constant 0 : index
    %swap3A_2703 = arith.constant 0 : index
    %swap3A_2704 = vector.load %arg11[%swap3A_2701, %swap3A_2702, %swap3A_2703] : memref<64x50x128xf32, #tpu.memory_space<vmem>>, vector<1x50x128xf32>
    %swap3A_2705 = vector.shape_cast %swap3A_2704 : vector<1x50x128xf32> to vector<50x128xf32>
    %swap3A_2706 = vector.shape_cast %get3A_2700 : vector<50x128xf32> to vector<1x50x128xf32>
    tpu.vector_store %arg11[%swap3A_2701, %swap3A_2702, %swap3A_2703], %swap3A_2706 {strides = array<i32>} : memref<64x50x128xf32, #tpu.memory_space<vmem>>, vector<1x50x128xf32>,
    %get3A_2707 = arith.constant 1250 : index
    %get3A_2708 = arith.constant 0 : index
    %get3A_2709 = vector.load %arg2[%get3A_2707, %get3A_2708] : memref<3200x128xf32, #tpu.memory_space<vmem>>, vector<50x128xf32>
    %swap3A_2710 = arith.constant 25 : index
    %swap3A_2711 = arith.constant 0 : index
    %swap3A_2712 = arith.constant 0 : index
    %swap3A_2713 = vector.load %arg11[%swap3A_2710, %swap3A_2711, %swap3A_2712] : memref<64x50x128xf32, #tpu.memory_space<vmem>>, vector<1x50x128xf32>
    %swap3A_2714 = vector.shape_cast %swap3A_2713 : vector<1x50x128xf32> to vector<50x128xf32>
    %swap3A_2715 = vector.shape_cast %get3A_2709 : vector<50x128xf32> to vector<1x50x128xf32>
    tpu.vector_store %arg11[%swap3A_2710, %swap3A_2711, %swap3A_2712], %swap3A_2715 {strides = array<i32>} : memref<64x50x128xf32, #tpu.memory_space<vmem>>, vector<1x50x128xf32>,
    %get3A_2716 = arith.constant 1300 : index
    %get3A_2717 = arith.constant 0 : index
    %get3A_2718 = vector.load %arg2[%get3A_2716, %get3A_2717] : memref<3200x128xf32, #tpu.memory_space<vmem>>, vector<50x128xf32>
    %swap3A_2719 = arith.constant 26 : index
    %swap3A_2720 = arith.constant 0 : index
    %swap3A_2721 = arith.constant 0 : index
    %swap3A_2722 = vector.load %arg11[%swap3A_2719, %swap3A_2720, %swap3A_2721] : memref<64x50x128xf32, #tpu.memory_space<vmem>>, vector<1x50x128xf32>
    %swap3A_2723 = vector.shape_cast %swap3A_2722 : vector<1x50x128xf32> to vector<50x128xf32>
    %swap3A_2724 = vector.shape_cast %get3A_2718 : vector<50x128xf32> to vector<1x50x128xf32>
    tpu.vector_store %arg11[%swap3A_2719, %swap3A_2720, %swap3A_2721], %swap3A_2724 {strides = array<i32>} : memref<64x50x128xf32, #tpu.memory_space<vmem>>, vector<1x50x128xf32>,
    %get3A_2725 = arith.constant 1350 : index
    %get3A_2726 = arith.constant 0 : index
    %get3A_2727 = vector.load %arg2[%get3A_2725, %get3A_2726] : memref<3200x128xf32, #tpu.memory_space<vmem>>, vector<50x128xf32>
    %swap3A_2728 = arith.constant 27 : index
    %swap3A_2729 = arith.constant 0 : index
    %swap3A_2730 = arith.constant 0 : index
    %swap3A_2731 = vector.load %arg11[%swap3A_2728, %swap3A_2729, %swap3A_2730] : memref<64x50x128xf32, #tpu.memory_space<vmem>>, vector<1x50x128xf32>
    %swap3A_2732 = vector.shape_cast %swap3A_2731 : vector<1x50x128xf32> to vector<50x128xf32>
    %swap3A_2733 = vector.shape_cast %get3A_2727 : vector<50x128xf32> to vector<1x50x128xf32>
    tpu.vector_store %arg11[%swap3A_2728, %swap3A_2729, %swap3A_2730], %swap3A_2733 {strides = array<i32>} : memref<64x50x128xf32, #tpu.memory_space<vmem>>, vector<1x50x128xf32>,
    %get3A_2734 = arith.constant 1400 : index
    %get3A_2735 = arith.constant 0 : index
    %get3A_2736 = vector.load %arg2[%get3A_2734, %get3A_2735] : memref<3200x128xf32, #tpu.memory_space<vmem>>, vector<50x128xf32>
    %swap3A_2737 = arith.constant 28 : index
    %swap3A_2738 = arith.constant 0 : index
    %swap3A_2739 = arith.constant 0 : index
    %swap3A_2740 = vector.load %arg11[%swap3A_2737, %swap3A_2738, %swap3A_2739] : memref<64x50x128xf32, #tpu.memory_space<vmem>>, vector<1x50x128xf32>
    %swap3A_2741 = vector.shape_cast %swap3A_2740 : vector<1x50x128xf32> to vector<50x128xf32>
    %swap3A_2742 = vector.shape_cast %get3A_2736 : vector<50x128xf32> to vector<1x50x128xf32>
    tpu.vector_store %arg11[%swap3A_2737, %swap3A_2738, %swap3A_2739], %swap3A_2742 {strides = array<i32>} : memref<64x50x128xf32, #tpu.memory_space<vmem>>, vector<1x50x128xf32>,
    %get3A_2743 = arith.constant 1450 : index
    %get3A_2744 = arith.constant 0 : index
    %get3A_2745 = vector.load %arg2[%get3A_2743, %get3A_2744] : memref<3200x128xf32, #tpu.memory_space<vmem>>, vector<50x128xf32>
    %swap3A_2746 = arith.constant 29 : index
    %swap3A_2747 = arith.constant 0 : index
    %swap3A_2748 = arith.constant 0 : index
    %swap3A_2749 = vector.load %arg11[%swap3A_2746, %swap3A_2747, %swap3A_2748] : memref<64x50x128xf32, #tpu.memory_space<vmem>>, vector<1x50x128xf32>
    %swap3A_2750 = vector.shape_cast %swap3A_2749 : vector<1x50x128xf32> to vector<50x128xf32>
    %swap3A_2751 = vector.shape_cast %get3A_2745 : vector<50x128xf32> to vector<1x50x128xf32>
    tpu.vector_store %arg11[%swap3A_2746, %swap3A_2747, %swap3A_2748], %swap3A_2751 {strides = array<i32>} : memref<64x50x128xf32, #tpu.memory_space<vmem>>, vector<1x50x128xf32>,
    %get3A_2752 = arith.constant 1500 : index
    %get3A_2753 = arith.constant 0 : index
    %get3A_2754 = vector.load %arg2[%get3A_2752, %get3A_2753] : memref<3200x128xf32, #tpu.memory_space<vmem>>, vector<50x128xf32>
    %swap3A_2755 = arith.constant 30 : index
    %swap3A_2756 = arith.constant 0 : index
    %swap3A_2757 = arith.constant 0 : index
    %swap3A_2758 = vector.load %arg11[%swap3A_2755, %swap3A_2756, %swap3A_2757] : memref<64x50x128xf32, #tpu.memory_space<vmem>>, vector<1x50x128xf32>
    %swap3A_2759 = vector.shape_cast %swap3A_2758 : vector<1x50x128xf32> to vector<50x128xf32>
    %swap3A_2760 = vector.shape_cast %get3A_2754 : vector<50x128xf32> to vector<1x50x128xf32>
    tpu.vector_store %arg11[%swap3A_2755, %swap3A_2756, %swap3A_2757], %swap3A_2760 {strides = array<i32>} : memref<64x50x128xf32, #tpu.memory_space<vmem>>, vector<1x50x128xf32>,
    %get3A_2761 = arith.constant 1550 : index
    %get3A_2762 = arith.constant 0 : index
    %get3A_2763 = vector.load %arg2[%get3A_2761, %get3A_2762] : memref<3200x128xf32, #tpu.memory_space<vmem>>, vector<50x128xf32>
    %swap3A_2764 = arith.constant 31 : index
    %swap3A_2765 = arith.constant 0 : index
    %swap3A_2766 = arith.constant 0 : index
    %swap3A_2767 = vector.load %arg11[%swap3A_2764, %swap3A_2765, %swap3A_2766] : memref<64x50x128xf32, #tpu.memory_space<vmem>>, vector<1x50x128xf32>
    %swap3A_2768 = vector.shape_cast %swap3A_2767 : vector<1x50x128xf32> to vector<50x128xf32>
    %swap3A_2769 = vector.shape_cast %get3A_2763 : vector<50x128xf32> to vector<1x50x128xf32>
    tpu.vector_store %arg11[%swap3A_2764, %swap3A_2765, %swap3A_2766], %swap3A_2769 {strides = array<i32>} : memref<64x50x128xf32, #tpu.memory_space<vmem>>, vector<1x50x128xf32>,
    %get3A_2770 = arith.constant 1600 : index
    %get3A_2771 = arith.constant 0 : index
    %get3A_2772 = vector.load %arg2[%get3A_2770, %get3A_2771] : memref<3200x128xf32, #tpu.memory_space<vmem>>, vector<50x128xf32>
    %swap3A_2773 = arith.constant 32 : index
    %swap3A_2774 = arith.constant 0 : index
    %swap3A_2775 = arith.constant 0 : index
    %swap3A_2776 = vector.load %arg11[%swap3A_2773, %swap3A_2774, %swap3A_2775] : memref<64x50x128xf32, #tpu.memory_space<vmem>>, vector<1x50x128xf32>
    %swap3A_2777 = vector.shape_cast %swap3A_2776 : vector<1x50x128xf32> to vector<50x128xf32>
    %swap3A_2778 = vector.shape_cast %get3A_2772 : vector<50x128xf32> to vector<1x50x128xf32>
    tpu.vector_store %arg11[%swap3A_2773, %swap3A_2774, %swap3A_2775], %swap3A_2778 {strides = array<i32>} : memref<64x50x128xf32, #tpu.memory_space<vmem>>, vector<1x50x128xf32>,
    %get3A_2779 = arith.constant 1650 : index
    %get3A_2780 = arith.constant 0 : index
    %get3A_2781 = vector.load %arg2[%get3A_2779, %get3A_2780] : memref<3200x128xf32, #tpu.memory_space<vmem>>, vector<50x128xf32>
    %swap3A_2782 = arith.constant 33 : index
    %swap3A_2783 = arith.constant 0 : index
    %swap3A_2784 = arith.constant 0 : index
    %swap3A_2785 = vector.load %arg11[%swap3A_2782, %swap3A_2783, %swap3A_2784] : memref<64x50x128xf32, #tpu.memory_space<vmem>>, vector<1x50x128xf32>
    %swap3A_2786 = vector.shape_cast %swap3A_2785 : vector<1x50x128xf32> to vector<50x128xf32>
    %swap3A_2787 = vector.shape_cast %get3A_2781 : vector<50x128xf32> to vector<1x50x128xf32>
    tpu.vector_store %arg11[%swap3A_2782, %swap3A_2783, %swap3A_2784], %swap3A_2787 {strides = array<i32>} : memref<64x50x128xf32, #tpu.memory_space<vmem>>, vector<1x50x128xf32>,
    %get3A_2788 = arith.constant 1700 : index
    %get3A_2789 = arith.constant 0 : index
    %get3A_2790 = vector.load %arg2[%get3A_2788, %get3A_2789] : memref<3200x128xf32, #tpu.memory_space<vmem>>, vector<50x128xf32>
    %swap3A_2791 = arith.constant 34 : index
    %swap3A_2792 = arith.constant 0 : index
    %swap3A_2793 = arith.constant 0 : index
    %swap3A_2794 = vector.load %arg11[%swap3A_2791, %swap3A_2792, %swap3A_2793] : memref<64x50x128xf32, #tpu.memory_space<vmem>>, vector<1x50x128xf32>
    %swap3A_2795 = vector.shape_cast %swap3A_2794 : vector<1x50x128xf32> to vector<50x128xf32>
    %swap3A_2796 = vector.shape_cast %get3A_2790 : vector<50x128xf32> to vector<1x50x128xf32>
    tpu.vector_store %arg11[%swap3A_2791, %swap3A_2792, %swap3A_2793], %swap3A_2796 {strides = array<i32>} : memref<64x50x128xf32, #tpu.memory_space<vmem>>, vector<1x50x128xf32>,
    %get3A_2797 = arith.constant 1750 : index
    %get3A_2798 = arith.constant 0 : index
    %get3A_2799 = vector.load %arg2[%get3A_2797, %get3A_2798] : memref<3200x128xf32, #tpu.memory_space<vmem>>, vector<50x128xf32>
    %swap3A_2800 = arith.constant 35 : index
    %swap3A_2801 = arith.constant 0 : index
    %swap3A_2802 = arith.constant 0 : index
    %swap3A_2803 = vector.load %arg11[%swap3A_2800, %swap3A_2801, %swap3A_2802] : memref<64x50x128xf32, #tpu.memory_space<vmem>>, vector<1x50x128xf32>
    %swap3A_2804 = vector.shape_cast %swap3A_2803 : vector<1x50x128xf32> to vector<50x128xf32>
    %swap3A_2805 = vector.shape_cast %get3A_2799 : vector<50x128xf32> to vector<1x50x128xf32>
    tpu.vector_store %arg11[%swap3A_2800, %swap3A_2801, %swap3A_2802], %swap3A_2805 {strides = array<i32>} : memref<64x50x128xf32, #tpu.memory_space<vmem>>, vector<1x50x128xf32>,
    %get3A_2806 = arith.constant 1800 : index
    %get3A_2807 = arith.constant 0 : index
    %get3A_2808 = vector.load %arg2[%get3A_2806, %get3A_2807] : memref<3200x128xf32, #tpu.memory_space<vmem>>, vector<50x128xf32>
    %swap3A_2809 = arith.constant 36 : index
    %swap3A_2810 = arith.constant 0 : index
    %swap3A_2811 = arith.constant 0 : index
    %swap3A_2812 = vector.load %arg11[%swap3A_2809, %swap3A_2810, %swap3A_2811] : memref<64x50x128xf32, #tpu.memory_space<vmem>>, vector<1x50x128xf32>
    %swap3A_2813 = vector.shape_cast %swap3A_2812 : vector<1x50x128xf32> to vector<50x128xf32>
    %swap3A_2814 = vector.shape_cast %get3A_2808 : vector<50x128xf32> to vector<1x50x128xf32>
    tpu.vector_store %arg11[%swap3A_2809, %swap3A_2810, %swap3A_2811], %swap3A_2814 {strides = array<i32>} : memref<64x50x128xf32, #tpu.memory_space<vmem>>, vector<1x50x128xf32>,
    %get3A_2815 = arith.constant 1850 : index
    %get3A_2816 = arith.constant 0 : index
    %get3A_2817 = vector.load %arg2[%get3A_2815, %get3A_2816] : memref<3200x128xf32, #tpu.memory_space<vmem>>, vector<50x128xf32>
    %swap3A_2818 = arith.constant 37 : index
    %swap3A_2819 = arith.constant 0 : index
    %swap3A_2820 = arith.constant 0 : index
    %swap3A_2821 = vector.load %arg11[%swap3A_2818, %swap3A_2819, %swap3A_2820] : memref<64x50x128xf32, #tpu.memory_space<vmem>>, vector<1x50x128xf32>
    %swap3A_2822 = vector.shape_cast %swap3A_2821 : vector<1x50x128xf32> to vector<50x128xf32>
    %swap3A_2823 = vector.shape_cast %get3A_2817 : vector<50x128xf32> to vector<1x50x128xf32>
    tpu.vector_store %arg11[%swap3A_2818, %swap3A_2819, %swap3A_2820], %swap3A_2823 {strides = array<i32>} : memref<64x50x128xf32, #tpu.memory_space<vmem>>, vector<1x50x128xf32>,
    %get3A_2824 = arith.constant 1900 : index
    %get3A_2825 = arith.constant 0 : index
    %get3A_2826 = vector.load %arg2[%get3A_2824, %get3A_2825] : memref<3200x128xf32, #tpu.memory_space<vmem>>, vector<50x128xf32>
    %swap3A_2827 = arith.constant 38 : index
    %swap3A_2828 = arith.constant 0 : index
    %swap3A_2829 = arith.constant 0 : index
    %swap3A_2830 = vector.load %arg11[%swap3A_2827, %swap3A_2828, %swap3A_2829] : memref<64x50x128xf32, #tpu.memory_space<vmem>>, vector<1x50x128xf32>
    %swap3A_2831 = vector.shape_cast %swap3A_2830 : vector<1x50x128xf32> to vector<50x128xf32>
    %swap3A_2832 = vector.shape_cast %get3A_2826 : vector<50x128xf32> to vector<1x50x128xf32>
    tpu.vector_store %arg11[%swap3A_2827, %swap3A_2828, %swap3A_2829], %swap3A_2832 {strides = array<i32>} : memref<64x50x128xf32, #tpu.memory_space<vmem>>, vector<1x50x128xf32>,
    %get3A_2833 = arith.constant 1950 : index
    %get3A_2834 = arith.constant 0 : index
    %get3A_2835 = vector.load %arg2[%get3A_2833, %get3A_2834] : memref<3200x128xf32, #tpu.memory_space<vmem>>, vector<50x128xf32>
    %swap3A_2836 = arith.constant 39 : index
    %swap3A_2837 = arith.constant 0 : index
    %swap3A_2838 = arith.constant 0 : index
    %swap3A_2839 = vector.load %arg11[%swap3A_2836, %swap3A_2837, %swap3A_2838] : memref<64x50x128xf32, #tpu.memory_space<vmem>>, vector<1x50x128xf32>
    %swap3A_2840 = vector.shape_cast %swap3A_2839 : vector<1x50x128xf32> to vector<50x128xf32>
    %swap3A_2841 = vector.shape_cast %get3A_2835 : vector<50x128xf32> to vector<1x50x128xf32>
    tpu.vector_store %arg11[%swap3A_2836, %swap3A_2837, %swap3A_2838], %swap3A_2841 {strides = array<i32>} : memref<64x50x128xf32, #tpu.memory_space<vmem>>, vector<1x50x128xf32>,
    %get3A_2842 = arith.constant 2000 : index
    %get3A_2843 = arith.constant 0 : index
    %get3A_2844 = vector.load %arg2[%get3A_2842, %get3A_2843] : memref<3200x128xf32, #tpu.memory_space<vmem>>, vector<50x128xf32>
    %swap3A_2845 = arith.constant 40 : index
    %swap3A_2846 = arith.constant 0 : index
    %swap3A_2847 = arith.constant 0 : index
    %swap3A_2848 = vector.load %arg11[%swap3A_2845, %swap3A_2846, %swap3A_2847] : memref<64x50x128xf32, #tpu.memory_space<vmem>>, vector<1x50x128xf32>
    %swap3A_2849 = vector.shape_cast %swap3A_2848 : vector<1x50x128xf32> to vector<50x128xf32>
    %swap3A_2850 = vector.shape_cast %get3A_2844 : vector<50x128xf32> to vector<1x50x128xf32>
    tpu.vector_store %arg11[%swap3A_2845, %swap3A_2846, %swap3A_2847], %swap3A_2850 {strides = array<i32>} : memref<64x50x128xf32, #tpu.memory_space<vmem>>, vector<1x50x128xf32>,
    %get3A_2851 = arith.constant 2050 : index
    %get3A_2852 = arith.constant 0 : index
    %get3A_2853 = vector.load %arg2[%get3A_2851, %get3A_2852] : memref<3200x128xf32, #tpu.memory_space<vmem>>, vector<50x128xf32>
    %swap3A_2854 = arith.constant 41 : index
    %swap3A_2855 = arith.constant 0 : index
    %swap3A_2856 = arith.constant 0 : index
    %swap3A_2857 = vector.load %arg11[%swap3A_2854, %swap3A_2855, %swap3A_2856] : memref<64x50x128xf32, #tpu.memory_space<vmem>>, vector<1x50x128xf32>
    %swap3A_2858 = vector.shape_cast %swap3A_2857 : vector<1x50x128xf32> to vector<50x128xf32>
    %swap3A_2859 = vector.shape_cast %get3A_2853 : vector<50x128xf32> to vector<1x50x128xf32>
    tpu.vector_store %arg11[%swap3A_2854, %swap3A_2855, %swap3A_2856], %swap3A_2859 {strides = array<i32>} : memref<64x50x128xf32, #tpu.memory_space<vmem>>, vector<1x50x128xf32>,
    %get3A_2860 = arith.constant 2100 : index
    %get3A_2861 = arith.constant 0 : index
    %get3A_2862 = vector.load %arg2[%get3A_2860, %get3A_2861] : memref<3200x128xf32, #tpu.memory_space<vmem>>, vector<50x128xf32>
    %swap3A_2863 = arith.constant 42 : index
    %swap3A_2864 = arith.constant 0 : index
    %swap3A_2865 = arith.constant 0 : index
    %swap3A_2866 = vector.load %arg11[%swap3A_2863, %swap3A_2864, %swap3A_2865] : memref<64x50x128xf32, #tpu.memory_space<vmem>>, vector<1x50x128xf32>
    %swap3A_2867 = vector.shape_cast %swap3A_2866 : vector<1x50x128xf32> to vector<50x128xf32>
    %swap3A_2868 = vector.shape_cast %get3A_2862 : vector<50x128xf32> to vector<1x50x128xf32>
    tpu.vector_store %arg11[%swap3A_2863, %swap3A_2864, %swap3A_2865], %swap3A_2868 {strides = array<i32>} : memref<64x50x128xf32, #tpu.memory_space<vmem>>, vector<1x50x128xf32>,
    %get3A_2869 = arith.constant 2150 : index
    %get3A_2870 = arith.constant 0 : index
    %get3A_2871 = vector.load %arg2[%get3A_2869, %get3A_2870] : memref<3200x128xf32, #tpu.memory_space<vmem>>, vector<50x128xf32>
    %swap3A_2872 = arith.constant 43 : index
    %swap3A_2873 = arith.constant 0 : index
    %swap3A_2874 = arith.constant 0 : index
    %swap3A_2875 = vector.load %arg11[%swap3A_2872, %swap3A_2873, %swap3A_2874] : memref<64x50x128xf32, #tpu.memory_space<vmem>>, vector<1x50x128xf32>
    %swap3A_2876 = vector.shape_cast %swap3A_2875 : vector<1x50x128xf32> to vector<50x128xf32>
    %swap3A_2877 = vector.shape_cast %get3A_2871 : vector<50x128xf32> to vector<1x50x128xf32>
    tpu.vector_store %arg11[%swap3A_2872, %swap3A_2873, %swap3A_2874], %swap3A_2877 {strides = array<i32>} : memref<64x50x128xf32, #tpu.memory_space<vmem>>, vector<1x50x128xf32>,
    %get3A_2878 = arith.constant 2200 : index
    %get3A_2879 = arith.constant 0 : index
    %get3A_2880 = vector.load %arg2[%get3A_2878, %get3A_2879] : memref<3200x128xf32, #tpu.memory_space<vmem>>, vector<50x128xf32>
    %swap3A_2881 = arith.constant 44 : index
    %swap3A_2882 = arith.constant 0 : index
    %swap3A_2883 = arith.constant 0 : index
    %swap3A_2884 = vector.load %arg11[%swap3A_2881, %swap3A_2882, %swap3A_2883] : memref<64x50x128xf32, #tpu.memory_space<vmem>>, vector<1x50x128xf32>
    %swap3A_2885 = vector.shape_cast %swap3A_2884 : vector<1x50x128xf32> to vector<50x128xf32>
    %swap3A_2886 = vector.shape_cast %get3A_2880 : vector<50x128xf32> to vector<1x50x128xf32>
    tpu.vector_store %arg11[%swap3A_2881, %swap3A_2882, %swap3A_2883], %swap3A_2886 {strides = array<i32>} : memref<64x50x128xf32, #tpu.memory_space<vmem>>, vector<1x50x128xf32>,
    %get3A_2887 = arith.constant 2250 : index
    %get3A_2888 = arith.constant 0 : index
    %get3A_2889 = vector.load %arg2[%get3A_2887, %get3A_2888] : memref<3200x128xf32, #tpu.memory_space<vmem>>, vector<50x128xf32>
    %swap3A_2890 = arith.constant 45 : index
    %swap3A_2891 = arith.constant 0 : index
    %swap3A_2892 = arith.constant 0 : index
    %swap3A_2893 = vector.load %arg11[%swap3A_2890, %swap3A_2891, %swap3A_2892] : memref<64x50x128xf32, #tpu.memory_space<vmem>>, vector<1x50x128xf32>
    %swap3A_2894 = vector.shape_cast %swap3A_2893 : vector<1x50x128xf32> to vector<50x128xf32>
    %swap3A_2895 = vector.shape_cast %get3A_2889 : vector<50x128xf32> to vector<1x50x128xf32>
    tpu.vector_store %arg11[%swap3A_2890, %swap3A_2891, %swap3A_2892], %swap3A_2895 {strides = array<i32>} : memref<64x50x128xf32, #tpu.memory_space<vmem>>, vector<1x50x128xf32>,
    %get3A_2896 = arith.constant 2300 : index
    %get3A_2897 = arith.constant 0 : index
    %get3A_2898 = vector.load %arg2[%get3A_2896, %get3A_2897] : memref<3200x128xf32, #tpu.memory_space<vmem>>, vector<50x128xf32>
    %swap3A_2899 = arith.constant 46 : index
    %swap3A_2900 = arith.constant 0 : index
    %swap3A_2901 = arith.constant 0 : index
    %swap3A_2902 = vector.load %arg11[%swap3A_2899, %swap3A_2900, %swap3A_2901] : memref<64x50x128xf32, #tpu.memory_space<vmem>>, vector<1x50x128xf32>
    %swap3A_2903 = vector.shape_cast %swap3A_2902 : vector<1x50x128xf32> to vector<50x128xf32>
    %swap3A_2904 = vector.shape_cast %get3A_2898 : vector<50x128xf32> to vector<1x50x128xf32>
    tpu.vector_store %arg11[%swap3A_2899, %swap3A_2900, %swap3A_2901], %swap3A_2904 {strides = array<i32>} : memref<64x50x128xf32, #tpu.memory_space<vmem>>, vector<1x50x128xf32>,
    %get3A_2905 = arith.constant 2350 : index
    %get3A_2906 = arith.constant 0 : index
    %get3A_2907 = vector.load %arg2[%get3A_2905, %get3A_2906] : memref<3200x128xf32, #tpu.memory_space<vmem>>, vector<50x128xf32>
    %swap3A_2908 = arith.constant 47 : index
    %swap3A_2909 = arith.constant 0 : index
    %swap3A_2910 = arith.constant 0 : index
    %swap3A_2911 = vector.load %arg11[%swap3A_2908, %swap3A_2909, %swap3A_2910] : memref<64x50x128xf32, #tpu.memory_space<vmem>>, vector<1x50x128xf32>
    %swap3A_2912 = vector.shape_cast %swap3A_2911 : vector<1x50x128xf32> to vector<50x128xf32>
    %swap3A_2913 = vector.shape_cast %get3A_2907 : vector<50x128xf32> to vector<1x50x128xf32>
    tpu.vector_store %arg11[%swap3A_2908, %swap3A_2909, %swap3A_2910], %swap3A_2913 {strides = array<i32>} : memref<64x50x128xf32, #tpu.memory_space<vmem>>, vector<1x50x128xf32>,
    %get3A_2914 = arith.constant 2400 : index
    %get3A_2915 = arith.constant 0 : index
    %get3A_2916 = vector.load %arg2[%get3A_2914, %get3A_2915] : memref<3200x128xf32, #tpu.memory_space<vmem>>, vector<50x128xf32>
    %swap3A_2917 = arith.constant 48 : index
    %swap3A_2918 = arith.constant 0 : index
    %swap3A_2919 = arith.constant 0 : index
    %swap3A_2920 = vector.load %arg11[%swap3A_2917, %swap3A_2918, %swap3A_2919] : memref<64x50x128xf32, #tpu.memory_space<vmem>>, vector<1x50x128xf32>
    %swap3A_2921 = vector.shape_cast %swap3A_2920 : vector<1x50x128xf32> to vector<50x128xf32>
    %swap3A_2922 = vector.shape_cast %get3A_2916 : vector<50x128xf32> to vector<1x50x128xf32>
    tpu.vector_store %arg11[%swap3A_2917, %swap3A_2918, %swap3A_2919], %swap3A_2922 {strides = array<i32>} : memref<64x50x128xf32, #tpu.memory_space<vmem>>, vector<1x50x128xf32>,
    %get3A_2923 = arith.constant 2450 : index
    %get3A_2924 = arith.constant 0 : index
    %get3A_2925 = vector.load %arg2[%get3A_2923, %get3A_2924] : memref<3200x128xf32, #tpu.memory_space<vmem>>, vector<50x128xf32>
    %swap3A_2926 = arith.constant 49 : index
    %swap3A_2927 = arith.constant 0 : index
    %swap3A_2928 = arith.constant 0 : index
    %swap3A_2929 = vector.load %arg11[%swap3A_2926, %swap3A_2927, %swap3A_2928] : memref<64x50x128xf32, #tpu.memory_space<vmem>>, vector<1x50x128xf32>
    %swap3A_2930 = vector.shape_cast %swap3A_2929 : vector<1x50x128xf32> to vector<50x128xf32>
    %swap3A_2931 = vector.shape_cast %get3A_2925 : vector<50x128xf32> to vector<1x50x128xf32>
    tpu.vector_store %arg11[%swap3A_2926, %swap3A_2927, %swap3A_2928], %swap3A_2931 {strides = array<i32>} : memref<64x50x128xf32, #tpu.memory_space<vmem>>, vector<1x50x128xf32>,
    %get3A_2932 = arith.constant 2500 : index
    %get3A_2933 = arith.constant 0 : index
    %get3A_2934 = vector.load %arg2[%get3A_2932, %get3A_2933] : memref<3200x128xf32, #tpu.memory_space<vmem>>, vector<50x128xf32>
    %swap3A_2935 = arith.constant 50 : index
    %swap3A_2936 = arith.constant 0 : index
    %swap3A_2937 = arith.constant 0 : index
    %swap3A_2938 = vector.load %arg11[%swap3A_2935, %swap3A_2936, %swap3A_2937] : memref<64x50x128xf32, #tpu.memory_space<vmem>>, vector<1x50x128xf32>
    %swap3A_2939 = vector.shape_cast %swap3A_2938 : vector<1x50x128xf32> to vector<50x128xf32>
    %swap3A_2940 = vector.shape_cast %get3A_2934 : vector<50x128xf32> to vector<1x50x128xf32>
    tpu.vector_store %arg11[%swap3A_2935, %swap3A_2936, %swap3A_2937], %swap3A_2940 {strides = array<i32>} : memref<64x50x128xf32, #tpu.memory_space<vmem>>, vector<1x50x128xf32>,
    %get3A_2941 = arith.constant 2550 : index
    %get3A_2942 = arith.constant 0 : index
    %get3A_2943 = vector.load %arg2[%get3A_2941, %get3A_2942] : memref<3200x128xf32, #tpu.memory_space<vmem>>, vector<50x128xf32>
    %swap3A_2944 = arith.constant 51 : index
    %swap3A_2945 = arith.constant 0 : index
    %swap3A_2946 = arith.constant 0 : index
    %swap3A_2947 = vector.load %arg11[%swap3A_2944, %swap3A_2945, %swap3A_2946] : memref<64x50x128xf32, #tpu.memory_space<vmem>>, vector<1x50x128xf32>
    %swap3A_2948 = vector.shape_cast %swap3A_2947 : vector<1x50x128xf32> to vector<50x128xf32>
    %swap3A_2949 = vector.shape_cast %get3A_2943 : vector<50x128xf32> to vector<1x50x128xf32>
    tpu.vector_store %arg11[%swap3A_2944, %swap3A_2945, %swap3A_2946], %swap3A_2949 {strides = array<i32>} : memref<64x50x128xf32, #tpu.memory_space<vmem>>, vector<1x50x128xf32>,
    %get3A_2950 = arith.constant 2600 : index
    %get3A_2951 = arith.constant 0 : index
    %get3A_2952 = vector.load %arg2[%get3A_2950, %get3A_2951] : memref<3200x128xf32, #tpu.memory_space<vmem>>, vector<50x128xf32>
    %swap3A_2953 = arith.constant 52 : index
    %swap3A_2954 = arith.constant 0 : index
    %swap3A_2955 = arith.constant 0 : index
    %swap3A_2956 = vector.load %arg11[%swap3A_2953, %swap3A_2954, %swap3A_2955] : memref<64x50x128xf32, #tpu.memory_space<vmem>>, vector<1x50x128xf32>
    %swap3A_2957 = vector.shape_cast %swap3A_2956 : vector<1x50x128xf32> to vector<50x128xf32>
    %swap3A_2958 = vector.shape_cast %get3A_2952 : vector<50x128xf32> to vector<1x50x128xf32>
    tpu.vector_store %arg11[%swap3A_2953, %swap3A_2954, %swap3A_2955], %swap3A_2958 {strides = array<i32>} : memref<64x50x128xf32, #tpu.memory_space<vmem>>, vector<1x50x128xf32>,
    %get3A_2959 = arith.constant 2650 : index
    %get3A_2960 = arith.constant 0 : index
    %get3A_2961 = vector.load %arg2[%get3A_2959, %get3A_2960] : memref<3200x128xf32, #tpu.memory_space<vmem>>, vector<50x128xf32>
    %swap3A_2962 = arith.constant 53 : index
    %swap3A_2963 = arith.constant 0 : index
    %swap3A_2964 = arith.constant 0 : index
    %swap3A_2965 = vector.load %arg11[%swap3A_2962, %swap3A_2963, %swap3A_2964] : memref<64x50x128xf32, #tpu.memory_space<vmem>>, vector<1x50x128xf32>
    %swap3A_2966 = vector.shape_cast %swap3A_2965 : vector<1x50x128xf32> to vector<50x128xf32>
    %swap3A_2967 = vector.shape_cast %get3A_2961 : vector<50x128xf32> to vector<1x50x128xf32>
    tpu.vector_store %arg11[%swap3A_2962, %swap3A_2963, %swap3A_2964], %swap3A_2967 {strides = array<i32>} : memref<64x50x128xf32, #tpu.memory_space<vmem>>, vector<1x50x128xf32>,
    %get3A_2968 = arith.constant 2700 : index
    %get3A_2969 = arith.constant 0 : index
    %get3A_2970 = vector.load %arg2[%get3A_2968, %get3A_2969] : memref<3200x128xf32, #tpu.memory_space<vmem>>, vector<50x128xf32>
    %swap3A_2971 = arith.constant 54 : index
    %swap3A_2972 = arith.constant 0 : index
    %swap3A_2973 = arith.constant 0 : index
    %swap3A_2974 = vector.load %arg11[%swap3A_2971, %swap3A_2972, %swap3A_2973] : memref<64x50x128xf32, #tpu.memory_space<vmem>>, vector<1x50x128xf32>
    %swap3A_2975 = vector.shape_cast %swap3A_2974 : vector<1x50x128xf32> to vector<50x128xf32>
    %swap3A_2976 = vector.shape_cast %get3A_2970 : vector<50x128xf32> to vector<1x50x128xf32>
    tpu.vector_store %arg11[%swap3A_2971, %swap3A_2972, %swap3A_2973], %swap3A_2976 {strides = array<i32>} : memref<64x50x128xf32, #tpu.memory_space<vmem>>, vector<1x50x128xf32>,
    %get3A_2977 = arith.constant 2750 : index
    %get3A_2978 = arith.constant 0 : index
    %get3A_2979 = vector.load %arg2[%get3A_2977, %get3A_2978] : memref<3200x128xf32, #tpu.memory_space<vmem>>, vector<50x128xf32>
    %swap3A_2980 = arith.constant 55 : index
    %swap3A_2981 = arith.constant 0 : index
    %swap3A_2982 = arith.constant 0 : index
    %swap3A_2983 = vector.load %arg11[%swap3A_2980, %swap3A_2981, %swap3A_2982] : memref<64x50x128xf32, #tpu.memory_space<vmem>>, vector<1x50x128xf32>
    %swap3A_2984 = vector.shape_cast %swap3A_2983 : vector<1x50x128xf32> to vector<50x128xf32>
    %swap3A_2985 = vector.shape_cast %get3A_2979 : vector<50x128xf32> to vector<1x50x128xf32>
    tpu.vector_store %arg11[%swap3A_2980, %swap3A_2981, %swap3A_2982], %swap3A_2985 {strides = array<i32>} : memref<64x50x128xf32, #tpu.memory_space<vmem>>, vector<1x50x128xf32>,
    %get3A_2986 = arith.constant 2800 : index
    %get3A_2987 = arith.constant 0 : index
    %get3A_2988 = vector.load %arg2[%get3A_2986, %get3A_2987] : memref<3200x128xf32, #tpu.memory_space<vmem>>, vector<50x128xf32>
    %swap3A_2989 = arith.constant 56 : index
    %swap3A_2990 = arith.constant 0 : index
    %swap3A_2991 = arith.constant 0 : index
    %swap3A_2992 = vector.load %arg11[%swap3A_2989, %swap3A_2990, %swap3A_2991] : memref<64x50x128xf32, #tpu.memory_space<vmem>>, vector<1x50x128xf32>
    %swap3A_2993 = vector.shape_cast %swap3A_2992 : vector<1x50x128xf32> to vector<50x128xf32>
    %swap3A_2994 = vector.shape_cast %get3A_2988 : vector<50x128xf32> to vector<1x50x128xf32>
    tpu.vector_store %arg11[%swap3A_2989, %swap3A_2990, %swap3A_2991], %swap3A_2994 {strides = array<i32>} : memref<64x50x128xf32, #tpu.memory_space<vmem>>, vector<1x50x128xf32>,
    %get3A_2995 = arith.constant 2850 : index
    %get3A_2996 = arith.constant 0 : index
    %get3A_2997 = vector.load %arg2[%get3A_2995, %get3A_2996] : memref<3200x128xf32, #tpu.memory_space<vmem>>, vector<50x128xf32>
    %swap3A_2998 = arith.constant 57 : index
    %swap3A_2999 = arith.constant 0 : index
    %swap3A_3000 = arith.constant 0 : index
    %swap3A_3001 = vector.load %arg11[%swap3A_2998, %swap3A_2999, %swap3A_3000] : memref<64x50x128xf32, #tpu.memory_space<vmem>>, vector<1x50x128xf32>
    %swap3A_3002 = vector.shape_cast %swap3A_3001 : vector<1x50x128xf32> to vector<50x128xf32>
    %swap3A_3003 = vector.shape_cast %get3A_2997 : vector<50x128xf32> to vector<1x50x128xf32>
    tpu.vector_store %arg11[%swap3A_2998, %swap3A_2999, %swap3A_3000], %swap3A_3003 {strides = array<i32>} : memref<64x50x128xf32, #tpu.memory_space<vmem>>, vector<1x50x128xf32>,
    %get3A_3004 = arith.constant 2900 : index
    %get3A_3005 = arith.constant 0 : index
    %get3A_3006 = vector.load %arg2[%get3A_3004, %get3A_3005] : memref<3200x128xf32, #tpu.memory_space<vmem>>, vector<50x128xf32>
    %swap3A_3007 = arith.constant 58 : index
    %swap3A_3008 = arith.constant 0 : index
    %swap3A_3009 = arith.constant 0 : index
    %swap3A_3010 = vector.load %arg11[%swap3A_3007, %swap3A_3008, %swap3A_3009] : memref<64x50x128xf32, #tpu.memory_space<vmem>>, vector<1x50x128xf32>
    %swap3A_3011 = vector.shape_cast %swap3A_3010 : vector<1x50x128xf32> to vector<50x128xf32>
    %swap3A_3012 = vector.shape_cast %get3A_3006 : vector<50x128xf32> to vector<1x50x128xf32>
    tpu.vector_store %arg11[%swap3A_3007, %swap3A_3008, %swap3A_3009], %swap3A_3012 {strides = array<i32>} : memref<64x50x128xf32, #tpu.memory_space<vmem>>, vector<1x50x128xf32>,
    %get3A_3013 = arith.constant 2950 : index
    %get3A_3014 = arith.constant 0 : index
    %get3A_3015 = vector.load %arg2[%get3A_3013, %get3A_3014] : memref<3200x128xf32, #tpu.memory_space<vmem>>, vector<50x128xf32>
    %swap3A_3016 = arith.constant 59 : index
    %swap3A_3017 = arith.constant 0 : index
    %swap3A_3018 = arith.constant 0 : index
    %swap3A_3019 = vector.load %arg11[%swap3A_3016, %swap3A_3017, %swap3A_3018] : memref<64x50x128xf32, #tpu.memory_space<vmem>>, vector<1x50x128xf32>
    %swap3A_3020 = vector.shape_cast %swap3A_3019 : vector<1x50x128xf32> to vector<50x128xf32>
    %swap3A_3021 = vector.shape_cast %get3A_3015 : vector<50x128xf32> to vector<1x50x128xf32>
    tpu.vector_store %arg11[%swap3A_3016, %swap3A_3017, %swap3A_3018], %swap3A_3021 {strides = array<i32>} : memref<64x50x128xf32, #tpu.memory_space<vmem>>, vector<1x50x128xf32>,
    %get3A_3022 = arith.constant 3000 : index
    %get3A_3023 = arith.constant 0 : index
    %get3A_3024 = vector.load %arg2[%get3A_3022, %get3A_3023] : memref<3200x128xf32, #tpu.memory_space<vmem>>, vector<50x128xf32>
    %swap3A_3025 = arith.constant 60 : index
    %swap3A_3026 = arith.constant 0 : index
    %swap3A_3027 = arith.constant 0 : index
    %swap3A_3028 = vector.load %arg11[%swap3A_3025, %swap3A_3026, %swap3A_3027] : memref<64x50x128xf32, #tpu.memory_space<vmem>>, vector<1x50x128xf32>
    %swap3A_3029 = vector.shape_cast %swap3A_3028 : vector<1x50x128xf32> to vector<50x128xf32>
    %swap3A_3030 = vector.shape_cast %get3A_3024 : vector<50x128xf32> to vector<1x50x128xf32>
    tpu.vector_store %arg11[%swap3A_3025, %swap3A_3026, %swap3A_3027], %swap3A_3030 {strides = array<i32>} : memref<64x50x128xf32, #tpu.memory_space<vmem>>, vector<1x50x128xf32>,
    %get3A_3031 = arith.constant 3050 : index
    %get3A_3032 = arith.constant 0 : index
    %get3A_3033 = vector.load %arg2[%get3A_3031, %get3A_3032] : memref<3200x128xf32, #tpu.memory_space<vmem>>, vector<50x128xf32>
    %swap3A_3034 = arith.constant 61 : index
    %swap3A_3035 = arith.constant 0 : index
    %swap3A_3036 = arith.constant 0 : index
    %swap3A_3037 = vector.load %arg11[%swap3A_3034, %swap3A_3035, %swap3A_3036] : memref<64x50x128xf32, #tpu.memory_space<vmem>>, vector<1x50x128xf32>
    %swap3A_3038 = vector.shape_cast %swap3A_3037 : vector<1x50x128xf32> to vector<50x128xf32>
    %swap3A_3039 = vector.shape_cast %get3A_3033 : vector<50x128xf32> to vector<1x50x128xf32>
    tpu.vector_store %arg11[%swap3A_3034, %swap3A_3035, %swap3A_3036], %swap3A_3039 {strides = array<i32>} : memref<64x50x128xf32, #tpu.memory_space<vmem>>, vector<1x50x128xf32>,
    %get3A_3040 = arith.constant 3100 : index
    %get3A_3041 = arith.constant 0 : index
    %get3A_3042 = vector.load %arg2[%get3A_3040, %get3A_3041] : memref<3200x128xf32, #tpu.memory_space<vmem>>, vector<50x128xf32>
    %swap3A_3043 = arith.constant 62 : index
    %swap3A_3044 = arith.constant 0 : index
    %swap3A_3045 = arith.constant 0 : index
    %swap3A_3046 = vector.load %arg11[%swap3A_3043, %swap3A_3044, %swap3A_3045] : memref<64x50x128xf32, #tpu.memory_space<vmem>>, vector<1x50x128xf32>
    %swap3A_3047 = vector.shape_cast %swap3A_3046 : vector<1x50x128xf32> to vector<50x128xf32>
    %swap3A_3048 = vector.shape_cast %get3A_3042 : vector<50x128xf32> to vector<1x50x128xf32>
    tpu.vector_store %arg11[%swap3A_3043, %swap3A_3044, %swap3A_3045], %swap3A_3048 {strides = array<i32>} : memref<64x50x128xf32, #tpu.memory_space<vmem>>, vector<1x50x128xf32>,
    %get3A_3049 = arith.constant 3150 : index
    %get3A_3050 = arith.constant 0 : index
    %get3A_3051 = vector.load %arg2[%get3A_3049, %get3A_3050] : memref<3200x128xf32, #tpu.memory_space<vmem>>, vector<50x128xf32>
    %swap3A_3052 = arith.constant 63 : index
    %swap3A_3053 = arith.constant 0 : index
    %swap3A_3054 = arith.constant 0 : index
    %swap3A_3055 = vector.load %arg11[%swap3A_3052, %swap3A_3053, %swap3A_3054] : memref<64x50x128xf32, #tpu.memory_space<vmem>>, vector<1x50x128xf32>
    %swap3A_3056 = vector.shape_cast %swap3A_3055 : vector<1x50x128xf32> to vector<50x128xf32>
    %swap3A_3057 = vector.shape_cast %get3A_3051 : vector<50x128xf32> to vector<1x50x128xf32>
    tpu.vector_store %arg11[%swap3A_3052, %swap3A_3053, %swap3A_3054], %swap3A_3057 {strides = array<i32>} : memref<64x50x128xf32, #tpu.memory_space<vmem>>, vector<1x50x128xf32>,
    return
  }
  func.func @transform_0(%arg0: i32) -> (i32, i32) {
    %c0_i32 = arith.constant 0 : i32
    %c0_i32_0 = arith.constant 0 : i32
    return %arg0, %c0_i32 : i32, i32
  }
  func.func @transform_1(%arg0: i32) -> (i32, i32) {
    %c0_i32 = arith.constant 0 : i32
    %c0_i32_0 = arith.constant 0 : i32
    return %arg0, %c0_i32 : i32, i32
  }
  func.func @transform_2(%arg0: i32) -> (i32, i32, i32) {
    %c0_i32 = arith.constant 0 : i32
    %c0_i32_0 = arith.constant 0 : i32
    %c0_i32_1 = arith.constant 0 : i32
    return %arg0, %c0_i32, %c0_i32_0 : i32, i32, i32
  }
  func.func @transform_3(%arg0: i32) -> (i32, i32) {
    %c0_i32 = arith.constant 0 : i32
    %c0_i32_0 = arith.constant 0 : i32
    %c0_i32_1 = arith.constant 0 : i32
    return %c0_i32, %c0_i32_0 : i32, i32
  }
  func.func @transform_4(%arg0: i32) -> (i32, i32) {
    %c0_i32 = arith.constant 0 : i32
    %c0_i32_0 = arith.constant 0 : i32
    %c0_i32_1 = arith.constant 0 : i32
    return %c0_i32, %c0_i32_0 : i32, i32
  }
  func.func @transform_5(%arg0: i32) -> (i32, i32) {
    %c0_i32 = arith.constant 0 : i32
    %c0_i32_0 = arith.constant 0 : i32
    %c0_i32_1 = arith.constant 0 : i32
    return %c0_i32, %c0_i32_0 : i32, i32
  }
  func.func @transform_6(%arg0: i32) -> (i32, i32) {
    %c0_i32 = arith.constant 0 : i32
    %c0_i32_0 = arith.constant 0 : i32
    %c0_i32_1 = arith.constant 0 : i32
    return %c0_i32, %c0_i32_0 : i32, i32
  }
  func.func @transform_7(%arg0: i32) -> (i32, i32) {
    %c0_i32 = arith.constant 0 : i32
    %c0_i32_0 = arith.constant 0 : i32
    %c0_i32_1 = arith.constant 0 : i32
    return %c0_i32, %c0_i32_0 : i32, i32
  }
  func.func @transform_8(%arg0: i32) -> (i32, i32) {
    %c0_i32 = arith.constant 0 : i32
    %c0_i32_0 = arith.constant 0 : i32
    %c0_i32_1 = arith.constant 0 : i32
    return %c0_i32, %c0_i32_0 : i32, i32
  }
  func.func @transform_9(%arg0: i32) -> (i32, i32, i32) {
    %c0_i32 = arith.constant 0 : i32
    %c0_i32_0 = arith.constant 0 : i32
    %c0_i32_1 = arith.constant 0 : i32
    return %arg0, %c0_i32, %c0_i32_0 : i32, i32, i32
  }
  func.func @transform_10(%arg0: i32) -> (i32, i32, i32) {
    %c0_i32 = arith.constant 0 : i32
    %c0_i32_0 = arith.constant 0 : i32
    %c0_i32_1 = arith.constant 0 : i32
    return %arg0, %c0_i32, %c0_i32_0 : i32, i32, i32
  }
}

</mosaic_0001>

<sc_bundles>
// kernel: kernel.4.cloned.1.call-start
scs
__scs_entry_jumppad:
0x0: {  	(pc) =	sbr.rel $0x88, $3  }
0x1: {  	(tag) =	ssettag $0x0;
	lr =	simm.s32 $0x1  }
0x2: {  	[smem:$0x3F98] =	sst lr;
	_ =	strace $0xD0000000  }
0x3: {  	_ = 	snop  }
0x4: {  	_ = 	snop  }
0x5: {  	_ = 	snop  }
0x6: {  	_ = 	snop  }
0x7: {  	_ = 	snop  }
__scs_overlays_trampoline_lowered:
0x8: {  	[smem:$0x3FA7] =	sst s0  }
0x9: {  	[smem:$0x3FA8] =	sst s1  }
0xa: {  	[smem:$0x3FA9] =	sst s2  }
0xb: {  	[smem:$0x3FAA] =	sst s3  }
0xc: {  	[smem:$0x3FAB] =	sst s4  }
0xd: {  	[smem:$0x3FAC] =	sst s5  }
0xe: {  	[smem:$0x3FAD] =	sst s6  }
0xf: {  	[smem:$0x3FAE] =	sst s7  }
0x10: {  	[smem:$0x3FAF] =	sst s8  }
0x11: {  	[smem:$0x3FB0] =	sst s9;
	s0 =	simm.s32 @!p0 $0x0  }
0x12: {  	s1 =	sld [smem:$0x3F96];
	s0 =	simm.s32 @p0 $0x1  }
0x13: {  	[smem:$0x3FB1] =	sst s0;
	s0 =	simm.s32 @!p1 $0x0  }
0x14: {  	s2 =	sld [smem:$0x3F95];
	s0 =	simm.s32 @p1 $0x1  }
0x15: {  	[smem:$0x3FB2] =	sst s0;
	s0 =	simm.s32 @!p2 $0x0  }
0x16: {  	s3 =	sld [smem:$0x3FDB];
	s0 =	simm.s32 @p2 $0x1  }
0x17: {  	s4 =	simm.s32 $0x1BF5;
	[smem:$0x3FB4] =	sst s0  }
0x18: {  	s0 =	sld [smem:$0x3F97];
	_ =	swait.ge [sflag:s4], $0x0  }
0x19: {  	s7 =	sld [smem:$0x3F98]  }
0x1a: {  	s8 =	sadd.s32 $0xFFFFE003, lr  }
0x1b: {  	s9 =	sadd.s32 $0xFFFFFEF7, lr;
	s5 =	simm.s32 $0xFFFFFFFF;
	p2 =	slt.u32 s8, $0xFFFFF086  }
0x1c: {  	p1 =	slt.u32 s9, $0xF7A;
	s5 =	simm.s32 @!p2 $0x0  }
0x1d: {  	s5 =	simm.s32 @p1 $0x1;
	p0 =	seq.s32 s7, s2  }
0x1e: {  	s7 =	smul.u32 @!p0 $0xF7A, s2;
	p2 =	seq.s32 @!p0 s5, $0x0  }
0x1f: {  	s9 =	smul.u32 $0xF7A, s1;
	s8 =	simm.s32 @!p0 $0x1BF5;
	p2 =	por !p2, p0  }
0x20: {  	[sflag:s8] =	ssyncset.s32 @!p0 $0xFFFFF086;
	s6 =	sadd.s32 @!p0 s3, s7;
	s7 =	simm.s32 @!p0 $0x108  }
0x21: {  	s3 =	sadd.s32 s3, s9;
	s6 =	sadd.s32 @!p0 $0x88, s6;
	s7 =	simm.s32 @p2 $0x1082  }
0x22: {  	[simem:s7], [sflag:s8] =	dma.local @!p0 [hbm:s6], $0xF7A  }
0x23: {  	s9 =	sor.u32 $0xD0000000, s2;
	s6 =	simm.s32 $0x108;
	_ =	swait.ge @!p0 [sflag:s8], $0x0  }
0x24: {  	s3 =	sadd.s32 $0x88, s3;
	s6 =	simm.s32 @!p1 $0x1082;
	[sflag:s4] =	ssyncset.s32 $0xFFFFF086  }
0x25: {  	[simem:s6], [sflag:s4] =	dma.local [hbm:s3], $0xF7A  }
0x26: {  	[smem:$0x3F98] =	sst s1;
	(tag) =	ssettag s2;
	_ =	strace s9  }
0x27: {  	s1 =	sld [smem:$0x3FA8]  }
0x28: {  	s2 =	sld [smem:$0x3FA9]  }
0x29: {  	s4 =	sld [smem:$0x3FAB]  }
0x2a: {  	p0 =	seq.s32 s5, $0x0;
	s5 =	sld [smem:$0x3FAC]  }
0x2b: {  	s6 =	sld [smem:$0x3FAD]  }
0x2c: {  	s7 =	sld [smem:$0x3FAE]  }
0x2d: {  	s3 =	simm.s32 $0x108;
	s8 =	sld [smem:$0x3FAF]  }
0x2e: {  	s3 =	simm.s32 @!p0 $0x1082;
	s9 =	sld [smem:$0x3FB0]  }
0x2f: {  	lr =	sadd.s32 s0, s3;
	s0 =	sld [smem:$0x3FA7]  }
0x30: {  	s3 =	sld [smem:$0x3FAA]  }
0x31: {  	[smem:$0x3FB3] =	sst s10  }
0x32: {  	s10 =	sld [smem:$0x3FB1];
	_ =	sdelay $0x3  }
0x33: {  	p0 =	seq.s32 s10, $0x1;
	s10 =	sld [smem:$0x3FB3];
	_ =	sdelay $0x3  }
0x34: {  	[smem:$0x3FB3] =	sst s10  }
0x35: {  	s10 =	sld [smem:$0x3FB2];
	_ =	sdelay $0x3  }
0x36: {  	p1 =	seq.s32 s10, $0x1;
	s10 =	sld [smem:$0x3FB3];
	_ =	sdelay $0x3  }
0x37: {  	[smem:$0x3FB3] =	sst s10  }
0x38: {  	s10 =	sld [smem:$0x3FB4]  }
0x39: {  	_ = 	snop;
	(pc) =	sbr.ind lr, $3  }
0x3a: {  	_ = 	snop  }
0x3b: {  	_ = 	snop  }
0x3c: {  	p2 =	seq.s32 s10, $0x1;
	s10 =	sld [smem:$0x3FB3]  }
0x3d: {  	_ =	shalt  }
0x3e: {  	_ =	shalt  }
0x3f: {  	_ =	shalt  }
0x40: {  	_ =	shalt  }
0x41: {  	_ =	shalt  }
0x42: {  	_ =	shalt  }
0x43: {  	_ =	shalt  }
0x44: {  	_ =	shalt  }
0x45: {  	_ =	shalt  }
0x46: {  	_ =	shalt  }
0x47: {  	_ =	shalt  }
0x48: {  	_ =	shalt  }
0x49: {  	_ =	shalt  }
0x4a: {  	_ =	shalt  }
0x4b: {  	_ =	shalt  }
0x4c: {  	_ =	shalt  }
0x4d: {  	_ =	shalt  }
0x4e: {  	_ =	shalt  }
0x4f: {  	_ =	shalt  }
0x50: {  	_ =	shalt  }
0x51: {  	_ =	shalt  }
0x52: {  	_ =	shalt  }
0x53: {  	_ =	shalt  }
0x54: {  	_ =	shalt  }
0x55: {  	_ =	shalt  }
0x56: {  	_ =	shalt  }
0x57: {  	_ =	shalt  }
0x58: {  	_ =	shalt  }
0x59: {  	_ =	shalt  }
0x5a: {  	_ =	shalt  }
0x5b: {  	_ =	shalt  }
0x5c: {  	_ =	shalt  }
0x5d: {  	_ =	shalt  }
0x5e: {  	_ =	shalt  }
0x5f: {  	_ =	shalt  }
0x60: {  	_ =	shalt  }
0x61: {  	_ =	shalt  }
0x62: {  	_ =	shalt  }
0x63: {  	_ =	shalt  }
0x64: {  	_ =	shalt  }
0x65: {  	_ =	shalt  }
0x66: {  	_ =	shalt  }
0x67: {  	_ =	shalt  }
0x68: {  	_ =	shalt  }
0x69: {  	_ =	shalt  }
0x6a: {  	_ =	shalt  }
0x6b: {  	_ =	shalt  }
0x6c: {  	_ =	shalt  }
0x6d: {  	_ =	shalt  }
0x6e: {  	_ =	shalt  }
0x6f: {  	_ =	shalt  }
0x70: {  	_ =	shalt  }
0x71: {  	_ =	shalt  }
0x72: {  	_ =	shalt  }
0x73: {  	_ =	shalt  }
0x74: {  	_ =	shalt  }
0x75: {  	_ =	shalt  }
0x76: {  	_ =	shalt  }
0x77: {  	_ =	shalt  }
0x78: {  	_ =	shalt  }
0x79: {  	_ =	shalt  }
0x7a: {  	_ =	shalt  }
0x7b: {  	_ =	shalt  }
0x7c: {  	_ =	shalt  }
0x7d: {  	_ =	shalt  }
0x7e: {  	_ =	shalt  }
0x7f: {  	_ =	shalt  }
0x80: {  	_ =	shalt  }
0x81: {  	_ =	shalt  }
0x82: {  	_ =	shalt  }
0x83: {  	_ =	shalt  }
0x84: {  	_ =	shalt  }
0x85: {  	_ =	shalt  }
0x86: {  	_ =	shalt  }
0x87: {  	_ =	shalt  }
.Lfunc_end0:
.L_simem_size_0:
called_computation_lowered:
.L_overlay_start_0:
0x88: {  	s2 =	sld [smem:$0x3FD9]  }
0x89: {  	s3 =	sld [smem:$0x3FFE];
	_ =	sdelay $0x1  }
0x8a: {  	s1 =	srdreg.scid  }
0x8b: {  	s0 =	sand.u32 $0x1, s1  }
0x8c: {  	s15 =	sshll.u32 s0, $0xA;
	s2 =	sadd.s32 s3, s2  }
0x8d: {  	s2 =	sadd.s32 s2, s15  }
0x8e: {  	[smem:$0x3FBF] =	sst s2  }
0x8f: {  	_ = 	snop  }
0x90: {  	s2 =	sld [smem:$0x3FD0];
	_ =	sdelay $0x1  }
0x91: {  	s16 =	sld [smem:$0x3FC7]  }
0x92: {  	s5 =	simm.s32 $0xA;
	s6 =	simm.s32 $0x10;
	s4 =	sld [smem:$0x3FC6]  }
0x93: {  	[smem:s6], [sflag:s5] =	dma.local [hbm:s2], $0x1  }
0x94: {  	_ =	swait.eq [sflag:s5], $0x1  }
0x95: {  	s17 =	sld [smem:$0x10];
	[sflag:s5] =	ssyncset.done $0x0  }
0x96: {  	s18 =	sld [smem:$0x11];
	[sflag:s5] =	ssyncadd.s32 $0xFFFFFFFF  }
0x97: {  	s19 =	sld [smem:$0x12];
	(tm) =	ssettm $0x1  }
0x98: {  	s7 =	sld [smem:$0x3FFB];
	_ =	sdelay $0x3  }
0x99: {  	_ =	strace s7  }
0x9a: {  	s7 =	sld [smem:$0x3FFC];
	_ =	sdelay $0x3  }
0x9b: {  	_ =	strace s7  }
0x9c: {  	s7 =	sld [smem:$0x3FFD];
	_ =	sdelay $0x3  }
0x9d: {  	_ =	strace s7  }
0x9e: {  	_ =	strace $0x8FFFFFFF  }
0x9f: {  	s20 =	sld [smem:$0x3FDB];
	_ =	sdelay $0x1  }
0xa0: {  	s8 =	simm.s32 $_scs_section_size  }
0xa1: {  	s9 =	simm.s32 $_size__tile_overlayer_lowered;
	s10 =	simm.s32 $_tile_overlayer_lowered  }
0xa2: {  	s23 =	simm.s32 $0x1BFF;
	s22 =	sshll.u32 s10, $0x1;
	s7 =	sadd.s32 s8, s20  }
0xa3: {  	s11 =	simm.s32 $0x0;
	s21 =	sshll.u32 s9, $0x1;
	s9 =	sadd.s32 s22, s7  }
0xa4: {  	[timem:s11], [sflag:s23] =	dma.local [hbm:s9], s21  }
0xa5: {  	_ =	swait.ge [sflag:s23], s21  }
0xa6: {  	s8 =	ssub.s32 $0x0, s21;
	[sflag:s23] =	ssyncset.done $0x0  }
0xa7: {  	[sflag:s23] =	ssyncadd.s32 s8;
	_ =	sdelay $0x1  }
0xa8: {  	s24 =	simm.s32 $0x1B8B  }
0xa9: {  	_ =	swait.ge [sflag:s24], $0x1  }
0xaa: {  	[sflag:s24] =	ssyncset.done $0x0  }
0xab: {  	s25 =	simm.s32 $0x1B8E;
	[sflag:s24] =	ssyncadd.s32 $0xFFFFFFFF  }
0xac: {  	s26 =	simm.s32 $execute0_lowered;
	[smem:$0x3FD2] =	sst s25  }
0xad: {  	s8 =	sshll.u32 s26, $0x1;
	_ =	strace $0x80000046;
	[dreg:$0x1] =	wrdreg $0xFFFFFFFF  }
0xae: {  	s28 =	simm.s32 $_size_execute0_lowered;
	s7 =	sadd.s32 s7, s8;
	[dreg:$0x0] =	wrdreg $0x0  }
0xaf: {  	s8 =	sshll.u32 s28, $0x1;
	[dreg:$0x2] =	wrdreg s7  }
0xb0: {  	[dreg:$0x3] =	wrdreg s8  }
0xb1: {  	[dreg:$0x4] =	wrdreg $0xC0  }
0xb2: {  	_ =	task [dreg:s11], $0x5FFFF  }
0xb3: {  	[dreg:$0x1] =	wrdreg $0xFFFFFFFF  }
0xb4: {  	[dreg:$0x0] =	wrdreg $0x60  }
0xb5: {  	[dreg:$0x2] =	wrdreg s16  }
0xb6: {  	[dreg:$0x3] =	wrdreg s4  }
0xb7: {  	[dreg:$0x4] =	wrdreg s17  }
0xb8: {  	[dreg:$0x5] =	wrdreg s19  }
0xb9: {  	[dreg:$0x6] =	wrdreg s18  }
0xba: {  	[dreg:$0x7] =	wrdreg $0x9  }
0xbb: {  	_ =	task.clear_ibuf [dreg:s11], $0x8FFFF;
	_ =	strace $0x90000046  }
0xbc: {  	s29 =	simm.s32 $0x9;
	_ =	strace $0x80000048  }
0xbd: {  	_ =	swait.ge [sflag:s29], $0x1  }
0xbe: {  	[sflag:s29] =	ssyncadd.s32 $0xFFFFFFFF  }
0xbf: {  	_ =	strace $0x90000048  }
0xc0: {  	_ =	sfence  }
0xc1: {  	s30 =	sld [smem:$0x0];
	_ =	sdelay $0x2  }
0xc2: {  	s31 =	sshll.u32 s1, $0xD;
	s1 =	sshrl.u32 s1, $0x2  }
0xc3: {  	s3 =	sand.u32 $0x4000, s31;
	s1 =	sadd.s32 s1, s30  }
0xc4: {  	s0 =	sor.u32 s3, s0;
	s1 =	sshll.u32 s1, $0x11  }
0xc5: {  	s0 =	sor.u32 s1, s0  }
0xc6: {  	s0 =	sadd.s32 $0x8F2B, s0  }
0xc7: {  	[sflag:s0] =	ssyncadd.remote.s32 $0x1  }
0xc8: {  	_ =	sfence.sel $0xFFFF  }
0xc9: {  	[dreg:$0x0] =	wrdreg $0xFFFFFFFF;
	(pc) =	sbr.abs _section_cstart, $3  }
0xca: {  	[dreg:$0x1] =	wrdreg $0xFFFFFFFF  }
0xcb: {  	_ =	task.clear_ibuf [dreg:s11], $0x2FFFF;
	_ =	strace $0x9FFFFFFF  }
0xcc: {  	(tm) =	ssettm $0x7FFFFFFF  }
0xcd: {  	_ =	shalt  }
tec
execute0_lowered:
.L_overlay_start_1:
0x0: {  	(tag) =	ssettag $0x1  }
0x1: {  	s1 =	rddreg [dreg:$0x0]  }
0x2: {  	s2 =	rddreg [dreg:$0x1]  }
0x3: {  	s5 =	rddreg [dreg:$0x2]  }
0x4: {  	s3 =	srdreg.scid;
	s6 =	rddreg [dreg:$0x3]  }
0x5: {  	s0 =	stileid.u32;
	s8 =	rddreg [dreg:$0x4]  }
0x6: {  	s4 =	simm.s32 $0x0;
	s14 =	simm.s32 $0x8400;
	s15 =	simm.s32 $0x1  }
0x7: {  	s16 =	simm.s32 $0x2;
	s17 =	simm.s32 $0x3;
	s18 =	simm.s32 $0x4  }
0x8: {  	s19 =	simm.s32 $0x0;
	s7 =	sand.u32 $0x1, s3;
	s3 =	rddreg [dreg:$0x5]  }
0x9: {  	s29 =	sshll.u32 s0, $0x1;
	[smem:$0x7FF] =	sst s4;
	s11 =	smul.u32 $0xC800, s0  }
0xa: {  	s9 =	sor.u32 s7, s29;
	s10 =	ssub.s32 $0x2, s7;
	s13 =	smul.u32 $0x6400, s7  }
0xb: {  	_ =	strace $0x80000047;
	s9 =	smul.u32 $0x180, s9;
	s12 =	sshrl.u32 s10, $0x1  }
0xc: {  	s31 =	sadd.s32 s11, s6;
	s8 =	sadd.s32 s11, s8;
	s11 =	simm.s32 $0xC00  }
0xd: {  	s30 =	ssub.s32 s10, s12;
	s7 =	sadd.s32 s13, s31;
	s8 =	sadd.s32 s13, s8  }
0xe: {  	s10 =	simm.s32 $0x50;
	s12 =	simm.s32 $0x3400;
	s13 =	simm.s32 $0x5C00  }
0xf: {  	s5 =	sadd.s32 s5, s9;
	s6 =	smax.u32 s30, $0x1;
	s9 =	simm.s32 $0x5  }
.LBB2_1:
0x10: {  	[tilespmem:s4], [sflag:$0x5] =	stream.linear.gather [hbm4b:s5+s4], $0xA00, $0x38;
	[tilespmem:$0xAC00] =	vst v63  }
0x11: {  	_ =	swait.ge [sflag:s9], $0xA00  }
0x12: {  	[sflag:s9] =	ssyncset.done $0x0  }
0x13: {  	s20 =	simm.s32 $0x0;
	[sflag:s9] =	ssyncadd.s32 $0xFFFFF600  }
0x14: {  	[tilespmem:s11], [sflag:$0x1] =	stream.indirect.gather [hbm4b:s1+s10], $0x80, s20, s10, $0xb8;
	[tilespmem:$0xAC00] =	vst v63  }
0x15: {  	_ = 	snop  }
0x16: {  	[tilespmem:s12], [sflag:$0x2] =	stream.indirect.gather [hbm4b:s2+s10], $0x80, s20, s10, $0xb8;
	[tilespmem:$0xAC00] =	vst v63  }
0x17: {  	s29 =	simm.s32 $0x80  }
0x18: {  	[tilespmem:s13], [sflag:$0x3] =	stream.indirect.gather [hbm4b:s1+s10], $0x80, s29, s10, $0xb8;
	[tilespmem:$0xAC00] =	vst v63  }
0x19: {  	_ = 	snop  }
0x1a: {  	[tilespmem:s14], [sflag:$0x4] =	stream.indirect.gather [hbm4b:s2+s10], $0x80, s29, s10, $0xb8;
	[tilespmem:$0xAC00] =	vst v63  }
0x1b: {  	_ =	swait.ge [sflag:s15], $0x2800  }
0x1c: {  	[sflag:s15] =	ssyncset.done $0x0  }
0x1d: {  	s30 =	sadd.s32 $0x0, s7;
	[sflag:s15] =	ssyncadd.s32 $0xFFFFD800  }
0x1e: {  	[hbm4b:s30+s4] =	stream.linear.scatter [tilespmem:s11], [sflag:$0x5], $0x2800, $0x38;
	[tilespmem:$0xAC00] =	vst v63  }
0x1f: {  	_ =	swait.ge [sflag:s9], $0x2800  }
0x20: {  	[sflag:s9] =	ssyncset.done $0x0  }
0x21: {  	[sflag:s9] =	ssyncadd.s32 $0xFFFFD800  }
0x22: {  	_ =	swait.ge [sflag:s16], $0x2800  }
0x23: {  	[sflag:s16] =	ssyncset.done $0x0  }
0x24: {  	s21 =	sadd.s32 $0x0, s8;
	[sflag:s16] =	ssyncadd.s32 $0xFFFFD800  }
0x25: {  	[hbm4b:s21+s4] =	stream.linear.scatter [tilespmem:s12], [sflag:$0x5], $0x2800, $0x38;
	[tilespmem:$0xAC00] =	vst v63  }
0x26: {  	_ =	swait.ge [sflag:s9], $0x2800  }
0x27: {  	[sflag:s9] =	ssyncset.done $0x0  }
0x28: {  	[sflag:s9] =	ssyncadd.s32 $0xFFFFD800  }
0x29: {  	_ =	swait.ge [sflag:s17], $0x2800  }
0x2a: {  	[sflag:s17] =	ssyncset.done $0x0  }
0x2b: {  	s20 =	sadd.s32 $0x500, s30;
	[sflag:s17] =	ssyncadd.s32 $0xFFFFD800  }
0x2c: {  	[hbm4b:s20+s4] =	stream.linear.scatter [tilespmem:s13], [sflag:$0x5], $0x2800, $0x38;
	[tilespmem:$0xAC00] =	vst v63  }
0x2d: {  	_ =	swait.ge [sflag:s9], $0x2800  }
0x2e: {  	[sflag:s9] =	ssyncset.done $0x0  }
0x2f: {  	[sflag:s9] =	ssyncadd.s32 $0xFFFFD800  }
0x30: {  	_ =	swait.ge [sflag:s18], $0x2800  }
0x31: {  	[sflag:s18] =	ssyncset.done $0x0  }
0x32: {  	s31 =	sadd.s32 $0x500, s21;
	[sflag:s18] =	ssyncadd.s32 $0xFFFFD800  }
0x33: {  	[hbm4b:s31+s4] =	stream.linear.scatter [tilespmem:s14], [sflag:$0x5], $0x2800, $0x38;
	[tilespmem:$0xAC00] =	vst v63  }
0x34: {  	s22 =	simm.s32 $0x1400;
	_ =	swait.ge [sflag:s9], $0x2800  }
0x35: {  	s21 =	simm.s32 $0x180;
	s20 =	simm.s32 $0xA00;
	[sflag:s9] =	ssyncset.done $0x0  }
.LBB2_2:
0x36: {  	p0 =	sne.s32 s22, $0x5A00;
	s23 =	sadd.s32 $0xFFFFFF80, s21;
	[sflag:s9] =	ssyncadd.s32 $0xFFFFD800  }
0x37: {  	[tilespmem:s11], [sflag:$0x1] =	stream.indirect.gather [hbm4b:s1+s10], $0x80, s23, s10, $0xb8;
	[tilespmem:$0xAC00] =	vst v63  }
0x38: {  	s24 =	smov.u32 s22;
	s22 =	sadd.s32 $0xA00, s22  }
0x39: {  	[tilespmem:s12], [sflag:$0x2] =	stream.indirect.gather [hbm4b:s2+s10], $0x80, s23, s10, $0xb8;
	[tilespmem:$0xAC00] =	vst v63  }
0x3a: {  	_ = 	snop  }
0x3b: {  	[tilespmem:s13], [sflag:$0x3] =	stream.indirect.gather [hbm4b:s1+s10], $0x80, s21, s10, $0xb8;
	[tilespmem:$0xAC00] =	vst v63  }
0x3c: {  	_ = 	snop  }
0x3d: {  	[tilespmem:s14], [sflag:$0x4] =	stream.indirect.gather [hbm4b:s2+s10], $0x80, s21, s10, $0xb8;
	[tilespmem:$0xAC00] =	vst v63  }
0x3e: {  	_ =	swait.ge [sflag:s15], $0x2800  }
0x3f: {  	[sflag:s15] =	ssyncset.done $0x0  }
0x40: {  	s23 =	sadd.s32 s20, s7;
	[sflag:s15] =	ssyncadd.s32 $0xFFFFD800  }
0x41: {  	[hbm4b:s23+s4] =	stream.linear.scatter [tilespmem:s11], [sflag:$0x5], $0x2800, $0x38;
	[tilespmem:$0xAC00] =	vst v63  }
0x42: {  	_ =	swait.ge [sflag:s9], $0x2800  }
0x43: {  	[sflag:s9] =	ssyncset.done $0x0  }
0x44: {  	[sflag:s9] =	ssyncadd.s32 $0xFFFFD800  }
0x45: {  	_ =	swait.ge [sflag:s16], $0x2800  }
0x46: {  	[sflag:s16] =	ssyncset.done $0x0  }
0x47: {  	s25 =	sadd.s32 s20, s8;
	s20 =	smov.u32 s24;
	[sflag:s16] =	ssyncadd.s32 $0xFFFFD800  }
0x48: {  	[hbm4b:s25+s4] =	stream.linear.scatter [tilespmem:s12], [sflag:$0x5], $0x2800, $0x38;
	[tilespmem:$0xAC00] =	vst v63  }
0x49: {  	_ =	swait.ge [sflag:s9], $0x2800  }
0x4a: {  	[sflag:s9] =	ssyncset.done $0x0  }
0x4b: {  	[sflag:s9] =	ssyncadd.s32 $0xFFFFD800  }
0x4c: {  	_ =	swait.ge [sflag:s17], $0x2800  }
0x4d: {  	[sflag:s17] =	ssyncset.done $0x0  }
0x4e: {  	s23 =	sadd.s32 $0x500, s23;
	[sflag:s17] =	ssyncadd.s32 $0xFFFFD800  }
0x4f: {  	[hbm4b:s23+s4] =	stream.linear.scatter [tilespmem:s13], [sflag:$0x5], $0x2800, $0x38;
	[tilespmem:$0xAC00] =	vst v63  }
0x50: {  	_ =	swait.ge [sflag:s9], $0x2800  }
0x51: {  	[sflag:s9] =	ssyncset.done $0x0  }
0x52: {  	[sflag:s9] =	ssyncadd.s32 $0xFFFFD800  }
0x53: {  	_ =	swait.ge [sflag:s18], $0x2800  }
.Ltmp0:
0x54: {  	[sflag:s18] =	ssyncset.done $0x0;
	(pc) =	sbr.rel @p0 .LBB2_2-.Ltmp0, $4  }
0x55: {  	s23 =	sadd.s32 $0x500, s25;
	[sflag:s18] =	ssyncadd.s32 $0xFFFFD800  }
0x56: {  	[hbm4b:s23+s4] =	stream.linear.scatter [tilespmem:s14], [sflag:$0x5], $0x2800, $0x38;
	[tilespmem:$0xAC00] =	vst v63  }
0x57: {  	_ =	swait.ge [sflag:s9], $0x2800  }
0x58: {  	s21 =	sadd.s32 $0x100, s21;
	[sflag:s9] =	ssyncset.done $0x0  }
0x59: {  	s22 =	sadd.s32 $0xFFFFFF80, s21;
	[sflag:s9] =	ssyncadd.s32 $0xFFFFD800  }
0x5a: {  	[tilespmem:s11], [sflag:$0x1] =	stream.indirect.gather [hbm4b:s1+s10], $0x80, s22, s10, $0xb8;
	[tilespmem:$0xAC00] =	vst v63  }
0x5b: {  	_ = 	snop  }
0x5c: {  	[tilespmem:s12], [sflag:$0x2] =	stream.indirect.gather [hbm4b:s2+s10], $0x80, s22, s10, $0xb8;
	[tilespmem:$0xAC00] =	vst v63  }
0x5d: {  	_ = 	snop  }
0x5e: {  	[tilespmem:s13], [sflag:$0x3] =	stream.indirect.gather [hbm4b:s1+s10], $0x80, s21, s10, $0xb8;
	[tilespmem:$0xAC00] =	vst v63  }
0x5f: {  	_ = 	snop  }
0x60: {  	[tilespmem:s14], [sflag:$0x4] =	stream.indirect.gather [hbm4b:s2+s10], $0x80, s21, s10, $0xb8;
	[tilespmem:$0xAC00] =	vst v63  }
0x61: {  	_ =	swait.ge [sflag:s15], $0x2800  }
0x62: {  	[sflag:s15] =	ssyncset.done $0x0  }
0x63: {  	s30 =	sadd.s32 s20, s7;
	[sflag:s15] =	ssyncadd.s32 $0xFFFFD800  }
0x64: {  	[hbm4b:s30+s4] =	stream.linear.scatter [tilespmem:s11], [sflag:$0x5], $0x2800, $0x38;
	[tilespmem:$0xAC00] =	vst v63  }
0x65: {  	_ =	swait.ge [sflag:s9], $0x2800  }
0x66: {  	[sflag:s9] =	ssyncset.done $0x0  }
0x67: {  	[sflag:s9] =	ssyncadd.s32 $0xFFFFD800  }
0x68: {  	_ =	swait.ge [sflag:s16], $0x2800  }
0x69: {  	[sflag:s16] =	ssyncset.done $0x0  }
0x6a: {  	s31 =	sadd.s32 s20, s8;
	[sflag:s16] =	ssyncadd.s32 $0xFFFFD800  }
0x6b: {  	[hbm4b:s31+s4] =	stream.linear.scatter [tilespmem:s12], [sflag:$0x5], $0x2800, $0x38;
	[tilespmem:$0xAC00] =	vst v63  }
0x6c: {  	_ =	swait.ge [sflag:s9], $0x2800  }
0x6d: {  	[sflag:s9] =	ssyncset.done $0x0  }
0x6e: {  	[sflag:s9] =	ssyncadd.s32 $0xFFFFD800  }
0x6f: {  	_ =	swait.ge [sflag:s17], $0x2800  }
0x70: {  	[sflag:s17] =	ssyncset.done $0x0  }
0x71: {  	s21 =	sadd.s32 $0x500, s30;
	[sflag:s17] =	ssyncadd.s32 $0xFFFFD800  }
0x72: {  	[hbm4b:s21+s4] =	stream.linear.scatter [tilespmem:s13], [sflag:$0x5], $0x2800, $0x38;
	[tilespmem:$0xAC00] =	vst v63  }
0x73: {  	_ =	swait.ge [sflag:s9], $0x2800  }
0x74: {  	[sflag:s9] =	ssyncset.done $0x0  }
0x75: {  	[sflag:s9] =	ssyncadd.s32 $0xFFFFD800  }
0x76: {  	s19 =	sadd.s32 $0x1, s19;
	_ =	swait.ge [sflag:s18], $0x2800  }
0x77: {  	p0 =	sne.s32 s19, s6;
	[sflag:s18] =	ssyncset.done $0x0  }
.Ltmp1:
0x78: {  	s20 =	sadd.s32 $0x500, s31;
	[sflag:s18] =	ssyncadd.s32 $0xFFFFD800;
	(pc) =	sbr.rel @p0 .LBB2_1-.Ltmp1, $4  }
0x79: {  	[hbm4b:s20+s4] =	stream.linear.scatter [tilespmem:s14], [sflag:$0x5], $0x2800, $0x38;
	[tilespmem:$0xAC00] =	vst v63  }
0x7a: {  	_ =	swait.ge [sflag:s9], $0x2800  }
0x7b: {  	[sflag:s9] =	ssyncset.done $0x0  }
0x7c: {  	[sflag:s9] =	ssyncadd.s32 $0xFFFFD800  }
0x7d: {  	_ =	sfence.sel $0x180000  }
0x7e: {  	[bflag:$0x0] =	sbarrier.arrive $0xFFFF  }
0x7f: {  	p0 =	sne.s32 s0, $0x0;
	_ =	strace $0x90000047  }
0x80: {  	s0 =	sadd.s32 @!p0 $0x100000, s3;
	[bflag:$0x2] =	sbarrier.arrive $0xFFFF  }
0x81: {  	[sflag:s0] =	ssyncadd.tile.s32 @!p0 $0x1;
	_ =	shalt  }
.Lfunc_end2:
_tile_overlayer_lowered:
.L_overlay_start_2:
0x82: {  	(tag) =	ssettag $0x2  }
0x83: {  	s0 =	rddreg [dreg:$0x0];
	s2 =	stileid.u32  }
0x84: {  	s1 =	rddreg [dreg:$0x1];
	p0 =	sne.s32 s2, $0x0  }
0x85: {  	s3 =	rddreg [dreg:$0x2];
	[bflag:$0x3] =	sbarrier.arrive $0xFFFF;
	s2 =	simm.s32 @!p0 $0x1C05  }
0x86: {  	[timem:s3], [sflag:s2] =	dma.local @!p0 [hbm:s0], s1  }
0x87: {  	s0 =	simm.s32 @!p0 $0x5  }
0x88: {  	_ =	swait.ge @!p0 [sflag:s0], s1  }
0x89: {  	s1 =	ssub.s32 @!p0 $0x0, s1;
	[sflag:s0] =	ssyncset.done @!p0 $0x0  }
0x8a: {  	[sflag:s0] =	ssyncadd.s32 @!p0 s1  }
0x8b: {  	[bflag:$0x3] =	sbarrier.arrive $0xFFFF  }
0x8c: {  	_ =	shalt  }

</sc_bundles>
